<compile_context>
chip_gen: v7x
topology: tpu7x:2x2x1
jax: 0.10.2.dev20260603
libtpu: 0.0.44.dev20260713+nightly
codegen_flags: <defaults>
</compile_context>

<pallas_src>
import jax
import jax.numpy as jnp
from jax import lax
from jax.experimental import pallas as pl
from jax.experimental.pallas import tpu as pltpu
from jax.experimental.pallas import tpu_sc as plsc

N = 10000
E = 320000
F_IN = 128
HID = 16
CLS = 40
CLSP = 48

NC, NS, L = 2, 16, 16
NW = NC * NS
CHUNK = 128
NCHUNK = E // CHUNK
CPWB = NCHUNK // NW
NPAD = 10240
RPT = NPAD // NS


def _sc_mesh():
    return plsc.VectorSubcoreMesh(
        core_axis_name="c", subcore_axis_name="s", num_cores=NC, num_subcores=NS
    )


_SC_PARAMS = pltpu.CompilerParams(use_tc_tiling_on_sc=False)


def _make_propagate(F, nbuf):

    ng = (CPWB + 1 + 2 * nbuf - 1) // (2 * nbuf)

    def body(feat_hbm, edge_hbm, out_hbm, acc, src_v, dst_v, zbuf, rows, gsem, ssem):
        c = lax.axis_index("c")
        s = lax.axis_index("s")
        wid = s * NC + c
        cnt = jnp.where(wid < NCHUNK - NW * CPWB, CPWB + 1, CPWB)
        start = CPWB * wid + jnp.minimum(wid, NCHUNK - NW * CPWB)
        sl = pl.ds(s * RPT, RPT)

        def zfill(i, carry):
            for k in range(F // L):
                zbuf[i, pl.ds(k * L, L)] = jnp.zeros((L,), jnp.float32)
            return carry

        lax.fori_loop(0, 128, zfill, 0)
        for k in range(RPT // 128):
            pltpu.sync_copy(zbuf, acc.at[pl.ds(s * RPT + k * 128, 128)])
        pltpu.sync_copy(edge_hbm.at[0, pl.ds(start, CPWB)], src_v.at[pl.ds(0, CPWB)])
        pltpu.sync_copy(edge_hbm.at[1, pl.ds(start, CPWB)], dst_v.at[pl.ds(0, CPWB)])

        @pl.when(cnt > CPWB)
        def _():
            pltpu.sync_copy(edge_hbm.at[0, start + CPWB], src_v.at[CPWB])
            pltpu.sync_copy(edge_hbm.at[1, start + CPWB], dst_v.at[CPWB])

        plsc.subcore_barrier()

        def super_body(u, carry):
            base = u * 2 * nbuf
            gds = [
                pltpu.async_copy(
                    feat_hbm.at[src_v.at[base + i]], rows[i // nbuf][i % nbuf],
                    gsem[i // nbuf][i % nbuf],
                )
                for i in range(2 * nbuf)
            ]
            sds = []
            for i in range(2 * nbuf):
                gds[i].wait()
                sds.append(
                    pltpu.async_copy(
                        rows[i // nbuf][i % nbuf], acc.at[dst_v.at[base + i]],
                        ssem[i // nbuf][i % nbuf], add=True,
                    )
                )
            for d in sds:
                d.wait()
            return carry

        lax.fori_loop(0, ng - 1, super_body, 0)

        base = (ng - 1) * 2 * nbuf
        gds = [None] * (2 * nbuf)
        for i in range(2 * nbuf):
            def gissue(i=i):
                gds[i] = pltpu.async_copy(
                    feat_hbm.at[src_v.at[base + i]], rows[i // nbuf][i % nbuf],
                    gsem[i // nbuf][i % nbuf],
                )
            pl.when(base + i < cnt)(gissue)
        for i in range(2 * nbuf):
            def gwait(i=i):
                gds[i].wait()
                pltpu.sync_copy(
                    rows[i // nbuf][i % nbuf], acc.at[dst_v.at[base + i]], add=True
                )
            pl.when(base + i < cnt)(gwait)

        plsc.subcore_barrier()
        pltpu.sync_copy(acc.at[sl], out_hbm.at[c, sl])

    return pl.kernel(
        body,
        out_type=jax.ShapeDtypeStruct((NC, NPAD, F), jnp.float32),
        mesh=_sc_mesh(),
        compiler_params=_SC_PARAMS,
        scratch_types=[
            pltpu.VMEM_SHARED((NPAD, F), jnp.float32),
            pltpu.VMEM((ng * 2 * nbuf, CHUNK), jnp.int32),
            pltpu.VMEM((ng * 2 * nbuf, CHUNK), jnp.int32),
            pltpu.VMEM((128, F), jnp.float32),
            [[pltpu.VMEM((CHUNK, F), jnp.float32) for _ in range(nbuf)] for _ in range(2)],
            [[pltpu.SemaphoreType.DMA for _ in range(nbuf)] for _ in range(2)],
            [[pltpu.SemaphoreType.DMA for _ in range(nbuf)] for _ in range(2)],
        ],
    )


def _make_degree():

    def body(edge_hbm, out_hbm, acc, dst_v, ones_v, zbuf):
        c = lax.axis_index("c")
        s = lax.axis_index("s")
        wid = s * NC + c
        sl = pl.ds(s * RPT, RPT)

        def zfill(i, carry):
            zbuf[i, :] = jnp.zeros((L,), jnp.float32)
            return carry

        lax.fori_loop(0, 128, zfill, 0)
        for k in range(RPT // 128):
            pltpu.sync_copy(zbuf, acc.at[pl.ds(s * RPT + k * 128, 128)])

        def ones_body(i, carry):
            ones_v[i, :] = jnp.ones((L,), jnp.float32)
            return carry

        lax.fori_loop(0, CHUNK, ones_body, 0)
        cnt = jnp.where(wid < NCHUNK - NW * CPWB, CPWB + 1, CPWB)
        start = CPWB * wid + jnp.minimum(wid, NCHUNK - NW * CPWB)
        pltpu.sync_copy(edge_hbm.at[1, pl.ds(start, CPWB)], dst_v.at[pl.ds(0, CPWB)])

        @pl.when(cnt > CPWB)
        def _():
            pltpu.sync_copy(edge_hbm.at[1, start + CPWB], dst_v.at[CPWB])

        plsc.subcore_barrier()

        def jbody(j, carry):
            pltpu.sync_copy(ones_v, acc.at[dst_v.at[j]], add=True)
            return carry

        lax.fori_loop(0, CPWB, jbody, 0)

        @pl.when(cnt > CPWB)
        def _():
            pltpu.sync_copy(ones_v, acc.at[dst_v.at[CPWB]], add=True)

        plsc.subcore_barrier()
        pltpu.sync_copy(acc.at[sl], out_hbm.at[c, sl])

    return pl.kernel(
        body,
        out_type=jax.ShapeDtypeStruct((NC, NPAD, L), jnp.float32),
        mesh=_sc_mesh(),
        compiler_params=_SC_PARAMS,
        scratch_types=[
            pltpu.VMEM_SHARED((NPAD, L), jnp.float32),
            pltpu.VMEM((80, CHUNK), jnp.int32),
            pltpu.VMEM((CHUNK, L), jnp.float32),
            pltpu.VMEM((128, L), jnp.float32),
        ],
    )


_propagate16 = _make_propagate(HID, nbuf=4)
_degree = _make_degree()

_RB = 128
_GRID = NPAD // (8 * _RB)
_XR = N * F_IN // 1024
_R16 = NPAD * HID // 128
_W48 = 8 * CLSP


def _stage1(xv, bdw1, degv):

    def body(xv_ref, w_ref, degv_ref, hs_ref, d16_ref):
        d16 = lax.rsqrt(degv_ref[0] + degv_ref[1] + 1.0)
        h = jnp.dot(xv_ref[...], w_ref[...], preferred_element_type=jnp.float32)
        hs_ref[...] = h * d16
        d16_ref[...] = d16

    return pl.pallas_call(
        body,
        grid=(_GRID,),
        in_specs=[
            pl.BlockSpec((_RB, 1024), lambda i: (i, 0)),
            pl.BlockSpec((1024, 128), lambda i: (0, 0)),
            pl.BlockSpec((NC, _RB, 128), lambda i: (0, i, 0)),
        ],
        out_specs=[
            pl.BlockSpec((_RB, 128), lambda i: (i, 0)),
            pl.BlockSpec((_RB, 128), lambda i: (i, 0)),
        ],
        out_shape=[
            jax.ShapeDtypeStruct((_R16, 128), jnp.float32),
            jax.ShapeDtypeStruct((_R16, 128), jnp.float32),
        ],
    )(xv, bdw1, degv)


def _stage2(p1v, hs_pk, d16, b1t):

    def body(p_ref, hs_ref, d16_ref, b1_ref, h1s_ref):
        d16 = d16_ref[...]
        sacc = d16 * (p_ref[0] + p_ref[1] + hs_ref[...]) + b1_ref[...]
        h1s_ref[...] = jnp.maximum(sacc, 0.0) * d16

    return pl.pallas_call(
        body,
        grid=(_GRID,),
        in_specs=[
            pl.BlockSpec((NC, _RB, 128), lambda i: (0, i, 0)),
            pl.BlockSpec((_RB, 128), lambda i: (i, 0)),
            pl.BlockSpec((_RB, 128), lambda i: (i, 0)),
            pl.BlockSpec((1, 128), lambda i: (0, 0)),
        ],
        out_specs=pl.BlockSpec((_RB, 128), lambda i: (i, 0)),
        out_shape=jax.ShapeDtypeStruct((_R16, 128), jnp.float32),
    )(p1v, hs_pk, d16, b1t)


def _stage3(p2v, h1s, d16, b2t, seg, bdw2):

    def body(p_ref, h1s_ref, d16_ref, b2_ref, seg_ref, w_ref, *outs):
        q = d16_ref[...] * (p_ref[0] + p_ref[1] + h1s_ref[...])
        tr = jnp.dot(q, w_ref[...], preferred_element_type=jnp.float32) + b2_ref[...]
        m = jnp.max(tr, axis=1, keepdims=True)
        e = jnp.exp(tr - m)
        ssum = jnp.dot(e, seg_ref[...], preferred_element_type=jnp.float32)
        outs[0][...] = e / ssum
        outs[1][...] = tr

    o_spec = pl.BlockSpec((_RB, _W48), lambda i: (i, 0))
    return pl.pallas_call(
        body,
        grid=(_GRID,),
        in_specs=[
            pl.BlockSpec((NC, _RB, 128), lambda i: (0, i, 0)),
            pl.BlockSpec((_RB, 128), lambda i: (i, 0)),
            pl.BlockSpec((_RB, 128), lambda i: (i, 0)),
            pl.BlockSpec((1, _W48), lambda i: (0, 0)),
            pl.BlockSpec((_W48, _W48), lambda i: (0, 0)),
            pl.BlockSpec((128, _W48), lambda i: (0, 0)),
        ],
        out_specs=[o_spec] * 2,
        out_shape=[jax.ShapeDtypeStruct((_R16, _W48), jnp.float32)] * 2,
    )(p2v, h1s, d16, b2t, seg, bdw2)


def kernel(x, edge_index, W1, b1, W2, b2):
    ev = edge_index.reshape(2, NCHUNK, CHUNK)
    xv = x.reshape(_XR, 1024)
    eye8 = jnp.eye(8, dtype=jnp.float32)
    bdw1 = jnp.kron(eye8, W1)
    w2p = jnp.zeros((HID, CLSP), jnp.float32).at[:, :CLS].set(W2)
    bdw2 = jnp.kron(eye8, w2p)
    b1t = jnp.tile(b1, 8).reshape(1, 128)
    b2p = jnp.full((CLSP,), -1e30, jnp.float32).at[:CLS].set(b2)
    b2t = jnp.tile(b2p, 8).reshape(1, _W48)
    seg = jnp.kron(eye8, jnp.ones((CLSP, CLSP), jnp.float32))

    degp = _degree(ev)
    degv = degp.reshape(NC, _R16, 128)
    hs_pk, d16 = _stage1(xv, bdw1, degv)

    p1 = _propagate16(hs_pk.reshape(NPAD, HID), ev)
    p1v = p1.reshape(NC, _R16, 128)
    h1s = _stage2(p1v, hs_pk, d16, b1t)

    p2 = _propagate16(h1s.reshape(NPAD, HID), ev)
    p2v = p2.reshape(NC, _R16, 128)
    out_pk, logit_pk = _stage3(p2v, h1s, d16, b2t, seg, bdw2)
    out = out_pk.reshape(NPAD, CLSP)[:N, :CLS]
    logits = logit_pk.reshape(NPAD, CLSP)[:N, :CLS]
    return (out, logits)

# --- scband reference (transcript-rebuilt; emitter-appended) ---
"""Pipeline reference for scband-gcn-63153199120909 (READ-ONLY COPY).

The authoritative reference and input builder live on the scoring server;
editing this copy changes nothing except your own understanding.
"""

import jax, jax.numpy as jnp
import numpy as np

N = 10000
E = 320000
F_IN = 128
HID = 16
CLS = 40


def setup_inputs(seed: int = 0) -> dict:
    key = jax.random.key(seed)
    k1, k2, k3, k4, k5, k6 = jax.random.split(key, 6)
    x = jax.random.normal(k1, (N, F_IN), dtype=jnp.float32)
    edge_index = jax.random.randint(k2, (2, E), 0, N, dtype=jnp.int32)
    W1 = jax.random.normal(k3, (F_IN, HID), dtype=jnp.float32) * (1.0 / np.sqrt(F_IN))
    b1 = jnp.zeros((HID,), dtype=jnp.float32)
    W2 = jax.random.normal(k4, (HID, CLS), dtype=jnp.float32) * (1.0 / np.sqrt(HID))
    b2 = jnp.zeros((CLS,), dtype=jnp.float32)
    return {"x": x, "edge_index": edge_index, "W1": W1, "b1": b1, "W2": W2, "b2": b2}


def _gcn_conv(x, W, b, src, dst, n):
    # GCNConv: D^{-1/2} (A + I) D^{-1/2} X W + b  (self-loops already appended to src/dst)
    h = x @ W
    deg = jnp.zeros((n,), dtype=x.dtype).at[dst].add(jnp.ones((src.shape[0],), dtype=x.dtype))
    dinv = jnp.where(deg > 0, jax.lax.rsqrt(jnp.maximum(deg, 1e-12)), 0.0)
    norm = dinv[src] * dinv[dst]
    msgs = h[src] * norm[:, None]
    out = jnp.zeros((n, W.shape[1]), dtype=x.dtype).at[dst].add(msgs)
    return out + b


def reference(x, edge_index, W1, b1, W2, b2):
    n = x.shape[0]
    loop = jnp.arange(n, dtype=edge_index.dtype)
    src = jnp.concatenate([edge_index[0], loop])
    dst = jnp.concatenate([edge_index[1], loop])
    h1 = jax.nn.relu(_gcn_conv(x, W1, b1, src, dst, n))
    # dropout is identity in inference mode (training=False)
    h = _gcn_conv(h1, W2, b2, src, dst, n)
    out = jax.nn.softmax(h, axis=1)
    return (out, h)

if __name__ == "__main__":
    import jax
    _d = setup_inputs()
    print(jax.jit(kernel)(*tuple(_d.values())))

</pallas_src>

<mosaic_0001>
#map = affine_map<(d0, d1) -> (0, 0, 0)>
module attributes {stable_mosaic.version = 14 : i64} {
  func.func @body(%arg0: i32, %arg1: i32, %arg2: memref<2x2500x128xi32, #tpu.memory_space<hbm>>, %arg3: memref<2x10240x16xf32, #tpu.memory_space<hbm>>, %arg4: memref<10240x16xf32, #tpu.memory_space<vmem_shared>>, %arg5: memref<80x128xi32, #tpu.memory_space<vmem>>, %arg6: memref<128x16xf32, #tpu.memory_space<vmem>>, %arg7: memref<128x16xf32, #tpu.memory_space<vmem>>) attributes {dimension_semantics = [#tpu.dimension_semantics<core_parallel>, #tpu.dimension_semantics<subcore_parallel>], iteration_bounds = array<i64: 2, 16>, scalar_prefetch = 0 : i64, scratch_operands = 4 : i64, tpu.core_type = #tpu.core_type<sc_vector_subcore>, window_params = [{transform_indices = #map}, {transform_indices = #map}]} {
    %mul3A = arith.constant 2 : i32
    %mul3A_0 = arith.muli %arg1, %mul3A : i32
    %add3A = arith.addi %mul3A_0, %arg0 : i32
    %mul3A_1 = arith.constant 640 : i32
    %mul3A_2 = arith.muli %arg1, %mul3A_1 : i32
    %scan3A = arith.constant 0 : i32
    %scan3A_3 = arith.constant 0 : i32
    %scan3A_4 = arith.constant 128 : i32
    %scan3A_5 = arith.addi %scan3A_3, %scan3A_4 : i32
    %scan3A_6 = arith.constant 1 : i32
    scf.for %scan3A_54 = %scan3A_3 to %scan3A_5 step %scan3A_6  : i32 {
      %broadcast_in_dim3A = arith.constant 0.000000e+00 : f32
      %broadcast_in_dim3A_55 = vector.broadcast %broadcast_in_dim3A : f32 to vector<16xf32>
      %swap3A = arith.index_cast %scan3A_54 : i32 to index
      %swap3A_56 = arith.constant 0 : index
      %swap3A_57 = tpu.vector_load %arg7[%swap3A, %swap3A_56] {strides = array<i32>} : memref<128x16xf32, #tpu.memory_space<vmem>>, vector<1x16xf32>,
      %swap3A_58 = vector.shape_cast %swap3A_57 : vector<1x16xf32> to vector<16xf32>
      %swap3A_59 = vector.shape_cast %broadcast_in_dim3A_55 : vector<16xf32> to vector<1x16xf32>
      tpu.vector_store %arg7[%swap3A, %swap3A_56], %swap3A_59 {strides = array<i32>} : memref<128x16xf32, #tpu.memory_space<vmem>>, vector<1x16xf32>,
    }
    %scan3A_7 = arith.constant 128 : i32
    %mul3A_8 = arith.constant 640 : i32
    %mul3A_9 = arith.muli %arg1, %mul3A_8 : i32
    %add3A_10 = arith.constant 0 : i32
    %add3A_11 = arith.addi %mul3A_9, %add3A_10 : i32
    "tpu.region"() ({
      %run_scoped3A_54 = tpu.sem_alloc : memref<!tpu.dma_semaphore, #tpu.memory_space<semaphore_mem>>
      %dma_start3A = arith.constant 0 : i32
      %dma_start3A_55 = tpu.memref_slice %arg4[%add3A_11, %dma_start3A] : memref<10240x16xf32, #tpu.memory_space<vmem_shared>> -> memref<128x16xf32, #tpu.memory_space<vmem_shared>>
      %dma_start3A_56 = arith.constant 0 : i32
      %dma_start3A_57 = tpu.memref_slice %arg4[%add3A_11, %dma_start3A_56] : memref<10240x16xf32, #tpu.memory_space<vmem_shared>> -> memref<128x16xf32, #tpu.memory_space<vmem_shared>>
      tpu.enqueue_dma source(%arg7 : memref<128x16xf32, #tpu.memory_space<vmem>>) target(%dma_start3A_57 : memref<128x16xf32, #tpu.memory_space<vmem_shared>>) target_semaphore(%run_scoped3A_54 : memref<!tpu.dma_semaphore, #tpu.memory_space<semaphore_mem>>)
      %dma_wait3A = arith.constant 0 : i32
      %dma_wait3A_58 = tpu.memref_slice %arg4[%add3A_11, %dma_wait3A] : memref<10240x16xf32, #tpu.memory_space<vmem_shared>> -> memref<128x16xf32, #tpu.memory_space<vmem_shared>>
      %dma_wait3A_59 = arith.constant 0 : i32
      %dma_wait3A_60 = tpu.memref_slice %arg4[%add3A_11, %dma_wait3A_59] : memref<10240x16xf32, #tpu.memory_space<vmem_shared>> -> memref<128x16xf32, #tpu.memory_space<vmem_shared>>
      tpu.wait_dma2 semaphore(%run_scoped3A_54 : memref<!tpu.dma_semaphore, #tpu.memory_space<semaphore_mem>>) src(%arg7 : memref<128x16xf32, #tpu.memory_space<vmem>>) dst(%dma_wait3A_60 : memref<128x16xf32, #tpu.memory_space<vmem_shared>>)
      tpu.yield
    }) : () -> ()
    %mul3A_12 = arith.constant 640 : i32
    %mul3A_13 = arith.muli %arg1, %mul3A_12 : i32
    %add3A_14 = arith.constant 128 : i32
    %add3A_15 = arith.addi %mul3A_13, %add3A_14 : i32
    "tpu.region"() ({
      %run_scoped3A_54 = tpu.sem_alloc : memref<!tpu.dma_semaphore, #tpu.memory_space<semaphore_mem>>
      %dma_start3A = arith.constant 0 : i32
      %dma_start3A_55 = tpu.memref_slice %arg4[%add3A_15, %dma_start3A] : memref<10240x16xf32, #tpu.memory_space<vmem_shared>> -> memref<128x16xf32, #tpu.memory_space<vmem_shared>>
      %dma_start3A_56 = arith.constant 0 : i32
      %dma_start3A_57 = tpu.memref_slice %arg4[%add3A_15, %dma_start3A_56] : memref<10240x16xf32, #tpu.memory_space<vmem_shared>> -> memref<128x16xf32, #tpu.memory_space<vmem_shared>>
      tpu.enqueue_dma source(%arg7 : memref<128x16xf32, #tpu.memory_space<vmem>>) target(%dma_start3A_57 : memref<128x16xf32, #tpu.memory_space<vmem_shared>>) target_semaphore(%run_scoped3A_54 : memref<!tpu.dma_semaphore, #tpu.memory_space<semaphore_mem>>)
      %dma_wait3A = arith.constant 0 : i32
      %dma_wait3A_58 = tpu.memref_slice %arg4[%add3A_15, %dma_wait3A] : memref<10240x16xf32, #tpu.memory_space<vmem_shared>> -> memref<128x16xf32, #tpu.memory_space<vmem_shared>>
      %dma_wait3A_59 = arith.constant 0 : i32
      %dma_wait3A_60 = tpu.memref_slice %arg4[%add3A_15, %dma_wait3A_59] : memref<10240x16xf32, #tpu.memory_space<vmem_shared>> -> memref<128x16xf32, #tpu.memory_space<vmem_shared>>
      tpu.wait_dma2 semaphore(%run_scoped3A_54 : memref<!tpu.dma_semaphore, #tpu.memory_space<semaphore_mem>>) src(%arg7 : memref<128x16xf32, #tpu.memory_space<vmem>>) dst(%dma_wait3A_60 : memref<128x16xf32, #tpu.memory_space<vmem_shared>>)
      tpu.yield
    }) : () -> ()
    %mul3A_16 = arith.constant 640 : i32
    %mul3A_17 = arith.muli %arg1, %mul3A_16 : i32
    %add3A_18 = arith.constant 256 : i32
    %add3A_19 = arith.addi %mul3A_17, %add3A_18 : i32
    "tpu.region"() ({
      %run_scoped3A_54 = tpu.sem_alloc : memref<!tpu.dma_semaphore, #tpu.memory_space<semaphore_mem>>
      %dma_start3A = arith.constant 0 : i32
      %dma_start3A_55 = tpu.memref_slice %arg4[%add3A_19, %dma_start3A] : memref<10240x16xf32, #tpu.memory_space<vmem_shared>> -> memref<128x16xf32, #tpu.memory_space<vmem_shared>>
      %dma_start3A_56 = arith.constant 0 : i32
      %dma_start3A_57 = tpu.memref_slice %arg4[%add3A_19, %dma_start3A_56] : memref<10240x16xf32, #tpu.memory_space<vmem_shared>> -> memref<128x16xf32, #tpu.memory_space<vmem_shared>>
      tpu.enqueue_dma source(%arg7 : memref<128x16xf32, #tpu.memory_space<vmem>>) target(%dma_start3A_57 : memref<128x16xf32, #tpu.memory_space<vmem_shared>>) target_semaphore(%run_scoped3A_54 : memref<!tpu.dma_semaphore, #tpu.memory_space<semaphore_mem>>)
      %dma_wait3A = arith.constant 0 : i32
      %dma_wait3A_58 = tpu.memref_slice %arg4[%add3A_19, %dma_wait3A] : memref<10240x16xf32, #tpu.memory_space<vmem_shared>> -> memref<128x16xf32, #tpu.memory_space<vmem_shared>>
      %dma_wait3A_59 = arith.constant 0 : i32
      %dma_wait3A_60 = tpu.memref_slice %arg4[%add3A_19, %dma_wait3A_59] : memref<10240x16xf32, #tpu.memory_space<vmem_shared>> -> memref<128x16xf32, #tpu.memory_space<vmem_shared>>
      tpu.wait_dma2 semaphore(%run_scoped3A_54 : memref<!tpu.dma_semaphore, #tpu.memory_space<semaphore_mem>>) src(%arg7 : memref<128x16xf32, #tpu.memory_space<vmem>>) dst(%dma_wait3A_60 : memref<128x16xf32, #tpu.memory_space<vmem_shared>>)
      tpu.yield
    }) : () -> ()
    %mul3A_20 = arith.constant 640 : i32
    %mul3A_21 = arith.muli %arg1, %mul3A_20 : i32
    %add3A_22 = arith.constant 384 : i32
    %add3A_23 = arith.addi %mul3A_21, %add3A_22 : i32
    "tpu.region"() ({
      %run_scoped3A_54 = tpu.sem_alloc : memref<!tpu.dma_semaphore, #tpu.memory_space<semaphore_mem>>
      %dma_start3A = arith.constant 0 : i32
      %dma_start3A_55 = tpu.memref_slice %arg4[%add3A_23, %dma_start3A] : memref<10240x16xf32, #tpu.memory_space<vmem_shared>> -> memref<128x16xf32, #tpu.memory_space<vmem_shared>>
      %dma_start3A_56 = arith.constant 0 : i32
      %dma_start3A_57 = tpu.memref_slice %arg4[%add3A_23, %dma_start3A_56] : memref<10240x16xf32, #tpu.memory_space<vmem_shared>> -> memref<128x16xf32, #tpu.memory_space<vmem_shared>>
      tpu.enqueue_dma source(%arg7 : memref<128x16xf32, #tpu.memory_space<vmem>>) target(%dma_start3A_57 : memref<128x16xf32, #tpu.memory_space<vmem_shared>>) target_semaphore(%run_scoped3A_54 : memref<!tpu.dma_semaphore, #tpu.memory_space<semaphore_mem>>)
      %dma_wait3A = arith.constant 0 : i32
      %dma_wait3A_58 = tpu.memref_slice %arg4[%add3A_23, %dma_wait3A] : memref<10240x16xf32, #tpu.memory_space<vmem_shared>> -> memref<128x16xf32, #tpu.memory_space<vmem_shared>>
      %dma_wait3A_59 = arith.constant 0 : i32
      %dma_wait3A_60 = tpu.memref_slice %arg4[%add3A_23, %dma_wait3A_59] : memref<10240x16xf32, #tpu.memory_space<vmem_shared>> -> memref<128x16xf32, #tpu.memory_space<vmem_shared>>
      tpu.wait_dma2 semaphore(%run_scoped3A_54 : memref<!tpu.dma_semaphore, #tpu.memory_space<semaphore_mem>>) src(%arg7 : memref<128x16xf32, #tpu.memory_space<vmem>>) dst(%dma_wait3A_60 : memref<128x16xf32, #tpu.memory_space<vmem_shared>>)
      tpu.yield
    }) : () -> ()
    %mul3A_24 = arith.constant 640 : i32
    %mul3A_25 = arith.muli %arg1, %mul3A_24 : i32
    %add3A_26 = arith.constant 512 : i32
    %add3A_27 = arith.addi %mul3A_25, %add3A_26 : i32
    "tpu.region"() ({
      %run_scoped3A_54 = tpu.sem_alloc : memref<!tpu.dma_semaphore, #tpu.memory_space<semaphore_mem>>
      %dma_start3A = arith.constant 0 : i32
      %dma_start3A_55 = tpu.memref_slice %arg4[%add3A_27, %dma_start3A] : memref<10240x16xf32, #tpu.memory_space<vmem_shared>> -> memref<128x16xf32, #tpu.memory_space<vmem_shared>>
      %dma_start3A_56 = arith.constant 0 : i32
      %dma_start3A_57 = tpu.memref_slice %arg4[%add3A_27, %dma_start3A_56] : memref<10240x16xf32, #tpu.memory_space<vmem_shared>> -> memref<128x16xf32, #tpu.memory_space<vmem_shared>>
      tpu.enqueue_dma source(%arg7 : memref<128x16xf32, #tpu.memory_space<vmem>>) target(%dma_start3A_57 : memref<128x16xf32, #tpu.memory_space<vmem_shared>>) target_semaphore(%run_scoped3A_54 : memref<!tpu.dma_semaphore, #tpu.memory_space<semaphore_mem>>)
      %dma_wait3A = arith.constant 0 : i32
      %dma_wait3A_58 = tpu.memref_slice %arg4[%add3A_27, %dma_wait3A] : memref<10240x16xf32, #tpu.memory_space<vmem_shared>> -> memref<128x16xf32, #tpu.memory_space<vmem_shared>>
      %dma_wait3A_59 = arith.constant 0 : i32
      %dma_wait3A_60 = tpu.memref_slice %arg4[%add3A_27, %dma_wait3A_59] : memref<10240x16xf32, #tpu.memory_space<vmem_shared>> -> memref<128x16xf32, #tpu.memory_space<vmem_shared>>
      tpu.wait_dma2 semaphore(%run_scoped3A_54 : memref<!tpu.dma_semaphore, #tpu.memory_space<semaphore_mem>>) src(%arg7 : memref<128x16xf32, #tpu.memory_space<vmem>>) dst(%dma_wait3A_60 : memref<128x16xf32, #tpu.memory_space<vmem_shared>>)
      tpu.yield
    }) : () -> ()
    %scan3A_28 = arith.constant 0 : i32
    %scan3A_29 = arith.constant 0 : i32
    %scan3A_30 = arith.constant 128 : i32
    %scan3A_31 = arith.addi %scan3A_29, %scan3A_30 : i32
    %scan3A_32 = arith.constant 1 : i32
    scf.for %scan3A_54 = %scan3A_29 to %scan3A_31 step %scan3A_32  : i32 {
      %broadcast_in_dim3A = arith.constant 1.000000e+00 : f32
      %broadcast_in_dim3A_55 = vector.broadcast %broadcast_in_dim3A : f32 to vector<16xf32>
      %swap3A = arith.index_cast %scan3A_54 : i32 to index
      %swap3A_56 = arith.constant 0 : index
      %swap3A_57 = tpu.vector_load %arg6[%swap3A, %swap3A_56] {strides = array<i32>} : memref<128x16xf32, #tpu.memory_space<vmem>>, vector<1x16xf32>,
      %swap3A_58 = vector.shape_cast %swap3A_57 : vector<1x16xf32> to vector<16xf32>
      %swap3A_59 = vector.shape_cast %broadcast_in_dim3A_55 : vector<16xf32> to vector<1x16xf32>
      tpu.vector_store %arg6[%swap3A, %swap3A_56], %swap3A_59 {strides = array<i32>} : memref<128x16xf32, #tpu.memory_space<vmem>>, vector<1x16xf32>,
    }
    %scan3A_33 = arith.constant 128 : i32
    %lt3A = arith.constant 4 : i32
    %lt3A_34 = arith.cmpi slt, %add3A, %lt3A : i32
    %jit3A = arith.constant 79 : i32
    %jit3A_35 = arith.constant 78 : i32
    %select_n3A = arith.select %lt3A_34, %jit3A, %jit3A_35 : i32
    %mul3A_36 = arith.constant 78 : i32
    %mul3A_37 = arith.muli %mul3A_36, %add3A : i32
    %min3A = arith.constant 4 : i32
    %min3A_38 = arith.minsi %add3A, %min3A : i32
    %add3A_39 = arith.addi %mul3A_37, %min3A_38 : i32
    %run_scoped3A = arith.constant 1 : i32
    "tpu.region"() ({
      %run_scoped3A_54 = tpu.sem_alloc : memref<!tpu.dma_semaphore, #tpu.memory_space<semaphore_mem>>
      %dma_start3A = arith.constant 0 : i32
      %dma_start3A_55 = arith.constant 0 : i32
      %dma_start3A_56 = tpu.memref_slice %arg5[%dma_start3A, %dma_start3A_55] : memref<80x128xi32, #tpu.memory_space<vmem>> -> memref<78x128xi32, #tpu.memory_space<vmem>>
      %dma_start3A_57 = arith.constant 0 : i32
      %dma_start3A_58 = tpu.memref_slice %arg2[%run_scoped3A, %add3A_39, %dma_start3A_57] : memref<2x2500x128xi32, #tpu.memory_space<hbm>> -> memref<1x78x128xi32, #tpu.memory_space<hbm>>
      %dma_start3A_59 = tpu.memref_squeeze %dma_start3A_58 : memref<1x78x128xi32, #tpu.memory_space<hbm>> -> memref<78x128xi32, #tpu.memory_space<hbm>>
      %dma_start3A_60 = arith.constant 0 : i32
      %dma_start3A_61 = arith.constant 0 : i32
      %dma_start3A_62 = tpu.memref_slice %arg5[%dma_start3A_60, %dma_start3A_61] : memref<80x128xi32, #tpu.memory_space<vmem>> -> memref<78x128xi32, #tpu.memory_space<vmem>>
      %dma_start3A_63 = arith.constant 0 : i32
      %dma_start3A_64 = tpu.memref_slice %arg2[%run_scoped3A, %add3A_39, %dma_start3A_63] : memref<2x2500x128xi32, #tpu.memory_space<hbm>> -> memref<1x78x128xi32, #tpu.memory_space<hbm>>
      %dma_start3A_65 = tpu.memref_squeeze %dma_start3A_64 : memref<1x78x128xi32, #tpu.memory_space<hbm>> -> memref<78x128xi32, #tpu.memory_space<hbm>>
      tpu.enqueue_dma source(%dma_start3A_65 : memref<78x128xi32, #tpu.memory_space<hbm>>) target(%dma_start3A_62 : memref<78x128xi32, #tpu.memory_space<vmem>>) target_semaphore(%run_scoped3A_54 : memref<!tpu.dma_semaphore, #tpu.memory_space<semaphore_mem>>)
      %dma_wait3A = arith.constant 0 : i32
      %dma_wait3A_66 = arith.constant 0 : i32
      %dma_wait3A_67 = tpu.memref_slice %arg5[%dma_wait3A, %dma_wait3A_66] : memref<80x128xi32, #tpu.memory_space<vmem>> -> memref<78x128xi32, #tpu.memory_space<vmem>>
      %dma_wait3A_68 = arith.constant 0 : i32
      %dma_wait3A_69 = tpu.memref_slice %arg2[%run_scoped3A, %add3A_39, %dma_wait3A_68] : memref<2x2500x128xi32, #tpu.memory_space<hbm>> -> memref<1x78x128xi32, #tpu.memory_space<hbm>>
      %dma_wait3A_70 = tpu.memref_squeeze %dma_wait3A_69 : memref<1x78x128xi32, #tpu.memory_space<hbm>> -> memref<78x128xi32, #tpu.memory_space<hbm>>
      %dma_wait3A_71 = arith.constant 0 : i32
      %dma_wait3A_72 = arith.constant 0 : i32
      %dma_wait3A_73 = tpu.memref_slice %arg5[%dma_wait3A_71, %dma_wait3A_72] : memref<80x128xi32, #tpu.memory_space<vmem>> -> memref<78x128xi32, #tpu.memory_space<vmem>>
      %dma_wait3A_74 = arith.constant 0 : i32
      %dma_wait3A_75 = tpu.memref_slice %arg2[%run_scoped3A, %add3A_39, %dma_wait3A_74] : memref<2x2500x128xi32, #tpu.memory_space<hbm>> -> memref<1x78x128xi32, #tpu.memory_space<hbm>>
      %dma_wait3A_76 = tpu.memref_squeeze %dma_wait3A_75 : memref<1x78x128xi32, #tpu.memory_space<hbm>> -> memref<78x128xi32, #tpu.memory_space<hbm>>
      tpu.wait_dma2 semaphore(%run_scoped3A_54 : memref<!tpu.dma_semaphore, #tpu.memory_space<semaphore_mem>>) src(%dma_wait3A_76 : memref<78x128xi32, #tpu.memory_space<hbm>>) dst(%dma_wait3A_73 : memref<78x128xi32, #tpu.memory_space<vmem>>)
      tpu.yield
    }) : () -> ()
    %gt3A = arith.constant 78 : i32
    %gt3A_40 = arith.cmpi sgt, %select_n3A, %gt3A : i32
    %convert_element_type3A = arith.extui %gt3A_40 : i1 to i32
    %cond3A = arith.constant 0 : i32
    %cond3A_41 = arith.cmpi ne, %convert_element_type3A, %cond3A : i32
    scf.if %cond3A_41 {
      %add3A_54 = arith.constant 78 : i32
      %add3A_55 = arith.addi %add3A_39, %add3A_54 : i32
      %run_scoped3A_56 = arith.constant 1 : i32
      %run_scoped3A_57 = arith.constant 78 : i32
      "tpu.region"() ({
        %run_scoped3A_58 = tpu.sem_alloc : memref<!tpu.dma_semaphore, #tpu.memory_space<semaphore_mem>>
        %dma_start3A = arith.constant 0 : i32
        %dma_start3A_59 = tpu.memref_slice %arg5[%run_scoped3A_57, %dma_start3A] : memref<80x128xi32, #tpu.memory_space<vmem>> -> memref<1x128xi32, #tpu.memory_space<vmem>>
        %dma_start3A_60 = tpu.memref_squeeze %dma_start3A_59 : memref<1x128xi32, #tpu.memory_space<vmem>> -> memref<128xi32, #tpu.memory_space<vmem>>
        %dma_start3A_61 = arith.constant 0 : i32
        %dma_start3A_62 = tpu.memref_slice %arg2[%run_scoped3A_56, %add3A_55, %dma_start3A_61] : memref<2x2500x128xi32, #tpu.memory_space<hbm>> -> memref<1x1x128xi32, #tpu.memory_space<hbm>>
        %dma_start3A_63 = tpu.memref_squeeze %dma_start3A_62 : memref<1x1x128xi32, #tpu.memory_space<hbm>> -> memref<128xi32, #tpu.memory_space<hbm>>
        %dma_start3A_64 = arith.constant 0 : i32
        %dma_start3A_65 = tpu.memref_slice %arg5[%run_scoped3A_57, %dma_start3A_64] : memref<80x128xi32, #tpu.memory_space<vmem>> -> memref<1x128xi32, #tpu.memory_space<vmem>>
        %dma_start3A_66 = tpu.memref_squeeze %dma_start3A_65 : memref<1x128xi32, #tpu.memory_space<vmem>> -> memref<128xi32, #tpu.memory_space<vmem>>
        %dma_start3A_67 = arith.constant 0 : i32
        %dma_start3A_68 = tpu.memref_slice %arg2[%run_scoped3A_56, %add3A_55, %dma_start3A_67] : memref<2x2500x128xi32, #tpu.memory_space<hbm>> -> memref<1x1x128xi32, #tpu.memory_space<hbm>>
        %dma_start3A_69 = tpu.memref_squeeze %dma_start3A_68 : memref<1x1x128xi32, #tpu.memory_space<hbm>> -> memref<128xi32, #tpu.memory_space<hbm>>
        tpu.enqueue_dma source(%dma_start3A_69 : memref<128xi32, #tpu.memory_space<hbm>>) target(%dma_start3A_66 : memref<128xi32, #tpu.memory_space<vmem>>) target_semaphore(%run_scoped3A_58 : memref<!tpu.dma_semaphore, #tpu.memory_space<semaphore_mem>>)
        %dma_wait3A = arith.constant 0 : i32
        %dma_wait3A_70 = tpu.memref_slice %arg5[%run_scoped3A_57, %dma_wait3A] : memref<80x128xi32, #tpu.memory_space<vmem>> -> memref<1x128xi32, #tpu.memory_space<vmem>>
        %dma_wait3A_71 = tpu.memref_squeeze %dma_wait3A_70 : memref<1x128xi32, #tpu.memory_space<vmem>> -> memref<128xi32, #tpu.memory_space<vmem>>
        %dma_wait3A_72 = arith.constant 0 : i32
        %dma_wait3A_73 = tpu.memref_slice %arg2[%run_scoped3A_56, %add3A_55, %dma_wait3A_72] : memref<2x2500x128xi32, #tpu.memory_space<hbm>> -> memref<1x1x128xi32, #tpu.memory_space<hbm>>
        %dma_wait3A_74 = tpu.memref_squeeze %dma_wait3A_73 : memref<1x1x128xi32, #tpu.memory_space<hbm>> -> memref<128xi32, #tpu.memory_space<hbm>>
        %dma_wait3A_75 = arith.constant 0 : i32
        %dma_wait3A_76 = tpu.memref_slice %arg5[%run_scoped3A_57, %dma_wait3A_75] : memref<80x128xi32, #tpu.memory_space<vmem>> -> memref<1x128xi32, #tpu.memory_space<vmem>>
        %dma_wait3A_77 = tpu.memref_squeeze %dma_wait3A_76 : memref<1x128xi32, #tpu.memory_space<vmem>> -> memref<128xi32, #tpu.memory_space<vmem>>
        %dma_wait3A_78 = arith.constant 0 : i32
        %dma_wait3A_79 = tpu.memref_slice %arg2[%run_scoped3A_56, %add3A_55, %dma_wait3A_78] : memref<2x2500x128xi32, #tpu.memory_space<hbm>> -> memref<1x1x128xi32, #tpu.memory_space<hbm>>
        %dma_wait3A_80 = tpu.memref_squeeze %dma_wait3A_79 : memref<1x1x128xi32, #tpu.memory_space<hbm>> -> memref<128xi32, #tpu.memory_space<hbm>>
        tpu.wait_dma2 semaphore(%run_scoped3A_58 : memref<!tpu.dma_semaphore, #tpu.memory_space<semaphore_mem>>) src(%dma_wait3A_80 : memref<128xi32, #tpu.memory_space<hbm>>) dst(%dma_wait3A_77 : memref<128xi32, #tpu.memory_space<vmem>>)
        tpu.yield
      }) : () -> ()
    } else {
    }
    %barrier3A = arith.constant 0 : index
    tpu.barrier barrier_id(%barrier3A)
    %scan3A_42 = arith.constant 0 : i32
    %scan3A_43 = arith.constant 0 : i32
    %scan3A_44 = arith.constant 78 : i32
    %scan3A_45 = arith.addi %scan3A_43, %scan3A_44 : i32
    %scan3A_46 = arith.constant 1 : i32
    scf.for %scan3A_54 = %scan3A_43 to %scan3A_45 step %scan3A_46  : i32 {
      "tpu.region"() ({
        %run_scoped3A_55 = tpu.sem_alloc : memref<!tpu.dma_semaphore, #tpu.memory_space<semaphore_mem>>
        %dma_start3A = arith.constant 0 : i32
        %dma_start3A_56 = tpu.memref_slice %arg5[%scan3A_54, %dma_start3A] : memref<80x128xi32, #tpu.memory_space<vmem>> -> memref<1x128xi32, #tpu.memory_space<vmem>>
        %dma_start3A_57 = tpu.memref_squeeze %dma_start3A_56 : memref<1x128xi32, #tpu.memory_space<vmem>> -> memref<128xi32, #tpu.memory_space<vmem>>
        %dma_start3A_58 = arith.constant 0 : i32
        %dma_start3A_59 = arith.constant 0 : i32
        %dma_start3A_60 = tpu.memref_slice %arg4[%dma_start3A_58, %dma_start3A_59] : memref<10240x16xf32, #tpu.memory_space<vmem_shared>> -> memref<10240x16xf32, #tpu.memory_space<vmem_shared>>
        tpu.enqueue_indirect_dma source(%arg6 : memref<128x16xf32, #tpu.memory_space<vmem>>) target(%dma_start3A_60 : memref<10240x16xf32, #tpu.memory_space<vmem_shared>>) offsets(%dma_start3A_57 : memref<128xi32, #tpu.memory_space<vmem>>) semaphore(%run_scoped3A_55 : memref<!tpu.dma_semaphore, #tpu.memory_space<semaphore_mem>>) {add = true}
        %dma_wait3A = arith.constant 0 : i32
        %dma_wait3A_61 = tpu.memref_slice %arg5[%scan3A_54, %dma_wait3A] : memref<80x128xi32, #tpu.memory_space<vmem>> -> memref<1x128xi32, #tpu.memory_space<vmem>>
        %dma_wait3A_62 = tpu.memref_squeeze %dma_wait3A_61 : memref<1x128xi32, #tpu.memory_space<vmem>> -> memref<128xi32, #tpu.memory_space<vmem>>
        %dma_wait3A_63 = arith.constant 0 : i32
        %dma_wait3A_64 = arith.constant 0 : i32
        %dma_wait3A_65 = tpu.memref_slice %arg4[%dma_wait3A_63, %dma_wait3A_64] : memref<10240x16xf32, #tpu.memory_space<vmem_shared>> -> memref<10240x16xf32, #tpu.memory_space<vmem_shared>>
        tpu.wait_indirect_dma semaphore(%run_scoped3A_55 : memref<!tpu.dma_semaphore, #tpu.memory_space<semaphore_mem>>) src(%arg6 : memref<128x16xf32, #tpu.memory_space<vmem>>) dst(%dma_wait3A_65 : memref<10240x16xf32, #tpu.memory_space<vmem_shared>>)
        tpu.yield
      }) : () -> ()
    }
    %scan3A_47 = arith.constant 78 : i32
    %gt3A_48 = arith.constant 78 : i32
    %gt3A_49 = arith.cmpi sgt, %select_n3A, %gt3A_48 : i32
    %convert_element_type3A_50 = arith.extui %gt3A_49 : i1 to i32
    %cond3A_51 = arith.constant 0 : i32
    %cond3A_52 = arith.cmpi ne, %convert_element_type3A_50, %cond3A_51 : i32
    scf.if %cond3A_52 {
      %run_scoped3A_54 = arith.constant 78 : i32
      "tpu.region"() ({
        %run_scoped3A_55 = tpu.sem_alloc : memref<!tpu.dma_semaphore, #tpu.memory_space<semaphore_mem>>
        %dma_start3A = arith.constant 0 : i32
        %dma_start3A_56 = tpu.memref_slice %arg5[%run_scoped3A_54, %dma_start3A] : memref<80x128xi32, #tpu.memory_space<vmem>> -> memref<1x128xi32, #tpu.memory_space<vmem>>
        %dma_start3A_57 = tpu.memref_squeeze %dma_start3A_56 : memref<1x128xi32, #tpu.memory_space<vmem>> -> memref<128xi32, #tpu.memory_space<vmem>>
        %dma_start3A_58 = arith.constant 0 : i32
        %dma_start3A_59 = arith.constant 0 : i32
        %dma_start3A_60 = tpu.memref_slice %arg4[%dma_start3A_58, %dma_start3A_59] : memref<10240x16xf32, #tpu.memory_space<vmem_shared>> -> memref<10240x16xf32, #tpu.memory_space<vmem_shared>>
        tpu.enqueue_indirect_dma source(%arg6 : memref<128x16xf32, #tpu.memory_space<vmem>>) target(%dma_start3A_60 : memref<10240x16xf32, #tpu.memory_space<vmem_shared>>) offsets(%dma_start3A_57 : memref<128xi32, #tpu.memory_space<vmem>>) semaphore(%run_scoped3A_55 : memref<!tpu.dma_semaphore, #tpu.memory_space<semaphore_mem>>) {add = true}
        %dma_wait3A = arith.constant 0 : i32
        %dma_wait3A_61 = tpu.memref_slice %arg5[%run_scoped3A_54, %dma_wait3A] : memref<80x128xi32, #tpu.memory_space<vmem>> -> memref<1x128xi32, #tpu.memory_space<vmem>>
        %dma_wait3A_62 = tpu.memref_squeeze %dma_wait3A_61 : memref<1x128xi32, #tpu.memory_space<vmem>> -> memref<128xi32, #tpu.memory_space<vmem>>
        %dma_wait3A_63 = arith.constant 0 : i32
        %dma_wait3A_64 = arith.constant 0 : i32
        %dma_wait3A_65 = tpu.memref_slice %arg4[%dma_wait3A_63, %dma_wait3A_64] : memref<10240x16xf32, #tpu.memory_space<vmem_shared>> -> memref<10240x16xf32, #tpu.memory_space<vmem_shared>>
        tpu.wait_indirect_dma semaphore(%run_scoped3A_55 : memref<!tpu.dma_semaphore, #tpu.memory_space<semaphore_mem>>) src(%arg6 : memref<128x16xf32, #tpu.memory_space<vmem>>) dst(%dma_wait3A_65 : memref<10240x16xf32, #tpu.memory_space<vmem_shared>>)
        tpu.yield
      }) : () -> ()
    } else {
    }
    %barrier3A_53 = arith.constant 0 : index
    tpu.barrier barrier_id(%barrier3A_53)
    "tpu.region"() ({
      %run_scoped3A_54 = tpu.sem_alloc : memref<!tpu.dma_semaphore, #tpu.memory_space<semaphore_mem>>
      %dma_start3A = arith.constant 0 : i32
      %dma_start3A_55 = tpu.memref_slice %arg3[%arg0, %mul3A_2, %dma_start3A] : memref<2x10240x16xf32, #tpu.memory_space<hbm>> -> memref<1x640x16xf32, #tpu.memory_space<hbm>>
      %dma_start3A_56 = tpu.memref_squeeze %dma_start3A_55 : memref<1x640x16xf32, #tpu.memory_space<hbm>> -> memref<640x16xf32, #tpu.memory_space<hbm>>
      %dma_start3A_57 = arith.constant 0 : i32
      %dma_start3A_58 = tpu.memref_slice %arg4[%mul3A_2, %dma_start3A_57] : memref<10240x16xf32, #tpu.memory_space<vmem_shared>> -> memref<640x16xf32, #tpu.memory_space<vmem_shared>>
      tpu.enqueue_dma source(%dma_start3A_58 : memref<640x16xf32, #tpu.memory_space<vmem_shared>>) target(%dma_start3A_56 : memref<640x16xf32, #tpu.memory_space<hbm>>) target_semaphore(%run_scoped3A_54 : memref<!tpu.dma_semaphore, #tpu.memory_space<semaphore_mem>>)
      %dma_wait3A = arith.constant 0 : i32
      %dma_wait3A_59 = tpu.memref_slice %arg3[%arg0, %mul3A_2, %dma_wait3A] : memref<2x10240x16xf32, #tpu.memory_space<hbm>> -> memref<1x640x16xf32, #tpu.memory_space<hbm>>
      %dma_wait3A_60 = tpu.memref_squeeze %dma_wait3A_59 : memref<1x640x16xf32, #tpu.memory_space<hbm>> -> memref<640x16xf32, #tpu.memory_space<hbm>>
      %dma_wait3A_61 = arith.constant 0 : i32
      %dma_wait3A_62 = tpu.memref_slice %arg4[%mul3A_2, %dma_wait3A_61] : memref<10240x16xf32, #tpu.memory_space<vmem_shared>> -> memref<640x16xf32, #tpu.memory_space<vmem_shared>>
      tpu.wait_dma2 semaphore(%run_scoped3A_54 : memref<!tpu.dma_semaphore, #tpu.memory_space<semaphore_mem>>) src(%dma_wait3A_62 : memref<640x16xf32, #tpu.memory_space<vmem_shared>>) dst(%dma_wait3A_60 : memref<640x16xf32, #tpu.memory_space<hbm>>)
      tpu.yield
    }) : () -> ()
    return
  }
}

#map = affine_map<(d0, d1) -> (0, 0)>
#map1 = affine_map<(d0, d1) -> (0, 0, 0)>
#map2 = affine_map<(d0, d1) -> (0)>
module attributes {stable_mosaic.version = 14 : i64} {
  func.func @_rewritten_body(%arg0: i32, %arg1: i32, %arg2: memref<10240x16xf32, #tpu.memory_space<hbm>>, %arg3: memref<2x2500x128xi32, #tpu.memory_space<hbm>>, %arg4: memref<1xi32, #tpu.memory_space<hbm>>, %arg5: memref<1xi32, #tpu.memory_space<hbm>>, %arg6: memref<1xi32, #tpu.memory_space<hbm>>, %arg7: memref<1xi32, #tpu.memory_space<hbm>>, %arg8: memref<1xi32, #tpu.memory_space<hbm>>, %arg9: memref<1xi32, #tpu.memory_space<hbm>>, %arg10: memref<1xi32, #tpu.memory_space<hbm>>, %arg11: memref<1xi32, #tpu.memory_space<hbm>>, %arg12: memref<2x10240x16xf32, #tpu.memory_space<hbm>>, %arg13: memref<10240x16xf32, #tpu.memory_space<vmem_shared>>, %arg14: memref<80x128xi32, #tpu.memory_space<vmem>>, %arg15: memref<80x128xi32, #tpu.memory_space<vmem>>, %arg16: memref<128x16xf32, #tpu.memory_space<vmem>>, %arg17: memref<128x16xf32, #tpu.memory_space<vmem>>, %arg18: memref<128x16xf32, #tpu.memory_space<vmem>>, %arg19: memref<128x16xf32, #tpu.memory_space<vmem>>, %arg20: memref<128x16xf32, #tpu.memory_space<vmem>>, %arg21: memref<128x16xf32, #tpu.memory_space<vmem>>, %arg22: memref<128x16xf32, #tpu.memory_space<vmem>>, %arg23: memref<128x16xf32, #tpu.memory_space<vmem>>, %arg24: memref<128x16xf32, #tpu.memory_space<vmem>>, %arg25: memref<!tpu.dma_semaphore, #tpu.memory_space<semaphore_mem>>, %arg26: memref<!tpu.dma_semaphore, #tpu.memory_space<semaphore_mem>>, %arg27: memref<!tpu.dma_semaphore, #tpu.memory_space<semaphore_mem>>, %arg28: memref<!tpu.dma_semaphore, #tpu.memory_space<semaphore_mem>>, %arg29: memref<!tpu.dma_semaphore, #tpu.memory_space<semaphore_mem>>, %arg30: memref<!tpu.dma_semaphore, #tpu.memory_space<semaphore_mem>>, %arg31: memref<!tpu.dma_semaphore, #tpu.memory_space<semaphore_mem>>, %arg32: memref<!tpu.dma_semaphore, #tpu.memory_space<semaphore_mem>>, %arg33: memref<!tpu.dma_semaphore, #tpu.memory_space<semaphore_mem>>, %arg34: memref<!tpu.dma_semaphore, #tpu.memory_space<semaphore_mem>>, %arg35: memref<!tpu.dma_semaphore, #tpu.memory_space<semaphore_mem>>, %arg36: memref<!tpu.dma_semaphore, #tpu.memory_space<semaphore_mem>>, %arg37: memref<!tpu.dma_semaphore, #tpu.memory_space<semaphore_mem>>, %arg38: memref<!tpu.dma_semaphore, #tpu.memory_space<semaphore_mem>>, %arg39: memref<!tpu.dma_semaphore, #tpu.memory_space<semaphore_mem>>, %arg40: memref<!tpu.dma_semaphore, #tpu.memory_space<semaphore_mem>>) attributes {dimension_semantics = [#tpu.dimension_semantics<core_parallel>, #tpu.dimension_semantics<subcore_parallel>], iteration_bounds = array<i64: 2, 16>, scalar_prefetch = 0 : i64, scratch_operands = 28 : i64, tpu.core_type = #tpu.core_type<sc_vector_subcore>, window_params = [{transform_indices = #map}, {transform_indices = #map1}, {transform_indices = #map2}, {transform_indices = #map2}, {transform_indices = #map2}, {transform_indices = #map2}, {transform_indices = #map2}, {transform_indices = #map2}, {transform_indices = #map2}, {transform_indices = #map2}, {transform_indices = #map1}]} {
    %empty_ref3A = memref.alloca() : memref<16xi32, #tpu.memory_space<vmem>>
    %empty_ref3A_0 = memref.alloca() : memref<16xi32, #tpu.memory_space<vmem>>
    %empty_ref3A_1 = memref.alloca() : memref<16xi32, #tpu.memory_space<vmem>>
    %empty_ref3A_2 = memref.alloca() : memref<16xi32, #tpu.memory_space<vmem>>
    %empty_ref3A_3 = memref.alloca() : memref<16xi32, #tpu.memory_space<vmem>>
    %empty_ref3A_4 = memref.alloca() : memref<16xi32, #tpu.memory_space<vmem>>
    %empty_ref3A_5 = memref.alloca() : memref<16xi32, #tpu.memory_space<vmem>>
    %empty_ref3A_6 = memref.alloca() : memref<16xi32, #tpu.memory_space<vmem>>
    "tpu.region"() ({
      %run_scoped3A_168 = tpu.sem_alloc : memref<!tpu.dma_semaphore, #tpu.memory_space<semaphore_mem>>
      %dma_start3A = arith.constant 0 : i32
      %dma_start3A_169 = tpu.memref_slice %empty_ref3A[%dma_start3A] : memref<16xi32, #tpu.memory_space<vmem>> -> memref<1xi32, #tpu.memory_space<vmem>>
      %dma_start3A_170 = arith.constant 0 : i32
      %dma_start3A_171 = tpu.memref_slice %empty_ref3A[%dma_start3A_170] : memref<16xi32, #tpu.memory_space<vmem>> -> memref<1xi32, #tpu.memory_space<vmem>>
      tpu.enqueue_dma source(%arg4 : memref<1xi32, #tpu.memory_space<hbm>>) target(%dma_start3A_171 : memref<1xi32, #tpu.memory_space<vmem>>) target_semaphore(%run_scoped3A_168 : memref<!tpu.dma_semaphore, #tpu.memory_space<semaphore_mem>>)
      %dma_start3A_172 = arith.constant 0 : i32
      %dma_start3A_173 = tpu.memref_slice %empty_ref3A_0[%dma_start3A_172] : memref<16xi32, #tpu.memory_space<vmem>> -> memref<1xi32, #tpu.memory_space<vmem>>
      %dma_start3A_174 = arith.constant 0 : i32
      %dma_start3A_175 = tpu.memref_slice %empty_ref3A_0[%dma_start3A_174] : memref<16xi32, #tpu.memory_space<vmem>> -> memref<1xi32, #tpu.memory_space<vmem>>
      tpu.enqueue_dma source(%arg5 : memref<1xi32, #tpu.memory_space<hbm>>) target(%dma_start3A_175 : memref<1xi32, #tpu.memory_space<vmem>>) target_semaphore(%run_scoped3A_168 : memref<!tpu.dma_semaphore, #tpu.memory_space<semaphore_mem>>)
      %dma_start3A_176 = arith.constant 0 : i32
      %dma_start3A_177 = tpu.memref_slice %empty_ref3A_1[%dma_start3A_176] : memref<16xi32, #tpu.memory_space<vmem>> -> memref<1xi32, #tpu.memory_space<vmem>>
      %dma_start3A_178 = arith.constant 0 : i32
      %dma_start3A_179 = tpu.memref_slice %empty_ref3A_1[%dma_start3A_178] : memref<16xi32, #tpu.memory_space<vmem>> -> memref<1xi32, #tpu.memory_space<vmem>>
      tpu.enqueue_dma source(%arg6 : memref<1xi32, #tpu.memory_space<hbm>>) target(%dma_start3A_179 : memref<1xi32, #tpu.memory_space<vmem>>) target_semaphore(%run_scoped3A_168 : memref<!tpu.dma_semaphore, #tpu.memory_space<semaphore_mem>>)
      %dma_start3A_180 = arith.constant 0 : i32
      %dma_start3A_181 = tpu.memref_slice %empty_ref3A_2[%dma_start3A_180] : memref<16xi32, #tpu.memory_space<vmem>> -> memref<1xi32, #tpu.memory_space<vmem>>
      %dma_start3A_182 = arith.constant 0 : i32
      %dma_start3A_183 = tpu.memref_slice %empty_ref3A_2[%dma_start3A_182] : memref<16xi32, #tpu.memory_space<vmem>> -> memref<1xi32, #tpu.memory_space<vmem>>
      tpu.enqueue_dma source(%arg7 : memref<1xi32, #tpu.memory_space<hbm>>) target(%dma_start3A_183 : memref<1xi32, #tpu.memory_space<vmem>>) target_semaphore(%run_scoped3A_168 : memref<!tpu.dma_semaphore, #tpu.memory_space<semaphore_mem>>)
      %dma_start3A_184 = arith.constant 0 : i32
      %dma_start3A_185 = tpu.memref_slice %empty_ref3A_3[%dma_start3A_184] : memref<16xi32, #tpu.memory_space<vmem>> -> memref<1xi32, #tpu.memory_space<vmem>>
      %dma_start3A_186 = arith.constant 0 : i32
      %dma_start3A_187 = tpu.memref_slice %empty_ref3A_3[%dma_start3A_186] : memref<16xi32, #tpu.memory_space<vmem>> -> memref<1xi32, #tpu.memory_space<vmem>>
      tpu.enqueue_dma source(%arg8 : memref<1xi32, #tpu.memory_space<hbm>>) target(%dma_start3A_187 : memref<1xi32, #tpu.memory_space<vmem>>) target_semaphore(%run_scoped3A_168 : memref<!tpu.dma_semaphore, #tpu.memory_space<semaphore_mem>>)
      %dma_start3A_188 = arith.constant 0 : i32
      %dma_start3A_189 = tpu.memref_slice %empty_ref3A_4[%dma_start3A_188] : memref<16xi32, #tpu.memory_space<vmem>> -> memref<1xi32, #tpu.memory_space<vmem>>
      %dma_start3A_190 = arith.constant 0 : i32
      %dma_start3A_191 = tpu.memref_slice %empty_ref3A_4[%dma_start3A_190] : memref<16xi32, #tpu.memory_space<vmem>> -> memref<1xi32, #tpu.memory_space<vmem>>
      tpu.enqueue_dma source(%arg9 : memref<1xi32, #tpu.memory_space<hbm>>) target(%dma_start3A_191 : memref<1xi32, #tpu.memory_space<vmem>>) target_semaphore(%run_scoped3A_168 : memref<!tpu.dma_semaphore, #tpu.memory_space<semaphore_mem>>)
      %dma_start3A_192 = arith.constant 0 : i32
      %dma_start3A_193 = tpu.memref_slice %empty_ref3A_5[%dma_start3A_192] : memref<16xi32, #tpu.memory_space<vmem>> -> memref<1xi32, #tpu.memory_space<vmem>>
      %dma_start3A_194 = arith.constant 0 : i32
      %dma_start3A_195 = tpu.memref_slice %empty_ref3A_5[%dma_start3A_194] : memref<16xi32, #tpu.memory_space<vmem>> -> memref<1xi32, #tpu.memory_space<vmem>>
      tpu.enqueue_dma source(%arg10 : memref<1xi32, #tpu.memory_space<hbm>>) target(%dma_start3A_195 : memref<1xi32, #tpu.memory_space<vmem>>) target_semaphore(%run_scoped3A_168 : memref<!tpu.dma_semaphore, #tpu.memory_space<semaphore_mem>>)
      %dma_start3A_196 = arith.constant 0 : i32
      %dma_start3A_197 = tpu.memref_slice %empty_ref3A_6[%dma_start3A_196] : memref<16xi32, #tpu.memory_space<vmem>> -> memref<1xi32, #tpu.memory_space<vmem>>
      %dma_start3A_198 = arith.constant 0 : i32
      %dma_start3A_199 = tpu.memref_slice %empty_ref3A_6[%dma_start3A_198] : memref<16xi32, #tpu.memory_space<vmem>> -> memref<1xi32, #tpu.memory_space<vmem>>
      tpu.enqueue_dma source(%arg11 : memref<1xi32, #tpu.memory_space<hbm>>) target(%dma_start3A_199 : memref<1xi32, #tpu.memory_space<vmem>>) target_semaphore(%run_scoped3A_168 : memref<!tpu.dma_semaphore, #tpu.memory_space<semaphore_mem>>)
      %dma_wait3A = arith.constant 0 : i32
      %dma_wait3A_200 = tpu.memref_slice %empty_ref3A[%dma_wait3A] : memref<16xi32, #tpu.memory_space<vmem>> -> memref<1xi32, #tpu.memory_space<vmem>>
      %dma_wait3A_201 = arith.constant 0 : i32
      %dma_wait3A_202 = tpu.memref_slice %empty_ref3A[%dma_wait3A_201] : memref<16xi32, #tpu.memory_space<vmem>> -> memref<1xi32, #tpu.memory_space<vmem>>
      tpu.wait_dma2 semaphore(%run_scoped3A_168 : memref<!tpu.dma_semaphore, #tpu.memory_space<semaphore_mem>>) src(%arg4 : memref<1xi32, #tpu.memory_space<hbm>>) dst(%dma_wait3A_202 : memref<1xi32, #tpu.memory_space<vmem>>)
      %dma_wait3A_203 = arith.constant 0 : i32
      %dma_wait3A_204 = tpu.memref_slice %empty_ref3A_0[%dma_wait3A_203] : memref<16xi32, #tpu.memory_space<vmem>> -> memref<1xi32, #tpu.memory_space<vmem>>
      %dma_wait3A_205 = arith.constant 0 : i32
      %dma_wait3A_206 = tpu.memref_slice %empty_ref3A_0[%dma_wait3A_205] : memref<16xi32, #tpu.memory_space<vmem>> -> memref<1xi32, #tpu.memory_space<vmem>>
      tpu.wait_dma2 semaphore(%run_scoped3A_168 : memref<!tpu.dma_semaphore, #tpu.memory_space<semaphore_mem>>) src(%arg5 : memref<1xi32, #tpu.memory_space<hbm>>) dst(%dma_wait3A_206 : memref<1xi32, #tpu.memory_space<vmem>>)
      %dma_wait3A_207 = arith.constant 0 : i32
      %dma_wait3A_208 = tpu.memref_slice %empty_ref3A_1[%dma_wait3A_207] : memref<16xi32, #tpu.memory_space<vmem>> -> memref<1xi32, #tpu.memory_space<vmem>>
      %dma_wait3A_209 = arith.constant 0 : i32
      %dma_wait3A_210 = tpu.memref_slice %empty_ref3A_1[%dma_wait3A_209] : memref<16xi32, #tpu.memory_space<vmem>> -> memref<1xi32, #tpu.memory_space<vmem>>
      tpu.wait_dma2 semaphore(%run_scoped3A_168 : memref<!tpu.dma_semaphore, #tpu.memory_space<semaphore_mem>>) src(%arg6 : memref<1xi32, #tpu.memory_space<hbm>>) dst(%dma_wait3A_210 : memref<1xi32, #tpu.memory_space<vmem>>)
      %dma_wait3A_211 = arith.constant 0 : i32
      %dma_wait3A_212 = tpu.memref_slice %empty_ref3A_2[%dma_wait3A_211] : memref<16xi32, #tpu.memory_space<vmem>> -> memref<1xi32, #tpu.memory_space<vmem>>
      %dma_wait3A_213 = arith.constant 0 : i32
      %dma_wait3A_214 = tpu.memref_slice %empty_ref3A_2[%dma_wait3A_213] : memref<16xi32, #tpu.memory_space<vmem>> -> memref<1xi32, #tpu.memory_space<vmem>>
      tpu.wait_dma2 semaphore(%run_scoped3A_168 : memref<!tpu.dma_semaphore, #tpu.memory_space<semaphore_mem>>) src(%arg7 : memref<1xi32, #tpu.memory_space<hbm>>) dst(%dma_wait3A_214 : memref<1xi32, #tpu.memory_space<vmem>>)
      %dma_wait3A_215 = arith.constant 0 : i32
      %dma_wait3A_216 = tpu.memref_slice %empty_ref3A_3[%dma_wait3A_215] : memref<16xi32, #tpu.memory_space<vmem>> -> memref<1xi32, #tpu.memory_space<vmem>>
      %dma_wait3A_217 = arith.constant 0 : i32
      %dma_wait3A_218 = tpu.memref_slice %empty_ref3A_3[%dma_wait3A_217] : memref<16xi32, #tpu.memory_space<vmem>> -> memref<1xi32, #tpu.memory_space<vmem>>
      tpu.wait_dma2 semaphore(%run_scoped3A_168 : memref<!tpu.dma_semaphore, #tpu.memory_space<semaphore_mem>>) src(%arg8 : memref<1xi32, #tpu.memory_space<hbm>>) dst(%dma_wait3A_218 : memref<1xi32, #tpu.memory_space<vmem>>)
      %dma_wait3A_219 = arith.constant 0 : i32
      %dma_wait3A_220 = tpu.memref_slice %empty_ref3A_4[%dma_wait3A_219] : memref<16xi32, #tpu.memory_space<vmem>> -> memref<1xi32, #tpu.memory_space<vmem>>
      %dma_wait3A_221 = arith.constant 0 : i32
      %dma_wait3A_222 = tpu.memref_slice %empty_ref3A_4[%dma_wait3A_221] : memref<16xi32, #tpu.memory_space<vmem>> -> memref<1xi32, #tpu.memory_space<vmem>>
      tpu.wait_dma2 semaphore(%run_scoped3A_168 : memref<!tpu.dma_semaphore, #tpu.memory_space<semaphore_mem>>) src(%arg9 : memref<1xi32, #tpu.memory_space<hbm>>) dst(%dma_wait3A_222 : memref<1xi32, #tpu.memory_space<vmem>>)
      %dma_wait3A_223 = arith.constant 0 : i32
      %dma_wait3A_224 = tpu.memref_slice %empty_ref3A_5[%dma_wait3A_223] : memref<16xi32, #tpu.memory_space<vmem>> -> memref<1xi32, #tpu.memory_space<vmem>>
      %dma_wait3A_225 = arith.constant 0 : i32
      %dma_wait3A_226 = tpu.memref_slice %empty_ref3A_5[%dma_wait3A_225] : memref<16xi32, #tpu.memory_space<vmem>> -> memref<1xi32, #tpu.memory_space<vmem>>
      tpu.wait_dma2 semaphore(%run_scoped3A_168 : memref<!tpu.dma_semaphore, #tpu.memory_space<semaphore_mem>>) src(%arg10 : memref<1xi32, #tpu.memory_space<hbm>>) dst(%dma_wait3A_226 : memref<1xi32, #tpu.memory_space<vmem>>)
      %dma_wait3A_227 = arith.constant 0 : i32
      %dma_wait3A_228 = tpu.memref_slice %empty_ref3A_6[%dma_wait3A_227] : memref<16xi32, #tpu.memory_space<vmem>> -> memref<1xi32, #tpu.memory_space<vmem>>
      %dma_wait3A_229 = arith.constant 0 : i32
      %dma_wait3A_230 = tpu.memref_slice %empty_ref3A_6[%dma_wait3A_229] : memref<16xi32, #tpu.memory_space<vmem>> -> memref<1xi32, #tpu.memory_space<vmem>>
      tpu.wait_dma2 semaphore(%run_scoped3A_168 : memref<!tpu.dma_semaphore, #tpu.memory_space<semaphore_mem>>) src(%arg11 : memref<1xi32, #tpu.memory_space<hbm>>) dst(%dma_wait3A_230 : memref<1xi32, #tpu.memory_space<vmem>>)
      tpu.yield
    }) : () -> ()
    %get3A = arith.constant 0 : index
    %get3A_7 = tpu.vector_load %empty_ref3A[%get3A] {strides = array<i32>} : memref<16xi32, #tpu.memory_space<vmem>>, vector<16xi32>,
    %get3A_8 = vector.shape_cast %get3A_7 : vector<16xi32> to vector<16xi32>
    %slice3A = vector.extract_strided_slice %get3A_8 {offsets = [0], sizes = [1], strides = [1]} : vector<16xi32> to vector<1xi32>
    %squeeze3A = vector.extract %slice3A[0] : i32 from vector<1xi32>
    %get3A_9 = arith.constant 0 : index
    %get3A_10 = tpu.vector_load %empty_ref3A_0[%get3A_9] {strides = array<i32>} : memref<16xi32, #tpu.memory_space<vmem>>, vector<16xi32>,
    %get3A_11 = vector.shape_cast %get3A_10 : vector<16xi32> to vector<16xi32>
    %slice3A_12 = vector.extract_strided_slice %get3A_11 {offsets = [0], sizes = [1], strides = [1]} : vector<16xi32> to vector<1xi32>
    %squeeze3A_13 = vector.extract %slice3A_12[0] : i32 from vector<1xi32>
    %get3A_14 = arith.constant 0 : index
    %get3A_15 = tpu.vector_load %empty_ref3A_1[%get3A_14] {strides = array<i32>} : memref<16xi32, #tpu.memory_space<vmem>>, vector<16xi32>,
    %get3A_16 = vector.shape_cast %get3A_15 : vector<16xi32> to vector<16xi32>
    %slice3A_17 = vector.extract_strided_slice %get3A_16 {offsets = [0], sizes = [1], strides = [1]} : vector<16xi32> to vector<1xi32>
    %squeeze3A_18 = vector.extract %slice3A_17[0] : i32 from vector<1xi32>
    %get3A_19 = arith.constant 0 : index
    %get3A_20 = tpu.vector_load %empty_ref3A_2[%get3A_19] {strides = array<i32>} : memref<16xi32, #tpu.memory_space<vmem>>, vector<16xi32>,
    %get3A_21 = vector.shape_cast %get3A_20 : vector<16xi32> to vector<16xi32>
    %slice3A_22 = vector.extract_strided_slice %get3A_21 {offsets = [0], sizes = [1], strides = [1]} : vector<16xi32> to vector<1xi32>
    %squeeze3A_23 = vector.extract %slice3A_22[0] : i32 from vector<1xi32>
    %get3A_24 = arith.constant 0 : index
    %get3A_25 = tpu.vector_load %empty_ref3A_3[%get3A_24] {strides = array<i32>} : memref<16xi32, #tpu.memory_space<vmem>>, vector<16xi32>,
    %get3A_26 = vector.shape_cast %get3A_25 : vector<16xi32> to vector<16xi32>
    %slice3A_27 = vector.extract_strided_slice %get3A_26 {offsets = [0], sizes = [1], strides = [1]} : vector<16xi32> to vector<1xi32>
    %squeeze3A_28 = vector.extract %slice3A_27[0] : i32 from vector<1xi32>
    %get3A_29 = arith.constant 0 : index
    %get3A_30 = tpu.vector_load %empty_ref3A_4[%get3A_29] {strides = array<i32>} : memref<16xi32, #tpu.memory_space<vmem>>, vector<16xi32>,
    %get3A_31 = vector.shape_cast %get3A_30 : vector<16xi32> to vector<16xi32>
    %slice3A_32 = vector.extract_strided_slice %get3A_31 {offsets = [0], sizes = [1], strides = [1]} : vector<16xi32> to vector<1xi32>
    %squeeze3A_33 = vector.extract %slice3A_32[0] : i32 from vector<1xi32>
    %get3A_34 = arith.constant 0 : index
    %get3A_35 = tpu.vector_load %empty_ref3A_5[%get3A_34] {strides = array<i32>} : memref<16xi32, #tpu.memory_space<vmem>>, vector<16xi32>,
    %get3A_36 = vector.shape_cast %get3A_35 : vector<16xi32> to vector<16xi32>
    %slice3A_37 = vector.extract_strided_slice %get3A_36 {offsets = [0], sizes = [1], strides = [1]} : vector<16xi32> to vector<1xi32>
    %squeeze3A_38 = vector.extract %slice3A_37[0] : i32 from vector<1xi32>
    %get3A_39 = arith.constant 0 : index
    %get3A_40 = tpu.vector_load %empty_ref3A_6[%get3A_39] {strides = array<i32>} : memref<16xi32, #tpu.memory_space<vmem>>, vector<16xi32>,
    %get3A_41 = vector.shape_cast %get3A_40 : vector<16xi32> to vector<16xi32>
    %slice3A_42 = vector.extract_strided_slice %get3A_41 {offsets = [0], sizes = [1], strides = [1]} : vector<16xi32> to vector<1xi32>
    %squeeze3A_43 = vector.extract %slice3A_42[0] : i32 from vector<1xi32>
    %mul3A = arith.constant 2 : i32
    %mul3A_44 = arith.muli %arg1, %mul3A : i32
    %add3A = arith.addi %mul3A_44, %arg0 : i32
    %lt3A = arith.constant 4 : i32
    %lt3A_45 = arith.cmpi slt, %add3A, %lt3A : i32
    %jit3A = arith.constant 79 : i32
    %jit3A_46 = arith.constant 78 : i32
    %select_n3A = arith.select %lt3A_45, %jit3A, %jit3A_46 : i32
    %mul3A_47 = arith.constant 78 : i32
    %mul3A_48 = arith.muli %mul3A_47, %add3A : i32
    %min3A = arith.constant 4 : i32
    %min3A_49 = arith.minsi %add3A, %min3A : i32
    %add3A_50 = arith.addi %mul3A_48, %min3A_49 : i32
    %mul3A_51 = arith.constant 640 : i32
    %mul3A_52 = arith.muli %arg1, %mul3A_51 : i32
    %scan3A = arith.constant 0 : i32
    %scan3A_53 = arith.constant 0 : i32
    %scan3A_54 = arith.constant 128 : i32
    %scan3A_55 = arith.addi %scan3A_53, %scan3A_54 : i32
    %scan3A_56 = arith.constant 1 : i32
    scf.for %scan3A_168 = %scan3A_53 to %scan3A_55 step %scan3A_56  : i32 {
      %broadcast_in_dim3A = arith.constant 0.000000e+00 : f32
      %broadcast_in_dim3A_169 = vector.broadcast %broadcast_in_dim3A : f32 to vector<16xf32>
      %swap3A = arith.index_cast %scan3A_168 : i32 to index
      %swap3A_170 = arith.constant 0 : index
      %swap3A_171 = tpu.vector_load %arg16[%swap3A, %swap3A_170] {strides = array<i32>} : memref<128x16xf32, #tpu.memory_space<vmem>>, vector<1x16xf32>,
      %swap3A_172 = vector.shape_cast %swap3A_171 : vector<1x16xf32> to vector<16xf32>
      %swap3A_173 = vector.shape_cast %broadcast_in_dim3A_169 : vector<16xf32> to vector<1x16xf32>
      tpu.vector_store %arg16[%swap3A, %swap3A_170], %swap3A_173 {strides = array<i32>} : memref<128x16xf32, #tpu.memory_space<vmem>>, vector<1x16xf32>,
    }
    %scan3A_57 = arith.constant 128 : i32
    %mul3A_58 = arith.constant 640 : i32
    %mul3A_59 = arith.muli %arg1, %mul3A_58 : i32
    %add3A_60 = arith.constant 0 : i32
    %add3A_61 = arith.addi %mul3A_59, %add3A_60 : i32
    "tpu.region"() ({
      %run_scoped3A_168 = tpu.sem_alloc : memref<!tpu.dma_semaphore, #tpu.memory_space<semaphore_mem>>
      %dma_start3A = arith.constant 0 : i32
      %dma_start3A_169 = tpu.memref_slice %arg13[%add3A_61, %dma_start3A] : memref<10240x16xf32, #tpu.memory_space<vmem_shared>> -> memref<128x16xf32, #tpu.memory_space<vmem_shared>>
      %dma_start3A_170 = arith.constant 0 : i32
      %dma_start3A_171 = tpu.memref_slice %arg13[%add3A_61, %dma_start3A_170] : memref<10240x16xf32, #tpu.memory_space<vmem_shared>> -> memref<128x16xf32, #tpu.memory_space<vmem_shared>>
      tpu.enqueue_dma source(%arg16 : memref<128x16xf32, #tpu.memory_space<vmem>>) target(%dma_start3A_171 : memref<128x16xf32, #tpu.memory_space<vmem_shared>>) target_semaphore(%run_scoped3A_168 : memref<!tpu.dma_semaphore, #tpu.memory_space<semaphore_mem>>)
      %dma_wait3A = arith.constant 0 : i32
      %dma_wait3A_172 = tpu.memref_slice %arg13[%add3A_61, %dma_wait3A] : memref<10240x16xf32, #tpu.memory_space<vmem_shared>> -> memref<128x16xf32, #tpu.memory_space<vmem_shared>>
      %dma_wait3A_173 = arith.constant 0 : i32
      %dma_wait3A_174 = tpu.memref_slice %arg13[%add3A_61, %dma_wait3A_173] : memref<10240x16xf32, #tpu.memory_space<vmem_shared>> -> memref<128x16xf32, #tpu.memory_space<vmem_shared>>
      tpu.wait_dma2 semaphore(%run_scoped3A_168 : memref<!tpu.dma_semaphore, #tpu.memory_space<semaphore_mem>>) src(%arg16 : memref<128x16xf32, #tpu.memory_space<vmem>>) dst(%dma_wait3A_174 : memref<128x16xf32, #tpu.memory_space<vmem_shared>>)
      tpu.yield
    }) : () -> ()
    %mul3A_62 = arith.constant 640 : i32
    %mul3A_63 = arith.muli %arg1, %mul3A_62 : i32
    %add3A_64 = arith.constant 128 : i32
    %add3A_65 = arith.addi %mul3A_63, %add3A_64 : i32
    "tpu.region"() ({
      %run_scoped3A_168 = tpu.sem_alloc : memref<!tpu.dma_semaphore, #tpu.memory_space<semaphore_mem>>
      %dma_start3A = arith.constant 0 : i32
      %dma_start3A_169 = tpu.memref_slice %arg13[%add3A_65, %dma_start3A] : memref<10240x16xf32, #tpu.memory_space<vmem_shared>> -> memref<128x16xf32, #tpu.memory_space<vmem_shared>>
      %dma_start3A_170 = arith.constant 0 : i32
      %dma_start3A_171 = tpu.memref_slice %arg13[%add3A_65, %dma_start3A_170] : memref<10240x16xf32, #tpu.memory_space<vmem_shared>> -> memref<128x16xf32, #tpu.memory_space<vmem_shared>>
      tpu.enqueue_dma source(%arg16 : memref<128x16xf32, #tpu.memory_space<vmem>>) target(%dma_start3A_171 : memref<128x16xf32, #tpu.memory_space<vmem_shared>>) target_semaphore(%run_scoped3A_168 : memref<!tpu.dma_semaphore, #tpu.memory_space<semaphore_mem>>)
      %dma_wait3A = arith.constant 0 : i32
      %dma_wait3A_172 = tpu.memref_slice %arg13[%add3A_65, %dma_wait3A] : memref<10240x16xf32, #tpu.memory_space<vmem_shared>> -> memref<128x16xf32, #tpu.memory_space<vmem_shared>>
      %dma_wait3A_173 = arith.constant 0 : i32
      %dma_wait3A_174 = tpu.memref_slice %arg13[%add3A_65, %dma_wait3A_173] : memref<10240x16xf32, #tpu.memory_space<vmem_shared>> -> memref<128x16xf32, #tpu.memory_space<vmem_shared>>
      tpu.wait_dma2 semaphore(%run_scoped3A_168 : memref<!tpu.dma_semaphore, #tpu.memory_space<semaphore_mem>>) src(%arg16 : memref<128x16xf32, #tpu.memory_space<vmem>>) dst(%dma_wait3A_174 : memref<128x16xf32, #tpu.memory_space<vmem_shared>>)
      tpu.yield
    }) : () -> ()
    %mul3A_66 = arith.constant 640 : i32
    %mul3A_67 = arith.muli %arg1, %mul3A_66 : i32
    %add3A_68 = arith.constant 256 : i32
    %add3A_69 = arith.addi %mul3A_67, %add3A_68 : i32
    "tpu.region"() ({
      %run_scoped3A_168 = tpu.sem_alloc : memref<!tpu.dma_semaphore, #tpu.memory_space<semaphore_mem>>
      %dma_start3A = arith.constant 0 : i32
      %dma_start3A_169 = tpu.memref_slice %arg13[%add3A_69, %dma_start3A] : memref<10240x16xf32, #tpu.memory_space<vmem_shared>> -> memref<128x16xf32, #tpu.memory_space<vmem_shared>>
      %dma_start3A_170 = arith.constant 0 : i32
      %dma_start3A_171 = tpu.memref_slice %arg13[%add3A_69, %dma_start3A_170] : memref<10240x16xf32, #tpu.memory_space<vmem_shared>> -> memref<128x16xf32, #tpu.memory_space<vmem_shared>>
      tpu.enqueue_dma source(%arg16 : memref<128x16xf32, #tpu.memory_space<vmem>>) target(%dma_start3A_171 : memref<128x16xf32, #tpu.memory_space<vmem_shared>>) target_semaphore(%run_scoped3A_168 : memref<!tpu.dma_semaphore, #tpu.memory_space<semaphore_mem>>)
      %dma_wait3A = arith.constant 0 : i32
      %dma_wait3A_172 = tpu.memref_slice %arg13[%add3A_69, %dma_wait3A] : memref<10240x16xf32, #tpu.memory_space<vmem_shared>> -> memref<128x16xf32, #tpu.memory_space<vmem_shared>>
      %dma_wait3A_173 = arith.constant 0 : i32
      %dma_wait3A_174 = tpu.memref_slice %arg13[%add3A_69, %dma_wait3A_173] : memref<10240x16xf32, #tpu.memory_space<vmem_shared>> -> memref<128x16xf32, #tpu.memory_space<vmem_shared>>
      tpu.wait_dma2 semaphore(%run_scoped3A_168 : memref<!tpu.dma_semaphore, #tpu.memory_space<semaphore_mem>>) src(%arg16 : memref<128x16xf32, #tpu.memory_space<vmem>>) dst(%dma_wait3A_174 : memref<128x16xf32, #tpu.memory_space<vmem_shared>>)
      tpu.yield
    }) : () -> ()
    %mul3A_70 = arith.constant 640 : i32
    %mul3A_71 = arith.muli %arg1, %mul3A_70 : i32
    %add3A_72 = arith.constant 384 : i32
    %add3A_73 = arith.addi %mul3A_71, %add3A_72 : i32
    "tpu.region"() ({
      %run_scoped3A_168 = tpu.sem_alloc : memref<!tpu.dma_semaphore, #tpu.memory_space<semaphore_mem>>
      %dma_start3A = arith.constant 0 : i32
      %dma_start3A_169 = tpu.memref_slice %arg13[%add3A_73, %dma_start3A] : memref<10240x16xf32, #tpu.memory_space<vmem_shared>> -> memref<128x16xf32, #tpu.memory_space<vmem_shared>>
      %dma_start3A_170 = arith.constant 0 : i32
      %dma_start3A_171 = tpu.memref_slice %arg13[%add3A_73, %dma_start3A_170] : memref<10240x16xf32, #tpu.memory_space<vmem_shared>> -> memref<128x16xf32, #tpu.memory_space<vmem_shared>>
      tpu.enqueue_dma source(%arg16 : memref<128x16xf32, #tpu.memory_space<vmem>>) target(%dma_start3A_171 : memref<128x16xf32, #tpu.memory_space<vmem_shared>>) target_semaphore(%run_scoped3A_168 : memref<!tpu.dma_semaphore, #tpu.memory_space<semaphore_mem>>)
      %dma_wait3A = arith.constant 0 : i32
      %dma_wait3A_172 = tpu.memref_slice %arg13[%add3A_73, %dma_wait3A] : memref<10240x16xf32, #tpu.memory_space<vmem_shared>> -> memref<128x16xf32, #tpu.memory_space<vmem_shared>>
      %dma_wait3A_173 = arith.constant 0 : i32
      %dma_wait3A_174 = tpu.memref_slice %arg13[%add3A_73, %dma_wait3A_173] : memref<10240x16xf32, #tpu.memory_space<vmem_shared>> -> memref<128x16xf32, #tpu.memory_space<vmem_shared>>
      tpu.wait_dma2 semaphore(%run_scoped3A_168 : memref<!tpu.dma_semaphore, #tpu.memory_space<semaphore_mem>>) src(%arg16 : memref<128x16xf32, #tpu.memory_space<vmem>>) dst(%dma_wait3A_174 : memref<128x16xf32, #tpu.memory_space<vmem_shared>>)
      tpu.yield
    }) : () -> ()
    %mul3A_74 = arith.constant 640 : i32
    %mul3A_75 = arith.muli %arg1, %mul3A_74 : i32
    %add3A_76 = arith.constant 512 : i32
    %add3A_77 = arith.addi %mul3A_75, %add3A_76 : i32
    "tpu.region"() ({
      %run_scoped3A_168 = tpu.sem_alloc : memref<!tpu.dma_semaphore, #tpu.memory_space<semaphore_mem>>
      %dma_start3A = arith.constant 0 : i32
      %dma_start3A_169 = tpu.memref_slice %arg13[%add3A_77, %dma_start3A] : memref<10240x16xf32, #tpu.memory_space<vmem_shared>> -> memref<128x16xf32, #tpu.memory_space<vmem_shared>>
      %dma_start3A_170 = arith.constant 0 : i32
      %dma_start3A_171 = tpu.memref_slice %arg13[%add3A_77, %dma_start3A_170] : memref<10240x16xf32, #tpu.memory_space<vmem_shared>> -> memref<128x16xf32, #tpu.memory_space<vmem_shared>>
      tpu.enqueue_dma source(%arg16 : memref<128x16xf32, #tpu.memory_space<vmem>>) target(%dma_start3A_171 : memref<128x16xf32, #tpu.memory_space<vmem_shared>>) target_semaphore(%run_scoped3A_168 : memref<!tpu.dma_semaphore, #tpu.memory_space<semaphore_mem>>)
      %dma_wait3A = arith.constant 0 : i32
      %dma_wait3A_172 = tpu.memref_slice %arg13[%add3A_77, %dma_wait3A] : memref<10240x16xf32, #tpu.memory_space<vmem_shared>> -> memref<128x16xf32, #tpu.memory_space<vmem_shared>>
      %dma_wait3A_173 = arith.constant 0 : i32
      %dma_wait3A_174 = tpu.memref_slice %arg13[%add3A_77, %dma_wait3A_173] : memref<10240x16xf32, #tpu.memory_space<vmem_shared>> -> memref<128x16xf32, #tpu.memory_space<vmem_shared>>
      tpu.wait_dma2 semaphore(%run_scoped3A_168 : memref<!tpu.dma_semaphore, #tpu.memory_space<semaphore_mem>>) src(%arg16 : memref<128x16xf32, #tpu.memory_space<vmem>>) dst(%dma_wait3A_174 : memref<128x16xf32, #tpu.memory_space<vmem_shared>>)
      tpu.yield
    }) : () -> ()
    %run_scoped3A = arith.constant 0 : i32
    "tpu.region"() ({
      %run_scoped3A_168 = tpu.sem_alloc : memref<!tpu.dma_semaphore, #tpu.memory_space<semaphore_mem>>
      %dma_start3A = arith.constant 0 : i32
      %dma_start3A_169 = arith.constant 0 : i32
      %dma_start3A_170 = tpu.memref_slice %arg14[%dma_start3A, %dma_start3A_169] : memref<80x128xi32, #tpu.memory_space<vmem>> -> memref<78x128xi32, #tpu.memory_space<vmem>>
      %dma_start3A_171 = arith.constant 0 : i32
      %dma_start3A_172 = tpu.memref_slice %arg3[%run_scoped3A, %add3A_50, %dma_start3A_171] : memref<2x2500x128xi32, #tpu.memory_space<hbm>> -> memref<1x78x128xi32, #tpu.memory_space<hbm>>
      %dma_start3A_173 = tpu.memref_squeeze %dma_start3A_172 : memref<1x78x128xi32, #tpu.memory_space<hbm>> -> memref<78x128xi32, #tpu.memory_space<hbm>>
      %dma_start3A_174 = arith.constant 0 : i32
      %dma_start3A_175 = arith.constant 0 : i32
      %dma_start3A_176 = tpu.memref_slice %arg14[%dma_start3A_174, %dma_start3A_175] : memref<80x128xi32, #tpu.memory_space<vmem>> -> memref<78x128xi32, #tpu.memory_space<vmem>>
      %dma_start3A_177 = arith.constant 0 : i32
      %dma_start3A_178 = tpu.memref_slice %arg3[%run_scoped3A, %add3A_50, %dma_start3A_177] : memref<2x2500x128xi32, #tpu.memory_space<hbm>> -> memref<1x78x128xi32, #tpu.memory_space<hbm>>
      %dma_start3A_179 = tpu.memref_squeeze %dma_start3A_178 : memref<1x78x128xi32, #tpu.memory_space<hbm>> -> memref<78x128xi32, #tpu.memory_space<hbm>>
      tpu.enqueue_dma source(%dma_start3A_179 : memref<78x128xi32, #tpu.memory_space<hbm>>) target(%dma_start3A_176 : memref<78x128xi32, #tpu.memory_space<vmem>>) target_semaphore(%run_scoped3A_168 : memref<!tpu.dma_semaphore, #tpu.memory_space<semaphore_mem>>)
      %dma_wait3A = arith.constant 0 : i32
      %dma_wait3A_180 = arith.constant 0 : i32
      %dma_wait3A_181 = tpu.memref_slice %arg14[%dma_wait3A, %dma_wait3A_180] : memref<80x128xi32, #tpu.memory_space<vmem>> -> memref<78x128xi32, #tpu.memory_space<vmem>>
      %dma_wait3A_182 = arith.constant 0 : i32
      %dma_wait3A_183 = tpu.memref_slice %arg3[%run_scoped3A, %add3A_50, %dma_wait3A_182] : memref<2x2500x128xi32, #tpu.memory_space<hbm>> -> memref<1x78x128xi32, #tpu.memory_space<hbm>>
      %dma_wait3A_184 = tpu.memref_squeeze %dma_wait3A_183 : memref<1x78x128xi32, #tpu.memory_space<hbm>> -> memref<78x128xi32, #tpu.memory_space<hbm>>
      %dma_wait3A_185 = arith.constant 0 : i32
      %dma_wait3A_186 = arith.constant 0 : i32
      %dma_wait3A_187 = tpu.memref_slice %arg14[%dma_wait3A_185, %dma_wait3A_186] : memref<80x128xi32, #tpu.memory_space<vmem>> -> memref<78x128xi32, #tpu.memory_space<vmem>>
      %dma_wait3A_188 = arith.constant 0 : i32
      %dma_wait3A_189 = tpu.memref_slice %arg3[%run_scoped3A, %add3A_50, %dma_wait3A_188] : memref<2x2500x128xi32, #tpu.memory_space<hbm>> -> memref<1x78x128xi32, #tpu.memory_space<hbm>>
      %dma_wait3A_190 = tpu.memref_squeeze %dma_wait3A_189 : memref<1x78x128xi32, #tpu.memory_space<hbm>> -> memref<78x128xi32, #tpu.memory_space<hbm>>
      tpu.wait_dma2 semaphore(%run_scoped3A_168 : memref<!tpu.dma_semaphore, #tpu.memory_space<semaphore_mem>>) src(%dma_wait3A_190 : memref<78x128xi32, #tpu.memory_space<hbm>>) dst(%dma_wait3A_187 : memref<78x128xi32, #tpu.memory_space<vmem>>)
      tpu.yield
    }) : () -> ()
    %run_scoped3A_78 = arith.constant 1 : i32
    "tpu.region"() ({
      %run_scoped3A_168 = tpu.sem_alloc : memref<!tpu.dma_semaphore, #tpu.memory_space<semaphore_mem>>
      %dma_start3A = arith.constant 0 : i32
      %dma_start3A_169 = arith.constant 0 : i32
      %dma_start3A_170 = tpu.memref_slice %arg15[%dma_start3A, %dma_start3A_169] : memref<80x128xi32, #tpu.memory_space<vmem>> -> memref<78x128xi32, #tpu.memory_space<vmem>>
      %dma_start3A_171 = arith.constant 0 : i32
      %dma_start3A_172 = tpu.memref_slice %arg3[%run_scoped3A_78, %add3A_50, %dma_start3A_171] : memref<2x2500x128xi32, #tpu.memory_space<hbm>> -> memref<1x78x128xi32, #tpu.memory_space<hbm>>
      %dma_start3A_173 = tpu.memref_squeeze %dma_start3A_172 : memref<1x78x128xi32, #tpu.memory_space<hbm>> -> memref<78x128xi32, #tpu.memory_space<hbm>>
      %dma_start3A_174 = arith.constant 0 : i32
      %dma_start3A_175 = arith.constant 0 : i32
      %dma_start3A_176 = tpu.memref_slice %arg15[%dma_start3A_174, %dma_start3A_175] : memref<80x128xi32, #tpu.memory_space<vmem>> -> memref<78x128xi32, #tpu.memory_space<vmem>>
      %dma_start3A_177 = arith.constant 0 : i32
      %dma_start3A_178 = tpu.memref_slice %arg3[%run_scoped3A_78, %add3A_50, %dma_start3A_177] : memref<2x2500x128xi32, #tpu.memory_space<hbm>> -> memref<1x78x128xi32, #tpu.memory_space<hbm>>
      %dma_start3A_179 = tpu.memref_squeeze %dma_start3A_178 : memref<1x78x128xi32, #tpu.memory_space<hbm>> -> memref<78x128xi32, #tpu.memory_space<hbm>>
      tpu.enqueue_dma source(%dma_start3A_179 : memref<78x128xi32, #tpu.memory_space<hbm>>) target(%dma_start3A_176 : memref<78x128xi32, #tpu.memory_space<vmem>>) target_semaphore(%run_scoped3A_168 : memref<!tpu.dma_semaphore, #tpu.memory_space<semaphore_mem>>)
      %dma_wait3A = arith.constant 0 : i32
      %dma_wait3A_180 = arith.constant 0 : i32
      %dma_wait3A_181 = tpu.memref_slice %arg15[%dma_wait3A, %dma_wait3A_180] : memref<80x128xi32, #tpu.memory_space<vmem>> -> memref<78x128xi32, #tpu.memory_space<vmem>>
      %dma_wait3A_182 = arith.constant 0 : i32
      %dma_wait3A_183 = tpu.memref_slice %arg3[%run_scoped3A_78, %add3A_50, %dma_wait3A_182] : memref<2x2500x128xi32, #tpu.memory_space<hbm>> -> memref<1x78x128xi32, #tpu.memory_space<hbm>>
      %dma_wait3A_184 = tpu.memref_squeeze %dma_wait3A_183 : memref<1x78x128xi32, #tpu.memory_space<hbm>> -> memref<78x128xi32, #tpu.memory_space<hbm>>
      %dma_wait3A_185 = arith.constant 0 : i32
      %dma_wait3A_186 = arith.constant 0 : i32
      %dma_wait3A_187 = tpu.memref_slice %arg15[%dma_wait3A_185, %dma_wait3A_186] : memref<80x128xi32, #tpu.memory_space<vmem>> -> memref<78x128xi32, #tpu.memory_space<vmem>>
      %dma_wait3A_188 = arith.constant 0 : i32
      %dma_wait3A_189 = tpu.memref_slice %arg3[%run_scoped3A_78, %add3A_50, %dma_wait3A_188] : memref<2x2500x128xi32, #tpu.memory_space<hbm>> -> memref<1x78x128xi32, #tpu.memory_space<hbm>>
      %dma_wait3A_190 = tpu.memref_squeeze %dma_wait3A_189 : memref<1x78x128xi32, #tpu.memory_space<hbm>> -> memref<78x128xi32, #tpu.memory_space<hbm>>
      tpu.wait_dma2 semaphore(%run_scoped3A_168 : memref<!tpu.dma_semaphore, #tpu.memory_space<semaphore_mem>>) src(%dma_wait3A_190 : memref<78x128xi32, #tpu.memory_space<hbm>>) dst(%dma_wait3A_187 : memref<78x128xi32, #tpu.memory_space<vmem>>)
      tpu.yield
    }) : () -> ()
    %gt3A = arith.constant 78 : i32
    %gt3A_79 = arith.cmpi sgt, %select_n3A, %gt3A : i32
    %convert_element_type3A = arith.extui %gt3A_79 : i1 to i32
    %cond3A = arith.constant 0 : i32
    %cond3A_80 = arith.cmpi ne, %convert_element_type3A, %cond3A : i32
    scf.if %cond3A_80 {
      %add3A_168 = arith.constant 78 : i32
      %add3A_169 = arith.addi %add3A_50, %add3A_168 : i32
      %run_scoped3A_170 = arith.constant 0 : i32
      %run_scoped3A_171 = arith.constant 78 : i32
      "tpu.region"() ({
        %run_scoped3A_176 = tpu.sem_alloc : memref<!tpu.dma_semaphore, #tpu.memory_space<semaphore_mem>>
        %dma_start3A = arith.constant 0 : i32
        %dma_start3A_177 = tpu.memref_slice %arg14[%run_scoped3A_171, %dma_start3A] : memref<80x128xi32, #tpu.memory_space<vmem>> -> memref<1x128xi32, #tpu.memory_space<vmem>>
        %dma_start3A_178 = tpu.memref_squeeze %dma_start3A_177 : memref<1x128xi32, #tpu.memory_space<vmem>> -> memref<128xi32, #tpu.memory_space<vmem>>
        %dma_start3A_179 = arith.constant 0 : i32
        %dma_start3A_180 = tpu.memref_slice %arg3[%run_scoped3A_170, %add3A_169, %dma_start3A_179] : memref<2x2500x128xi32, #tpu.memory_space<hbm>> -> memref<1x1x128xi32, #tpu.memory_space<hbm>>
        %dma_start3A_181 = tpu.memref_squeeze %dma_start3A_180 : memref<1x1x128xi32, #tpu.memory_space<hbm>> -> memref<128xi32, #tpu.memory_space<hbm>>
        %dma_start3A_182 = arith.constant 0 : i32
        %dma_start3A_183 = tpu.memref_slice %arg14[%run_scoped3A_171, %dma_start3A_182] : memref<80x128xi32, #tpu.memory_space<vmem>> -> memref<1x128xi32, #tpu.memory_space<vmem>>
        %dma_start3A_184 = tpu.memref_squeeze %dma_start3A_183 : memref<1x128xi32, #tpu.memory_space<vmem>> -> memref<128xi32, #tpu.memory_space<vmem>>
        %dma_start3A_185 = arith.constant 0 : i32
        %dma_start3A_186 = tpu.memref_slice %arg3[%run_scoped3A_170, %add3A_169, %dma_start3A_185] : memref<2x2500x128xi32, #tpu.memory_space<hbm>> -> memref<1x1x128xi32, #tpu.memory_space<hbm>>
        %dma_start3A_187 = tpu.memref_squeeze %dma_start3A_186 : memref<1x1x128xi32, #tpu.memory_space<hbm>> -> memref<128xi32, #tpu.memory_space<hbm>>
        tpu.enqueue_dma source(%dma_start3A_187 : memref<128xi32, #tpu.memory_space<hbm>>) target(%dma_start3A_184 : memref<128xi32, #tpu.memory_space<vmem>>) target_semaphore(%run_scoped3A_176 : memref<!tpu.dma_semaphore, #tpu.memory_space<semaphore_mem>>)
        %dma_wait3A = arith.constant 0 : i32
        %dma_wait3A_188 = tpu.memref_slice %arg14[%run_scoped3A_171, %dma_wait3A] : memref<80x128xi32, #tpu.memory_space<vmem>> -> memref<1x128xi32, #tpu.memory_space<vmem>>
        %dma_wait3A_189 = tpu.memref_squeeze %dma_wait3A_188 : memref<1x128xi32, #tpu.memory_space<vmem>> -> memref<128xi32, #tpu.memory_space<vmem>>
        %dma_wait3A_190 = arith.constant 0 : i32
        %dma_wait3A_191 = tpu.memref_slice %arg3[%run_scoped3A_170, %add3A_169, %dma_wait3A_190] : memref<2x2500x128xi32, #tpu.memory_space<hbm>> -> memref<1x1x128xi32, #tpu.memory_space<hbm>>
        %dma_wait3A_192 = tpu.memref_squeeze %dma_wait3A_191 : memref<1x1x128xi32, #tpu.memory_space<hbm>> -> memref<128xi32, #tpu.memory_space<hbm>>
        %dma_wait3A_193 = arith.constant 0 : i32
        %dma_wait3A_194 = tpu.memref_slice %arg14[%run_scoped3A_171, %dma_wait3A_193] : memref<80x128xi32, #tpu.memory_space<vmem>> -> memref<1x128xi32, #tpu.memory_space<vmem>>
        %dma_wait3A_195 = tpu.memref_squeeze %dma_wait3A_194 : memref<1x128xi32, #tpu.memory_space<vmem>> -> memref<128xi32, #tpu.memory_space<vmem>>
        %dma_wait3A_196 = arith.constant 0 : i32
        %dma_wait3A_197 = tpu.memref_slice %arg3[%run_scoped3A_170, %add3A_169, %dma_wait3A_196] : memref<2x2500x128xi32, #tpu.memory_space<hbm>> -> memref<1x1x128xi32, #tpu.memory_space<hbm>>
        %dma_wait3A_198 = tpu.memref_squeeze %dma_wait3A_197 : memref<1x1x128xi32, #tpu.memory_space<hbm>> -> memref<128xi32, #tpu.memory_space<hbm>>
        tpu.wait_dma2 semaphore(%run_scoped3A_176 : memref<!tpu.dma_semaphore, #tpu.memory_space<semaphore_mem>>) src(%dma_wait3A_198 : memref<128xi32, #tpu.memory_space<hbm>>) dst(%dma_wait3A_195 : memref<128xi32, #tpu.memory_space<vmem>>)
        tpu.yield
      }) : () -> ()
      %add3A_172 = arith.constant 78 : i32
      %add3A_173 = arith.addi %add3A_50, %add3A_172 : i32
      %run_scoped3A_174 = arith.constant 1 : i32
      %run_scoped3A_175 = arith.constant 78 : i32
      "tpu.region"() ({
        %run_scoped3A_176 = tpu.sem_alloc : memref<!tpu.dma_semaphore, #tpu.memory_space<semaphore_mem>>
        %dma_start3A = arith.constant 0 : i32
        %dma_start3A_177 = tpu.memref_slice %arg15[%run_scoped3A_175, %dma_start3A] : memref<80x128xi32, #tpu.memory_space<vmem>> -> memref<1x128xi32, #tpu.memory_space<vmem>>
        %dma_start3A_178 = tpu.memref_squeeze %dma_start3A_177 : memref<1x128xi32, #tpu.memory_space<vmem>> -> memref<128xi32, #tpu.memory_space<vmem>>
        %dma_start3A_179 = arith.constant 0 : i32
        %dma_start3A_180 = tpu.memref_slice %arg3[%run_scoped3A_174, %add3A_173, %dma_start3A_179] : memref<2x2500x128xi32, #tpu.memory_space<hbm>> -> memref<1x1x128xi32, #tpu.memory_space<hbm>>
        %dma_start3A_181 = tpu.memref_squeeze %dma_start3A_180 : memref<1x1x128xi32, #tpu.memory_space<hbm>> -> memref<128xi32, #tpu.memory_space<hbm>>
        %dma_start3A_182 = arith.constant 0 : i32
        %dma_start3A_183 = tpu.memref_slice %arg15[%run_scoped3A_175, %dma_start3A_182] : memref<80x128xi32, #tpu.memory_space<vmem>> -> memref<1x128xi32, #tpu.memory_space<vmem>>
        %dma_start3A_184 = tpu.memref_squeeze %dma_start3A_183 : memref<1x128xi32, #tpu.memory_space<vmem>> -> memref<128xi32, #tpu.memory_space<vmem>>
        %dma_start3A_185 = arith.constant 0 : i32
        %dma_start3A_186 = tpu.memref_slice %arg3[%run_scoped3A_174, %add3A_173, %dma_start3A_185] : memref<2x2500x128xi32, #tpu.memory_space<hbm>> -> memref<1x1x128xi32, #tpu.memory_space<hbm>>
        %dma_start3A_187 = tpu.memref_squeeze %dma_start3A_186 : memref<1x1x128xi32, #tpu.memory_space<hbm>> -> memref<128xi32, #tpu.memory_space<hbm>>
        tpu.enqueue_dma source(%dma_start3A_187 : memref<128xi32, #tpu.memory_space<hbm>>) target(%dma_start3A_184 : memref<128xi32, #tpu.memory_space<vmem>>) target_semaphore(%run_scoped3A_176 : memref<!tpu.dma_semaphore, #tpu.memory_space<semaphore_mem>>)
        %dma_wait3A = arith.constant 0 : i32
        %dma_wait3A_188 = tpu.memref_slice %arg15[%run_scoped3A_175, %dma_wait3A] : memref<80x128xi32, #tpu.memory_space<vmem>> -> memref<1x128xi32, #tpu.memory_space<vmem>>
        %dma_wait3A_189 = tpu.memref_squeeze %dma_wait3A_188 : memref<1x128xi32, #tpu.memory_space<vmem>> -> memref<128xi32, #tpu.memory_space<vmem>>
        %dma_wait3A_190 = arith.constant 0 : i32
        %dma_wait3A_191 = tpu.memref_slice %arg3[%run_scoped3A_174, %add3A_173, %dma_wait3A_190] : memref<2x2500x128xi32, #tpu.memory_space<hbm>> -> memref<1x1x128xi32, #tpu.memory_space<hbm>>
        %dma_wait3A_192 = tpu.memref_squeeze %dma_wait3A_191 : memref<1x1x128xi32, #tpu.memory_space<hbm>> -> memref<128xi32, #tpu.memory_space<hbm>>
        %dma_wait3A_193 = arith.constant 0 : i32
        %dma_wait3A_194 = tpu.memref_slice %arg15[%run_scoped3A_175, %dma_wait3A_193] : memref<80x128xi32, #tpu.memory_space<vmem>> -> memref<1x128xi32, #tpu.memory_space<vmem>>
        %dma_wait3A_195 = tpu.memref_squeeze %dma_wait3A_194 : memref<1x128xi32, #tpu.memory_space<vmem>> -> memref<128xi32, #tpu.memory_space<vmem>>
        %dma_wait3A_196 = arith.constant 0 : i32
        %dma_wait3A_197 = tpu.memref_slice %arg3[%run_scoped3A_174, %add3A_173, %dma_wait3A_196] : memref<2x2500x128xi32, #tpu.memory_space<hbm>> -> memref<1x1x128xi32, #tpu.memory_space<hbm>>
        %dma_wait3A_198 = tpu.memref_squeeze %dma_wait3A_197 : memref<1x1x128xi32, #tpu.memory_space<hbm>> -> memref<128xi32, #tpu.memory_space<hbm>>
        tpu.wait_dma2 semaphore(%run_scoped3A_176 : memref<!tpu.dma_semaphore, #tpu.memory_space<semaphore_mem>>) src(%dma_wait3A_198 : memref<128xi32, #tpu.memory_space<hbm>>) dst(%dma_wait3A_195 : memref<128xi32, #tpu.memory_space<vmem>>)
        tpu.yield
      }) : () -> ()
    } else {
    }
    %barrier3A = arith.constant 0 : index
    tpu.barrier barrier_id(%barrier3A)
    %scan3A_81 = arith.constant 0 : i32
    %scan3A_82 = arith.constant 0 : i32
    %scan3A_83 = arith.constant 9 : i32
    %scan3A_84 = arith.addi %scan3A_82, %scan3A_83 : i32
    %scan3A_85 = arith.constant 1 : i32
    scf.for %scan3A_168 = %scan3A_82 to %scan3A_84 step %scan3A_85  : i32 {
      %mul3A_169 = arith.constant 2 : i32
      %mul3A_170 = arith.muli %scan3A_168, %mul3A_169 : i32
      %mul3A_171 = arith.constant 4 : i32
      %mul3A_172 = arith.muli %mul3A_170, %mul3A_171 : i32
      %add3A_173 = arith.constant 0 : i32
      %add3A_174 = arith.addi %mul3A_172, %add3A_173 : i32
      %dma_start3A = arith.constant 0 : i32
      %dma_start3A_175 = tpu.memref_slice %arg14[%add3A_174, %dma_start3A] : memref<80x128xi32, #tpu.memory_space<vmem>> -> memref<1x128xi32, #tpu.memory_space<vmem>>
      %dma_start3A_176 = tpu.memref_squeeze %dma_start3A_175 : memref<1x128xi32, #tpu.memory_space<vmem>> -> memref<128xi32, #tpu.memory_space<vmem>>
      %dma_start3A_177 = arith.constant 0 : i32
      %dma_start3A_178 = arith.constant 0 : i32
      %dma_start3A_179 = tpu.memref_slice %arg2[%dma_start3A_177, %dma_start3A_178] : memref<10240x16xf32, #tpu.memory_space<hbm>> -> memref<10240x16xf32, #tpu.memory_space<hbm>>
      tpu.enqueue_indirect_dma source(%dma_start3A_179 : memref<10240x16xf32, #tpu.memory_space<hbm>>) target(%arg17 : memref<128x16xf32, #tpu.memory_space<vmem>>) offsets(%dma_start3A_176 : memref<128xi32, #tpu.memory_space<vmem>>) semaphore(%arg25 : memref<!tpu.dma_semaphore, #tpu.memory_space<semaphore_mem>>)
      %add3A_180 = arith.constant 1 : i32
      %add3A_181 = arith.addi %mul3A_172, %add3A_180 : i32
      %dma_start3A_182 = arith.constant 0 : i32
      %dma_start3A_183 = tpu.memref_slice %arg14[%add3A_181, %dma_start3A_182] : memref<80x128xi32, #tpu.memory_space<vmem>> -> memref<1x128xi32, #tpu.memory_space<vmem>>
      %dma_start3A_184 = tpu.memref_squeeze %dma_start3A_183 : memref<1x128xi32, #tpu.memory_space<vmem>> -> memref<128xi32, #tpu.memory_space<vmem>>
      %dma_start3A_185 = arith.constant 0 : i32
      %dma_start3A_186 = arith.constant 0 : i32
      %dma_start3A_187 = tpu.memref_slice %arg2[%dma_start3A_185, %dma_start3A_186] : memref<10240x16xf32, #tpu.memory_space<hbm>> -> memref<10240x16xf32, #tpu.memory_space<hbm>>
      tpu.enqueue_indirect_dma source(%dma_start3A_187 : memref<10240x16xf32, #tpu.memory_space<hbm>>) target(%arg18 : memref<128x16xf32, #tpu.memory_space<vmem>>) offsets(%dma_start3A_184 : memref<128xi32, #tpu.memory_space<vmem>>) semaphore(%arg26 : memref<!tpu.dma_semaphore, #tpu.memory_space<semaphore_mem>>)
      %add3A_188 = arith.constant 2 : i32
      %add3A_189 = arith.addi %mul3A_172, %add3A_188 : i32
      %dma_start3A_190 = arith.constant 0 : i32
      %dma_start3A_191 = tpu.memref_slice %arg14[%add3A_189, %dma_start3A_190] : memref<80x128xi32, #tpu.memory_space<vmem>> -> memref<1x128xi32, #tpu.memory_space<vmem>>
      %dma_start3A_192 = tpu.memref_squeeze %dma_start3A_191 : memref<1x128xi32, #tpu.memory_space<vmem>> -> memref<128xi32, #tpu.memory_space<vmem>>
      %dma_start3A_193 = arith.constant 0 : i32
      %dma_start3A_194 = arith.constant 0 : i32
      %dma_start3A_195 = tpu.memref_slice %arg2[%dma_start3A_193, %dma_start3A_194] : memref<10240x16xf32, #tpu.memory_space<hbm>> -> memref<10240x16xf32, #tpu.memory_space<hbm>>
      tpu.enqueue_indirect_dma source(%dma_start3A_195 : memref<10240x16xf32, #tpu.memory_space<hbm>>) target(%arg19 : memref<128x16xf32, #tpu.memory_space<vmem>>) offsets(%dma_start3A_192 : memref<128xi32, #tpu.memory_space<vmem>>) semaphore(%arg27 : memref<!tpu.dma_semaphore, #tpu.memory_space<semaphore_mem>>)
      %add3A_196 = arith.constant 3 : i32
      %add3A_197 = arith.addi %mul3A_172, %add3A_196 : i32
      %dma_start3A_198 = arith.constant 0 : i32
      %dma_start3A_199 = tpu.memref_slice %arg14[%add3A_197, %dma_start3A_198] : memref<80x128xi32, #tpu.memory_space<vmem>> -> memref<1x128xi32, #tpu.memory_space<vmem>>
      %dma_start3A_200 = tpu.memref_squeeze %dma_start3A_199 : memref<1x128xi32, #tpu.memory_space<vmem>> -> memref<128xi32, #tpu.memory_space<vmem>>
      %dma_start3A_201 = arith.constant 0 : i32
      %dma_start3A_202 = arith.constant 0 : i32
      %dma_start3A_203 = tpu.memref_slice %arg2[%dma_start3A_201, %dma_start3A_202] : memref<10240x16xf32, #tpu.memory_space<hbm>> -> memref<10240x16xf32, #tpu.memory_space<hbm>>
      tpu.enqueue_indirect_dma source(%dma_start3A_203 : memref<10240x16xf32, #tpu.memory_space<hbm>>) target(%arg20 : memref<128x16xf32, #tpu.memory_space<vmem>>) offsets(%dma_start3A_200 : memref<128xi32, #tpu.memory_space<vmem>>) semaphore(%arg28 : memref<!tpu.dma_semaphore, #tpu.memory_space<semaphore_mem>>)
      %add3A_204 = arith.constant 4 : i32
      %add3A_205 = arith.addi %mul3A_172, %add3A_204 : i32
      %dma_start3A_206 = arith.constant 0 : i32
      %dma_start3A_207 = tpu.memref_slice %arg14[%add3A_205, %dma_start3A_206] : memref<80x128xi32, #tpu.memory_space<vmem>> -> memref<1x128xi32, #tpu.memory_space<vmem>>
      %dma_start3A_208 = tpu.memref_squeeze %dma_start3A_207 : memref<1x128xi32, #tpu.memory_space<vmem>> -> memref<128xi32, #tpu.memory_space<vmem>>
      %dma_start3A_209 = arith.constant 0 : i32
      %dma_start3A_210 = arith.constant 0 : i32
      %dma_start3A_211 = tpu.memref_slice %arg2[%dma_start3A_209, %dma_start3A_210] : memref<10240x16xf32, #tpu.memory_space<hbm>> -> memref<10240x16xf32, #tpu.memory_space<hbm>>
      tpu.enqueue_indirect_dma source(%dma_start3A_211 : memref<10240x16xf32, #tpu.memory_space<hbm>>) target(%arg21 : memref<128x16xf32, #tpu.memory_space<vmem>>) offsets(%dma_start3A_208 : memref<128xi32, #tpu.memory_space<vmem>>) semaphore(%arg29 : memref<!tpu.dma_semaphore, #tpu.memory_space<semaphore_mem>>)
      %add3A_212 = arith.constant 5 : i32
      %add3A_213 = arith.addi %mul3A_172, %add3A_212 : i32
      %dma_start3A_214 = arith.constant 0 : i32
      %dma_start3A_215 = tpu.memref_slice %arg14[%add3A_213, %dma_start3A_214] : memref<80x128xi32, #tpu.memory_space<vmem>> -> memref<1x128xi32, #tpu.memory_space<vmem>>
      %dma_start3A_216 = tpu.memref_squeeze %dma_start3A_215 : memref<1x128xi32, #tpu.memory_space<vmem>> -> memref<128xi32, #tpu.memory_space<vmem>>
      %dma_start3A_217 = arith.constant 0 : i32
      %dma_start3A_218 = arith.constant 0 : i32
      %dma_start3A_219 = tpu.memref_slice %arg2[%dma_start3A_217, %dma_start3A_218] : memref<10240x16xf32, #tpu.memory_space<hbm>> -> memref<10240x16xf32, #tpu.memory_space<hbm>>
      tpu.enqueue_indirect_dma source(%dma_start3A_219 : memref<10240x16xf32, #tpu.memory_space<hbm>>) target(%arg22 : memref<128x16xf32, #tpu.memory_space<vmem>>) offsets(%dma_start3A_216 : memref<128xi32, #tpu.memory_space<vmem>>) semaphore(%arg30 : memref<!tpu.dma_semaphore, #tpu.memory_space<semaphore_mem>>)
      %add3A_220 = arith.constant 6 : i32
      %add3A_221 = arith.addi %mul3A_172, %add3A_220 : i32
      %dma_start3A_222 = arith.constant 0 : i32
      %dma_start3A_223 = tpu.memref_slice %arg14[%add3A_221, %dma_start3A_222] : memref<80x128xi32, #tpu.memory_space<vmem>> -> memref<1x128xi32, #tpu.memory_space<vmem>>
      %dma_start3A_224 = tpu.memref_squeeze %dma_start3A_223 : memref<1x128xi32, #tpu.memory_space<vmem>> -> memref<128xi32, #tpu.memory_space<vmem>>
      %dma_start3A_225 = arith.constant 0 : i32
      %dma_start3A_226 = arith.constant 0 : i32
      %dma_start3A_227 = tpu.memref_slice %arg2[%dma_start3A_225, %dma_start3A_226] : memref<10240x16xf32, #tpu.memory_space<hbm>> -> memref<10240x16xf32, #tpu.memory_space<hbm>>
      tpu.enqueue_indirect_dma source(%dma_start3A_227 : memref<10240x16xf32, #tpu.memory_space<hbm>>) target(%arg23 : memref<128x16xf32, #tpu.memory_space<vmem>>) offsets(%dma_start3A_224 : memref<128xi32, #tpu.memory_space<vmem>>) semaphore(%arg31 : memref<!tpu.dma_semaphore, #tpu.memory_space<semaphore_mem>>)
      %add3A_228 = arith.constant 7 : i32
      %add3A_229 = arith.addi %mul3A_172, %add3A_228 : i32
      %dma_start3A_230 = arith.constant 0 : i32
      %dma_start3A_231 = tpu.memref_slice %arg14[%add3A_229, %dma_start3A_230] : memref<80x128xi32, #tpu.memory_space<vmem>> -> memref<1x128xi32, #tpu.memory_space<vmem>>
      %dma_start3A_232 = tpu.memref_squeeze %dma_start3A_231 : memref<1x128xi32, #tpu.memory_space<vmem>> -> memref<128xi32, #tpu.memory_space<vmem>>
      %dma_start3A_233 = arith.constant 0 : i32
      %dma_start3A_234 = arith.constant 0 : i32
      %dma_start3A_235 = tpu.memref_slice %arg2[%dma_start3A_233, %dma_start3A_234] : memref<10240x16xf32, #tpu.memory_space<hbm>> -> memref<10240x16xf32, #tpu.memory_space<hbm>>
      tpu.enqueue_indirect_dma source(%dma_start3A_235 : memref<10240x16xf32, #tpu.memory_space<hbm>>) target(%arg24 : memref<128x16xf32, #tpu.memory_space<vmem>>) offsets(%dma_start3A_232 : memref<128xi32, #tpu.memory_space<vmem>>) semaphore(%arg32 : memref<!tpu.dma_semaphore, #tpu.memory_space<semaphore_mem>>)
      %dma_wait3A = arith.constant 0 : i32
      %dma_wait3A_236 = tpu.memref_slice %arg14[%add3A_174, %dma_wait3A] : memref<80x128xi32, #tpu.memory_space<vmem>> -> memref<1x128xi32, #tpu.memory_space<vmem>>
      %dma_wait3A_237 = tpu.memref_squeeze %dma_wait3A_236 : memref<1x128xi32, #tpu.memory_space<vmem>> -> memref<128xi32, #tpu.memory_space<vmem>>
      %dma_wait3A_238 = arith.constant 0 : i32
      %dma_wait3A_239 = arith.constant 0 : i32
      %dma_wait3A_240 = tpu.memref_slice %arg2[%dma_wait3A_238, %dma_wait3A_239] : memref<10240x16xf32, #tpu.memory_space<hbm>> -> memref<10240x16xf32, #tpu.memory_space<hbm>>
      tpu.wait_indirect_dma semaphore(%arg25 : memref<!tpu.dma_semaphore, #tpu.memory_space<semaphore_mem>>) src(%dma_wait3A_240 : memref<10240x16xf32, #tpu.memory_space<hbm>>) dst(%arg17 : memref<128x16xf32, #tpu.memory_space<vmem>>)
      %add3A_241 = arith.constant 0 : i32
      %add3A_242 = arith.addi %mul3A_172, %add3A_241 : i32
      %dma_start3A_243 = arith.constant 0 : i32
      %dma_start3A_244 = tpu.memref_slice %arg15[%add3A_242, %dma_start3A_243] : memref<80x128xi32, #tpu.memory_space<vmem>> -> memref<1x128xi32, #tpu.memory_space<vmem>>
      %dma_start3A_245 = tpu.memref_squeeze %dma_start3A_244 : memref<1x128xi32, #tpu.memory_space<vmem>> -> memref<128xi32, #tpu.memory_space<vmem>>
      %dma_start3A_246 = arith.constant 0 : i32
      %dma_start3A_247 = arith.constant 0 : i32
      %dma_start3A_248 = tpu.memref_slice %arg13[%dma_start3A_246, %dma_start3A_247] : memref<10240x16xf32, #tpu.memory_space<vmem_shared>> -> memref<10240x16xf32, #tpu.memory_space<vmem_shared>>
      tpu.enqueue_indirect_dma source(%arg17 : memref<128x16xf32, #tpu.memory_space<vmem>>) target(%dma_start3A_248 : memref<10240x16xf32, #tpu.memory_space<vmem_shared>>) offsets(%dma_start3A_245 : memref<128xi32, #tpu.memory_space<vmem>>) semaphore(%arg33 : memref<!tpu.dma_semaphore, #tpu.memory_space<semaphore_mem>>) {add = true}
      %dma_wait3A_249 = arith.constant 0 : i32
      %dma_wait3A_250 = tpu.memref_slice %arg14[%add3A_181, %dma_wait3A_249] : memref<80x128xi32, #tpu.memory_space<vmem>> -> memref<1x128xi32, #tpu.memory_space<vmem>>
      %dma_wait3A_251 = tpu.memref_squeeze %dma_wait3A_250 : memref<1x128xi32, #tpu.memory_space<vmem>> -> memref<128xi32, #tpu.memory_space<vmem>>
      %dma_wait3A_252 = arith.constant 0 : i32
      %dma_wait3A_253 = arith.constant 0 : i32
      %dma_wait3A_254 = tpu.memref_slice %arg2[%dma_wait3A_252, %dma_wait3A_253] : memref<10240x16xf32, #tpu.memory_space<hbm>> -> memref<10240x16xf32, #tpu.memory_space<hbm>>
      tpu.wait_indirect_dma semaphore(%arg26 : memref<!tpu.dma_semaphore, #tpu.memory_space<semaphore_mem>>) src(%dma_wait3A_254 : memref<10240x16xf32, #tpu.memory_space<hbm>>) dst(%arg18 : memref<128x16xf32, #tpu.memory_space<vmem>>)
      %add3A_255 = arith.constant 1 : i32
      %add3A_256 = arith.addi %mul3A_172, %add3A_255 : i32
      %dma_start3A_257 = arith.constant 0 : i32
      %dma_start3A_258 = tpu.memref_slice %arg15[%add3A_256, %dma_start3A_257] : memref<80x128xi32, #tpu.memory_space<vmem>> -> memref<1x128xi32, #tpu.memory_space<vmem>>
      %dma_start3A_259 = tpu.memref_squeeze %dma_start3A_258 : memref<1x128xi32, #tpu.memory_space<vmem>> -> memref<128xi32, #tpu.memory_space<vmem>>
      %dma_start3A_260 = arith.constant 0 : i32
      %dma_start3A_261 = arith.constant 0 : i32
      %dma_start3A_262 = tpu.memref_slice %arg13[%dma_start3A_260, %dma_start3A_261] : memref<10240x16xf32, #tpu.memory_space<vmem_shared>> -> memref<10240x16xf32, #tpu.memory_space<vmem_shared>>
      tpu.enqueue_indirect_dma source(%arg18 : memref<128x16xf32, #tpu.memory_space<vmem>>) target(%dma_start3A_262 : memref<10240x16xf32, #tpu.memory_space<vmem_shared>>) offsets(%dma_start3A_259 : memref<128xi32, #tpu.memory_space<vmem>>) semaphore(%arg34 : memref<!tpu.dma_semaphore, #tpu.memory_space<semaphore_mem>>) {add = true}
      %dma_wait3A_263 = arith.constant 0 : i32
      %dma_wait3A_264 = tpu.memref_slice %arg14[%add3A_189, %dma_wait3A_263] : memref<80x128xi32, #tpu.memory_space<vmem>> -> memref<1x128xi32, #tpu.memory_space<vmem>>
      %dma_wait3A_265 = tpu.memref_squeeze %dma_wait3A_264 : memref<1x128xi32, #tpu.memory_space<vmem>> -> memref<128xi32, #tpu.memory_space<vmem>>
      %dma_wait3A_266 = arith.constant 0 : i32
      %dma_wait3A_267 = arith.constant 0 : i32
      %dma_wait3A_268 = tpu.memref_slice %arg2[%dma_wait3A_266, %dma_wait3A_267] : memref<10240x16xf32, #tpu.memory_space<hbm>> -> memref<10240x16xf32, #tpu.memory_space<hbm>>
      tpu.wait_indirect_dma semaphore(%arg27 : memref<!tpu.dma_semaphore, #tpu.memory_space<semaphore_mem>>) src(%dma_wait3A_268 : memref<10240x16xf32, #tpu.memory_space<hbm>>) dst(%arg19 : memref<128x16xf32, #tpu.memory_space<vmem>>)
      %add3A_269 = arith.constant 2 : i32
      %add3A_270 = arith.addi %mul3A_172, %add3A_269 : i32
      %dma_start3A_271 = arith.constant 0 : i32
      %dma_start3A_272 = tpu.memref_slice %arg15[%add3A_270, %dma_start3A_271] : memref<80x128xi32, #tpu.memory_space<vmem>> -> memref<1x128xi32, #tpu.memory_space<vmem>>
      %dma_start3A_273 = tpu.memref_squeeze %dma_start3A_272 : memref<1x128xi32, #tpu.memory_space<vmem>> -> memref<128xi32, #tpu.memory_space<vmem>>
      %dma_start3A_274 = arith.constant 0 : i32
      %dma_start3A_275 = arith.constant 0 : i32
      %dma_start3A_276 = tpu.memref_slice %arg13[%dma_start3A_274, %dma_start3A_275] : memref<10240x16xf32, #tpu.memory_space<vmem_shared>> -> memref<10240x16xf32, #tpu.memory_space<vmem_shared>>
      tpu.enqueue_indirect_dma source(%arg19 : memref<128x16xf32, #tpu.memory_space<vmem>>) target(%dma_start3A_276 : memref<10240x16xf32, #tpu.memory_space<vmem_shared>>) offsets(%dma_start3A_273 : memref<128xi32, #tpu.memory_space<vmem>>) semaphore(%arg35 : memref<!tpu.dma_semaphore, #tpu.memory_space<semaphore_mem>>) {add = true}
      %dma_wait3A_277 = arith.constant 0 : i32
      %dma_wait3A_278 = tpu.memref_slice %arg14[%add3A_197, %dma_wait3A_277] : memref<80x128xi32, #tpu.memory_space<vmem>> -> memref<1x128xi32, #tpu.memory_space<vmem>>
      %dma_wait3A_279 = tpu.memref_squeeze %dma_wait3A_278 : memref<1x128xi32, #tpu.memory_space<vmem>> -> memref<128xi32, #tpu.memory_space<vmem>>
      %dma_wait3A_280 = arith.constant 0 : i32
      %dma_wait3A_281 = arith.constant 0 : i32
      %dma_wait3A_282 = tpu.memref_slice %arg2[%dma_wait3A_280, %dma_wait3A_281] : memref<10240x16xf32, #tpu.memory_space<hbm>> -> memref<10240x16xf32, #tpu.memory_space<hbm>>
      tpu.wait_indirect_dma semaphore(%arg28 : memref<!tpu.dma_semaphore, #tpu.memory_space<semaphore_mem>>) src(%dma_wait3A_282 : memref<10240x16xf32, #tpu.memory_space<hbm>>) dst(%arg20 : memref<128x16xf32, #tpu.memory_space<vmem>>)
      %add3A_283 = arith.constant 3 : i32
      %add3A_284 = arith.addi %mul3A_172, %add3A_283 : i32
      %dma_start3A_285 = arith.constant 0 : i32
      %dma_start3A_286 = tpu.memref_slice %arg15[%add3A_284, %dma_start3A_285] : memref<80x128xi32, #tpu.memory_space<vmem>> -> memref<1x128xi32, #tpu.memory_space<vmem>>
      %dma_start3A_287 = tpu.memref_squeeze %dma_start3A_286 : memref<1x128xi32, #tpu.memory_space<vmem>> -> memref<128xi32, #tpu.memory_space<vmem>>
      %dma_start3A_288 = arith.constant 0 : i32
      %dma_start3A_289 = arith.constant 0 : i32
      %dma_start3A_290 = tpu.memref_slice %arg13[%dma_start3A_288, %dma_start3A_289] : memref<10240x16xf32, #tpu.memory_space<vmem_shared>> -> memref<10240x16xf32, #tpu.memory_space<vmem_shared>>
      tpu.enqueue_indirect_dma source(%arg20 : memref<128x16xf32, #tpu.memory_space<vmem>>) target(%dma_start3A_290 : memref<10240x16xf32, #tpu.memory_space<vmem_shared>>) offsets(%dma_start3A_287 : memref<128xi32, #tpu.memory_space<vmem>>) semaphore(%arg36 : memref<!tpu.dma_semaphore, #tpu.memory_space<semaphore_mem>>) {add = true}
      %dma_wait3A_291 = arith.constant 0 : i32
      %dma_wait3A_292 = tpu.memref_slice %arg14[%add3A_205, %dma_wait3A_291] : memref<80x128xi32, #tpu.memory_space<vmem>> -> memref<1x128xi32, #tpu.memory_space<vmem>>
      %dma_wait3A_293 = tpu.memref_squeeze %dma_wait3A_292 : memref<1x128xi32, #tpu.memory_space<vmem>> -> memref<128xi32, #tpu.memory_space<vmem>>
      %dma_wait3A_294 = arith.constant 0 : i32
      %dma_wait3A_295 = arith.constant 0 : i32
      %dma_wait3A_296 = tpu.memref_slice %arg2[%dma_wait3A_294, %dma_wait3A_295] : memref<10240x16xf32, #tpu.memory_space<hbm>> -> memref<10240x16xf32, #tpu.memory_space<hbm>>
      tpu.wait_indirect_dma semaphore(%arg29 : memref<!tpu.dma_semaphore, #tpu.memory_space<semaphore_mem>>) src(%dma_wait3A_296 : memref<10240x16xf32, #tpu.memory_space<hbm>>) dst(%arg21 : memref<128x16xf32, #tpu.memory_space<vmem>>)
      %add3A_297 = arith.constant 4 : i32
      %add3A_298 = arith.addi %mul3A_172, %add3A_297 : i32
      %dma_start3A_299 = arith.constant 0 : i32
      %dma_start3A_300 = tpu.memref_slice %arg15[%add3A_298, %dma_start3A_299] : memref<80x128xi32, #tpu.memory_space<vmem>> -> memref<1x128xi32, #tpu.memory_space<vmem>>
      %dma_start3A_301 = tpu.memref_squeeze %dma_start3A_300 : memref<1x128xi32, #tpu.memory_space<vmem>> -> memref<128xi32, #tpu.memory_space<vmem>>
      %dma_start3A_302 = arith.constant 0 : i32
      %dma_start3A_303 = arith.constant 0 : i32
      %dma_start3A_304 = tpu.memref_slice %arg13[%dma_start3A_302, %dma_start3A_303] : memref<10240x16xf32, #tpu.memory_space<vmem_shared>> -> memref<10240x16xf32, #tpu.memory_space<vmem_shared>>
      tpu.enqueue_indirect_dma source(%arg21 : memref<128x16xf32, #tpu.memory_space<vmem>>) target(%dma_start3A_304 : memref<10240x16xf32, #tpu.memory_space<vmem_shared>>) offsets(%dma_start3A_301 : memref<128xi32, #tpu.memory_space<vmem>>) semaphore(%arg37 : memref<!tpu.dma_semaphore, #tpu.memory_space<semaphore_mem>>) {add = true}
      %dma_wait3A_305 = arith.constant 0 : i32
      %dma_wait3A_306 = tpu.memref_slice %arg14[%add3A_213, %dma_wait3A_305] : memref<80x128xi32, #tpu.memory_space<vmem>> -> memref<1x128xi32, #tpu.memory_space<vmem>>
      %dma_wait3A_307 = tpu.memref_squeeze %dma_wait3A_306 : memref<1x128xi32, #tpu.memory_space<vmem>> -> memref<128xi32, #tpu.memory_space<vmem>>
      %dma_wait3A_308 = arith.constant 0 : i32
      %dma_wait3A_309 = arith.constant 0 : i32
      %dma_wait3A_310 = tpu.memref_slice %arg2[%dma_wait3A_308, %dma_wait3A_309] : memref<10240x16xf32, #tpu.memory_space<hbm>> -> memref<10240x16xf32, #tpu.memory_space<hbm>>
      tpu.wait_indirect_dma semaphore(%arg30 : memref<!tpu.dma_semaphore, #tpu.memory_space<semaphore_mem>>) src(%dma_wait3A_310 : memref<10240x16xf32, #tpu.memory_space<hbm>>) dst(%arg22 : memref<128x16xf32, #tpu.memory_space<vmem>>)
      %add3A_311 = arith.constant 5 : i32
      %add3A_312 = arith.addi %mul3A_172, %add3A_311 : i32
      %dma_start3A_313 = arith.constant 0 : i32
      %dma_start3A_314 = tpu.memref_slice %arg15[%add3A_312, %dma_start3A_313] : memref<80x128xi32, #tpu.memory_space<vmem>> -> memref<1x128xi32, #tpu.memory_space<vmem>>
      %dma_start3A_315 = tpu.memref_squeeze %dma_start3A_314 : memref<1x128xi32, #tpu.memory_space<vmem>> -> memref<128xi32, #tpu.memory_space<vmem>>
      %dma_start3A_316 = arith.constant 0 : i32
      %dma_start3A_317 = arith.constant 0 : i32
      %dma_start3A_318 = tpu.memref_slice %arg13[%dma_start3A_316, %dma_start3A_317] : memref<10240x16xf32, #tpu.memory_space<vmem_shared>> -> memref<10240x16xf32, #tpu.memory_space<vmem_shared>>
      tpu.enqueue_indirect_dma source(%arg22 : memref<128x16xf32, #tpu.memory_space<vmem>>) target(%dma_start3A_318 : memref<10240x16xf32, #tpu.memory_space<vmem_shared>>) offsets(%dma_start3A_315 : memref<128xi32, #tpu.memory_space<vmem>>) semaphore(%arg38 : memref<!tpu.dma_semaphore, #tpu.memory_space<semaphore_mem>>) {add = true}
      %dma_wait3A_319 = arith.constant 0 : i32
      %dma_wait3A_320 = tpu.memref_slice %arg14[%add3A_221, %dma_wait3A_319] : memref<80x128xi32, #tpu.memory_space<vmem>> -> memref<1x128xi32, #tpu.memory_space<vmem>>
      %dma_wait3A_321 = tpu.memref_squeeze %dma_wait3A_320 : memref<1x128xi32, #tpu.memory_space<vmem>> -> memref<128xi32, #tpu.memory_space<vmem>>
      %dma_wait3A_322 = arith.constant 0 : i32
      %dma_wait3A_323 = arith.constant 0 : i32
      %dma_wait3A_324 = tpu.memref_slice %arg2[%dma_wait3A_322, %dma_wait3A_323] : memref<10240x16xf32, #tpu.memory_space<hbm>> -> memref<10240x16xf32, #tpu.memory_space<hbm>>
      tpu.wait_indirect_dma semaphore(%arg31 : memref<!tpu.dma_semaphore, #tpu.memory_space<semaphore_mem>>) src(%dma_wait3A_324 : memref<10240x16xf32, #tpu.memory_space<hbm>>) dst(%arg23 : memref<128x16xf32, #tpu.memory_space<vmem>>)
      %add3A_325 = arith.constant 6 : i32
      %add3A_326 = arith.addi %mul3A_172, %add3A_325 : i32
      %dma_start3A_327 = arith.constant 0 : i32
      %dma_start3A_328 = tpu.memref_slice %arg15[%add3A_326, %dma_start3A_327] : memref<80x128xi32, #tpu.memory_space<vmem>> -> memref<1x128xi32, #tpu.memory_space<vmem>>
      %dma_start3A_329 = tpu.memref_squeeze %dma_start3A_328 : memref<1x128xi32, #tpu.memory_space<vmem>> -> memref<128xi32, #tpu.memory_space<vmem>>
      %dma_start3A_330 = arith.constant 0 : i32
      %dma_start3A_331 = arith.constant 0 : i32
      %dma_start3A_332 = tpu.memref_slice %arg13[%dma_start3A_330, %dma_start3A_331] : memref<10240x16xf32, #tpu.memory_space<vmem_shared>> -> memref<10240x16xf32, #tpu.memory_space<vmem_shared>>
      tpu.enqueue_indirect_dma source(%arg23 : memref<128x16xf32, #tpu.memory_space<vmem>>) target(%dma_start3A_332 : memref<10240x16xf32, #tpu.memory_space<vmem_shared>>) offsets(%dma_start3A_329 : memref<128xi32, #tpu.memory_space<vmem>>) semaphore(%arg39 : memref<!tpu.dma_semaphore, #tpu.memory_space<semaphore_mem>>) {add = true}
      %dma_wait3A_333 = arith.constant 0 : i32
      %dma_wait3A_334 = tpu.memref_slice %arg14[%add3A_229, %dma_wait3A_333] : memref<80x128xi32, #tpu.memory_space<vmem>> -> memref<1x128xi32, #tpu.memory_space<vmem>>
      %dma_wait3A_335 = tpu.memref_squeeze %dma_wait3A_334 : memref<1x128xi32, #tpu.memory_space<vmem>> -> memref<128xi32, #tpu.memory_space<vmem>>
      %dma_wait3A_336 = arith.constant 0 : i32
      %dma_wait3A_337 = arith.constant 0 : i32
      %dma_wait3A_338 = tpu.memref_slice %arg2[%dma_wait3A_336, %dma_wait3A_337] : memref<10240x16xf32, #tpu.memory_space<hbm>> -> memref<10240x16xf32, #tpu.memory_space<hbm>>
      tpu.wait_indirect_dma semaphore(%arg32 : memref<!tpu.dma_semaphore, #tpu.memory_space<semaphore_mem>>) src(%dma_wait3A_338 : memref<10240x16xf32, #tpu.memory_space<hbm>>) dst(%arg24 : memref<128x16xf32, #tpu.memory_space<vmem>>)
      %add3A_339 = arith.constant 7 : i32
      %add3A_340 = arith.addi %mul3A_172, %add3A_339 : i32
      %dma_start3A_341 = arith.constant 0 : i32
      %dma_start3A_342 = tpu.memref_slice %arg15[%add3A_340, %dma_start3A_341] : memref<80x128xi32, #tpu.memory_space<vmem>> -> memref<1x128xi32, #tpu.memory_space<vmem>>
      %dma_start3A_343 = tpu.memref_squeeze %dma_start3A_342 : memref<1x128xi32, #tpu.memory_space<vmem>> -> memref<128xi32, #tpu.memory_space<vmem>>
      %dma_start3A_344 = arith.constant 0 : i32
      %dma_start3A_345 = arith.constant 0 : i32
      %dma_start3A_346 = tpu.memref_slice %arg13[%dma_start3A_344, %dma_start3A_345] : memref<10240x16xf32, #tpu.memory_space<vmem_shared>> -> memref<10240x16xf32, #tpu.memory_space<vmem_shared>>
      tpu.enqueue_indirect_dma source(%arg24 : memref<128x16xf32, #tpu.memory_space<vmem>>) target(%dma_start3A_346 : memref<10240x16xf32, #tpu.memory_space<vmem_shared>>) offsets(%dma_start3A_343 : memref<128xi32, #tpu.memory_space<vmem>>) semaphore(%arg40 : memref<!tpu.dma_semaphore, #tpu.memory_space<semaphore_mem>>) {add = true}
      %dma_wait3A_347 = arith.constant 0 : i32
      %dma_wait3A_348 = tpu.memref_slice %arg15[%add3A_242, %dma_wait3A_347] : memref<80x128xi32, #tpu.memory_space<vmem>> -> memref<1x128xi32, #tpu.memory_space<vmem>>
      %dma_wait3A_349 = tpu.memref_squeeze %dma_wait3A_348 : memref<1x128xi32, #tpu.memory_space<vmem>> -> memref<128xi32, #tpu.memory_space<vmem>>
      %dma_wait3A_350 = arith.constant 0 : i32
      %dma_wait3A_351 = arith.constant 0 : i32
      %dma_wait3A_352 = tpu.memref_slice %arg13[%dma_wait3A_350, %dma_wait3A_351] : memref<10240x16xf32, #tpu.memory_space<vmem_shared>> -> memref<10240x16xf32, #tpu.memory_space<vmem_shared>>
      tpu.wait_indirect_dma semaphore(%arg33 : memref<!tpu.dma_semaphore, #tpu.memory_space<semaphore_mem>>) src(%arg17 : memref<128x16xf32, #tpu.memory_space<vmem>>) dst(%dma_wait3A_352 : memref<10240x16xf32, #tpu.memory_space<vmem_shared>>)
      %dma_wait3A_353 = arith.constant 0 : i32
      %dma_wait3A_354 = tpu.memref_slice %arg15[%add3A_256, %dma_wait3A_353] : memref<80x128xi32, #tpu.memory_space<vmem>> -> memref<1x128xi32, #tpu.memory_space<vmem>>
      %dma_wait3A_355 = tpu.memref_squeeze %dma_wait3A_354 : memref<1x128xi32, #tpu.memory_space<vmem>> -> memref<128xi32, #tpu.memory_space<vmem>>
      %dma_wait3A_356 = arith.constant 0 : i32
      %dma_wait3A_357 = arith.constant 0 : i32
      %dma_wait3A_358 = tpu.memref_slice %arg13[%dma_wait3A_356, %dma_wait3A_357] : memref<10240x16xf32, #tpu.memory_space<vmem_shared>> -> memref<10240x16xf32, #tpu.memory_space<vmem_shared>>
      tpu.wait_indirect_dma semaphore(%arg34 : memref<!tpu.dma_semaphore, #tpu.memory_space<semaphore_mem>>) src(%arg18 : memref<128x16xf32, #tpu.memory_space<vmem>>) dst(%dma_wait3A_358 : memref<10240x16xf32, #tpu.memory_space<vmem_shared>>)
      %dma_wait3A_359 = arith.constant 0 : i32
      %dma_wait3A_360 = tpu.memref_slice %arg15[%add3A_270, %dma_wait3A_359] : memref<80x128xi32, #tpu.memory_space<vmem>> -> memref<1x128xi32, #tpu.memory_space<vmem>>
      %dma_wait3A_361 = tpu.memref_squeeze %dma_wait3A_360 : memref<1x128xi32, #tpu.memory_space<vmem>> -> memref<128xi32, #tpu.memory_space<vmem>>
      %dma_wait3A_362 = arith.constant 0 : i32
      %dma_wait3A_363 = arith.constant 0 : i32
      %dma_wait3A_364 = tpu.memref_slice %arg13[%dma_wait3A_362, %dma_wait3A_363] : memref<10240x16xf32, #tpu.memory_space<vmem_shared>> -> memref<10240x16xf32, #tpu.memory_space<vmem_shared>>
      tpu.wait_indirect_dma semaphore(%arg35 : memref<!tpu.dma_semaphore, #tpu.memory_space<semaphore_mem>>) src(%arg19 : memref<128x16xf32, #tpu.memory_space<vmem>>) dst(%dma_wait3A_364 : memref<10240x16xf32, #tpu.memory_space<vmem_shared>>)
      %dma_wait3A_365 = arith.constant 0 : i32
      %dma_wait3A_366 = tpu.memref_slice %arg15[%add3A_284, %dma_wait3A_365] : memref<80x128xi32, #tpu.memory_space<vmem>> -> memref<1x128xi32, #tpu.memory_space<vmem>>
      %dma_wait3A_367 = tpu.memref_squeeze %dma_wait3A_366 : memref<1x128xi32, #tpu.memory_space<vmem>> -> memref<128xi32, #tpu.memory_space<vmem>>
      %dma_wait3A_368 = arith.constant 0 : i32
      %dma_wait3A_369 = arith.constant 0 : i32
      %dma_wait3A_370 = tpu.memref_slice %arg13[%dma_wait3A_368, %dma_wait3A_369] : memref<10240x16xf32, #tpu.memory_space<vmem_shared>> -> memref<10240x16xf32, #tpu.memory_space<vmem_shared>>
      tpu.wait_indirect_dma semaphore(%arg36 : memref<!tpu.dma_semaphore, #tpu.memory_space<semaphore_mem>>) src(%arg20 : memref<128x16xf32, #tpu.memory_space<vmem>>) dst(%dma_wait3A_370 : memref<10240x16xf32, #tpu.memory_space<vmem_shared>>)
      %dma_wait3A_371 = arith.constant 0 : i32
      %dma_wait3A_372 = tpu.memref_slice %arg15[%add3A_298, %dma_wait3A_371] : memref<80x128xi32, #tpu.memory_space<vmem>> -> memref<1x128xi32, #tpu.memory_space<vmem>>
      %dma_wait3A_373 = tpu.memref_squeeze %dma_wait3A_372 : memref<1x128xi32, #tpu.memory_space<vmem>> -> memref<128xi32, #tpu.memory_space<vmem>>
      %dma_wait3A_374 = arith.constant 0 : i32
      %dma_wait3A_375 = arith.constant 0 : i32
      %dma_wait3A_376 = tpu.memref_slice %arg13[%dma_wait3A_374, %dma_wait3A_375] : memref<10240x16xf32, #tpu.memory_space<vmem_shared>> -> memref<10240x16xf32, #tpu.memory_space<vmem_shared>>
      tpu.wait_indirect_dma semaphore(%arg37 : memref<!tpu.dma_semaphore, #tpu.memory_space<semaphore_mem>>) src(%arg21 : memref<128x16xf32, #tpu.memory_space<vmem>>) dst(%dma_wait3A_376 : memref<10240x16xf32, #tpu.memory_space<vmem_shared>>)
      %dma_wait3A_377 = arith.constant 0 : i32
      %dma_wait3A_378 = tpu.memref_slice %arg15[%add3A_312, %dma_wait3A_377] : memref<80x128xi32, #tpu.memory_space<vmem>> -> memref<1x128xi32, #tpu.memory_space<vmem>>
      %dma_wait3A_379 = tpu.memref_squeeze %dma_wait3A_378 : memref<1x128xi32, #tpu.memory_space<vmem>> -> memref<128xi32, #tpu.memory_space<vmem>>
      %dma_wait3A_380 = arith.constant 0 : i32
      %dma_wait3A_381 = arith.constant 0 : i32
      %dma_wait3A_382 = tpu.memref_slice %arg13[%dma_wait3A_380, %dma_wait3A_381] : memref<10240x16xf32, #tpu.memory_space<vmem_shared>> -> memref<10240x16xf32, #tpu.memory_space<vmem_shared>>
      tpu.wait_indirect_dma semaphore(%arg38 : memref<!tpu.dma_semaphore, #tpu.memory_space<semaphore_mem>>) src(%arg22 : memref<128x16xf32, #tpu.memory_space<vmem>>) dst(%dma_wait3A_382 : memref<10240x16xf32, #tpu.memory_space<vmem_shared>>)
      %dma_wait3A_383 = arith.constant 0 : i32
      %dma_wait3A_384 = tpu.memref_slice %arg15[%add3A_326, %dma_wait3A_383] : memref<80x128xi32, #tpu.memory_space<vmem>> -> memref<1x128xi32, #tpu.memory_space<vmem>>
      %dma_wait3A_385 = tpu.memref_squeeze %dma_wait3A_384 : memref<1x128xi32, #tpu.memory_space<vmem>> -> memref<128xi32, #tpu.memory_space<vmem>>
      %dma_wait3A_386 = arith.constant 0 : i32
      %dma_wait3A_387 = arith.constant 0 : i32
      %dma_wait3A_388 = tpu.memref_slice %arg13[%dma_wait3A_386, %dma_wait3A_387] : memref<10240x16xf32, #tpu.memory_space<vmem_shared>> -> memref<10240x16xf32, #tpu.memory_space<vmem_shared>>
      tpu.wait_indirect_dma semaphore(%arg39 : memref<!tpu.dma_semaphore, #tpu.memory_space<semaphore_mem>>) src(%arg23 : memref<128x16xf32, #tpu.memory_space<vmem>>) dst(%dma_wait3A_388 : memref<10240x16xf32, #tpu.memory_space<vmem_shared>>)
      %dma_wait3A_389 = arith.constant 0 : i32
      %dma_wait3A_390 = tpu.memref_slice %arg15[%add3A_340, %dma_wait3A_389] : memref<80x128xi32, #tpu.memory_space<vmem>> -> memref<1x128xi32, #tpu.memory_space<vmem>>
      %dma_wait3A_391 = tpu.memref_squeeze %dma_wait3A_390 : memref<1x128xi32, #tpu.memory_space<vmem>> -> memref<128xi32, #tpu.memory_space<vmem>>
      %dma_wait3A_392 = arith.constant 0 : i32
      %dma_wait3A_393 = arith.constant 0 : i32
      %dma_wait3A_394 = tpu.memref_slice %arg13[%dma_wait3A_392, %dma_wait3A_393] : memref<10240x16xf32, #tpu.memory_space<vmem_shared>> -> memref<10240x16xf32, #tpu.memory_space<vmem_shared>>
      tpu.wait_indirect_dma semaphore(%arg40 : memref<!tpu.dma_semaphore, #tpu.memory_space<semaphore_mem>>) src(%arg24 : memref<128x16xf32, #tpu.memory_space<vmem>>) dst(%dma_wait3A_394 : memref<10240x16xf32, #tpu.memory_space<vmem_shared>>)
    }
    %scan3A_86 = arith.constant 9 : i32
    %gt3A_87 = arith.constant 72 : i32
    %gt3A_88 = arith.cmpi sgt, %select_n3A, %gt3A_87 : i32
    %convert_element_type3A_89 = arith.extui %gt3A_88 : i1 to i32
    %cond3A_90 = arith.constant 0 : i32
    %cond3A_91 = arith.cmpi ne, %convert_element_type3A_89, %cond3A_90 : i32
    scf.if %cond3A_91 {
      %dma_start3A = arith.constant 72 : i32
      %dma_start3A_168 = arith.constant 0 : i32
      %dma_start3A_169 = tpu.memref_slice %arg14[%dma_start3A, %dma_start3A_168] : memref<80x128xi32, #tpu.memory_space<vmem>> -> memref<1x128xi32, #tpu.memory_space<vmem>>
      %dma_start3A_170 = tpu.memref_squeeze %dma_start3A_169 : memref<1x128xi32, #tpu.memory_space<vmem>> -> memref<128xi32, #tpu.memory_space<vmem>>
      %dma_start3A_171 = arith.constant 0 : i32
      %dma_start3A_172 = arith.constant 0 : i32
      %dma_start3A_173 = tpu.memref_slice %arg2[%dma_start3A_171, %dma_start3A_172] : memref<10240x16xf32, #tpu.memory_space<hbm>> -> memref<10240x16xf32, #tpu.memory_space<hbm>>
      tpu.enqueue_indirect_dma source(%dma_start3A_173 : memref<10240x16xf32, #tpu.memory_space<hbm>>) target(%arg17 : memref<128x16xf32, #tpu.memory_space<vmem>>) offsets(%dma_start3A_170 : memref<128xi32, #tpu.memory_space<vmem>>) semaphore(%arg25 : memref<!tpu.dma_semaphore, #tpu.memory_space<semaphore_mem>>)
    } else {
    }
    %gt3A_92 = arith.constant 73 : i32
    %gt3A_93 = arith.cmpi sgt, %select_n3A, %gt3A_92 : i32
    %convert_element_type3A_94 = arith.extui %gt3A_93 : i1 to i32
    %cond3A_95 = arith.constant 0 : i32
    %cond3A_96 = arith.cmpi ne, %convert_element_type3A_94, %cond3A_95 : i32
    scf.if %cond3A_96 {
      %dma_start3A = arith.constant 73 : i32
      %dma_start3A_168 = arith.constant 0 : i32
      %dma_start3A_169 = tpu.memref_slice %arg14[%dma_start3A, %dma_start3A_168] : memref<80x128xi32, #tpu.memory_space<vmem>> -> memref<1x128xi32, #tpu.memory_space<vmem>>
      %dma_start3A_170 = tpu.memref_squeeze %dma_start3A_169 : memref<1x128xi32, #tpu.memory_space<vmem>> -> memref<128xi32, #tpu.memory_space<vmem>>
      %dma_start3A_171 = arith.constant 0 : i32
      %dma_start3A_172 = arith.constant 0 : i32
      %dma_start3A_173 = tpu.memref_slice %arg2[%dma_start3A_171, %dma_start3A_172] : memref<10240x16xf32, #tpu.memory_space<hbm>> -> memref<10240x16xf32, #tpu.memory_space<hbm>>
      tpu.enqueue_indirect_dma source(%dma_start3A_173 : memref<10240x16xf32, #tpu.memory_space<hbm>>) target(%arg18 : memref<128x16xf32, #tpu.memory_space<vmem>>) offsets(%dma_start3A_170 : memref<128xi32, #tpu.memory_space<vmem>>) semaphore(%arg26 : memref<!tpu.dma_semaphore, #tpu.memory_space<semaphore_mem>>)
    } else {
    }
    %gt3A_97 = arith.constant 74 : i32
    %gt3A_98 = arith.cmpi sgt, %select_n3A, %gt3A_97 : i32
    %convert_element_type3A_99 = arith.extui %gt3A_98 : i1 to i32
    %cond3A_100 = arith.constant 0 : i32
    %cond3A_101 = arith.cmpi ne, %convert_element_type3A_99, %cond3A_100 : i32
    scf.if %cond3A_101 {
      %dma_start3A = arith.constant 74 : i32
      %dma_start3A_168 = arith.constant 0 : i32
      %dma_start3A_169 = tpu.memref_slice %arg14[%dma_start3A, %dma_start3A_168] : memref<80x128xi32, #tpu.memory_space<vmem>> -> memref<1x128xi32, #tpu.memory_space<vmem>>
      %dma_start3A_170 = tpu.memref_squeeze %dma_start3A_169 : memref<1x128xi32, #tpu.memory_space<vmem>> -> memref<128xi32, #tpu.memory_space<vmem>>
      %dma_start3A_171 = arith.constant 0 : i32
      %dma_start3A_172 = arith.constant 0 : i32
      %dma_start3A_173 = tpu.memref_slice %arg2[%dma_start3A_171, %dma_start3A_172] : memref<10240x16xf32, #tpu.memory_space<hbm>> -> memref<10240x16xf32, #tpu.memory_space<hbm>>
      tpu.enqueue_indirect_dma source(%dma_start3A_173 : memref<10240x16xf32, #tpu.memory_space<hbm>>) target(%arg19 : memref<128x16xf32, #tpu.memory_space<vmem>>) offsets(%dma_start3A_170 : memref<128xi32, #tpu.memory_space<vmem>>) semaphore(%arg27 : memref<!tpu.dma_semaphore, #tpu.memory_space<semaphore_mem>>)
    } else {
    }
    %gt3A_102 = arith.constant 75 : i32
    %gt3A_103 = arith.cmpi sgt, %select_n3A, %gt3A_102 : i32
    %convert_element_type3A_104 = arith.extui %gt3A_103 : i1 to i32
    %cond3A_105 = arith.constant 0 : i32
    %cond3A_106 = arith.cmpi ne, %convert_element_type3A_104, %cond3A_105 : i32
    scf.if %cond3A_106 {
      %dma_start3A = arith.constant 75 : i32
      %dma_start3A_168 = arith.constant 0 : i32
      %dma_start3A_169 = tpu.memref_slice %arg14[%dma_start3A, %dma_start3A_168] : memref<80x128xi32, #tpu.memory_space<vmem>> -> memref<1x128xi32, #tpu.memory_space<vmem>>
      %dma_start3A_170 = tpu.memref_squeeze %dma_start3A_169 : memref<1x128xi32, #tpu.memory_space<vmem>> -> memref<128xi32, #tpu.memory_space<vmem>>
      %dma_start3A_171 = arith.constant 0 : i32
      %dma_start3A_172 = arith.constant 0 : i32
      %dma_start3A_173 = tpu.memref_slice %arg2[%dma_start3A_171, %dma_start3A_172] : memref<10240x16xf32, #tpu.memory_space<hbm>> -> memref<10240x16xf32, #tpu.memory_space<hbm>>
      tpu.enqueue_indirect_dma source(%dma_start3A_173 : memref<10240x16xf32, #tpu.memory_space<hbm>>) target(%arg20 : memref<128x16xf32, #tpu.memory_space<vmem>>) offsets(%dma_start3A_170 : memref<128xi32, #tpu.memory_space<vmem>>) semaphore(%arg28 : memref<!tpu.dma_semaphore, #tpu.memory_space<semaphore_mem>>)
    } else {
    }
    %gt3A_107 = arith.constant 76 : i32
    %gt3A_108 = arith.cmpi sgt, %select_n3A, %gt3A_107 : i32
    %convert_element_type3A_109 = arith.extui %gt3A_108 : i1 to i32
    %cond3A_110 = arith.constant 0 : i32
    %cond3A_111 = arith.cmpi ne, %convert_element_type3A_109, %cond3A_110 : i32
    scf.if %cond3A_111 {
      %dma_start3A = arith.constant 76 : i32
      %dma_start3A_168 = arith.constant 0 : i32
      %dma_start3A_169 = tpu.memref_slice %arg14[%dma_start3A, %dma_start3A_168] : memref<80x128xi32, #tpu.memory_space<vmem>> -> memref<1x128xi32, #tpu.memory_space<vmem>>
      %dma_start3A_170 = tpu.memref_squeeze %dma_start3A_169 : memref<1x128xi32, #tpu.memory_space<vmem>> -> memref<128xi32, #tpu.memory_space<vmem>>
      %dma_start3A_171 = arith.constant 0 : i32
      %dma_start3A_172 = arith.constant 0 : i32
      %dma_start3A_173 = tpu.memref_slice %arg2[%dma_start3A_171, %dma_start3A_172] : memref<10240x16xf32, #tpu.memory_space<hbm>> -> memref<10240x16xf32, #tpu.memory_space<hbm>>
      tpu.enqueue_indirect_dma source(%dma_start3A_173 : memref<10240x16xf32, #tpu.memory_space<hbm>>) target(%arg21 : memref<128x16xf32, #tpu.memory_space<vmem>>) offsets(%dma_start3A_170 : memref<128xi32, #tpu.memory_space<vmem>>) semaphore(%arg29 : memref<!tpu.dma_semaphore, #tpu.memory_space<semaphore_mem>>)
    } else {
    }
    %gt3A_112 = arith.constant 77 : i32
    %gt3A_113 = arith.cmpi sgt, %select_n3A, %gt3A_112 : i32
    %convert_element_type3A_114 = arith.extui %gt3A_113 : i1 to i32
    %cond3A_115 = arith.constant 0 : i32
    %cond3A_116 = arith.cmpi ne, %convert_element_type3A_114, %cond3A_115 : i32
    scf.if %cond3A_116 {
      %dma_start3A = arith.constant 77 : i32
      %dma_start3A_168 = arith.constant 0 : i32
      %dma_start3A_169 = tpu.memref_slice %arg14[%dma_start3A, %dma_start3A_168] : memref<80x128xi32, #tpu.memory_space<vmem>> -> memref<1x128xi32, #tpu.memory_space<vmem>>
      %dma_start3A_170 = tpu.memref_squeeze %dma_start3A_169 : memref<1x128xi32, #tpu.memory_space<vmem>> -> memref<128xi32, #tpu.memory_space<vmem>>
      %dma_start3A_171 = arith.constant 0 : i32
      %dma_start3A_172 = arith.constant 0 : i32
      %dma_start3A_173 = tpu.memref_slice %arg2[%dma_start3A_171, %dma_start3A_172] : memref<10240x16xf32, #tpu.memory_space<hbm>> -> memref<10240x16xf32, #tpu.memory_space<hbm>>
      tpu.enqueue_indirect_dma source(%dma_start3A_173 : memref<10240x16xf32, #tpu.memory_space<hbm>>) target(%arg22 : memref<128x16xf32, #tpu.memory_space<vmem>>) offsets(%dma_start3A_170 : memref<128xi32, #tpu.memory_space<vmem>>) semaphore(%arg30 : memref<!tpu.dma_semaphore, #tpu.memory_space<semaphore_mem>>)
    } else {
    }
    %gt3A_117 = arith.constant 78 : i32
    %gt3A_118 = arith.cmpi sgt, %select_n3A, %gt3A_117 : i32
    %convert_element_type3A_119 = arith.extui %gt3A_118 : i1 to i32
    %cond3A_120 = arith.constant 0 : i32
    %cond3A_121 = arith.cmpi ne, %convert_element_type3A_119, %cond3A_120 : i32
    scf.if %cond3A_121 {
      %dma_start3A = arith.constant 78 : i32
      %dma_start3A_168 = arith.constant 0 : i32
      %dma_start3A_169 = tpu.memref_slice %arg14[%dma_start3A, %dma_start3A_168] : memref<80x128xi32, #tpu.memory_space<vmem>> -> memref<1x128xi32, #tpu.memory_space<vmem>>
      %dma_start3A_170 = tpu.memref_squeeze %dma_start3A_169 : memref<1x128xi32, #tpu.memory_space<vmem>> -> memref<128xi32, #tpu.memory_space<vmem>>
      %dma_start3A_171 = arith.constant 0 : i32
      %dma_start3A_172 = arith.constant 0 : i32
      %dma_start3A_173 = tpu.memref_slice %arg2[%dma_start3A_171, %dma_start3A_172] : memref<10240x16xf32, #tpu.memory_space<hbm>> -> memref<10240x16xf32, #tpu.memory_space<hbm>>
      tpu.enqueue_indirect_dma source(%dma_start3A_173 : memref<10240x16xf32, #tpu.memory_space<hbm>>) target(%arg23 : memref<128x16xf32, #tpu.memory_space<vmem>>) offsets(%dma_start3A_170 : memref<128xi32, #tpu.memory_space<vmem>>) semaphore(%arg31 : memref<!tpu.dma_semaphore, #tpu.memory_space<semaphore_mem>>)
    } else {
    }
    %gt3A_122 = arith.constant 79 : i32
    %gt3A_123 = arith.cmpi sgt, %select_n3A, %gt3A_122 : i32
    %convert_element_type3A_124 = arith.extui %gt3A_123 : i1 to i32
    %cond3A_125 = arith.constant 0 : i32
    %cond3A_126 = arith.cmpi ne, %convert_element_type3A_124, %cond3A_125 : i32
    scf.if %cond3A_126 {
      %dma_start3A = arith.constant 79 : i32
      %dma_start3A_168 = arith.constant 0 : i32
      %dma_start3A_169 = tpu.memref_slice %arg14[%dma_start3A, %dma_start3A_168] : memref<80x128xi32, #tpu.memory_space<vmem>> -> memref<1x128xi32, #tpu.memory_space<vmem>>
      %dma_start3A_170 = tpu.memref_squeeze %dma_start3A_169 : memref<1x128xi32, #tpu.memory_space<vmem>> -> memref<128xi32, #tpu.memory_space<vmem>>
      %dma_start3A_171 = arith.constant 0 : i32
      %dma_start3A_172 = arith.constant 0 : i32
      %dma_start3A_173 = tpu.memref_slice %arg2[%dma_start3A_171, %dma_start3A_172] : memref<10240x16xf32, #tpu.memory_space<hbm>> -> memref<10240x16xf32, #tpu.memory_space<hbm>>
      tpu.enqueue_indirect_dma source(%dma_start3A_173 : memref<10240x16xf32, #tpu.memory_space<hbm>>) target(%arg24 : memref<128x16xf32, #tpu.memory_space<vmem>>) offsets(%dma_start3A_170 : memref<128xi32, #tpu.memory_space<vmem>>) semaphore(%arg32 : memref<!tpu.dma_semaphore, #tpu.memory_space<semaphore_mem>>)
    } else {
    }
    %gt3A_127 = arith.constant 72 : i32
    %gt3A_128 = arith.cmpi sgt, %select_n3A, %gt3A_127 : i32
    %convert_element_type3A_129 = arith.extui %gt3A_128 : i1 to i32
    %cond3A_130 = arith.constant 0 : i32
    %cond3A_131 = arith.cmpi ne, %convert_element_type3A_129, %cond3A_130 : i32
    scf.if %cond3A_131 {
      %dma_wait3A = arith.constant 0 : i32
      %dma_wait3A_168 = tpu.memref_slice %arg14[%squeeze3A, %dma_wait3A] : memref<80x128xi32, #tpu.memory_space<vmem>> -> memref<1x128xi32, #tpu.memory_space<vmem>>
      %dma_wait3A_169 = tpu.memref_squeeze %dma_wait3A_168 : memref<1x128xi32, #tpu.memory_space<vmem>> -> memref<128xi32, #tpu.memory_space<vmem>>
      %dma_wait3A_170 = arith.constant 0 : i32
      %dma_wait3A_171 = arith.constant 0 : i32
      %dma_wait3A_172 = tpu.memref_slice %arg2[%dma_wait3A_170, %dma_wait3A_171] : memref<10240x16xf32, #tpu.memory_space<hbm>> -> memref<10240x16xf32, #tpu.memory_space<hbm>>
      tpu.wait_indirect_dma semaphore(%arg25 : memref<!tpu.dma_semaphore, #tpu.memory_space<semaphore_mem>>) src(%dma_wait3A_172 : memref<10240x16xf32, #tpu.memory_space<hbm>>) dst(%arg17 : memref<128x16xf32, #tpu.memory_space<vmem>>)
      %run_scoped3A_173 = arith.constant 72 : i32
      "tpu.region"() ({
        %run_scoped3A_174 = tpu.sem_alloc : memref<!tpu.dma_semaphore, #tpu.memory_space<semaphore_mem>>
        %dma_start3A = arith.constant 0 : i32
        %dma_start3A_175 = tpu.memref_slice %arg15[%run_scoped3A_173, %dma_start3A] : memref<80x128xi32, #tpu.memory_space<vmem>> -> memref<1x128xi32, #tpu.memory_space<vmem>>
        %dma_start3A_176 = tpu.memref_squeeze %dma_start3A_175 : memref<1x128xi32, #tpu.memory_space<vmem>> -> memref<128xi32, #tpu.memory_space<vmem>>
        %dma_start3A_177 = arith.constant 0 : i32
        %dma_start3A_178 = arith.constant 0 : i32
        %dma_start3A_179 = tpu.memref_slice %arg13[%dma_start3A_177, %dma_start3A_178] : memref<10240x16xf32, #tpu.memory_space<vmem_shared>> -> memref<10240x16xf32, #tpu.memory_space<vmem_shared>>
        tpu.enqueue_indirect_dma source(%arg17 : memref<128x16xf32, #tpu.memory_space<vmem>>) target(%dma_start3A_179 : memref<10240x16xf32, #tpu.memory_space<vmem_shared>>) offsets(%dma_start3A_176 : memref<128xi32, #tpu.memory_space<vmem>>) semaphore(%run_scoped3A_174 : memref<!tpu.dma_semaphore, #tpu.memory_space<semaphore_mem>>) {add = true}
        %dma_wait3A_180 = arith.constant 0 : i32
        %dma_wait3A_181 = tpu.memref_slice %arg15[%run_scoped3A_173, %dma_wait3A_180] : memref<80x128xi32, #tpu.memory_space<vmem>> -> memref<1x128xi32, #tpu.memory_space<vmem>>
        %dma_wait3A_182 = tpu.memref_squeeze %dma_wait3A_181 : memref<1x128xi32, #tpu.memory_space<vmem>> -> memref<128xi32, #tpu.memory_space<vmem>>
        %dma_wait3A_183 = arith.constant 0 : i32
        %dma_wait3A_184 = arith.constant 0 : i32
        %dma_wait3A_185 = tpu.memref_slice %arg13[%dma_wait3A_183, %dma_wait3A_184] : memref<10240x16xf32, #tpu.memory_space<vmem_shared>> -> memref<10240x16xf32, #tpu.memory_space<vmem_shared>>
        tpu.wait_indirect_dma semaphore(%run_scoped3A_174 : memref<!tpu.dma_semaphore, #tpu.memory_space<semaphore_mem>>) src(%arg17 : memref<128x16xf32, #tpu.memory_space<vmem>>) dst(%dma_wait3A_185 : memref<10240x16xf32, #tpu.memory_space<vmem_shared>>)
        tpu.yield
      }) : () -> ()
    } else {
    }
    %gt3A_132 = arith.constant 73 : i32
    %gt3A_133 = arith.cmpi sgt, %select_n3A, %gt3A_132 : i32
    %convert_element_type3A_134 = arith.extui %gt3A_133 : i1 to i32
    %cond3A_135 = arith.constant 0 : i32
    %cond3A_136 = arith.cmpi ne, %convert_element_type3A_134, %cond3A_135 : i32
    scf.if %cond3A_136 {
      %dma_wait3A = arith.constant 0 : i32
      %dma_wait3A_168 = tpu.memref_slice %arg14[%squeeze3A_13, %dma_wait3A] : memref<80x128xi32, #tpu.memory_space<vmem>> -> memref<1x128xi32, #tpu.memory_space<vmem>>
      %dma_wait3A_169 = tpu.memref_squeeze %dma_wait3A_168 : memref<1x128xi32, #tpu.memory_space<vmem>> -> memref<128xi32, #tpu.memory_space<vmem>>
      %dma_wait3A_170 = arith.constant 0 : i32
      %dma_wait3A_171 = arith.constant 0 : i32
      %dma_wait3A_172 = tpu.memref_slice %arg2[%dma_wait3A_170, %dma_wait3A_171] : memref<10240x16xf32, #tpu.memory_space<hbm>> -> memref<10240x16xf32, #tpu.memory_space<hbm>>
      tpu.wait_indirect_dma semaphore(%arg26 : memref<!tpu.dma_semaphore, #tpu.memory_space<semaphore_mem>>) src(%dma_wait3A_172 : memref<10240x16xf32, #tpu.memory_space<hbm>>) dst(%arg18 : memref<128x16xf32, #tpu.memory_space<vmem>>)
      %run_scoped3A_173 = arith.constant 73 : i32
      "tpu.region"() ({
        %run_scoped3A_174 = tpu.sem_alloc : memref<!tpu.dma_semaphore, #tpu.memory_space<semaphore_mem>>
        %dma_start3A = arith.constant 0 : i32
        %dma_start3A_175 = tpu.memref_slice %arg15[%run_scoped3A_173, %dma_start3A] : memref<80x128xi32, #tpu.memory_space<vmem>> -> memref<1x128xi32, #tpu.memory_space<vmem>>
        %dma_start3A_176 = tpu.memref_squeeze %dma_start3A_175 : memref<1x128xi32, #tpu.memory_space<vmem>> -> memref<128xi32, #tpu.memory_space<vmem>>
        %dma_start3A_177 = arith.constant 0 : i32
        %dma_start3A_178 = arith.constant 0 : i32
        %dma_start3A_179 = tpu.memref_slice %arg13[%dma_start3A_177, %dma_start3A_178] : memref<10240x16xf32, #tpu.memory_space<vmem_shared>> -> memref<10240x16xf32, #tpu.memory_space<vmem_shared>>
        tpu.enqueue_indirect_dma source(%arg18 : memref<128x16xf32, #tpu.memory_space<vmem>>) target(%dma_start3A_179 : memref<10240x16xf32, #tpu.memory_space<vmem_shared>>) offsets(%dma_start3A_176 : memref<128xi32, #tpu.memory_space<vmem>>) semaphore(%run_scoped3A_174 : memref<!tpu.dma_semaphore, #tpu.memory_space<semaphore_mem>>) {add = true}
        %dma_wait3A_180 = arith.constant 0 : i32
        %dma_wait3A_181 = tpu.memref_slice %arg15[%run_scoped3A_173, %dma_wait3A_180] : memref<80x128xi32, #tpu.memory_space<vmem>> -> memref<1x128xi32, #tpu.memory_space<vmem>>
        %dma_wait3A_182 = tpu.memref_squeeze %dma_wait3A_181 : memref<1x128xi32, #tpu.memory_space<vmem>> -> memref<128xi32, #tpu.memory_space<vmem>>
        %dma_wait3A_183 = arith.constant 0 : i32
        %dma_wait3A_184 = arith.constant 0 : i32
        %dma_wait3A_185 = tpu.memref_slice %arg13[%dma_wait3A_183, %dma_wait3A_184] : memref<10240x16xf32, #tpu.memory_space<vmem_shared>> -> memref<10240x16xf32, #tpu.memory_space<vmem_shared>>
        tpu.wait_indirect_dma semaphore(%run_scoped3A_174 : memref<!tpu.dma_semaphore, #tpu.memory_space<semaphore_mem>>) src(%arg18 : memref<128x16xf32, #tpu.memory_space<vmem>>) dst(%dma_wait3A_185 : memref<10240x16xf32, #tpu.memory_space<vmem_shared>>)
        tpu.yield
      }) : () -> ()
    } else {
    }
    %gt3A_137 = arith.constant 74 : i32
    %gt3A_138 = arith.cmpi sgt, %select_n3A, %gt3A_137 : i32
    %convert_element_type3A_139 = arith.extui %gt3A_138 : i1 to i32
    %cond3A_140 = arith.constant 0 : i32
    %cond3A_141 = arith.cmpi ne, %convert_element_type3A_139, %cond3A_140 : i32
    scf.if %cond3A_141 {
      %dma_wait3A = arith.constant 0 : i32
      %dma_wait3A_168 = tpu.memref_slice %arg14[%squeeze3A_18, %dma_wait3A] : memref<80x128xi32, #tpu.memory_space<vmem>> -> memref<1x128xi32, #tpu.memory_space<vmem>>
      %dma_wait3A_169 = tpu.memref_squeeze %dma_wait3A_168 : memref<1x128xi32, #tpu.memory_space<vmem>> -> memref<128xi32, #tpu.memory_space<vmem>>
      %dma_wait3A_170 = arith.constant 0 : i32
      %dma_wait3A_171 = arith.constant 0 : i32
      %dma_wait3A_172 = tpu.memref_slice %arg2[%dma_wait3A_170, %dma_wait3A_171] : memref<10240x16xf32, #tpu.memory_space<hbm>> -> memref<10240x16xf32, #tpu.memory_space<hbm>>
      tpu.wait_indirect_dma semaphore(%arg27 : memref<!tpu.dma_semaphore, #tpu.memory_space<semaphore_mem>>) src(%dma_wait3A_172 : memref<10240x16xf32, #tpu.memory_space<hbm>>) dst(%arg19 : memref<128x16xf32, #tpu.memory_space<vmem>>)
      %run_scoped3A_173 = arith.constant 74 : i32
      "tpu.region"() ({
        %run_scoped3A_174 = tpu.sem_alloc : memref<!tpu.dma_semaphore, #tpu.memory_space<semaphore_mem>>
        %dma_start3A = arith.constant 0 : i32
        %dma_start3A_175 = tpu.memref_slice %arg15[%run_scoped3A_173, %dma_start3A] : memref<80x128xi32, #tpu.memory_space<vmem>> -> memref<1x128xi32, #tpu.memory_space<vmem>>
        %dma_start3A_176 = tpu.memref_squeeze %dma_start3A_175 : memref<1x128xi32, #tpu.memory_space<vmem>> -> memref<128xi32, #tpu.memory_space<vmem>>
        %dma_start3A_177 = arith.constant 0 : i32
        %dma_start3A_178 = arith.constant 0 : i32
        %dma_start3A_179 = tpu.memref_slice %arg13[%dma_start3A_177, %dma_start3A_178] : memref<10240x16xf32, #tpu.memory_space<vmem_shared>> -> memref<10240x16xf32, #tpu.memory_space<vmem_shared>>
        tpu.enqueue_indirect_dma source(%arg19 : memref<128x16xf32, #tpu.memory_space<vmem>>) target(%dma_start3A_179 : memref<10240x16xf32, #tpu.memory_space<vmem_shared>>) offsets(%dma_start3A_176 : memref<128xi32, #tpu.memory_space<vmem>>) semaphore(%run_scoped3A_174 : memref<!tpu.dma_semaphore, #tpu.memory_space<semaphore_mem>>) {add = true}
        %dma_wait3A_180 = arith.constant 0 : i32
        %dma_wait3A_181 = tpu.memref_slice %arg15[%run_scoped3A_173, %dma_wait3A_180] : memref<80x128xi32, #tpu.memory_space<vmem>> -> memref<1x128xi32, #tpu.memory_space<vmem>>
        %dma_wait3A_182 = tpu.memref_squeeze %dma_wait3A_181 : memref<1x128xi32, #tpu.memory_space<vmem>> -> memref<128xi32, #tpu.memory_space<vmem>>
        %dma_wait3A_183 = arith.constant 0 : i32
        %dma_wait3A_184 = arith.constant 0 : i32
        %dma_wait3A_185 = tpu.memref_slice %arg13[%dma_wait3A_183, %dma_wait3A_184] : memref<10240x16xf32, #tpu.memory_space<vmem_shared>> -> memref<10240x16xf32, #tpu.memory_space<vmem_shared>>
        tpu.wait_indirect_dma semaphore(%run_scoped3A_174 : memref<!tpu.dma_semaphore, #tpu.memory_space<semaphore_mem>>) src(%arg19 : memref<128x16xf32, #tpu.memory_space<vmem>>) dst(%dma_wait3A_185 : memref<10240x16xf32, #tpu.memory_space<vmem_shared>>)
        tpu.yield
      }) : () -> ()
    } else {
    }
    %gt3A_142 = arith.constant 75 : i32
    %gt3A_143 = arith.cmpi sgt, %select_n3A, %gt3A_142 : i32
    %convert_element_type3A_144 = arith.extui %gt3A_143 : i1 to i32
    %cond3A_145 = arith.constant 0 : i32
    %cond3A_146 = arith.cmpi ne, %convert_element_type3A_144, %cond3A_145 : i32
    scf.if %cond3A_146 {
      %dma_wait3A = arith.constant 0 : i32
      %dma_wait3A_168 = tpu.memref_slice %arg14[%squeeze3A_23, %dma_wait3A] : memref<80x128xi32, #tpu.memory_space<vmem>> -> memref<1x128xi32, #tpu.memory_space<vmem>>
      %dma_wait3A_169 = tpu.memref_squeeze %dma_wait3A_168 : memref<1x128xi32, #tpu.memory_space<vmem>> -> memref<128xi32, #tpu.memory_space<vmem>>
      %dma_wait3A_170 = arith.constant 0 : i32
      %dma_wait3A_171 = arith.constant 0 : i32
      %dma_wait3A_172 = tpu.memref_slice %arg2[%dma_wait3A_170, %dma_wait3A_171] : memref<10240x16xf32, #tpu.memory_space<hbm>> -> memref<10240x16xf32, #tpu.memory_space<hbm>>
      tpu.wait_indirect_dma semaphore(%arg28 : memref<!tpu.dma_semaphore, #tpu.memory_space<semaphore_mem>>) src(%dma_wait3A_172 : memref<10240x16xf32, #tpu.memory_space<hbm>>) dst(%arg20 : memref<128x16xf32, #tpu.memory_space<vmem>>)
      %run_scoped3A_173 = arith.constant 75 : i32
      "tpu.region"() ({
        %run_scoped3A_174 = tpu.sem_alloc : memref<!tpu.dma_semaphore, #tpu.memory_space<semaphore_mem>>
        %dma_start3A = arith.constant 0 : i32
        %dma_start3A_175 = tpu.memref_slice %arg15[%run_scoped3A_173, %dma_start3A] : memref<80x128xi32, #tpu.memory_space<vmem>> -> memref<1x128xi32, #tpu.memory_space<vmem>>
        %dma_start3A_176 = tpu.memref_squeeze %dma_start3A_175 : memref<1x128xi32, #tpu.memory_space<vmem>> -> memref<128xi32, #tpu.memory_space<vmem>>
        %dma_start3A_177 = arith.constant 0 : i32
        %dma_start3A_178 = arith.constant 0 : i32
        %dma_start3A_179 = tpu.memref_slice %arg13[%dma_start3A_177, %dma_start3A_178] : memref<10240x16xf32, #tpu.memory_space<vmem_shared>> -> memref<10240x16xf32, #tpu.memory_space<vmem_shared>>
        tpu.enqueue_indirect_dma source(%arg20 : memref<128x16xf32, #tpu.memory_space<vmem>>) target(%dma_start3A_179 : memref<10240x16xf32, #tpu.memory_space<vmem_shared>>) offsets(%dma_start3A_176 : memref<128xi32, #tpu.memory_space<vmem>>) semaphore(%run_scoped3A_174 : memref<!tpu.dma_semaphore, #tpu.memory_space<semaphore_mem>>) {add = true}
        %dma_wait3A_180 = arith.constant 0 : i32
        %dma_wait3A_181 = tpu.memref_slice %arg15[%run_scoped3A_173, %dma_wait3A_180] : memref<80x128xi32, #tpu.memory_space<vmem>> -> memref<1x128xi32, #tpu.memory_space<vmem>>
        %dma_wait3A_182 = tpu.memref_squeeze %dma_wait3A_181 : memref<1x128xi32, #tpu.memory_space<vmem>> -> memref<128xi32, #tpu.memory_space<vmem>>
        %dma_wait3A_183 = arith.constant 0 : i32
        %dma_wait3A_184 = arith.constant 0 : i32
        %dma_wait3A_185 = tpu.memref_slice %arg13[%dma_wait3A_183, %dma_wait3A_184] : memref<10240x16xf32, #tpu.memory_space<vmem_shared>> -> memref<10240x16xf32, #tpu.memory_space<vmem_shared>>
        tpu.wait_indirect_dma semaphore(%run_scoped3A_174 : memref<!tpu.dma_semaphore, #tpu.memory_space<semaphore_mem>>) src(%arg20 : memref<128x16xf32, #tpu.memory_space<vmem>>) dst(%dma_wait3A_185 : memref<10240x16xf32, #tpu.memory_space<vmem_shared>>)
        tpu.yield
      }) : () -> ()
    } else {
    }
    %gt3A_147 = arith.constant 76 : i32
    %gt3A_148 = arith.cmpi sgt, %select_n3A, %gt3A_147 : i32
    %convert_element_type3A_149 = arith.extui %gt3A_148 : i1 to i32
    %cond3A_150 = arith.constant 0 : i32
    %cond3A_151 = arith.cmpi ne, %convert_element_type3A_149, %cond3A_150 : i32
    scf.if %cond3A_151 {
      %dma_wait3A = arith.constant 0 : i32
      %dma_wait3A_168 = tpu.memref_slice %arg14[%squeeze3A_28, %dma_wait3A] : memref<80x128xi32, #tpu.memory_space<vmem>> -> memref<1x128xi32, #tpu.memory_space<vmem>>
      %dma_wait3A_169 = tpu.memref_squeeze %dma_wait3A_168 : memref<1x128xi32, #tpu.memory_space<vmem>> -> memref<128xi32, #tpu.memory_space<vmem>>
      %dma_wait3A_170 = arith.constant 0 : i32
      %dma_wait3A_171 = arith.constant 0 : i32
      %dma_wait3A_172 = tpu.memref_slice %arg2[%dma_wait3A_170, %dma_wait3A_171] : memref<10240x16xf32, #tpu.memory_space<hbm>> -> memref<10240x16xf32, #tpu.memory_space<hbm>>
      tpu.wait_indirect_dma semaphore(%arg29 : memref<!tpu.dma_semaphore, #tpu.memory_space<semaphore_mem>>) src(%dma_wait3A_172 : memref<10240x16xf32, #tpu.memory_space<hbm>>) dst(%arg21 : memref<128x16xf32, #tpu.memory_space<vmem>>)
      %run_scoped3A_173 = arith.constant 76 : i32
      "tpu.region"() ({
        %run_scoped3A_174 = tpu.sem_alloc : memref<!tpu.dma_semaphore, #tpu.memory_space<semaphore_mem>>
        %dma_start3A = arith.constant 0 : i32
        %dma_start3A_175 = tpu.memref_slice %arg15[%run_scoped3A_173, %dma_start3A] : memref<80x128xi32, #tpu.memory_space<vmem>> -> memref<1x128xi32, #tpu.memory_space<vmem>>
        %dma_start3A_176 = tpu.memref_squeeze %dma_start3A_175 : memref<1x128xi32, #tpu.memory_space<vmem>> -> memref<128xi32, #tpu.memory_space<vmem>>
        %dma_start3A_177 = arith.constant 0 : i32
        %dma_start3A_178 = arith.constant 0 : i32
        %dma_start3A_179 = tpu.memref_slice %arg13[%dma_start3A_177, %dma_start3A_178] : memref<10240x16xf32, #tpu.memory_space<vmem_shared>> -> memref<10240x16xf32, #tpu.memory_space<vmem_shared>>
        tpu.enqueue_indirect_dma source(%arg21 : memref<128x16xf32, #tpu.memory_space<vmem>>) target(%dma_start3A_179 : memref<10240x16xf32, #tpu.memory_space<vmem_shared>>) offsets(%dma_start3A_176 : memref<128xi32, #tpu.memory_space<vmem>>) semaphore(%run_scoped3A_174 : memref<!tpu.dma_semaphore, #tpu.memory_space<semaphore_mem>>) {add = true}
        %dma_wait3A_180 = arith.constant 0 : i32
        %dma_wait3A_181 = tpu.memref_slice %arg15[%run_scoped3A_173, %dma_wait3A_180] : memref<80x128xi32, #tpu.memory_space<vmem>> -> memref<1x128xi32, #tpu.memory_space<vmem>>
        %dma_wait3A_182 = tpu.memref_squeeze %dma_wait3A_181 : memref<1x128xi32, #tpu.memory_space<vmem>> -> memref<128xi32, #tpu.memory_space<vmem>>
        %dma_wait3A_183 = arith.constant 0 : i32
        %dma_wait3A_184 = arith.constant 0 : i32
        %dma_wait3A_185 = tpu.memref_slice %arg13[%dma_wait3A_183, %dma_wait3A_184] : memref<10240x16xf32, #tpu.memory_space<vmem_shared>> -> memref<10240x16xf32, #tpu.memory_space<vmem_shared>>
        tpu.wait_indirect_dma semaphore(%run_scoped3A_174 : memref<!tpu.dma_semaphore, #tpu.memory_space<semaphore_mem>>) src(%arg21 : memref<128x16xf32, #tpu.memory_space<vmem>>) dst(%dma_wait3A_185 : memref<10240x16xf32, #tpu.memory_space<vmem_shared>>)
        tpu.yield
      }) : () -> ()
    } else {
    }
    %gt3A_152 = arith.constant 77 : i32
    %gt3A_153 = arith.cmpi sgt, %select_n3A, %gt3A_152 : i32
    %convert_element_type3A_154 = arith.extui %gt3A_153 : i1 to i32
    %cond3A_155 = arith.constant 0 : i32
    %cond3A_156 = arith.cmpi ne, %convert_element_type3A_154, %cond3A_155 : i32
    scf.if %cond3A_156 {
      %dma_wait3A = arith.constant 0 : i32
      %dma_wait3A_168 = tpu.memref_slice %arg14[%squeeze3A_33, %dma_wait3A] : memref<80x128xi32, #tpu.memory_space<vmem>> -> memref<1x128xi32, #tpu.memory_space<vmem>>
      %dma_wait3A_169 = tpu.memref_squeeze %dma_wait3A_168 : memref<1x128xi32, #tpu.memory_space<vmem>> -> memref<128xi32, #tpu.memory_space<vmem>>
      %dma_wait3A_170 = arith.constant 0 : i32
      %dma_wait3A_171 = arith.constant 0 : i32
      %dma_wait3A_172 = tpu.memref_slice %arg2[%dma_wait3A_170, %dma_wait3A_171] : memref<10240x16xf32, #tpu.memory_space<hbm>> -> memref<10240x16xf32, #tpu.memory_space<hbm>>
      tpu.wait_indirect_dma semaphore(%arg30 : memref<!tpu.dma_semaphore, #tpu.memory_space<semaphore_mem>>) src(%dma_wait3A_172 : memref<10240x16xf32, #tpu.memory_space<hbm>>) dst(%arg22 : memref<128x16xf32, #tpu.memory_space<vmem>>)
      %run_scoped3A_173 = arith.constant 77 : i32
      "tpu.region"() ({
        %run_scoped3A_174 = tpu.sem_alloc : memref<!tpu.dma_semaphore, #tpu.memory_space<semaphore_mem>>
        %dma_start3A = arith.constant 0 : i32
        %dma_start3A_175 = tpu.memref_slice %arg15[%run_scoped3A_173, %dma_start3A] : memref<80x128xi32, #tpu.memory_space<vmem>> -> memref<1x128xi32, #tpu.memory_space<vmem>>
        %dma_start3A_176 = tpu.memref_squeeze %dma_start3A_175 : memref<1x128xi32, #tpu.memory_space<vmem>> -> memref<128xi32, #tpu.memory_space<vmem>>
        %dma_start3A_177 = arith.constant 0 : i32
        %dma_start3A_178 = arith.constant 0 : i32
        %dma_start3A_179 = tpu.memref_slice %arg13[%dma_start3A_177, %dma_start3A_178] : memref<10240x16xf32, #tpu.memory_space<vmem_shared>> -> memref<10240x16xf32, #tpu.memory_space<vmem_shared>>
        tpu.enqueue_indirect_dma source(%arg22 : memref<128x16xf32, #tpu.memory_space<vmem>>) target(%dma_start3A_179 : memref<10240x16xf32, #tpu.memory_space<vmem_shared>>) offsets(%dma_start3A_176 : memref<128xi32, #tpu.memory_space<vmem>>) semaphore(%run_scoped3A_174 : memref<!tpu.dma_semaphore, #tpu.memory_space<semaphore_mem>>) {add = true}
        %dma_wait3A_180 = arith.constant 0 : i32
        %dma_wait3A_181 = tpu.memref_slice %arg15[%run_scoped3A_173, %dma_wait3A_180] : memref<80x128xi32, #tpu.memory_space<vmem>> -> memref<1x128xi32, #tpu.memory_space<vmem>>
        %dma_wait3A_182 = tpu.memref_squeeze %dma_wait3A_181 : memref<1x128xi32, #tpu.memory_space<vmem>> -> memref<128xi32, #tpu.memory_space<vmem>>
        %dma_wait3A_183 = arith.constant 0 : i32
        %dma_wait3A_184 = arith.constant 0 : i32
        %dma_wait3A_185 = tpu.memref_slice %arg13[%dma_wait3A_183, %dma_wait3A_184] : memref<10240x16xf32, #tpu.memory_space<vmem_shared>> -> memref<10240x16xf32, #tpu.memory_space<vmem_shared>>
        tpu.wait_indirect_dma semaphore(%run_scoped3A_174 : memref<!tpu.dma_semaphore, #tpu.memory_space<semaphore_mem>>) src(%arg22 : memref<128x16xf32, #tpu.memory_space<vmem>>) dst(%dma_wait3A_185 : memref<10240x16xf32, #tpu.memory_space<vmem_shared>>)
        tpu.yield
      }) : () -> ()
    } else {
    }
    %gt3A_157 = arith.constant 78 : i32
    %gt3A_158 = arith.cmpi sgt, %select_n3A, %gt3A_157 : i32
    %convert_element_type3A_159 = arith.extui %gt3A_158 : i1 to i32
    %cond3A_160 = arith.constant 0 : i32
    %cond3A_161 = arith.cmpi ne, %convert_element_type3A_159, %cond3A_160 : i32
    scf.if %cond3A_161 {
      %dma_wait3A = arith.constant 0 : i32
      %dma_wait3A_168 = tpu.memref_slice %arg14[%squeeze3A_38, %dma_wait3A] : memref<80x128xi32, #tpu.memory_space<vmem>> -> memref<1x128xi32, #tpu.memory_space<vmem>>
      %dma_wait3A_169 = tpu.memref_squeeze %dma_wait3A_168 : memref<1x128xi32, #tpu.memory_space<vmem>> -> memref<128xi32, #tpu.memory_space<vmem>>
      %dma_wait3A_170 = arith.constant 0 : i32
      %dma_wait3A_171 = arith.constant 0 : i32
      %dma_wait3A_172 = tpu.memref_slice %arg2[%dma_wait3A_170, %dma_wait3A_171] : memref<10240x16xf32, #tpu.memory_space<hbm>> -> memref<10240x16xf32, #tpu.memory_space<hbm>>
      tpu.wait_indirect_dma semaphore(%arg31 : memref<!tpu.dma_semaphore, #tpu.memory_space<semaphore_mem>>) src(%dma_wait3A_172 : memref<10240x16xf32, #tpu.memory_space<hbm>>) dst(%arg23 : memref<128x16xf32, #tpu.memory_space<vmem>>)
      %run_scoped3A_173 = arith.constant 78 : i32
      "tpu.region"() ({
        %run_scoped3A_174 = tpu.sem_alloc : memref<!tpu.dma_semaphore, #tpu.memory_space<semaphore_mem>>
        %dma_start3A = arith.constant 0 : i32
        %dma_start3A_175 = tpu.memref_slice %arg15[%run_scoped3A_173, %dma_start3A] : memref<80x128xi32, #tpu.memory_space<vmem>> -> memref<1x128xi32, #tpu.memory_space<vmem>>
        %dma_start3A_176 = tpu.memref_squeeze %dma_start3A_175 : memref<1x128xi32, #tpu.memory_space<vmem>> -> memref<128xi32, #tpu.memory_space<vmem>>
        %dma_start3A_177 = arith.constant 0 : i32
        %dma_start3A_178 = arith.constant 0 : i32
        %dma_start3A_179 = tpu.memref_slice %arg13[%dma_start3A_177, %dma_start3A_178] : memref<10240x16xf32, #tpu.memory_space<vmem_shared>> -> memref<10240x16xf32, #tpu.memory_space<vmem_shared>>
        tpu.enqueue_indirect_dma source(%arg23 : memref<128x16xf32, #tpu.memory_space<vmem>>) target(%dma_start3A_179 : memref<10240x16xf32, #tpu.memory_space<vmem_shared>>) offsets(%dma_start3A_176 : memref<128xi32, #tpu.memory_space<vmem>>) semaphore(%run_scoped3A_174 : memref<!tpu.dma_semaphore, #tpu.memory_space<semaphore_mem>>) {add = true}
        %dma_wait3A_180 = arith.constant 0 : i32
        %dma_wait3A_181 = tpu.memref_slice %arg15[%run_scoped3A_173, %dma_wait3A_180] : memref<80x128xi32, #tpu.memory_space<vmem>> -> memref<1x128xi32, #tpu.memory_space<vmem>>
        %dma_wait3A_182 = tpu.memref_squeeze %dma_wait3A_181 : memref<1x128xi32, #tpu.memory_space<vmem>> -> memref<128xi32, #tpu.memory_space<vmem>>
        %dma_wait3A_183 = arith.constant 0 : i32
        %dma_wait3A_184 = arith.constant 0 : i32
        %dma_wait3A_185 = tpu.memref_slice %arg13[%dma_wait3A_183, %dma_wait3A_184] : memref<10240x16xf32, #tpu.memory_space<vmem_shared>> -> memref<10240x16xf32, #tpu.memory_space<vmem_shared>>
        tpu.wait_indirect_dma semaphore(%run_scoped3A_174 : memref<!tpu.dma_semaphore, #tpu.memory_space<semaphore_mem>>) src(%arg23 : memref<128x16xf32, #tpu.memory_space<vmem>>) dst(%dma_wait3A_185 : memref<10240x16xf32, #tpu.memory_space<vmem_shared>>)
        tpu.yield
      }) : () -> ()
    } else {
    }
    %gt3A_162 = arith.constant 79 : i32
    %gt3A_163 = arith.cmpi sgt, %select_n3A, %gt3A_162 : i32
    %convert_element_type3A_164 = arith.extui %gt3A_163 : i1 to i32
    %cond3A_165 = arith.constant 0 : i32
    %cond3A_166 = arith.cmpi ne, %convert_element_type3A_164, %cond3A_165 : i32
    scf.if %cond3A_166 {
      %dma_wait3A = arith.constant 0 : i32
      %dma_wait3A_168 = tpu.memref_slice %arg14[%squeeze3A_43, %dma_wait3A] : memref<80x128xi32, #tpu.memory_space<vmem>> -> memref<1x128xi32, #tpu.memory_space<vmem>>
      %dma_wait3A_169 = tpu.memref_squeeze %dma_wait3A_168 : memref<1x128xi32, #tpu.memory_space<vmem>> -> memref<128xi32, #tpu.memory_space<vmem>>
      %dma_wait3A_170 = arith.constant 0 : i32
      %dma_wait3A_171 = arith.constant 0 : i32
      %dma_wait3A_172 = tpu.memref_slice %arg2[%dma_wait3A_170, %dma_wait3A_171] : memref<10240x16xf32, #tpu.memory_space<hbm>> -> memref<10240x16xf32, #tpu.memory_space<hbm>>
      tpu.wait_indirect_dma semaphore(%arg32 : memref<!tpu.dma_semaphore, #tpu.memory_space<semaphore_mem>>) src(%dma_wait3A_172 : memref<10240x16xf32, #tpu.memory_space<hbm>>) dst(%arg24 : memref<128x16xf32, #tpu.memory_space<vmem>>)
      %run_scoped3A_173 = arith.constant 79 : i32
      "tpu.region"() ({
        %run_scoped3A_174 = tpu.sem_alloc : memref<!tpu.dma_semaphore, #tpu.memory_space<semaphore_mem>>
        %dma_start3A = arith.constant 0 : i32
        %dma_start3A_175 = tpu.memref_slice %arg15[%run_scoped3A_173, %dma_start3A] : memref<80x128xi32, #tpu.memory_space<vmem>> -> memref<1x128xi32, #tpu.memory_space<vmem>>
        %dma_start3A_176 = tpu.memref_squeeze %dma_start3A_175 : memref<1x128xi32, #tpu.memory_space<vmem>> -> memref<128xi32, #tpu.memory_space<vmem>>
        %dma_start3A_177 = arith.constant 0 : i32
        %dma_start3A_178 = arith.constant 0 : i32
        %dma_start3A_179 = tpu.memref_slice %arg13[%dma_start3A_177, %dma_start3A_178] : memref<10240x16xf32, #tpu.memory_space<vmem_shared>> -> memref<10240x16xf32, #tpu.memory_space<vmem_shared>>
        tpu.enqueue_indirect_dma source(%arg24 : memref<128x16xf32, #tpu.memory_space<vmem>>) target(%dma_start3A_179 : memref<10240x16xf32, #tpu.memory_space<vmem_shared>>) offsets(%dma_start3A_176 : memref<128xi32, #tpu.memory_space<vmem>>) semaphore(%run_scoped3A_174 : memref<!tpu.dma_semaphore, #tpu.memory_space<semaphore_mem>>) {add = true}
        %dma_wait3A_180 = arith.constant 0 : i32
        %dma_wait3A_181 = tpu.memref_slice %arg15[%run_scoped3A_173, %dma_wait3A_180] : memref<80x128xi32, #tpu.memory_space<vmem>> -> memref<1x128xi32, #tpu.memory_space<vmem>>
        %dma_wait3A_182 = tpu.memref_squeeze %dma_wait3A_181 : memref<1x128xi32, #tpu.memory_space<vmem>> -> memref<128xi32, #tpu.memory_space<vmem>>
        %dma_wait3A_183 = arith.constant 0 : i32
        %dma_wait3A_184 = arith.constant 0 : i32
        %dma_wait3A_185 = tpu.memref_slice %arg13[%dma_wait3A_183, %dma_wait3A_184] : memref<10240x16xf32, #tpu.memory_space<vmem_shared>> -> memref<10240x16xf32, #tpu.memory_space<vmem_shared>>
        tpu.wait_indirect_dma semaphore(%run_scoped3A_174 : memref<!tpu.dma_semaphore, #tpu.memory_space<semaphore_mem>>) src(%arg24 : memref<128x16xf32, #tpu.memory_space<vmem>>) dst(%dma_wait3A_185 : memref<10240x16xf32, #tpu.memory_space<vmem_shared>>)
        tpu.yield
      }) : () -> ()
    } else {
    }
    %barrier3A_167 = arith.constant 0 : index
    tpu.barrier barrier_id(%barrier3A_167)
    "tpu.region"() ({
      %run_scoped3A_168 = tpu.sem_alloc : memref<!tpu.dma_semaphore, #tpu.memory_space<semaphore_mem>>
      %dma_start3A = arith.constant 0 : i32
      %dma_start3A_169 = tpu.memref_slice %arg12[%arg0, %mul3A_52, %dma_start3A] : memref<2x10240x16xf32, #tpu.memory_space<hbm>> -> memref<1x640x16xf32, #tpu.memory_space<hbm>>
      %dma_start3A_170 = tpu.memref_squeeze %dma_start3A_169 : memref<1x640x16xf32, #tpu.memory_space<hbm>> -> memref<640x16xf32, #tpu.memory_space<hbm>>
      %dma_start3A_171 = arith.constant 0 : i32
      %dma_start3A_172 = tpu.memref_slice %arg13[%mul3A_52, %dma_start3A_171] : memref<10240x16xf32, #tpu.memory_space<vmem_shared>> -> memref<640x16xf32, #tpu.memory_space<vmem_shared>>
      tpu.enqueue_dma source(%dma_start3A_172 : memref<640x16xf32, #tpu.memory_space<vmem_shared>>) target(%dma_start3A_170 : memref<640x16xf32, #tpu.memory_space<hbm>>) target_semaphore(%run_scoped3A_168 : memref<!tpu.dma_semaphore, #tpu.memory_space<semaphore_mem>>)
      %dma_wait3A = arith.constant 0 : i32
      %dma_wait3A_173 = tpu.memref_slice %arg12[%arg0, %mul3A_52, %dma_wait3A] : memref<2x10240x16xf32, #tpu.memory_space<hbm>> -> memref<1x640x16xf32, #tpu.memory_space<hbm>>
      %dma_wait3A_174 = tpu.memref_squeeze %dma_wait3A_173 : memref<1x640x16xf32, #tpu.memory_space<hbm>> -> memref<640x16xf32, #tpu.memory_space<hbm>>
      %dma_wait3A_175 = arith.constant 0 : i32
      %dma_wait3A_176 = tpu.memref_slice %arg13[%mul3A_52, %dma_wait3A_175] : memref<10240x16xf32, #tpu.memory_space<vmem_shared>> -> memref<640x16xf32, #tpu.memory_space<vmem_shared>>
      tpu.wait_dma2 semaphore(%run_scoped3A_168 : memref<!tpu.dma_semaphore, #tpu.memory_space<semaphore_mem>>) src(%dma_wait3A_176 : memref<640x16xf32, #tpu.memory_space<vmem_shared>>) dst(%dma_wait3A_174 : memref<640x16xf32, #tpu.memory_space<hbm>>)
      tpu.yield
    }) : () -> ()
    return
  }
}

#map = affine_map<(d0, d1) -> (0, 0)>
#map1 = affine_map<(d0, d1) -> (0, 0, 0)>
#map2 = affine_map<(d0, d1) -> (0)>
module attributes {stable_mosaic.version = 14 : i64} {
  func.func @_rewritten_body(%arg0: i32, %arg1: i32, %arg2: memref<10240x16xf32, #tpu.memory_space<hbm>>, %arg3: memref<2x2500x128xi32, #tpu.memory_space<hbm>>, %arg4: memref<1xi32, #tpu.memory_space<hbm>>, %arg5: memref<1xi32, #tpu.memory_space<hbm>>, %arg6: memref<1xi32, #tpu.memory_space<hbm>>, %arg7: memref<1xi32, #tpu.memory_space<hbm>>, %arg8: memref<1xi32, #tpu.memory_space<hbm>>, %arg9: memref<1xi32, #tpu.memory_space<hbm>>, %arg10: memref<1xi32, #tpu.memory_space<hbm>>, %arg11: memref<1xi32, #tpu.memory_space<hbm>>, %arg12: memref<2x10240x16xf32, #tpu.memory_space<hbm>>, %arg13: memref<10240x16xf32, #tpu.memory_space<vmem_shared>>, %arg14: memref<80x128xi32, #tpu.memory_space<vmem>>, %arg15: memref<80x128xi32, #tpu.memory_space<vmem>>, %arg16: memref<128x16xf32, #tpu.memory_space<vmem>>, %arg17: memref<128x16xf32, #tpu.memory_space<vmem>>, %arg18: memref<128x16xf32, #tpu.memory_space<vmem>>, %arg19: memref<128x16xf32, #tpu.memory_space<vmem>>, %arg20: memref<128x16xf32, #tpu.memory_space<vmem>>, %arg21: memref<128x16xf32, #tpu.memory_space<vmem>>, %arg22: memref<128x16xf32, #tpu.memory_space<vmem>>, %arg23: memref<128x16xf32, #tpu.memory_space<vmem>>, %arg24: memref<128x16xf32, #tpu.memory_space<vmem>>, %arg25: memref<!tpu.dma_semaphore, #tpu.memory_space<semaphore_mem>>, %arg26: memref<!tpu.dma_semaphore, #tpu.memory_space<semaphore_mem>>, %arg27: memref<!tpu.dma_semaphore, #tpu.memory_space<semaphore_mem>>, %arg28: memref<!tpu.dma_semaphore, #tpu.memory_space<semaphore_mem>>, %arg29: memref<!tpu.dma_semaphore, #tpu.memory_space<semaphore_mem>>, %arg30: memref<!tpu.dma_semaphore, #tpu.memory_space<semaphore_mem>>, %arg31: memref<!tpu.dma_semaphore, #tpu.memory_space<semaphore_mem>>, %arg32: memref<!tpu.dma_semaphore, #tpu.memory_space<semaphore_mem>>, %arg33: memref<!tpu.dma_semaphore, #tpu.memory_space<semaphore_mem>>, %arg34: memref<!tpu.dma_semaphore, #tpu.memory_space<semaphore_mem>>, %arg35: memref<!tpu.dma_semaphore, #tpu.memory_space<semaphore_mem>>, %arg36: memref<!tpu.dma_semaphore, #tpu.memory_space<semaphore_mem>>, %arg37: memref<!tpu.dma_semaphore, #tpu.memory_space<semaphore_mem>>, %arg38: memref<!tpu.dma_semaphore, #tpu.memory_space<semaphore_mem>>, %arg39: memref<!tpu.dma_semaphore, #tpu.memory_space<semaphore_mem>>, %arg40: memref<!tpu.dma_semaphore, #tpu.memory_space<semaphore_mem>>) attributes {dimension_semantics = [#tpu.dimension_semantics<core_parallel>, #tpu.dimension_semantics<subcore_parallel>], iteration_bounds = array<i64: 2, 16>, scalar_prefetch = 0 : i64, scratch_operands = 28 : i64, tpu.core_type = #tpu.core_type<sc_vector_subcore>, window_params = [{transform_indices = #map}, {transform_indices = #map1}, {transform_indices = #map2}, {transform_indices = #map2}, {transform_indices = #map2}, {transform_indices = #map2}, {transform_indices = #map2}, {transform_indices = #map2}, {transform_indices = #map2}, {transform_indices = #map2}, {transform_indices = #map1}]} {
    %empty_ref3A = memref.alloca() : memref<16xi32, #tpu.memory_space<vmem>>
    %empty_ref3A_0 = memref.alloca() : memref<16xi32, #tpu.memory_space<vmem>>
    %empty_ref3A_1 = memref.alloca() : memref<16xi32, #tpu.memory_space<vmem>>
    %empty_ref3A_2 = memref.alloca() : memref<16xi32, #tpu.memory_space<vmem>>
    %empty_ref3A_3 = memref.alloca() : memref<16xi32, #tpu.memory_space<vmem>>
    %empty_ref3A_4 = memref.alloca() : memref<16xi32, #tpu.memory_space<vmem>>
    %empty_ref3A_5 = memref.alloca() : memref<16xi32, #tpu.memory_space<vmem>>
    %empty_ref3A_6 = memref.alloca() : memref<16xi32, #tpu.memory_space<vmem>>
    "tpu.region"() ({
      %run_scoped3A_168 = tpu.sem_alloc : memref<!tpu.dma_semaphore, #tpu.memory_space<semaphore_mem>>
      %dma_start3A = arith.constant 0 : i32
      %dma_start3A_169 = tpu.memref_slice %empty_ref3A[%dma_start3A] : memref<16xi32, #tpu.memory_space<vmem>> -> memref<1xi32, #tpu.memory_space<vmem>>
      %dma_start3A_170 = arith.constant 0 : i32
      %dma_start3A_171 = tpu.memref_slice %empty_ref3A[%dma_start3A_170] : memref<16xi32, #tpu.memory_space<vmem>> -> memref<1xi32, #tpu.memory_space<vmem>>
      tpu.enqueue_dma source(%arg4 : memref<1xi32, #tpu.memory_space<hbm>>) target(%dma_start3A_171 : memref<1xi32, #tpu.memory_space<vmem>>) target_semaphore(%run_scoped3A_168 : memref<!tpu.dma_semaphore, #tpu.memory_space<semaphore_mem>>)
      %dma_start3A_172 = arith.constant 0 : i32
      %dma_start3A_173 = tpu.memref_slice %empty_ref3A_0[%dma_start3A_172] : memref<16xi32, #tpu.memory_space<vmem>> -> memref<1xi32, #tpu.memory_space<vmem>>
      %dma_start3A_174 = arith.constant 0 : i32
      %dma_start3A_175 = tpu.memref_slice %empty_ref3A_0[%dma_start3A_174] : memref<16xi32, #tpu.memory_space<vmem>> -> memref<1xi32, #tpu.memory_space<vmem>>
      tpu.enqueue_dma source(%arg5 : memref<1xi32, #tpu.memory_space<hbm>>) target(%dma_start3A_175 : memref<1xi32, #tpu.memory_space<vmem>>) target_semaphore(%run_scoped3A_168 : memref<!tpu.dma_semaphore, #tpu.memory_space<semaphore_mem>>)
      %dma_start3A_176 = arith.constant 0 : i32
      %dma_start3A_177 = tpu.memref_slice %empty_ref3A_1[%dma_start3A_176] : memref<16xi32, #tpu.memory_space<vmem>> -> memref<1xi32, #tpu.memory_space<vmem>>
      %dma_start3A_178 = arith.constant 0 : i32
      %dma_start3A_179 = tpu.memref_slice %empty_ref3A_1[%dma_start3A_178] : memref<16xi32, #tpu.memory_space<vmem>> -> memref<1xi32, #tpu.memory_space<vmem>>
      tpu.enqueue_dma source(%arg6 : memref<1xi32, #tpu.memory_space<hbm>>) target(%dma_start3A_179 : memref<1xi32, #tpu.memory_space<vmem>>) target_semaphore(%run_scoped3A_168 : memref<!tpu.dma_semaphore, #tpu.memory_space<semaphore_mem>>)
      %dma_start3A_180 = arith.constant 0 : i32
      %dma_start3A_181 = tpu.memref_slice %empty_ref3A_2[%dma_start3A_180] : memref<16xi32, #tpu.memory_space<vmem>> -> memref<1xi32, #tpu.memory_space<vmem>>
      %dma_start3A_182 = arith.constant 0 : i32
      %dma_start3A_183 = tpu.memref_slice %empty_ref3A_2[%dma_start3A_182] : memref<16xi32, #tpu.memory_space<vmem>> -> memref<1xi32, #tpu.memory_space<vmem>>
      tpu.enqueue_dma source(%arg7 : memref<1xi32, #tpu.memory_space<hbm>>) target(%dma_start3A_183 : memref<1xi32, #tpu.memory_space<vmem>>) target_semaphore(%run_scoped3A_168 : memref<!tpu.dma_semaphore, #tpu.memory_space<semaphore_mem>>)
      %dma_start3A_184 = arith.constant 0 : i32
      %dma_start3A_185 = tpu.memref_slice %empty_ref3A_3[%dma_start3A_184] : memref<16xi32, #tpu.memory_space<vmem>> -> memref<1xi32, #tpu.memory_space<vmem>>
      %dma_start3A_186 = arith.constant 0 : i32
      %dma_start3A_187 = tpu.memref_slice %empty_ref3A_3[%dma_start3A_186] : memref<16xi32, #tpu.memory_space<vmem>> -> memref<1xi32, #tpu.memory_space<vmem>>
      tpu.enqueue_dma source(%arg8 : memref<1xi32, #tpu.memory_space<hbm>>) target(%dma_start3A_187 : memref<1xi32, #tpu.memory_space<vmem>>) target_semaphore(%run_scoped3A_168 : memref<!tpu.dma_semaphore, #tpu.memory_space<semaphore_mem>>)
      %dma_start3A_188 = arith.constant 0 : i32
      %dma_start3A_189 = tpu.memref_slice %empty_ref3A_4[%dma_start3A_188] : memref<16xi32, #tpu.memory_space<vmem>> -> memref<1xi32, #tpu.memory_space<vmem>>
      %dma_start3A_190 = arith.constant 0 : i32
      %dma_start3A_191 = tpu.memref_slice %empty_ref3A_4[%dma_start3A_190] : memref<16xi32, #tpu.memory_space<vmem>> -> memref<1xi32, #tpu.memory_space<vmem>>
      tpu.enqueue_dma source(%arg9 : memref<1xi32, #tpu.memory_space<hbm>>) target(%dma_start3A_191 : memref<1xi32, #tpu.memory_space<vmem>>) target_semaphore(%run_scoped3A_168 : memref<!tpu.dma_semaphore, #tpu.memory_space<semaphore_mem>>)
      %dma_start3A_192 = arith.constant 0 : i32
      %dma_start3A_193 = tpu.memref_slice %empty_ref3A_5[%dma_start3A_192] : memref<16xi32, #tpu.memory_space<vmem>> -> memref<1xi32, #tpu.memory_space<vmem>>
      %dma_start3A_194 = arith.constant 0 : i32
      %dma_start3A_195 = tpu.memref_slice %empty_ref3A_5[%dma_start3A_194] : memref<16xi32, #tpu.memory_space<vmem>> -> memref<1xi32, #tpu.memory_space<vmem>>
      tpu.enqueue_dma source(%arg10 : memref<1xi32, #tpu.memory_space<hbm>>) target(%dma_start3A_195 : memref<1xi32, #tpu.memory_space<vmem>>) target_semaphore(%run_scoped3A_168 : memref<!tpu.dma_semaphore, #tpu.memory_space<semaphore_mem>>)
      %dma_start3A_196 = arith.constant 0 : i32
      %dma_start3A_197 = tpu.memref_slice %empty_ref3A_6[%dma_start3A_196] : memref<16xi32, #tpu.memory_space<vmem>> -> memref<1xi32, #tpu.memory_space<vmem>>
      %dma_start3A_198 = arith.constant 0 : i32
      %dma_start3A_199 = tpu.memref_slice %empty_ref3A_6[%dma_start3A_198] : memref<16xi32, #tpu.memory_space<vmem>> -> memref<1xi32, #tpu.memory_space<vmem>>
      tpu.enqueue_dma source(%arg11 : memref<1xi32, #tpu.memory_space<hbm>>) target(%dma_start3A_199 : memref<1xi32, #tpu.memory_space<vmem>>) target_semaphore(%run_scoped3A_168 : memref<!tpu.dma_semaphore, #tpu.memory_space<semaphore_mem>>)
      %dma_wait3A = arith.constant 0 : i32
      %dma_wait3A_200 = tpu.memref_slice %empty_ref3A[%dma_wait3A] : memref<16xi32, #tpu.memory_space<vmem>> -> memref<1xi32, #tpu.memory_space<vmem>>
      %dma_wait3A_201 = arith.constant 0 : i32
      %dma_wait3A_202 = tpu.memref_slice %empty_ref3A[%dma_wait3A_201] : memref<16xi32, #tpu.memory_space<vmem>> -> memref<1xi32, #tpu.memory_space<vmem>>
      tpu.wait_dma2 semaphore(%run_scoped3A_168 : memref<!tpu.dma_semaphore, #tpu.memory_space<semaphore_mem>>) src(%arg4 : memref<1xi32, #tpu.memory_space<hbm>>) dst(%dma_wait3A_202 : memref<1xi32, #tpu.memory_space<vmem>>)
      %dma_wait3A_203 = arith.constant 0 : i32
      %dma_wait3A_204 = tpu.memref_slice %empty_ref3A_0[%dma_wait3A_203] : memref<16xi32, #tpu.memory_space<vmem>> -> memref<1xi32, #tpu.memory_space<vmem>>
      %dma_wait3A_205 = arith.constant 0 : i32
      %dma_wait3A_206 = tpu.memref_slice %empty_ref3A_0[%dma_wait3A_205] : memref<16xi32, #tpu.memory_space<vmem>> -> memref<1xi32, #tpu.memory_space<vmem>>
      tpu.wait_dma2 semaphore(%run_scoped3A_168 : memref<!tpu.dma_semaphore, #tpu.memory_space<semaphore_mem>>) src(%arg5 : memref<1xi32, #tpu.memory_space<hbm>>) dst(%dma_wait3A_206 : memref<1xi32, #tpu.memory_space<vmem>>)
      %dma_wait3A_207 = arith.constant 0 : i32
      %dma_wait3A_208 = tpu.memref_slice %empty_ref3A_1[%dma_wait3A_207] : memref<16xi32, #tpu.memory_space<vmem>> -> memref<1xi32, #tpu.memory_space<vmem>>
      %dma_wait3A_209 = arith.constant 0 : i32
      %dma_wait3A_210 = tpu.memref_slice %empty_ref3A_1[%dma_wait3A_209] : memref<16xi32, #tpu.memory_space<vmem>> -> memref<1xi32, #tpu.memory_space<vmem>>
      tpu.wait_dma2 semaphore(%run_scoped3A_168 : memref<!tpu.dma_semaphore, #tpu.memory_space<semaphore_mem>>) src(%arg6 : memref<1xi32, #tpu.memory_space<hbm>>) dst(%dma_wait3A_210 : memref<1xi32, #tpu.memory_space<vmem>>)
      %dma_wait3A_211 = arith.constant 0 : i32
      %dma_wait3A_212 = tpu.memref_slice %empty_ref3A_2[%dma_wait3A_211] : memref<16xi32, #tpu.memory_space<vmem>> -> memref<1xi32, #tpu.memory_space<vmem>>
      %dma_wait3A_213 = arith.constant 0 : i32
      %dma_wait3A_214 = tpu.memref_slice %empty_ref3A_2[%dma_wait3A_213] : memref<16xi32, #tpu.memory_space<vmem>> -> memref<1xi32, #tpu.memory_space<vmem>>
      tpu.wait_dma2 semaphore(%run_scoped3A_168 : memref<!tpu.dma_semaphore, #tpu.memory_space<semaphore_mem>>) src(%arg7 : memref<1xi32, #tpu.memory_space<hbm>>) dst(%dma_wait3A_214 : memref<1xi32, #tpu.memory_space<vmem>>)
      %dma_wait3A_215 = arith.constant 0 : i32
      %dma_wait3A_216 = tpu.memref_slice %empty_ref3A_3[%dma_wait3A_215] : memref<16xi32, #tpu.memory_space<vmem>> -> memref<1xi32, #tpu.memory_space<vmem>>
      %dma_wait3A_217 = arith.constant 0 : i32
      %dma_wait3A_218 = tpu.memref_slice %empty_ref3A_3[%dma_wait3A_217] : memref<16xi32, #tpu.memory_space<vmem>> -> memref<1xi32, #tpu.memory_space<vmem>>
      tpu.wait_dma2 semaphore(%run_scoped3A_168 : memref<!tpu.dma_semaphore, #tpu.memory_space<semaphore_mem>>) src(%arg8 : memref<1xi32, #tpu.memory_space<hbm>>) dst(%dma_wait3A_218 : memref<1xi32, #tpu.memory_space<vmem>>)
      %dma_wait3A_219 = arith.constant 0 : i32
      %dma_wait3A_220 = tpu.memref_slice %empty_ref3A_4[%dma_wait3A_219] : memref<16xi32, #tpu.memory_space<vmem>> -> memref<1xi32, #tpu.memory_space<vmem>>
      %dma_wait3A_221 = arith.constant 0 : i32
      %dma_wait3A_222 = tpu.memref_slice %empty_ref3A_4[%dma_wait3A_221] : memref<16xi32, #tpu.memory_space<vmem>> -> memref<1xi32, #tpu.memory_space<vmem>>
      tpu.wait_dma2 semaphore(%run_scoped3A_168 : memref<!tpu.dma_semaphore, #tpu.memory_space<semaphore_mem>>) src(%arg9 : memref<1xi32, #tpu.memory_space<hbm>>) dst(%dma_wait3A_222 : memref<1xi32, #tpu.memory_space<vmem>>)
      %dma_wait3A_223 = arith.constant 0 : i32
      %dma_wait3A_224 = tpu.memref_slice %empty_ref3A_5[%dma_wait3A_223] : memref<16xi32, #tpu.memory_space<vmem>> -> memref<1xi32, #tpu.memory_space<vmem>>
      %dma_wait3A_225 = arith.constant 0 : i32
      %dma_wait3A_226 = tpu.memref_slice %empty_ref3A_5[%dma_wait3A_225] : memref<16xi32, #tpu.memory_space<vmem>> -> memref<1xi32, #tpu.memory_space<vmem>>
      tpu.wait_dma2 semaphore(%run_scoped3A_168 : memref<!tpu.dma_semaphore, #tpu.memory_space<semaphore_mem>>) src(%arg10 : memref<1xi32, #tpu.memory_space<hbm>>) dst(%dma_wait3A_226 : memref<1xi32, #tpu.memory_space<vmem>>)
      %dma_wait3A_227 = arith.constant 0 : i32
      %dma_wait3A_228 = tpu.memref_slice %empty_ref3A_6[%dma_wait3A_227] : memref<16xi32, #tpu.memory_space<vmem>> -> memref<1xi32, #tpu.memory_space<vmem>>
      %dma_wait3A_229 = arith.constant 0 : i32
      %dma_wait3A_230 = tpu.memref_slice %empty_ref3A_6[%dma_wait3A_229] : memref<16xi32, #tpu.memory_space<vmem>> -> memref<1xi32, #tpu.memory_space<vmem>>
      tpu.wait_dma2 semaphore(%run_scoped3A_168 : memref<!tpu.dma_semaphore, #tpu.memory_space<semaphore_mem>>) src(%arg11 : memref<1xi32, #tpu.memory_space<hbm>>) dst(%dma_wait3A_230 : memref<1xi32, #tpu.memory_space<vmem>>)
      tpu.yield
    }) : () -> ()
    %get3A = arith.constant 0 : index
    %get3A_7 = tpu.vector_load %empty_ref3A[%get3A] {strides = array<i32>} : memref<16xi32, #tpu.memory_space<vmem>>, vector<16xi32>,
    %get3A_8 = vector.shape_cast %get3A_7 : vector<16xi32> to vector<16xi32>
    %slice3A = vector.extract_strided_slice %get3A_8 {offsets = [0], sizes = [1], strides = [1]} : vector<16xi32> to vector<1xi32>
    %squeeze3A = vector.extract %slice3A[0] : i32 from vector<1xi32>
    %get3A_9 = arith.constant 0 : index
    %get3A_10 = tpu.vector_load %empty_ref3A_0[%get3A_9] {strides = array<i32>} : memref<16xi32, #tpu.memory_space<vmem>>, vector<16xi32>,
    %get3A_11 = vector.shape_cast %get3A_10 : vector<16xi32> to vector<16xi32>
    %slice3A_12 = vector.extract_strided_slice %get3A_11 {offsets = [0], sizes = [1], strides = [1]} : vector<16xi32> to vector<1xi32>
    %squeeze3A_13 = vector.extract %slice3A_12[0] : i32 from vector<1xi32>
    %get3A_14 = arith.constant 0 : index
    %get3A_15 = tpu.vector_load %empty_ref3A_1[%get3A_14] {strides = array<i32>} : memref<16xi32, #tpu.memory_space<vmem>>, vector<16xi32>,
    %get3A_16 = vector.shape_cast %get3A_15 : vector<16xi32> to vector<16xi32>
    %slice3A_17 = vector.extract_strided_slice %get3A_16 {offsets = [0], sizes = [1], strides = [1]} : vector<16xi32> to vector<1xi32>
    %squeeze3A_18 = vector.extract %slice3A_17[0] : i32 from vector<1xi32>
    %get3A_19 = arith.constant 0 : index
    %get3A_20 = tpu.vector_load %empty_ref3A_2[%get3A_19] {strides = array<i32>} : memref<16xi32, #tpu.memory_space<vmem>>, vector<16xi32>,
    %get3A_21 = vector.shape_cast %get3A_20 : vector<16xi32> to vector<16xi32>
    %slice3A_22 = vector.extract_strided_slice %get3A_21 {offsets = [0], sizes = [1], strides = [1]} : vector<16xi32> to vector<1xi32>
    %squeeze3A_23 = vector.extract %slice3A_22[0] : i32 from vector<1xi32>
    %get3A_24 = arith.constant 0 : index
    %get3A_25 = tpu.vector_load %empty_ref3A_3[%get3A_24] {strides = array<i32>} : memref<16xi32, #tpu.memory_space<vmem>>, vector<16xi32>,
    %get3A_26 = vector.shape_cast %get3A_25 : vector<16xi32> to vector<16xi32>
    %slice3A_27 = vector.extract_strided_slice %get3A_26 {offsets = [0], sizes = [1], strides = [1]} : vector<16xi32> to vector<1xi32>
    %squeeze3A_28 = vector.extract %slice3A_27[0] : i32 from vector<1xi32>
    %get3A_29 = arith.constant 0 : index
    %get3A_30 = tpu.vector_load %empty_ref3A_4[%get3A_29] {strides = array<i32>} : memref<16xi32, #tpu.memory_space<vmem>>, vector<16xi32>,
    %get3A_31 = vector.shape_cast %get3A_30 : vector<16xi32> to vector<16xi32>
    %slice3A_32 = vector.extract_strided_slice %get3A_31 {offsets = [0], sizes = [1], strides = [1]} : vector<16xi32> to vector<1xi32>
    %squeeze3A_33 = vector.extract %slice3A_32[0] : i32 from vector<1xi32>
    %get3A_34 = arith.constant 0 : index
    %get3A_35 = tpu.vector_load %empty_ref3A_5[%get3A_34] {strides = array<i32>} : memref<16xi32, #tpu.memory_space<vmem>>, vector<16xi32>,
    %get3A_36 = vector.shape_cast %get3A_35 : vector<16xi32> to vector<16xi32>
    %slice3A_37 = vector.extract_strided_slice %get3A_36 {offsets = [0], sizes = [1], strides = [1]} : vector<16xi32> to vector<1xi32>
    %squeeze3A_38 = vector.extract %slice3A_37[0] : i32 from vector<1xi32>
    %get3A_39 = arith.constant 0 : index
    %get3A_40 = tpu.vector_load %empty_ref3A_6[%get3A_39] {strides = array<i32>} : memref<16xi32, #tpu.memory_space<vmem>>, vector<16xi32>,
    %get3A_41 = vector.shape_cast %get3A_40 : vector<16xi32> to vector<16xi32>
    %slice3A_42 = vector.extract_strided_slice %get3A_41 {offsets = [0], sizes = [1], strides = [1]} : vector<16xi32> to vector<1xi32>
    %squeeze3A_43 = vector.extract %slice3A_42[0] : i32 from vector<1xi32>
    %mul3A = arith.constant 2 : i32
    %mul3A_44 = arith.muli %arg1, %mul3A : i32
    %add3A = arith.addi %mul3A_44, %arg0 : i32
    %lt3A = arith.constant 4 : i32
    %lt3A_45 = arith.cmpi slt, %add3A, %lt3A : i32
    %jit3A = arith.constant 79 : i32
    %jit3A_46 = arith.constant 78 : i32
    %select_n3A = arith.select %lt3A_45, %jit3A, %jit3A_46 : i32
    %mul3A_47 = arith.constant 78 : i32
    %mul3A_48 = arith.muli %mul3A_47, %add3A : i32
    %min3A = arith.constant 4 : i32
    %min3A_49 = arith.minsi %add3A, %min3A : i32
    %add3A_50 = arith.addi %mul3A_48, %min3A_49 : i32
    %mul3A_51 = arith.constant 640 : i32
    %mul3A_52 = arith.muli %arg1, %mul3A_51 : i32
    %scan3A = arith.constant 0 : i32
    %scan3A_53 = arith.constant 0 : i32
    %scan3A_54 = arith.constant 128 : i32
    %scan3A_55 = arith.addi %scan3A_53, %scan3A_54 : i32
    %scan3A_56 = arith.constant 1 : i32
    scf.for %scan3A_168 = %scan3A_53 to %scan3A_55 step %scan3A_56  : i32 {
      %broadcast_in_dim3A = arith.constant 0.000000e+00 : f32
      %broadcast_in_dim3A_169 = vector.broadcast %broadcast_in_dim3A : f32 to vector<16xf32>
      %swap3A = arith.index_cast %scan3A_168 : i32 to index
      %swap3A_170 = arith.constant 0 : index
      %swap3A_171 = tpu.vector_load %arg16[%swap3A, %swap3A_170] {strides = array<i32>} : memref<128x16xf32, #tpu.memory_space<vmem>>, vector<1x16xf32>,
      %swap3A_172 = vector.shape_cast %swap3A_171 : vector<1x16xf32> to vector<16xf32>
      %swap3A_173 = vector.shape_cast %broadcast_in_dim3A_169 : vector<16xf32> to vector<1x16xf32>
      tpu.vector_store %arg16[%swap3A, %swap3A_170], %swap3A_173 {strides = array<i32>} : memref<128x16xf32, #tpu.memory_space<vmem>>, vector<1x16xf32>,
    }
    %scan3A_57 = arith.constant 128 : i32
    %mul3A_58 = arith.constant 640 : i32
    %mul3A_59 = arith.muli %arg1, %mul3A_58 : i32
    %add3A_60 = arith.constant 0 : i32
    %add3A_61 = arith.addi %mul3A_59, %add3A_60 : i32
    "tpu.region"() ({
      %run_scoped3A_168 = tpu.sem_alloc : memref<!tpu.dma_semaphore, #tpu.memory_space<semaphore_mem>>
      %dma_start3A = arith.constant 0 : i32
      %dma_start3A_169 = tpu.memref_slice %arg13[%add3A_61, %dma_start3A] : memref<10240x16xf32, #tpu.memory_space<vmem_shared>> -> memref<128x16xf32, #tpu.memory_space<vmem_shared>>
      %dma_start3A_170 = arith.constant 0 : i32
      %dma_start3A_171 = tpu.memref_slice %arg13[%add3A_61, %dma_start3A_170] : memref<10240x16xf32, #tpu.memory_space<vmem_shared>> -> memref<128x16xf32, #tpu.memory_space<vmem_shared>>
      tpu.enqueue_dma source(%arg16 : memref<128x16xf32, #tpu.memory_space<vmem>>) target(%dma_start3A_171 : memref<128x16xf32, #tpu.memory_space<vmem_shared>>) target_semaphore(%run_scoped3A_168 : memref<!tpu.dma_semaphore, #tpu.memory_space<semaphore_mem>>)
      %dma_wait3A = arith.constant 0 : i32
      %dma_wait3A_172 = tpu.memref_slice %arg13[%add3A_61, %dma_wait3A] : memref<10240x16xf32, #tpu.memory_space<vmem_shared>> -> memref<128x16xf32, #tpu.memory_space<vmem_shared>>
      %dma_wait3A_173 = arith.constant 0 : i32
      %dma_wait3A_174 = tpu.memref_slice %arg13[%add3A_61, %dma_wait3A_173] : memref<10240x16xf32, #tpu.memory_space<vmem_shared>> -> memref<128x16xf32, #tpu.memory_space<vmem_shared>>
      tpu.wait_dma2 semaphore(%run_scoped3A_168 : memref<!tpu.dma_semaphore, #tpu.memory_space<semaphore_mem>>) src(%arg16 : memref<128x16xf32, #tpu.memory_space<vmem>>) dst(%dma_wait3A_174 : memref<128x16xf32, #tpu.memory_space<vmem_shared>>)
      tpu.yield
    }) : () -> ()
    %mul3A_62 = arith.constant 640 : i32
    %mul3A_63 = arith.muli %arg1, %mul3A_62 : i32
    %add3A_64 = arith.constant 128 : i32
    %add3A_65 = arith.addi %mul3A_63, %add3A_64 : i32
    "tpu.region"() ({
      %run_scoped3A_168 = tpu.sem_alloc : memref<!tpu.dma_semaphore, #tpu.memory_space<semaphore_mem>>
      %dma_start3A = arith.constant 0 : i32
      %dma_start3A_169 = tpu.memref_slice %arg13[%add3A_65, %dma_start3A] : memref<10240x16xf32, #tpu.memory_space<vmem_shared>> -> memref<128x16xf32, #tpu.memory_space<vmem_shared>>
      %dma_start3A_170 = arith.constant 0 : i32
      %dma_start3A_171 = tpu.memref_slice %arg13[%add3A_65, %dma_start3A_170] : memref<10240x16xf32, #tpu.memory_space<vmem_shared>> -> memref<128x16xf32, #tpu.memory_space<vmem_shared>>
      tpu.enqueue_dma source(%arg16 : memref<128x16xf32, #tpu.memory_space<vmem>>) target(%dma_start3A_171 : memref<128x16xf32, #tpu.memory_space<vmem_shared>>) target_semaphore(%run_scoped3A_168 : memref<!tpu.dma_semaphore, #tpu.memory_space<semaphore_mem>>)
      %dma_wait3A = arith.constant 0 : i32
      %dma_wait3A_172 = tpu.memref_slice %arg13[%add3A_65, %dma_wait3A] : memref<10240x16xf32, #tpu.memory_space<vmem_shared>> -> memref<128x16xf32, #tpu.memory_space<vmem_shared>>
      %dma_wait3A_173 = arith.constant 0 : i32
      %dma_wait3A_174 = tpu.memref_slice %arg13[%add3A_65, %dma_wait3A_173] : memref<10240x16xf32, #tpu.memory_space<vmem_shared>> -> memref<128x16xf32, #tpu.memory_space<vmem_shared>>
      tpu.wait_dma2 semaphore(%run_scoped3A_168 : memref<!tpu.dma_semaphore, #tpu.memory_space<semaphore_mem>>) src(%arg16 : memref<128x16xf32, #tpu.memory_space<vmem>>) dst(%dma_wait3A_174 : memref<128x16xf32, #tpu.memory_space<vmem_shared>>)
      tpu.yield
    }) : () -> ()
    %mul3A_66 = arith.constant 640 : i32
    %mul3A_67 = arith.muli %arg1, %mul3A_66 : i32
    %add3A_68 = arith.constant 256 : i32
    %add3A_69 = arith.addi %mul3A_67, %add3A_68 : i32
    "tpu.region"() ({
      %run_scoped3A_168 = tpu.sem_alloc : memref<!tpu.dma_semaphore, #tpu.memory_space<semaphore_mem>>
      %dma_start3A = arith.constant 0 : i32
      %dma_start3A_169 = tpu.memref_slice %arg13[%add3A_69, %dma_start3A] : memref<10240x16xf32, #tpu.memory_space<vmem_shared>> -> memref<128x16xf32, #tpu.memory_space<vmem_shared>>
      %dma_start3A_170 = arith.constant 0 : i32
      %dma_start3A_171 = tpu.memref_slice %arg13[%add3A_69, %dma_start3A_170] : memref<10240x16xf32, #tpu.memory_space<vmem_shared>> -> memref<128x16xf32, #tpu.memory_space<vmem_shared>>
      tpu.enqueue_dma source(%arg16 : memref<128x16xf32, #tpu.memory_space<vmem>>) target(%dma_start3A_171 : memref<128x16xf32, #tpu.memory_space<vmem_shared>>) target_semaphore(%run_scoped3A_168 : memref<!tpu.dma_semaphore, #tpu.memory_space<semaphore_mem>>)
      %dma_wait3A = arith.constant 0 : i32
      %dma_wait3A_172 = tpu.memref_slice %arg13[%add3A_69, %dma_wait3A] : memref<10240x16xf32, #tpu.memory_space<vmem_shared>> -> memref<128x16xf32, #tpu.memory_space<vmem_shared>>
      %dma_wait3A_173 = arith.constant 0 : i32
      %dma_wait3A_174 = tpu.memref_slice %arg13[%add3A_69, %dma_wait3A_173] : memref<10240x16xf32, #tpu.memory_space<vmem_shared>> -> memref<128x16xf32, #tpu.memory_space<vmem_shared>>
      tpu.wait_dma2 semaphore(%run_scoped3A_168 : memref<!tpu.dma_semaphore, #tpu.memory_space<semaphore_mem>>) src(%arg16 : memref<128x16xf32, #tpu.memory_space<vmem>>) dst(%dma_wait3A_174 : memref<128x16xf32, #tpu.memory_space<vmem_shared>>)
      tpu.yield
    }) : () -> ()
    %mul3A_70 = arith.constant 640 : i32
    %mul3A_71 = arith.muli %arg1, %mul3A_70 : i32
    %add3A_72 = arith.constant 384 : i32
    %add3A_73 = arith.addi %mul3A_71, %add3A_72 : i32
    "tpu.region"() ({
      %run_scoped3A_168 = tpu.sem_alloc : memref<!tpu.dma_semaphore, #tpu.memory_space<semaphore_mem>>
      %dma_start3A = arith.constant 0 : i32
      %dma_start3A_169 = tpu.memref_slice %arg13[%add3A_73, %dma_start3A] : memref<10240x16xf32, #tpu.memory_space<vmem_shared>> -> memref<128x16xf32, #tpu.memory_space<vmem_shared>>
      %dma_start3A_170 = arith.constant 0 : i32
      %dma_start3A_171 = tpu.memref_slice %arg13[%add3A_73, %dma_start3A_170] : memref<10240x16xf32, #tpu.memory_space<vmem_shared>> -> memref<128x16xf32, #tpu.memory_space<vmem_shared>>
      tpu.enqueue_dma source(%arg16 : memref<128x16xf32, #tpu.memory_space<vmem>>) target(%dma_start3A_171 : memref<128x16xf32, #tpu.memory_space<vmem_shared>>) target_semaphore(%run_scoped3A_168 : memref<!tpu.dma_semaphore, #tpu.memory_space<semaphore_mem>>)
      %dma_wait3A = arith.constant 0 : i32
      %dma_wait3A_172 = tpu.memref_slice %arg13[%add3A_73, %dma_wait3A] : memref<10240x16xf32, #tpu.memory_space<vmem_shared>> -> memref<128x16xf32, #tpu.memory_space<vmem_shared>>
      %dma_wait3A_173 = arith.constant 0 : i32
      %dma_wait3A_174 = tpu.memref_slice %arg13[%add3A_73, %dma_wait3A_173] : memref<10240x16xf32, #tpu.memory_space<vmem_shared>> -> memref<128x16xf32, #tpu.memory_space<vmem_shared>>
      tpu.wait_dma2 semaphore(%run_scoped3A_168 : memref<!tpu.dma_semaphore, #tpu.memory_space<semaphore_mem>>) src(%arg16 : memref<128x16xf32, #tpu.memory_space<vmem>>) dst(%dma_wait3A_174 : memref<128x16xf32, #tpu.memory_space<vmem_shared>>)
      tpu.yield
    }) : () -> ()
    %mul3A_74 = arith.constant 640 : i32
    %mul3A_75 = arith.muli %arg1, %mul3A_74 : i32
    %add3A_76 = arith.constant 512 : i32
    %add3A_77 = arith.addi %mul3A_75, %add3A_76 : i32
    "tpu.region"() ({
      %run_scoped3A_168 = tpu.sem_alloc : memref<!tpu.dma_semaphore, #tpu.memory_space<semaphore_mem>>
      %dma_start3A = arith.constant 0 : i32
      %dma_start3A_169 = tpu.memref_slice %arg13[%add3A_77, %dma_start3A] : memref<10240x16xf32, #tpu.memory_space<vmem_shared>> -> memref<128x16xf32, #tpu.memory_space<vmem_shared>>
      %dma_start3A_170 = arith.constant 0 : i32
      %dma_start3A_171 = tpu.memref_slice %arg13[%add3A_77, %dma_start3A_170] : memref<10240x16xf32, #tpu.memory_space<vmem_shared>> -> memref<128x16xf32, #tpu.memory_space<vmem_shared>>
      tpu.enqueue_dma source(%arg16 : memref<128x16xf32, #tpu.memory_space<vmem>>) target(%dma_start3A_171 : memref<128x16xf32, #tpu.memory_space<vmem_shared>>) target_semaphore(%run_scoped3A_168 : memref<!tpu.dma_semaphore, #tpu.memory_space<semaphore_mem>>)
      %dma_wait3A = arith.constant 0 : i32
      %dma_wait3A_172 = tpu.memref_slice %arg13[%add3A_77, %dma_wait3A] : memref<10240x16xf32, #tpu.memory_space<vmem_shared>> -> memref<128x16xf32, #tpu.memory_space<vmem_shared>>
      %dma_wait3A_173 = arith.constant 0 : i32
      %dma_wait3A_174 = tpu.memref_slice %arg13[%add3A_77, %dma_wait3A_173] : memref<10240x16xf32, #tpu.memory_space<vmem_shared>> -> memref<128x16xf32, #tpu.memory_space<vmem_shared>>
      tpu.wait_dma2 semaphore(%run_scoped3A_168 : memref<!tpu.dma_semaphore, #tpu.memory_space<semaphore_mem>>) src(%arg16 : memref<128x16xf32, #tpu.memory_space<vmem>>) dst(%dma_wait3A_174 : memref<128x16xf32, #tpu.memory_space<vmem_shared>>)
      tpu.yield
    }) : () -> ()
    %run_scoped3A = arith.constant 0 : i32
    "tpu.region"() ({
      %run_scoped3A_168 = tpu.sem_alloc : memref<!tpu.dma_semaphore, #tpu.memory_space<semaphore_mem>>
      %dma_start3A = arith.constant 0 : i32
      %dma_start3A_169 = arith.constant 0 : i32
      %dma_start3A_170 = tpu.memref_slice %arg14[%dma_start3A, %dma_start3A_169] : memref<80x128xi32, #tpu.memory_space<vmem>> -> memref<78x128xi32, #tpu.memory_space<vmem>>
      %dma_start3A_171 = arith.constant 0 : i32
      %dma_start3A_172 = tpu.memref_slice %arg3[%run_scoped3A, %add3A_50, %dma_start3A_171] : memref<2x2500x128xi32, #tpu.memory_space<hbm>> -> memref<1x78x128xi32, #tpu.memory_space<hbm>>
      %dma_start3A_173 = tpu.memref_squeeze %dma_start3A_172 : memref<1x78x128xi32, #tpu.memory_space<hbm>> -> memref<78x128xi32, #tpu.memory_space<hbm>>
      %dma_start3A_174 = arith.constant 0 : i32
      %dma_start3A_175 = arith.constant 0 : i32
      %dma_start3A_176 = tpu.memref_slice %arg14[%dma_start3A_174, %dma_start3A_175] : memref<80x128xi32, #tpu.memory_space<vmem>> -> memref<78x128xi32, #tpu.memory_space<vmem>>
      %dma_start3A_177 = arith.constant 0 : i32
      %dma_start3A_178 = tpu.memref_slice %arg3[%run_scoped3A, %add3A_50, %dma_start3A_177] : memref<2x2500x128xi32, #tpu.memory_space<hbm>> -> memref<1x78x128xi32, #tpu.memory_space<hbm>>
      %dma_start3A_179 = tpu.memref_squeeze %dma_start3A_178 : memref<1x78x128xi32, #tpu.memory_space<hbm>> -> memref<78x128xi32, #tpu.memory_space<hbm>>
      tpu.enqueue_dma source(%dma_start3A_179 : memref<78x128xi32, #tpu.memory_space<hbm>>) target(%dma_start3A_176 : memref<78x128xi32, #tpu.memory_space<vmem>>) target_semaphore(%run_scoped3A_168 : memref<!tpu.dma_semaphore, #tpu.memory_space<semaphore_mem>>)
      %dma_wait3A = arith.constant 0 : i32
      %dma_wait3A_180 = arith.constant 0 : i32
      %dma_wait3A_181 = tpu.memref_slice %arg14[%dma_wait3A, %dma_wait3A_180] : memref<80x128xi32, #tpu.memory_space<vmem>> -> memref<78x128xi32, #tpu.memory_space<vmem>>
      %dma_wait3A_182 = arith.constant 0 : i32
      %dma_wait3A_183 = tpu.memref_slice %arg3[%run_scoped3A, %add3A_50, %dma_wait3A_182] : memref<2x2500x128xi32, #tpu.memory_space<hbm>> -> memref<1x78x128xi32, #tpu.memory_space<hbm>>
      %dma_wait3A_184 = tpu.memref_squeeze %dma_wait3A_183 : memref<1x78x128xi32, #tpu.memory_space<hbm>> -> memref<78x128xi32, #tpu.memory_space<hbm>>
      %dma_wait3A_185 = arith.constant 0 : i32
      %dma_wait3A_186 = arith.constant 0 : i32
      %dma_wait3A_187 = tpu.memref_slice %arg14[%dma_wait3A_185, %dma_wait3A_186] : memref<80x128xi32, #tpu.memory_space<vmem>> -> memref<78x128xi32, #tpu.memory_space<vmem>>
      %dma_wait3A_188 = arith.constant 0 : i32
      %dma_wait3A_189 = tpu.memref_slice %arg3[%run_scoped3A, %add3A_50, %dma_wait3A_188] : memref<2x2500x128xi32, #tpu.memory_space<hbm>> -> memref<1x78x128xi32, #tpu.memory_space<hbm>>
      %dma_wait3A_190 = tpu.memref_squeeze %dma_wait3A_189 : memref<1x78x128xi32, #tpu.memory_space<hbm>> -> memref<78x128xi32, #tpu.memory_space<hbm>>
      tpu.wait_dma2 semaphore(%run_scoped3A_168 : memref<!tpu.dma_semaphore, #tpu.memory_space<semaphore_mem>>) src(%dma_wait3A_190 : memref<78x128xi32, #tpu.memory_space<hbm>>) dst(%dma_wait3A_187 : memref<78x128xi32, #tpu.memory_space<vmem>>)
      tpu.yield
    }) : () -> ()
    %run_scoped3A_78 = arith.constant 1 : i32
    "tpu.region"() ({
      %run_scoped3A_168 = tpu.sem_alloc : memref<!tpu.dma_semaphore, #tpu.memory_space<semaphore_mem>>
      %dma_start3A = arith.constant 0 : i32
      %dma_start3A_169 = arith.constant 0 : i32
      %dma_start3A_170 = tpu.memref_slice %arg15[%dma_start3A, %dma_start3A_169] : memref<80x128xi32, #tpu.memory_space<vmem>> -> memref<78x128xi32, #tpu.memory_space<vmem>>
      %dma_start3A_171 = arith.constant 0 : i32
      %dma_start3A_172 = tpu.memref_slice %arg3[%run_scoped3A_78, %add3A_50, %dma_start3A_171] : memref<2x2500x128xi32, #tpu.memory_space<hbm>> -> memref<1x78x128xi32, #tpu.memory_space<hbm>>
      %dma_start3A_173 = tpu.memref_squeeze %dma_start3A_172 : memref<1x78x128xi32, #tpu.memory_space<hbm>> -> memref<78x128xi32, #tpu.memory_space<hbm>>
      %dma_start3A_174 = arith.constant 0 : i32
      %dma_start3A_175 = arith.constant 0 : i32
      %dma_start3A_176 = tpu.memref_slice %arg15[%dma_start3A_174, %dma_start3A_175] : memref<80x128xi32, #tpu.memory_space<vmem>> -> memref<78x128xi32, #tpu.memory_space<vmem>>
      %dma_start3A_177 = arith.constant 0 : i32
      %dma_start3A_178 = tpu.memref_slice %arg3[%run_scoped3A_78, %add3A_50, %dma_start3A_177] : memref<2x2500x128xi32, #tpu.memory_space<hbm>> -> memref<1x78x128xi32, #tpu.memory_space<hbm>>
      %dma_start3A_179 = tpu.memref_squeeze %dma_start3A_178 : memref<1x78x128xi32, #tpu.memory_space<hbm>> -> memref<78x128xi32, #tpu.memory_space<hbm>>
      tpu.enqueue_dma source(%dma_start3A_179 : memref<78x128xi32, #tpu.memory_space<hbm>>) target(%dma_start3A_176 : memref<78x128xi32, #tpu.memory_space<vmem>>) target_semaphore(%run_scoped3A_168 : memref<!tpu.dma_semaphore, #tpu.memory_space<semaphore_mem>>)
      %dma_wait3A = arith.constant 0 : i32
      %dma_wait3A_180 = arith.constant 0 : i32
      %dma_wait3A_181 = tpu.memref_slice %arg15[%dma_wait3A, %dma_wait3A_180] : memref<80x128xi32, #tpu.memory_space<vmem>> -> memref<78x128xi32, #tpu.memory_space<vmem>>
      %dma_wait3A_182 = arith.constant 0 : i32
      %dma_wait3A_183 = tpu.memref_slice %arg3[%run_scoped3A_78, %add3A_50, %dma_wait3A_182] : memref<2x2500x128xi32, #tpu.memory_space<hbm>> -> memref<1x78x128xi32, #tpu.memory_space<hbm>>
      %dma_wait3A_184 = tpu.memref_squeeze %dma_wait3A_183 : memref<1x78x128xi32, #tpu.memory_space<hbm>> -> memref<78x128xi32, #tpu.memory_space<hbm>>
      %dma_wait3A_185 = arith.constant 0 : i32
      %dma_wait3A_186 = arith.constant 0 : i32
      %dma_wait3A_187 = tpu.memref_slice %arg15[%dma_wait3A_185, %dma_wait3A_186] : memref<80x128xi32, #tpu.memory_space<vmem>> -> memref<78x128xi32, #tpu.memory_space<vmem>>
      %dma_wait3A_188 = arith.constant 0 : i32
      %dma_wait3A_189 = tpu.memref_slice %arg3[%run_scoped3A_78, %add3A_50, %dma_wait3A_188] : memref<2x2500x128xi32, #tpu.memory_space<hbm>> -> memref<1x78x128xi32, #tpu.memory_space<hbm>>
      %dma_wait3A_190 = tpu.memref_squeeze %dma_wait3A_189 : memref<1x78x128xi32, #tpu.memory_space<hbm>> -> memref<78x128xi32, #tpu.memory_space<hbm>>
      tpu.wait_dma2 semaphore(%run_scoped3A_168 : memref<!tpu.dma_semaphore, #tpu.memory_space<semaphore_mem>>) src(%dma_wait3A_190 : memref<78x128xi32, #tpu.memory_space<hbm>>) dst(%dma_wait3A_187 : memref<78x128xi32, #tpu.memory_space<vmem>>)
      tpu.yield
    }) : () -> ()
    %gt3A = arith.constant 78 : i32
    %gt3A_79 = arith.cmpi sgt, %select_n3A, %gt3A : i32
    %convert_element_type3A = arith.extui %gt3A_79 : i1 to i32
    %cond3A = arith.constant 0 : i32
    %cond3A_80 = arith.cmpi ne, %convert_element_type3A, %cond3A : i32
    scf.if %cond3A_80 {
      %add3A_168 = arith.constant 78 : i32
      %add3A_169 = arith.addi %add3A_50, %add3A_168 : i32
      %run_scoped3A_170 = arith.constant 0 : i32
      %run_scoped3A_171 = arith.constant 78 : i32
      "tpu.region"() ({
        %run_scoped3A_176 = tpu.sem_alloc : memref<!tpu.dma_semaphore, #tpu.memory_space<semaphore_mem>>
        %dma_start3A = arith.constant 0 : i32
        %dma_start3A_177 = tpu.memref_slice %arg14[%run_scoped3A_171, %dma_start3A] : memref<80x128xi32, #tpu.memory_space<vmem>> -> memref<1x128xi32, #tpu.memory_space<vmem>>
        %dma_start3A_178 = tpu.memref_squeeze %dma_start3A_177 : memref<1x128xi32, #tpu.memory_space<vmem>> -> memref<128xi32, #tpu.memory_space<vmem>>
        %dma_start3A_179 = arith.constant 0 : i32
        %dma_start3A_180 = tpu.memref_slice %arg3[%run_scoped3A_170, %add3A_169, %dma_start3A_179] : memref<2x2500x128xi32, #tpu.memory_space<hbm>> -> memref<1x1x128xi32, #tpu.memory_space<hbm>>
        %dma_start3A_181 = tpu.memref_squeeze %dma_start3A_180 : memref<1x1x128xi32, #tpu.memory_space<hbm>> -> memref<128xi32, #tpu.memory_space<hbm>>
        %dma_start3A_182 = arith.constant 0 : i32
        %dma_start3A_183 = tpu.memref_slice %arg14[%run_scoped3A_171, %dma_start3A_182] : memref<80x128xi32, #tpu.memory_space<vmem>> -> memref<1x128xi32, #tpu.memory_space<vmem>>
        %dma_start3A_184 = tpu.memref_squeeze %dma_start3A_183 : memref<1x128xi32, #tpu.memory_space<vmem>> -> memref<128xi32, #tpu.memory_space<vmem>>
        %dma_start3A_185 = arith.constant 0 : i32
        %dma_start3A_186 = tpu.memref_slice %arg3[%run_scoped3A_170, %add3A_169, %dma_start3A_185] : memref<2x2500x128xi32, #tpu.memory_space<hbm>> -> memref<1x1x128xi32, #tpu.memory_space<hbm>>
        %dma_start3A_187 = tpu.memref_squeeze %dma_start3A_186 : memref<1x1x128xi32, #tpu.memory_space<hbm>> -> memref<128xi32, #tpu.memory_space<hbm>>
        tpu.enqueue_dma source(%dma_start3A_187 : memref<128xi32, #tpu.memory_space<hbm>>) target(%dma_start3A_184 : memref<128xi32, #tpu.memory_space<vmem>>) target_semaphore(%run_scoped3A_176 : memref<!tpu.dma_semaphore, #tpu.memory_space<semaphore_mem>>)
        %dma_wait3A = arith.constant 0 : i32
        %dma_wait3A_188 = tpu.memref_slice %arg14[%run_scoped3A_171, %dma_wait3A] : memref<80x128xi32, #tpu.memory_space<vmem>> -> memref<1x128xi32, #tpu.memory_space<vmem>>
        %dma_wait3A_189 = tpu.memref_squeeze %dma_wait3A_188 : memref<1x128xi32, #tpu.memory_space<vmem>> -> memref<128xi32, #tpu.memory_space<vmem>>
        %dma_wait3A_190 = arith.constant 0 : i32
        %dma_wait3A_191 = tpu.memref_slice %arg3[%run_scoped3A_170, %add3A_169, %dma_wait3A_190] : memref<2x2500x128xi32, #tpu.memory_space<hbm>> -> memref<1x1x128xi32, #tpu.memory_space<hbm>>
        %dma_wait3A_192 = tpu.memref_squeeze %dma_wait3A_191 : memref<1x1x128xi32, #tpu.memory_space<hbm>> -> memref<128xi32, #tpu.memory_space<hbm>>
        %dma_wait3A_193 = arith.constant 0 : i32
        %dma_wait3A_194 = tpu.memref_slice %arg14[%run_scoped3A_171, %dma_wait3A_193] : memref<80x128xi32, #tpu.memory_space<vmem>> -> memref<1x128xi32, #tpu.memory_space<vmem>>
        %dma_wait3A_195 = tpu.memref_squeeze %dma_wait3A_194 : memref<1x128xi32, #tpu.memory_space<vmem>> -> memref<128xi32, #tpu.memory_space<vmem>>
        %dma_wait3A_196 = arith.constant 0 : i32
        %dma_wait3A_197 = tpu.memref_slice %arg3[%run_scoped3A_170, %add3A_169, %dma_wait3A_196] : memref<2x2500x128xi32, #tpu.memory_space<hbm>> -> memref<1x1x128xi32, #tpu.memory_space<hbm>>
        %dma_wait3A_198 = tpu.memref_squeeze %dma_wait3A_197 : memref<1x1x128xi32, #tpu.memory_space<hbm>> -> memref<128xi32, #tpu.memory_space<hbm>>
        tpu.wait_dma2 semaphore(%run_scoped3A_176 : memref<!tpu.dma_semaphore, #tpu.memory_space<semaphore_mem>>) src(%dma_wait3A_198 : memref<128xi32, #tpu.memory_space<hbm>>) dst(%dma_wait3A_195 : memref<128xi32, #tpu.memory_space<vmem>>)
        tpu.yield
      }) : () -> ()
      %add3A_172 = arith.constant 78 : i32
      %add3A_173 = arith.addi %add3A_50, %add3A_172 : i32
      %run_scoped3A_174 = arith.constant 1 : i32
      %run_scoped3A_175 = arith.constant 78 : i32
      "tpu.region"() ({
        %run_scoped3A_176 = tpu.sem_alloc : memref<!tpu.dma_semaphore, #tpu.memory_space<semaphore_mem>>
        %dma_start3A = arith.constant 0 : i32
        %dma_start3A_177 = tpu.memref_slice %arg15[%run_scoped3A_175, %dma_start3A] : memref<80x128xi32, #tpu.memory_space<vmem>> -> memref<1x128xi32, #tpu.memory_space<vmem>>
        %dma_start3A_178 = tpu.memref_squeeze %dma_start3A_177 : memref<1x128xi32, #tpu.memory_space<vmem>> -> memref<128xi32, #tpu.memory_space<vmem>>
        %dma_start3A_179 = arith.constant 0 : i32
        %dma_start3A_180 = tpu.memref_slice %arg3[%run_scoped3A_174, %add3A_173, %dma_start3A_179] : memref<2x2500x128xi32, #tpu.memory_space<hbm>> -> memref<1x1x128xi32, #tpu.memory_space<hbm>>
        %dma_start3A_181 = tpu.memref_squeeze %dma_start3A_180 : memref<1x1x128xi32, #tpu.memory_space<hbm>> -> memref<128xi32, #tpu.memory_space<hbm>>
        %dma_start3A_182 = arith.constant 0 : i32
        %dma_start3A_183 = tpu.memref_slice %arg15[%run_scoped3A_175, %dma_start3A_182] : memref<80x128xi32, #tpu.memory_space<vmem>> -> memref<1x128xi32, #tpu.memory_space<vmem>>
        %dma_start3A_184 = tpu.memref_squeeze %dma_start3A_183 : memref<1x128xi32, #tpu.memory_space<vmem>> -> memref<128xi32, #tpu.memory_space<vmem>>
        %dma_start3A_185 = arith.constant 0 : i32
        %dma_start3A_186 = tpu.memref_slice %arg3[%run_scoped3A_174, %add3A_173, %dma_start3A_185] : memref<2x2500x128xi32, #tpu.memory_space<hbm>> -> memref<1x1x128xi32, #tpu.memory_space<hbm>>
        %dma_start3A_187 = tpu.memref_squeeze %dma_start3A_186 : memref<1x1x128xi32, #tpu.memory_space<hbm>> -> memref<128xi32, #tpu.memory_space<hbm>>
        tpu.enqueue_dma source(%dma_start3A_187 : memref<128xi32, #tpu.memory_space<hbm>>) target(%dma_start3A_184 : memref<128xi32, #tpu.memory_space<vmem>>) target_semaphore(%run_scoped3A_176 : memref<!tpu.dma_semaphore, #tpu.memory_space<semaphore_mem>>)
        %dma_wait3A = arith.constant 0 : i32
        %dma_wait3A_188 = tpu.memref_slice %arg15[%run_scoped3A_175, %dma_wait3A] : memref<80x128xi32, #tpu.memory_space<vmem>> -> memref<1x128xi32, #tpu.memory_space<vmem>>
        %dma_wait3A_189 = tpu.memref_squeeze %dma_wait3A_188 : memref<1x128xi32, #tpu.memory_space<vmem>> -> memref<128xi32, #tpu.memory_space<vmem>>
        %dma_wait3A_190 = arith.constant 0 : i32
        %dma_wait3A_191 = tpu.memref_slice %arg3[%run_scoped3A_174, %add3A_173, %dma_wait3A_190] : memref<2x2500x128xi32, #tpu.memory_space<hbm>> -> memref<1x1x128xi32, #tpu.memory_space<hbm>>
        %dma_wait3A_192 = tpu.memref_squeeze %dma_wait3A_191 : memref<1x1x128xi32, #tpu.memory_space<hbm>> -> memref<128xi32, #tpu.memory_space<hbm>>
        %dma_wait3A_193 = arith.constant 0 : i32
        %dma_wait3A_194 = tpu.memref_slice %arg15[%run_scoped3A_175, %dma_wait3A_193] : memref<80x128xi32, #tpu.memory_space<vmem>> -> memref<1x128xi32, #tpu.memory_space<vmem>>
        %dma_wait3A_195 = tpu.memref_squeeze %dma_wait3A_194 : memref<1x128xi32, #tpu.memory_space<vmem>> -> memref<128xi32, #tpu.memory_space<vmem>>
        %dma_wait3A_196 = arith.constant 0 : i32
        %dma_wait3A_197 = tpu.memref_slice %arg3[%run_scoped3A_174, %add3A_173, %dma_wait3A_196] : memref<2x2500x128xi32, #tpu.memory_space<hbm>> -> memref<1x1x128xi32, #tpu.memory_space<hbm>>
        %dma_wait3A_198 = tpu.memref_squeeze %dma_wait3A_197 : memref<1x1x128xi32, #tpu.memory_space<hbm>> -> memref<128xi32, #tpu.memory_space<hbm>>
        tpu.wait_dma2 semaphore(%run_scoped3A_176 : memref<!tpu.dma_semaphore, #tpu.memory_space<semaphore_mem>>) src(%dma_wait3A_198 : memref<128xi32, #tpu.memory_space<hbm>>) dst(%dma_wait3A_195 : memref<128xi32, #tpu.memory_space<vmem>>)
        tpu.yield
      }) : () -> ()
    } else {
    }
    %barrier3A = arith.constant 0 : index
    tpu.barrier barrier_id(%barrier3A)
    %scan3A_81 = arith.constant 0 : i32
    %scan3A_82 = arith.constant 0 : i32
    %scan3A_83 = arith.constant 9 : i32
    %scan3A_84 = arith.addi %scan3A_82, %scan3A_83 : i32
    %scan3A_85 = arith.constant 1 : i32
    scf.for %scan3A_168 = %scan3A_82 to %scan3A_84 step %scan3A_85  : i32 {
      %mul3A_169 = arith.constant 2 : i32
      %mul3A_170 = arith.muli %scan3A_168, %mul3A_169 : i32
      %mul3A_171 = arith.constant 4 : i32
      %mul3A_172 = arith.muli %mul3A_170, %mul3A_171 : i32
      %add3A_173 = arith.constant 0 : i32
      %add3A_174 = arith.addi %mul3A_172, %add3A_173 : i32
      %dma_start3A = arith.constant 0 : i32
      %dma_start3A_175 = tpu.memref_slice %arg14[%add3A_174, %dma_start3A] : memref<80x128xi32, #tpu.memory_space<vmem>> -> memref<1x128xi32, #tpu.memory_space<vmem>>
      %dma_start3A_176 = tpu.memref_squeeze %dma_start3A_175 : memref<1x128xi32, #tpu.memory_space<vmem>> -> memref<128xi32, #tpu.memory_space<vmem>>
      %dma_start3A_177 = arith.constant 0 : i32
      %dma_start3A_178 = arith.constant 0 : i32
      %dma_start3A_179 = tpu.memref_slice %arg2[%dma_start3A_177, %dma_start3A_178] : memref<10240x16xf32, #tpu.memory_space<hbm>> -> memref<10240x16xf32, #tpu.memory_space<hbm>>
      tpu.enqueue_indirect_dma source(%dma_start3A_179 : memref<10240x16xf32, #tpu.memory_space<hbm>>) target(%arg17 : memref<128x16xf32, #tpu.memory_space<vmem>>) offsets(%dma_start3A_176 : memref<128xi32, #tpu.memory_space<vmem>>) semaphore(%arg25 : memref<!tpu.dma_semaphore, #tpu.memory_space<semaphore_mem>>)
      %add3A_180 = arith.constant 1 : i32
      %add3A_181 = arith.addi %mul3A_172, %add3A_180 : i32
      %dma_start3A_182 = arith.constant 0 : i32
      %dma_start3A_183 = tpu.memref_slice %arg14[%add3A_181, %dma_start3A_182] : memref<80x128xi32, #tpu.memory_space<vmem>> -> memref<1x128xi32, #tpu.memory_space<vmem>>
      %dma_start3A_184 = tpu.memref_squeeze %dma_start3A_183 : memref<1x128xi32, #tpu.memory_space<vmem>> -> memref<128xi32, #tpu.memory_space<vmem>>
      %dma_start3A_185 = arith.constant 0 : i32
      %dma_start3A_186 = arith.constant 0 : i32
      %dma_start3A_187 = tpu.memref_slice %arg2[%dma_start3A_185, %dma_start3A_186] : memref<10240x16xf32, #tpu.memory_space<hbm>> -> memref<10240x16xf32, #tpu.memory_space<hbm>>
      tpu.enqueue_indirect_dma source(%dma_start3A_187 : memref<10240x16xf32, #tpu.memory_space<hbm>>) target(%arg18 : memref<128x16xf32, #tpu.memory_space<vmem>>) offsets(%dma_start3A_184 : memref<128xi32, #tpu.memory_space<vmem>>) semaphore(%arg26 : memref<!tpu.dma_semaphore, #tpu.memory_space<semaphore_mem>>)
      %add3A_188 = arith.constant 2 : i32
      %add3A_189 = arith.addi %mul3A_172, %add3A_188 : i32
      %dma_start3A_190 = arith.constant 0 : i32
      %dma_start3A_191 = tpu.memref_slice %arg14[%add3A_189, %dma_start3A_190] : memref<80x128xi32, #tpu.memory_space<vmem>> -> memref<1x128xi32, #tpu.memory_space<vmem>>
      %dma_start3A_192 = tpu.memref_squeeze %dma_start3A_191 : memref<1x128xi32, #tpu.memory_space<vmem>> -> memref<128xi32, #tpu.memory_space<vmem>>
      %dma_start3A_193 = arith.constant 0 : i32
      %dma_start3A_194 = arith.constant 0 : i32
      %dma_start3A_195 = tpu.memref_slice %arg2[%dma_start3A_193, %dma_start3A_194] : memref<10240x16xf32, #tpu.memory_space<hbm>> -> memref<10240x16xf32, #tpu.memory_space<hbm>>
      tpu.enqueue_indirect_dma source(%dma_start3A_195 : memref<10240x16xf32, #tpu.memory_space<hbm>>) target(%arg19 : memref<128x16xf32, #tpu.memory_space<vmem>>) offsets(%dma_start3A_192 : memref<128xi32, #tpu.memory_space<vmem>>) semaphore(%arg27 : memref<!tpu.dma_semaphore, #tpu.memory_space<semaphore_mem>>)
      %add3A_196 = arith.constant 3 : i32
      %add3A_197 = arith.addi %mul3A_172, %add3A_196 : i32
      %dma_start3A_198 = arith.constant 0 : i32
      %dma_start3A_199 = tpu.memref_slice %arg14[%add3A_197, %dma_start3A_198] : memref<80x128xi32, #tpu.memory_space<vmem>> -> memref<1x128xi32, #tpu.memory_space<vmem>>
      %dma_start3A_200 = tpu.memref_squeeze %dma_start3A_199 : memref<1x128xi32, #tpu.memory_space<vmem>> -> memref<128xi32, #tpu.memory_space<vmem>>
      %dma_start3A_201 = arith.constant 0 : i32
      %dma_start3A_202 = arith.constant 0 : i32
      %dma_start3A_203 = tpu.memref_slice %arg2[%dma_start3A_201, %dma_start3A_202] : memref<10240x16xf32, #tpu.memory_space<hbm>> -> memref<10240x16xf32, #tpu.memory_space<hbm>>
      tpu.enqueue_indirect_dma source(%dma_start3A_203 : memref<10240x16xf32, #tpu.memory_space<hbm>>) target(%arg20 : memref<128x16xf32, #tpu.memory_space<vmem>>) offsets(%dma_start3A_200 : memref<128xi32, #tpu.memory_space<vmem>>) semaphore(%arg28 : memref<!tpu.dma_semaphore, #tpu.memory_space<semaphore_mem>>)
      %add3A_204 = arith.constant 4 : i32
      %add3A_205 = arith.addi %mul3A_172, %add3A_204 : i32
      %dma_start3A_206 = arith.constant 0 : i32
      %dma_start3A_207 = tpu.memref_slice %arg14[%add3A_205, %dma_start3A_206] : memref<80x128xi32, #tpu.memory_space<vmem>> -> memref<1x128xi32, #tpu.memory_space<vmem>>
      %dma_start3A_208 = tpu.memref_squeeze %dma_start3A_207 : memref<1x128xi32, #tpu.memory_space<vmem>> -> memref<128xi32, #tpu.memory_space<vmem>>
      %dma_start3A_209 = arith.constant 0 : i32
      %dma_start3A_210 = arith.constant 0 : i32
      %dma_start3A_211 = tpu.memref_slice %arg2[%dma_start3A_209, %dma_start3A_210] : memref<10240x16xf32, #tpu.memory_space<hbm>> -> memref<10240x16xf32, #tpu.memory_space<hbm>>
      tpu.enqueue_indirect_dma source(%dma_start3A_211 : memref<10240x16xf32, #tpu.memory_space<hbm>>) target(%arg21 : memref<128x16xf32, #tpu.memory_space<vmem>>) offsets(%dma_start3A_208 : memref<128xi32, #tpu.memory_space<vmem>>) semaphore(%arg29 : memref<!tpu.dma_semaphore, #tpu.memory_space<semaphore_mem>>)
      %add3A_212 = arith.constant 5 : i32
      %add3A_213 = arith.addi %mul3A_172, %add3A_212 : i32
      %dma_start3A_214 = arith.constant 0 : i32
      %dma_start3A_215 = tpu.memref_slice %arg14[%add3A_213, %dma_start3A_214] : memref<80x128xi32, #tpu.memory_space<vmem>> -> memref<1x128xi32, #tpu.memory_space<vmem>>
      %dma_start3A_216 = tpu.memref_squeeze %dma_start3A_215 : memref<1x128xi32, #tpu.memory_space<vmem>> -> memref<128xi32, #tpu.memory_space<vmem>>
      %dma_start3A_217 = arith.constant 0 : i32
      %dma_start3A_218 = arith.constant 0 : i32
      %dma_start3A_219 = tpu.memref_slice %arg2[%dma_start3A_217, %dma_start3A_218] : memref<10240x16xf32, #tpu.memory_space<hbm>> -> memref<10240x16xf32, #tpu.memory_space<hbm>>
      tpu.enqueue_indirect_dma source(%dma_start3A_219 : memref<10240x16xf32, #tpu.memory_space<hbm>>) target(%arg22 : memref<128x16xf32, #tpu.memory_space<vmem>>) offsets(%dma_start3A_216 : memref<128xi32, #tpu.memory_space<vmem>>) semaphore(%arg30 : memref<!tpu.dma_semaphore, #tpu.memory_space<semaphore_mem>>)
      %add3A_220 = arith.constant 6 : i32
      %add3A_221 = arith.addi %mul3A_172, %add3A_220 : i32
      %dma_start3A_222 = arith.constant 0 : i32
      %dma_start3A_223 = tpu.memref_slice %arg14[%add3A_221, %dma_start3A_222] : memref<80x128xi32, #tpu.memory_space<vmem>> -> memref<1x128xi32, #tpu.memory_space<vmem>>
      %dma_start3A_224 = tpu.memref_squeeze %dma_start3A_223 : memref<1x128xi32, #tpu.memory_space<vmem>> -> memref<128xi32, #tpu.memory_space<vmem>>
      %dma_start3A_225 = arith.constant 0 : i32
      %dma_start3A_226 = arith.constant 0 : i32
      %dma_start3A_227 = tpu.memref_slice %arg2[%dma_start3A_225, %dma_start3A_226] : memref<10240x16xf32, #tpu.memory_space<hbm>> -> memref<10240x16xf32, #tpu.memory_space<hbm>>
      tpu.enqueue_indirect_dma source(%dma_start3A_227 : memref<10240x16xf32, #tpu.memory_space<hbm>>) target(%arg23 : memref<128x16xf32, #tpu.memory_space<vmem>>) offsets(%dma_start3A_224 : memref<128xi32, #tpu.memory_space<vmem>>) semaphore(%arg31 : memref<!tpu.dma_semaphore, #tpu.memory_space<semaphore_mem>>)
      %add3A_228 = arith.constant 7 : i32
      %add3A_229 = arith.addi %mul3A_172, %add3A_228 : i32
      %dma_start3A_230 = arith.constant 0 : i32
      %dma_start3A_231 = tpu.memref_slice %arg14[%add3A_229, %dma_start3A_230] : memref<80x128xi32, #tpu.memory_space<vmem>> -> memref<1x128xi32, #tpu.memory_space<vmem>>
      %dma_start3A_232 = tpu.memref_squeeze %dma_start3A_231 : memref<1x128xi32, #tpu.memory_space<vmem>> -> memref<128xi32, #tpu.memory_space<vmem>>
      %dma_start3A_233 = arith.constant 0 : i32
      %dma_start3A_234 = arith.constant 0 : i32
      %dma_start3A_235 = tpu.memref_slice %arg2[%dma_start3A_233, %dma_start3A_234] : memref<10240x16xf32, #tpu.memory_space<hbm>> -> memref<10240x16xf32, #tpu.memory_space<hbm>>
      tpu.enqueue_indirect_dma source(%dma_start3A_235 : memref<10240x16xf32, #tpu.memory_space<hbm>>) target(%arg24 : memref<128x16xf32, #tpu.memory_space<vmem>>) offsets(%dma_start3A_232 : memref<128xi32, #tpu.memory_space<vmem>>) semaphore(%arg32 : memref<!tpu.dma_semaphore, #tpu.memory_space<semaphore_mem>>)
      %dma_wait3A = arith.constant 0 : i32
      %dma_wait3A_236 = tpu.memref_slice %arg14[%add3A_174, %dma_wait3A] : memref<80x128xi32, #tpu.memory_space<vmem>> -> memref<1x128xi32, #tpu.memory_space<vmem>>
      %dma_wait3A_237 = tpu.memref_squeeze %dma_wait3A_236 : memref<1x128xi32, #tpu.memory_space<vmem>> -> memref<128xi32, #tpu.memory_space<vmem>>
      %dma_wait3A_238 = arith.constant 0 : i32
      %dma_wait3A_239 = arith.constant 0 : i32
      %dma_wait3A_240 = tpu.memref_slice %arg2[%dma_wait3A_238, %dma_wait3A_239] : memref<10240x16xf32, #tpu.memory_space<hbm>> -> memref<10240x16xf32, #tpu.memory_space<hbm>>
      tpu.wait_indirect_dma semaphore(%arg25 : memref<!tpu.dma_semaphore, #tpu.memory_space<semaphore_mem>>) src(%dma_wait3A_240 : memref<10240x16xf32, #tpu.memory_space<hbm>>) dst(%arg17 : memref<128x16xf32, #tpu.memory_space<vmem>>)
      %add3A_241 = arith.constant 0 : i32
      %add3A_242 = arith.addi %mul3A_172, %add3A_241 : i32
      %dma_start3A_243 = arith.constant 0 : i32
      %dma_start3A_244 = tpu.memref_slice %arg15[%add3A_242, %dma_start3A_243] : memref<80x128xi32, #tpu.memory_space<vmem>> -> memref<1x128xi32, #tpu.memory_space<vmem>>
      %dma_start3A_245 = tpu.memref_squeeze %dma_start3A_244 : memref<1x128xi32, #tpu.memory_space<vmem>> -> memref<128xi32, #tpu.memory_space<vmem>>
      %dma_start3A_246 = arith.constant 0 : i32
      %dma_start3A_247 = arith.constant 0 : i32
      %dma_start3A_248 = tpu.memref_slice %arg13[%dma_start3A_246, %dma_start3A_247] : memref<10240x16xf32, #tpu.memory_space<vmem_shared>> -> memref<10240x16xf32, #tpu.memory_space<vmem_shared>>
      tpu.enqueue_indirect_dma source(%arg17 : memref<128x16xf32, #tpu.memory_space<vmem>>) target(%dma_start3A_248 : memref<10240x16xf32, #tpu.memory_space<vmem_shared>>) offsets(%dma_start3A_245 : memref<128xi32, #tpu.memory_space<vmem>>) semaphore(%arg33 : memref<!tpu.dma_semaphore, #tpu.memory_space<semaphore_mem>>) {add = true}
      %dma_wait3A_249 = arith.constant 0 : i32
      %dma_wait3A_250 = tpu.memref_slice %arg14[%add3A_181, %dma_wait3A_249] : memref<80x128xi32, #tpu.memory_space<vmem>> -> memref<1x128xi32, #tpu.memory_space<vmem>>
      %dma_wait3A_251 = tpu.memref_squeeze %dma_wait3A_250 : memref<1x128xi32, #tpu.memory_space<vmem>> -> memref<128xi32, #tpu.memory_space<vmem>>
      %dma_wait3A_252 = arith.constant 0 : i32
      %dma_wait3A_253 = arith.constant 0 : i32
      %dma_wait3A_254 = tpu.memref_slice %arg2[%dma_wait3A_252, %dma_wait3A_253] : memref<10240x16xf32, #tpu.memory_space<hbm>> -> memref<10240x16xf32, #tpu.memory_space<hbm>>
      tpu.wait_indirect_dma semaphore(%arg26 : memref<!tpu.dma_semaphore, #tpu.memory_space<semaphore_mem>>) src(%dma_wait3A_254 : memref<10240x16xf32, #tpu.memory_space<hbm>>) dst(%arg18 : memref<128x16xf32, #tpu.memory_space<vmem>>)
      %add3A_255 = arith.constant 1 : i32
      %add3A_256 = arith.addi %mul3A_172, %add3A_255 : i32
      %dma_start3A_257 = arith.constant 0 : i32
      %dma_start3A_258 = tpu.memref_slice %arg15[%add3A_256, %dma_start3A_257] : memref<80x128xi32, #tpu.memory_space<vmem>> -> memref<1x128xi32, #tpu.memory_space<vmem>>
      %dma_start3A_259 = tpu.memref_squeeze %dma_start3A_258 : memref<1x128xi32, #tpu.memory_space<vmem>> -> memref<128xi32, #tpu.memory_space<vmem>>
      %dma_start3A_260 = arith.constant 0 : i32
      %dma_start3A_261 = arith.constant 0 : i32
      %dma_start3A_262 = tpu.memref_slice %arg13[%dma_start3A_260, %dma_start3A_261] : memref<10240x16xf32, #tpu.memory_space<vmem_shared>> -> memref<10240x16xf32, #tpu.memory_space<vmem_shared>>
      tpu.enqueue_indirect_dma source(%arg18 : memref<128x16xf32, #tpu.memory_space<vmem>>) target(%dma_start3A_262 : memref<10240x16xf32, #tpu.memory_space<vmem_shared>>) offsets(%dma_start3A_259 : memref<128xi32, #tpu.memory_space<vmem>>) semaphore(%arg34 : memref<!tpu.dma_semaphore, #tpu.memory_space<semaphore_mem>>) {add = true}
      %dma_wait3A_263 = arith.constant 0 : i32
      %dma_wait3A_264 = tpu.memref_slice %arg14[%add3A_189, %dma_wait3A_263] : memref<80x128xi32, #tpu.memory_space<vmem>> -> memref<1x128xi32, #tpu.memory_space<vmem>>
      %dma_wait3A_265 = tpu.memref_squeeze %dma_wait3A_264 : memref<1x128xi32, #tpu.memory_space<vmem>> -> memref<128xi32, #tpu.memory_space<vmem>>
      %dma_wait3A_266 = arith.constant 0 : i32
      %dma_wait3A_267 = arith.constant 0 : i32
      %dma_wait3A_268 = tpu.memref_slice %arg2[%dma_wait3A_266, %dma_wait3A_267] : memref<10240x16xf32, #tpu.memory_space<hbm>> -> memref<10240x16xf32, #tpu.memory_space<hbm>>
      tpu.wait_indirect_dma semaphore(%arg27 : memref<!tpu.dma_semaphore, #tpu.memory_space<semaphore_mem>>) src(%dma_wait3A_268 : memref<10240x16xf32, #tpu.memory_space<hbm>>) dst(%arg19 : memref<128x16xf32, #tpu.memory_space<vmem>>)
      %add3A_269 = arith.constant 2 : i32
      %add3A_270 = arith.addi %mul3A_172, %add3A_269 : i32
      %dma_start3A_271 = arith.constant 0 : i32
      %dma_start3A_272 = tpu.memref_slice %arg15[%add3A_270, %dma_start3A_271] : memref<80x128xi32, #tpu.memory_space<vmem>> -> memref<1x128xi32, #tpu.memory_space<vmem>>
      %dma_start3A_273 = tpu.memref_squeeze %dma_start3A_272 : memref<1x128xi32, #tpu.memory_space<vmem>> -> memref<128xi32, #tpu.memory_space<vmem>>
      %dma_start3A_274 = arith.constant 0 : i32
      %dma_start3A_275 = arith.constant 0 : i32
      %dma_start3A_276 = tpu.memref_slice %arg13[%dma_start3A_274, %dma_start3A_275] : memref<10240x16xf32, #tpu.memory_space<vmem_shared>> -> memref<10240x16xf32, #tpu.memory_space<vmem_shared>>
      tpu.enqueue_indirect_dma source(%arg19 : memref<128x16xf32, #tpu.memory_space<vmem>>) target(%dma_start3A_276 : memref<10240x16xf32, #tpu.memory_space<vmem_shared>>) offsets(%dma_start3A_273 : memref<128xi32, #tpu.memory_space<vmem>>) semaphore(%arg35 : memref<!tpu.dma_semaphore, #tpu.memory_space<semaphore_mem>>) {add = true}
      %dma_wait3A_277 = arith.constant 0 : i32
      %dma_wait3A_278 = tpu.memref_slice %arg14[%add3A_197, %dma_wait3A_277] : memref<80x128xi32, #tpu.memory_space<vmem>> -> memref<1x128xi32, #tpu.memory_space<vmem>>
      %dma_wait3A_279 = tpu.memref_squeeze %dma_wait3A_278 : memref<1x128xi32, #tpu.memory_space<vmem>> -> memref<128xi32, #tpu.memory_space<vmem>>
      %dma_wait3A_280 = arith.constant 0 : i32
      %dma_wait3A_281 = arith.constant 0 : i32
      %dma_wait3A_282 = tpu.memref_slice %arg2[%dma_wait3A_280, %dma_wait3A_281] : memref<10240x16xf32, #tpu.memory_space<hbm>> -> memref<10240x16xf32, #tpu.memory_space<hbm>>
      tpu.wait_indirect_dma semaphore(%arg28 : memref<!tpu.dma_semaphore, #tpu.memory_space<semaphore_mem>>) src(%dma_wait3A_282 : memref<10240x16xf32, #tpu.memory_space<hbm>>) dst(%arg20 : memref<128x16xf32, #tpu.memory_space<vmem>>)
      %add3A_283 = arith.constant 3 : i32
      %add3A_284 = arith.addi %mul3A_172, %add3A_283 : i32
      %dma_start3A_285 = arith.constant 0 : i32
      %dma_start3A_286 = tpu.memref_slice %arg15[%add3A_284, %dma_start3A_285] : memref<80x128xi32, #tpu.memory_space<vmem>> -> memref<1x128xi32, #tpu.memory_space<vmem>>
      %dma_start3A_287 = tpu.memref_squeeze %dma_start3A_286 : memref<1x128xi32, #tpu.memory_space<vmem>> -> memref<128xi32, #tpu.memory_space<vmem>>
      %dma_start3A_288 = arith.constant 0 : i32
      %dma_start3A_289 = arith.constant 0 : i32
      %dma_start3A_290 = tpu.memref_slice %arg13[%dma_start3A_288, %dma_start3A_289] : memref<10240x16xf32, #tpu.memory_space<vmem_shared>> -> memref<10240x16xf32, #tpu.memory_space<vmem_shared>>
      tpu.enqueue_indirect_dma source(%arg20 : memref<128x16xf32, #tpu.memory_space<vmem>>) target(%dma_start3A_290 : memref<10240x16xf32, #tpu.memory_space<vmem_shared>>) offsets(%dma_start3A_287 : memref<128xi32, #tpu.memory_space<vmem>>) semaphore(%arg36 : memref<!tpu.dma_semaphore, #tpu.memory_space<semaphore_mem>>) {add = true}
      %dma_wait3A_291 = arith.constant 0 : i32
      %dma_wait3A_292 = tpu.memref_slice %arg14[%add3A_205, %dma_wait3A_291] : memref<80x128xi32, #tpu.memory_space<vmem>> -> memref<1x128xi32, #tpu.memory_space<vmem>>
      %dma_wait3A_293 = tpu.memref_squeeze %dma_wait3A_292 : memref<1x128xi32, #tpu.memory_space<vmem>> -> memref<128xi32, #tpu.memory_space<vmem>>
      %dma_wait3A_294 = arith.constant 0 : i32
      %dma_wait3A_295 = arith.constant 0 : i32
      %dma_wait3A_296 = tpu.memref_slice %arg2[%dma_wait3A_294, %dma_wait3A_295] : memref<10240x16xf32, #tpu.memory_space<hbm>> -> memref<10240x16xf32, #tpu.memory_space<hbm>>
      tpu.wait_indirect_dma semaphore(%arg29 : memref<!tpu.dma_semaphore, #tpu.memory_space<semaphore_mem>>) src(%dma_wait3A_296 : memref<10240x16xf32, #tpu.memory_space<hbm>>) dst(%arg21 : memref<128x16xf32, #tpu.memory_space<vmem>>)
      %add3A_297 = arith.constant 4 : i32
      %add3A_298 = arith.addi %mul3A_172, %add3A_297 : i32
      %dma_start3A_299 = arith.constant 0 : i32
      %dma_start3A_300 = tpu.memref_slice %arg15[%add3A_298, %dma_start3A_299] : memref<80x128xi32, #tpu.memory_space<vmem>> -> memref<1x128xi32, #tpu.memory_space<vmem>>
      %dma_start3A_301 = tpu.memref_squeeze %dma_start3A_300 : memref<1x128xi32, #tpu.memory_space<vmem>> -> memref<128xi32, #tpu.memory_space<vmem>>
      %dma_start3A_302 = arith.constant 0 : i32
      %dma_start3A_303 = arith.constant 0 : i32
      %dma_start3A_304 = tpu.memref_slice %arg13[%dma_start3A_302, %dma_start3A_303] : memref<10240x16xf32, #tpu.memory_space<vmem_shared>> -> memref<10240x16xf32, #tpu.memory_space<vmem_shared>>
      tpu.enqueue_indirect_dma source(%arg21 : memref<128x16xf32, #tpu.memory_space<vmem>>) target(%dma_start3A_304 : memref<10240x16xf32, #tpu.memory_space<vmem_shared>>) offsets(%dma_start3A_301 : memref<128xi32, #tpu.memory_space<vmem>>) semaphore(%arg37 : memref<!tpu.dma_semaphore, #tpu.memory_space<semaphore_mem>>) {add = true}
      %dma_wait3A_305 = arith.constant 0 : i32
      %dma_wait3A_306 = tpu.memref_slice %arg14[%add3A_213, %dma_wait3A_305] : memref<80x128xi32, #tpu.memory_space<vmem>> -> memref<1x128xi32, #tpu.memory_space<vmem>>
      %dma_wait3A_307 = tpu.memref_squeeze %dma_wait3A_306 : memref<1x128xi32, #tpu.memory_space<vmem>> -> memref<128xi32, #tpu.memory_space<vmem>>
      %dma_wait3A_308 = arith.constant 0 : i32
      %dma_wait3A_309 = arith.constant 0 : i32
      %dma_wait3A_310 = tpu.memref_slice %arg2[%dma_wait3A_308, %dma_wait3A_309] : memref<10240x16xf32, #tpu.memory_space<hbm>> -> memref<10240x16xf32, #tpu.memory_space<hbm>>
      tpu.wait_indirect_dma semaphore(%arg30 : memref<!tpu.dma_semaphore, #tpu.memory_space<semaphore_mem>>) src(%dma_wait3A_310 : memref<10240x16xf32, #tpu.memory_space<hbm>>) dst(%arg22 : memref<128x16xf32, #tpu.memory_space<vmem>>)
      %add3A_311 = arith.constant 5 : i32
      %add3A_312 = arith.addi %mul3A_172, %add3A_311 : i32
      %dma_start3A_313 = arith.constant 0 : i32
      %dma_start3A_314 = tpu.memref_slice %arg15[%add3A_312, %dma_start3A_313] : memref<80x128xi32, #tpu.memory_space<vmem>> -> memref<1x128xi32, #tpu.memory_space<vmem>>
      %dma_start3A_315 = tpu.memref_squeeze %dma_start3A_314 : memref<1x128xi32, #tpu.memory_space<vmem>> -> memref<128xi32, #tpu.memory_space<vmem>>
      %dma_start3A_316 = arith.constant 0 : i32
      %dma_start3A_317 = arith.constant 0 : i32
      %dma_start3A_318 = tpu.memref_slice %arg13[%dma_start3A_316, %dma_start3A_317] : memref<10240x16xf32, #tpu.memory_space<vmem_shared>> -> memref<10240x16xf32, #tpu.memory_space<vmem_shared>>
      tpu.enqueue_indirect_dma source(%arg22 : memref<128x16xf32, #tpu.memory_space<vmem>>) target(%dma_start3A_318 : memref<10240x16xf32, #tpu.memory_space<vmem_shared>>) offsets(%dma_start3A_315 : memref<128xi32, #tpu.memory_space<vmem>>) semaphore(%arg38 : memref<!tpu.dma_semaphore, #tpu.memory_space<semaphore_mem>>) {add = true}
      %dma_wait3A_319 = arith.constant 0 : i32
      %dma_wait3A_320 = tpu.memref_slice %arg14[%add3A_221, %dma_wait3A_319] : memref<80x128xi32, #tpu.memory_space<vmem>> -> memref<1x128xi32, #tpu.memory_space<vmem>>
      %dma_wait3A_321 = tpu.memref_squeeze %dma_wait3A_320 : memref<1x128xi32, #tpu.memory_space<vmem>> -> memref<128xi32, #tpu.memory_space<vmem>>
      %dma_wait3A_322 = arith.constant 0 : i32
      %dma_wait3A_323 = arith.constant 0 : i32
      %dma_wait3A_324 = tpu.memref_slice %arg2[%dma_wait3A_322, %dma_wait3A_323] : memref<10240x16xf32, #tpu.memory_space<hbm>> -> memref<10240x16xf32, #tpu.memory_space<hbm>>
      tpu.wait_indirect_dma semaphore(%arg31 : memref<!tpu.dma_semaphore, #tpu.memory_space<semaphore_mem>>) src(%dma_wait3A_324 : memref<10240x16xf32, #tpu.memory_space<hbm>>) dst(%arg23 : memref<128x16xf32, #tpu.memory_space<vmem>>)
      %add3A_325 = arith.constant 6 : i32
      %add3A_326 = arith.addi %mul3A_172, %add3A_325 : i32
      %dma_start3A_327 = arith.constant 0 : i32
      %dma_start3A_328 = tpu.memref_slice %arg15[%add3A_326, %dma_start3A_327] : memref<80x128xi32, #tpu.memory_space<vmem>> -> memref<1x128xi32, #tpu.memory_space<vmem>>
      %dma_start3A_329 = tpu.memref_squeeze %dma_start3A_328 : memref<1x128xi32, #tpu.memory_space<vmem>> -> memref<128xi32, #tpu.memory_space<vmem>>
      %dma_start3A_330 = arith.constant 0 : i32
      %dma_start3A_331 = arith.constant 0 : i32
      %dma_start3A_332 = tpu.memref_slice %arg13[%dma_start3A_330, %dma_start3A_331] : memref<10240x16xf32, #tpu.memory_space<vmem_shared>> -> memref<10240x16xf32, #tpu.memory_space<vmem_shared>>
      tpu.enqueue_indirect_dma source(%arg23 : memref<128x16xf32, #tpu.memory_space<vmem>>) target(%dma_start3A_332 : memref<10240x16xf32, #tpu.memory_space<vmem_shared>>) offsets(%dma_start3A_329 : memref<128xi32, #tpu.memory_space<vmem>>) semaphore(%arg39 : memref<!tpu.dma_semaphore, #tpu.memory_space<semaphore_mem>>) {add = true}
      %dma_wait3A_333 = arith.constant 0 : i32
      %dma_wait3A_334 = tpu.memref_slice %arg14[%add3A_229, %dma_wait3A_333] : memref<80x128xi32, #tpu.memory_space<vmem>> -> memref<1x128xi32, #tpu.memory_space<vmem>>
      %dma_wait3A_335 = tpu.memref_squeeze %dma_wait3A_334 : memref<1x128xi32, #tpu.memory_space<vmem>> -> memref<128xi32, #tpu.memory_space<vmem>>
      %dma_wait3A_336 = arith.constant 0 : i32
      %dma_wait3A_337 = arith.constant 0 : i32
      %dma_wait3A_338 = tpu.memref_slice %arg2[%dma_wait3A_336, %dma_wait3A_337] : memref<10240x16xf32, #tpu.memory_space<hbm>> -> memref<10240x16xf32, #tpu.memory_space<hbm>>
      tpu.wait_indirect_dma semaphore(%arg32 : memref<!tpu.dma_semaphore, #tpu.memory_space<semaphore_mem>>) src(%dma_wait3A_338 : memref<10240x16xf32, #tpu.memory_space<hbm>>) dst(%arg24 : memref<128x16xf32, #tpu.memory_space<vmem>>)
      %add3A_339 = arith.constant 7 : i32
      %add3A_340 = arith.addi %mul3A_172, %add3A_339 : i32
      %dma_start3A_341 = arith.constant 0 : i32
      %dma_start3A_342 = tpu.memref_slice %arg15[%add3A_340, %dma_start3A_341] : memref<80x128xi32, #tpu.memory_space<vmem>> -> memref<1x128xi32, #tpu.memory_space<vmem>>
      %dma_start3A_343 = tpu.memref_squeeze %dma_start3A_342 : memref<1x128xi32, #tpu.memory_space<vmem>> -> memref<128xi32, #tpu.memory_space<vmem>>
      %dma_start3A_344 = arith.constant 0 : i32
      %dma_start3A_345 = arith.constant 0 : i32
      %dma_start3A_346 = tpu.memref_slice %arg13[%dma_start3A_344, %dma_start3A_345] : memref<10240x16xf32, #tpu.memory_space<vmem_shared>> -> memref<10240x16xf32, #tpu.memory_space<vmem_shared>>
      tpu.enqueue_indirect_dma source(%arg24 : memref<128x16xf32, #tpu.memory_space<vmem>>) target(%dma_start3A_346 : memref<10240x16xf32, #tpu.memory_space<vmem_shared>>) offsets(%dma_start3A_343 : memref<128xi32, #tpu.memory_space<vmem>>) semaphore(%arg40 : memref<!tpu.dma_semaphore, #tpu.memory_space<semaphore_mem>>) {add = true}
      %dma_wait3A_347 = arith.constant 0 : i32
      %dma_wait3A_348 = tpu.memref_slice %arg15[%add3A_242, %dma_wait3A_347] : memref<80x128xi32, #tpu.memory_space<vmem>> -> memref<1x128xi32, #tpu.memory_space<vmem>>
      %dma_wait3A_349 = tpu.memref_squeeze %dma_wait3A_348 : memref<1x128xi32, #tpu.memory_space<vmem>> -> memref<128xi32, #tpu.memory_space<vmem>>
      %dma_wait3A_350 = arith.constant 0 : i32
      %dma_wait3A_351 = arith.constant 0 : i32
      %dma_wait3A_352 = tpu.memref_slice %arg13[%dma_wait3A_350, %dma_wait3A_351] : memref<10240x16xf32, #tpu.memory_space<vmem_shared>> -> memref<10240x16xf32, #tpu.memory_space<vmem_shared>>
      tpu.wait_indirect_dma semaphore(%arg33 : memref<!tpu.dma_semaphore, #tpu.memory_space<semaphore_mem>>) src(%arg17 : memref<128x16xf32, #tpu.memory_space<vmem>>) dst(%dma_wait3A_352 : memref<10240x16xf32, #tpu.memory_space<vmem_shared>>)
      %dma_wait3A_353 = arith.constant 0 : i32
      %dma_wait3A_354 = tpu.memref_slice %arg15[%add3A_256, %dma_wait3A_353] : memref<80x128xi32, #tpu.memory_space<vmem>> -> memref<1x128xi32, #tpu.memory_space<vmem>>
      %dma_wait3A_355 = tpu.memref_squeeze %dma_wait3A_354 : memref<1x128xi32, #tpu.memory_space<vmem>> -> memref<128xi32, #tpu.memory_space<vmem>>
      %dma_wait3A_356 = arith.constant 0 : i32
      %dma_wait3A_357 = arith.constant 0 : i32
      %dma_wait3A_358 = tpu.memref_slice %arg13[%dma_wait3A_356, %dma_wait3A_357] : memref<10240x16xf32, #tpu.memory_space<vmem_shared>> -> memref<10240x16xf32, #tpu.memory_space<vmem_shared>>
      tpu.wait_indirect_dma semaphore(%arg34 : memref<!tpu.dma_semaphore, #tpu.memory_space<semaphore_mem>>) src(%arg18 : memref<128x16xf32, #tpu.memory_space<vmem>>) dst(%dma_wait3A_358 : memref<10240x16xf32, #tpu.memory_space<vmem_shared>>)
      %dma_wait3A_359 = arith.constant 0 : i32
      %dma_wait3A_360 = tpu.memref_slice %arg15[%add3A_270, %dma_wait3A_359] : memref<80x128xi32, #tpu.memory_space<vmem>> -> memref<1x128xi32, #tpu.memory_space<vmem>>
      %dma_wait3A_361 = tpu.memref_squeeze %dma_wait3A_360 : memref<1x128xi32, #tpu.memory_space<vmem>> -> memref<128xi32, #tpu.memory_space<vmem>>
      %dma_wait3A_362 = arith.constant 0 : i32
      %dma_wait3A_363 = arith.constant 0 : i32
      %dma_wait3A_364 = tpu.memref_slice %arg13[%dma_wait3A_362, %dma_wait3A_363] : memref<10240x16xf32, #tpu.memory_space<vmem_shared>> -> memref<10240x16xf32, #tpu.memory_space<vmem_shared>>
      tpu.wait_indirect_dma semaphore(%arg35 : memref<!tpu.dma_semaphore, #tpu.memory_space<semaphore_mem>>) src(%arg19 : memref<128x16xf32, #tpu.memory_space<vmem>>) dst(%dma_wait3A_364 : memref<10240x16xf32, #tpu.memory_space<vmem_shared>>)
      %dma_wait3A_365 = arith.constant 0 : i32
      %dma_wait3A_366 = tpu.memref_slice %arg15[%add3A_284, %dma_wait3A_365] : memref<80x128xi32, #tpu.memory_space<vmem>> -> memref<1x128xi32, #tpu.memory_space<vmem>>
      %dma_wait3A_367 = tpu.memref_squeeze %dma_wait3A_366 : memref<1x128xi32, #tpu.memory_space<vmem>> -> memref<128xi32, #tpu.memory_space<vmem>>
      %dma_wait3A_368 = arith.constant 0 : i32
      %dma_wait3A_369 = arith.constant 0 : i32
      %dma_wait3A_370 = tpu.memref_slice %arg13[%dma_wait3A_368, %dma_wait3A_369] : memref<10240x16xf32, #tpu.memory_space<vmem_shared>> -> memref<10240x16xf32, #tpu.memory_space<vmem_shared>>
      tpu.wait_indirect_dma semaphore(%arg36 : memref<!tpu.dma_semaphore, #tpu.memory_space<semaphore_mem>>) src(%arg20 : memref<128x16xf32, #tpu.memory_space<vmem>>) dst(%dma_wait3A_370 : memref<10240x16xf32, #tpu.memory_space<vmem_shared>>)
      %dma_wait3A_371 = arith.constant 0 : i32
      %dma_wait3A_372 = tpu.memref_slice %arg15[%add3A_298, %dma_wait3A_371] : memref<80x128xi32, #tpu.memory_space<vmem>> -> memref<1x128xi32, #tpu.memory_space<vmem>>
      %dma_wait3A_373 = tpu.memref_squeeze %dma_wait3A_372 : memref<1x128xi32, #tpu.memory_space<vmem>> -> memref<128xi32, #tpu.memory_space<vmem>>
      %dma_wait3A_374 = arith.constant 0 : i32
      %dma_wait3A_375 = arith.constant 0 : i32
      %dma_wait3A_376 = tpu.memref_slice %arg13[%dma_wait3A_374, %dma_wait3A_375] : memref<10240x16xf32, #tpu.memory_space<vmem_shared>> -> memref<10240x16xf32, #tpu.memory_space<vmem_shared>>
      tpu.wait_indirect_dma semaphore(%arg37 : memref<!tpu.dma_semaphore, #tpu.memory_space<semaphore_mem>>) src(%arg21 : memref<128x16xf32, #tpu.memory_space<vmem>>) dst(%dma_wait3A_376 : memref<10240x16xf32, #tpu.memory_space<vmem_shared>>)
      %dma_wait3A_377 = arith.constant 0 : i32
      %dma_wait3A_378 = tpu.memref_slice %arg15[%add3A_312, %dma_wait3A_377] : memref<80x128xi32, #tpu.memory_space<vmem>> -> memref<1x128xi32, #tpu.memory_space<vmem>>
      %dma_wait3A_379 = tpu.memref_squeeze %dma_wait3A_378 : memref<1x128xi32, #tpu.memory_space<vmem>> -> memref<128xi32, #tpu.memory_space<vmem>>
      %dma_wait3A_380 = arith.constant 0 : i32
      %dma_wait3A_381 = arith.constant 0 : i32
      %dma_wait3A_382 = tpu.memref_slice %arg13[%dma_wait3A_380, %dma_wait3A_381] : memref<10240x16xf32, #tpu.memory_space<vmem_shared>> -> memref<10240x16xf32, #tpu.memory_space<vmem_shared>>
      tpu.wait_indirect_dma semaphore(%arg38 : memref<!tpu.dma_semaphore, #tpu.memory_space<semaphore_mem>>) src(%arg22 : memref<128x16xf32, #tpu.memory_space<vmem>>) dst(%dma_wait3A_382 : memref<10240x16xf32, #tpu.memory_space<vmem_shared>>)
      %dma_wait3A_383 = arith.constant 0 : i32
      %dma_wait3A_384 = tpu.memref_slice %arg15[%add3A_326, %dma_wait3A_383] : memref<80x128xi32, #tpu.memory_space<vmem>> -> memref<1x128xi32, #tpu.memory_space<vmem>>
      %dma_wait3A_385 = tpu.memref_squeeze %dma_wait3A_384 : memref<1x128xi32, #tpu.memory_space<vmem>> -> memref<128xi32, #tpu.memory_space<vmem>>
      %dma_wait3A_386 = arith.constant 0 : i32
      %dma_wait3A_387 = arith.constant 0 : i32
      %dma_wait3A_388 = tpu.memref_slice %arg13[%dma_wait3A_386, %dma_wait3A_387] : memref<10240x16xf32, #tpu.memory_space<vmem_shared>> -> memref<10240x16xf32, #tpu.memory_space<vmem_shared>>
      tpu.wait_indirect_dma semaphore(%arg39 : memref<!tpu.dma_semaphore, #tpu.memory_space<semaphore_mem>>) src(%arg23 : memref<128x16xf32, #tpu.memory_space<vmem>>) dst(%dma_wait3A_388 : memref<10240x16xf32, #tpu.memory_space<vmem_shared>>)
      %dma_wait3A_389 = arith.constant 0 : i32
      %dma_wait3A_390 = tpu.memref_slice %arg15[%add3A_340, %dma_wait3A_389] : memref<80x128xi32, #tpu.memory_space<vmem>> -> memref<1x128xi32, #tpu.memory_space<vmem>>
      %dma_wait3A_391 = tpu.memref_squeeze %dma_wait3A_390 : memref<1x128xi32, #tpu.memory_space<vmem>> -> memref<128xi32, #tpu.memory_space<vmem>>
      %dma_wait3A_392 = arith.constant 0 : i32
      %dma_wait3A_393 = arith.constant 0 : i32
      %dma_wait3A_394 = tpu.memref_slice %arg13[%dma_wait3A_392, %dma_wait3A_393] : memref<10240x16xf32, #tpu.memory_space<vmem_shared>> -> memref<10240x16xf32, #tpu.memory_space<vmem_shared>>
      tpu.wait_indirect_dma semaphore(%arg40 : memref<!tpu.dma_semaphore, #tpu.memory_space<semaphore_mem>>) src(%arg24 : memref<128x16xf32, #tpu.memory_space<vmem>>) dst(%dma_wait3A_394 : memref<10240x16xf32, #tpu.memory_space<vmem_shared>>)
    }
    %scan3A_86 = arith.constant 9 : i32
    %gt3A_87 = arith.constant 72 : i32
    %gt3A_88 = arith.cmpi sgt, %select_n3A, %gt3A_87 : i32
    %convert_element_type3A_89 = arith.extui %gt3A_88 : i1 to i32
    %cond3A_90 = arith.constant 0 : i32
    %cond3A_91 = arith.cmpi ne, %convert_element_type3A_89, %cond3A_90 : i32
    scf.if %cond3A_91 {
      %dma_start3A = arith.constant 72 : i32
      %dma_start3A_168 = arith.constant 0 : i32
      %dma_start3A_169 = tpu.memref_slice %arg14[%dma_start3A, %dma_start3A_168] : memref<80x128xi32, #tpu.memory_space<vmem>> -> memref<1x128xi32, #tpu.memory_space<vmem>>
      %dma_start3A_170 = tpu.memref_squeeze %dma_start3A_169 : memref<1x128xi32, #tpu.memory_space<vmem>> -> memref<128xi32, #tpu.memory_space<vmem>>
      %dma_start3A_171 = arith.constant 0 : i32
      %dma_start3A_172 = arith.constant 0 : i32
      %dma_start3A_173 = tpu.memref_slice %arg2[%dma_start3A_171, %dma_start3A_172] : memref<10240x16xf32, #tpu.memory_space<hbm>> -> memref<10240x16xf32, #tpu.memory_space<hbm>>
      tpu.enqueue_indirect_dma source(%dma_start3A_173 : memref<10240x16xf32, #tpu.memory_space<hbm>>) target(%arg17 : memref<128x16xf32, #tpu.memory_space<vmem>>) offsets(%dma_start3A_170 : memref<128xi32, #tpu.memory_space<vmem>>) semaphore(%arg25 : memref<!tpu.dma_semaphore, #tpu.memory_space<semaphore_mem>>)
    } else {
    }
    %gt3A_92 = arith.constant 73 : i32
    %gt3A_93 = arith.cmpi sgt, %select_n3A, %gt3A_92 : i32
    %convert_element_type3A_94 = arith.extui %gt3A_93 : i1 to i32
    %cond3A_95 = arith.constant 0 : i32
    %cond3A_96 = arith.cmpi ne, %convert_element_type3A_94, %cond3A_95 : i32
    scf.if %cond3A_96 {
      %dma_start3A = arith.constant 73 : i32
      %dma_start3A_168 = arith.constant 0 : i32
      %dma_start3A_169 = tpu.memref_slice %arg14[%dma_start3A, %dma_start3A_168] : memref<80x128xi32, #tpu.memory_space<vmem>> -> memref<1x128xi32, #tpu.memory_space<vmem>>
      %dma_start3A_170 = tpu.memref_squeeze %dma_start3A_169 : memref<1x128xi32, #tpu.memory_space<vmem>> -> memref<128xi32, #tpu.memory_space<vmem>>
      %dma_start3A_171 = arith.constant 0 : i32
      %dma_start3A_172 = arith.constant 0 : i32
      %dma_start3A_173 = tpu.memref_slice %arg2[%dma_start3A_171, %dma_start3A_172] : memref<10240x16xf32, #tpu.memory_space<hbm>> -> memref<10240x16xf32, #tpu.memory_space<hbm>>
      tpu.enqueue_indirect_dma source(%dma_start3A_173 : memref<10240x16xf32, #tpu.memory_space<hbm>>) target(%arg18 : memref<128x16xf32, #tpu.memory_space<vmem>>) offsets(%dma_start3A_170 : memref<128xi32, #tpu.memory_space<vmem>>) semaphore(%arg26 : memref<!tpu.dma_semaphore, #tpu.memory_space<semaphore_mem>>)
    } else {
    }
    %gt3A_97 = arith.constant 74 : i32
    %gt3A_98 = arith.cmpi sgt, %select_n3A, %gt3A_97 : i32
    %convert_element_type3A_99 = arith.extui %gt3A_98 : i1 to i32
    %cond3A_100 = arith.constant 0 : i32
    %cond3A_101 = arith.cmpi ne, %convert_element_type3A_99, %cond3A_100 : i32
    scf.if %cond3A_101 {
      %dma_start3A = arith.constant 74 : i32
      %dma_start3A_168 = arith.constant 0 : i32
      %dma_start3A_169 = tpu.memref_slice %arg14[%dma_start3A, %dma_start3A_168] : memref<80x128xi32, #tpu.memory_space<vmem>> -> memref<1x128xi32, #tpu.memory_space<vmem>>
      %dma_start3A_170 = tpu.memref_squeeze %dma_start3A_169 : memref<1x128xi32, #tpu.memory_space<vmem>> -> memref<128xi32, #tpu.memory_space<vmem>>
      %dma_start3A_171 = arith.constant 0 : i32
      %dma_start3A_172 = arith.constant 0 : i32
      %dma_start3A_173 = tpu.memref_slice %arg2[%dma_start3A_171, %dma_start3A_172] : memref<10240x16xf32, #tpu.memory_space<hbm>> -> memref<10240x16xf32, #tpu.memory_space<hbm>>
      tpu.enqueue_indirect_dma source(%dma_start3A_173 : memref<10240x16xf32, #tpu.memory_space<hbm>>) target(%arg19 : memref<128x16xf32, #tpu.memory_space<vmem>>) offsets(%dma_start3A_170 : memref<128xi32, #tpu.memory_space<vmem>>) semaphore(%arg27 : memref<!tpu.dma_semaphore, #tpu.memory_space<semaphore_mem>>)
    } else {
    }
    %gt3A_102 = arith.constant 75 : i32
    %gt3A_103 = arith.cmpi sgt, %select_n3A, %gt3A_102 : i32
    %convert_element_type3A_104 = arith.extui %gt3A_103 : i1 to i32
    %cond3A_105 = arith.constant 0 : i32
    %cond3A_106 = arith.cmpi ne, %convert_element_type3A_104, %cond3A_105 : i32
    scf.if %cond3A_106 {
      %dma_start3A = arith.constant 75 : i32
      %dma_start3A_168 = arith.constant 0 : i32
      %dma_start3A_169 = tpu.memref_slice %arg14[%dma_start3A, %dma_start3A_168] : memref<80x128xi32, #tpu.memory_space<vmem>> -> memref<1x128xi32, #tpu.memory_space<vmem>>
      %dma_start3A_170 = tpu.memref_squeeze %dma_start3A_169 : memref<1x128xi32, #tpu.memory_space<vmem>> -> memref<128xi32, #tpu.memory_space<vmem>>
      %dma_start3A_171 = arith.constant 0 : i32
      %dma_start3A_172 = arith.constant 0 : i32
      %dma_start3A_173 = tpu.memref_slice %arg2[%dma_start3A_171, %dma_start3A_172] : memref<10240x16xf32, #tpu.memory_space<hbm>> -> memref<10240x16xf32, #tpu.memory_space<hbm>>
      tpu.enqueue_indirect_dma source(%dma_start3A_173 : memref<10240x16xf32, #tpu.memory_space<hbm>>) target(%arg20 : memref<128x16xf32, #tpu.memory_space<vmem>>) offsets(%dma_start3A_170 : memref<128xi32, #tpu.memory_space<vmem>>) semaphore(%arg28 : memref<!tpu.dma_semaphore, #tpu.memory_space<semaphore_mem>>)
    } else {
    }
    %gt3A_107 = arith.constant 76 : i32
    %gt3A_108 = arith.cmpi sgt, %select_n3A, %gt3A_107 : i32
    %convert_element_type3A_109 = arith.extui %gt3A_108 : i1 to i32
    %cond3A_110 = arith.constant 0 : i32
    %cond3A_111 = arith.cmpi ne, %convert_element_type3A_109, %cond3A_110 : i32
    scf.if %cond3A_111 {
      %dma_start3A = arith.constant 76 : i32
      %dma_start3A_168 = arith.constant 0 : i32
      %dma_start3A_169 = tpu.memref_slice %arg14[%dma_start3A, %dma_start3A_168] : memref<80x128xi32, #tpu.memory_space<vmem>> -> memref<1x128xi32, #tpu.memory_space<vmem>>
      %dma_start3A_170 = tpu.memref_squeeze %dma_start3A_169 : memref<1x128xi32, #tpu.memory_space<vmem>> -> memref<128xi32, #tpu.memory_space<vmem>>
      %dma_start3A_171 = arith.constant 0 : i32
      %dma_start3A_172 = arith.constant 0 : i32
      %dma_start3A_173 = tpu.memref_slice %arg2[%dma_start3A_171, %dma_start3A_172] : memref<10240x16xf32, #tpu.memory_space<hbm>> -> memref<10240x16xf32, #tpu.memory_space<hbm>>
      tpu.enqueue_indirect_dma source(%dma_start3A_173 : memref<10240x16xf32, #tpu.memory_space<hbm>>) target(%arg21 : memref<128x16xf32, #tpu.memory_space<vmem>>) offsets(%dma_start3A_170 : memref<128xi32, #tpu.memory_space<vmem>>) semaphore(%arg29 : memref<!tpu.dma_semaphore, #tpu.memory_space<semaphore_mem>>)
    } else {
    }
    %gt3A_112 = arith.constant 77 : i32
    %gt3A_113 = arith.cmpi sgt, %select_n3A, %gt3A_112 : i32
    %convert_element_type3A_114 = arith.extui %gt3A_113 : i1 to i32
    %cond3A_115 = arith.constant 0 : i32
    %cond3A_116 = arith.cmpi ne, %convert_element_type3A_114, %cond3A_115 : i32
    scf.if %cond3A_116 {
      %dma_start3A = arith.constant 77 : i32
      %dma_start3A_168 = arith.constant 0 : i32
      %dma_start3A_169 = tpu.memref_slice %arg14[%dma_start3A, %dma_start3A_168] : memref<80x128xi32, #tpu.memory_space<vmem>> -> memref<1x128xi32, #tpu.memory_space<vmem>>
      %dma_start3A_170 = tpu.memref_squeeze %dma_start3A_169 : memref<1x128xi32, #tpu.memory_space<vmem>> -> memref<128xi32, #tpu.memory_space<vmem>>
      %dma_start3A_171 = arith.constant 0 : i32
      %dma_start3A_172 = arith.constant 0 : i32
      %dma_start3A_173 = tpu.memref_slice %arg2[%dma_start3A_171, %dma_start3A_172] : memref<10240x16xf32, #tpu.memory_space<hbm>> -> memref<10240x16xf32, #tpu.memory_space<hbm>>
      tpu.enqueue_indirect_dma source(%dma_start3A_173 : memref<10240x16xf32, #tpu.memory_space<hbm>>) target(%arg22 : memref<128x16xf32, #tpu.memory_space<vmem>>) offsets(%dma_start3A_170 : memref<128xi32, #tpu.memory_space<vmem>>) semaphore(%arg30 : memref<!tpu.dma_semaphore, #tpu.memory_space<semaphore_mem>>)
    } else {
    }
    %gt3A_117 = arith.constant 78 : i32
    %gt3A_118 = arith.cmpi sgt, %select_n3A, %gt3A_117 : i32
    %convert_element_type3A_119 = arith.extui %gt3A_118 : i1 to i32
    %cond3A_120 = arith.constant 0 : i32
    %cond3A_121 = arith.cmpi ne, %convert_element_type3A_119, %cond3A_120 : i32
    scf.if %cond3A_121 {
      %dma_start3A = arith.constant 78 : i32
      %dma_start3A_168 = arith.constant 0 : i32
      %dma_start3A_169 = tpu.memref_slice %arg14[%dma_start3A, %dma_start3A_168] : memref<80x128xi32, #tpu.memory_space<vmem>> -> memref<1x128xi32, #tpu.memory_space<vmem>>
      %dma_start3A_170 = tpu.memref_squeeze %dma_start3A_169 : memref<1x128xi32, #tpu.memory_space<vmem>> -> memref<128xi32, #tpu.memory_space<vmem>>
      %dma_start3A_171 = arith.constant 0 : i32
      %dma_start3A_172 = arith.constant 0 : i32
      %dma_start3A_173 = tpu.memref_slice %arg2[%dma_start3A_171, %dma_start3A_172] : memref<10240x16xf32, #tpu.memory_space<hbm>> -> memref<10240x16xf32, #tpu.memory_space<hbm>>
      tpu.enqueue_indirect_dma source(%dma_start3A_173 : memref<10240x16xf32, #tpu.memory_space<hbm>>) target(%arg23 : memref<128x16xf32, #tpu.memory_space<vmem>>) offsets(%dma_start3A_170 : memref<128xi32, #tpu.memory_space<vmem>>) semaphore(%arg31 : memref<!tpu.dma_semaphore, #tpu.memory_space<semaphore_mem>>)
    } else {
    }
    %gt3A_122 = arith.constant 79 : i32
    %gt3A_123 = arith.cmpi sgt, %select_n3A, %gt3A_122 : i32
    %convert_element_type3A_124 = arith.extui %gt3A_123 : i1 to i32
    %cond3A_125 = arith.constant 0 : i32
    %cond3A_126 = arith.cmpi ne, %convert_element_type3A_124, %cond3A_125 : i32
    scf.if %cond3A_126 {
      %dma_start3A = arith.constant 79 : i32
      %dma_start3A_168 = arith.constant 0 : i32
      %dma_start3A_169 = tpu.memref_slice %arg14[%dma_start3A, %dma_start3A_168] : memref<80x128xi32, #tpu.memory_space<vmem>> -> memref<1x128xi32, #tpu.memory_space<vmem>>
      %dma_start3A_170 = tpu.memref_squeeze %dma_start3A_169 : memref<1x128xi32, #tpu.memory_space<vmem>> -> memref<128xi32, #tpu.memory_space<vmem>>
      %dma_start3A_171 = arith.constant 0 : i32
      %dma_start3A_172 = arith.constant 0 : i32
      %dma_start3A_173 = tpu.memref_slice %arg2[%dma_start3A_171, %dma_start3A_172] : memref<10240x16xf32, #tpu.memory_space<hbm>> -> memref<10240x16xf32, #tpu.memory_space<hbm>>
      tpu.enqueue_indirect_dma source(%dma_start3A_173 : memref<10240x16xf32, #tpu.memory_space<hbm>>) target(%arg24 : memref<128x16xf32, #tpu.memory_space<vmem>>) offsets(%dma_start3A_170 : memref<128xi32, #tpu.memory_space<vmem>>) semaphore(%arg32 : memref<!tpu.dma_semaphore, #tpu.memory_space<semaphore_mem>>)
    } else {
    }
    %gt3A_127 = arith.constant 72 : i32
    %gt3A_128 = arith.cmpi sgt, %select_n3A, %gt3A_127 : i32
    %convert_element_type3A_129 = arith.extui %gt3A_128 : i1 to i32
    %cond3A_130 = arith.constant 0 : i32
    %cond3A_131 = arith.cmpi ne, %convert_element_type3A_129, %cond3A_130 : i32
    scf.if %cond3A_131 {
      %dma_wait3A = arith.constant 0 : i32
      %dma_wait3A_168 = tpu.memref_slice %arg14[%squeeze3A, %dma_wait3A] : memref<80x128xi32, #tpu.memory_space<vmem>> -> memref<1x128xi32, #tpu.memory_space<vmem>>
      %dma_wait3A_169 = tpu.memref_squeeze %dma_wait3A_168 : memref<1x128xi32, #tpu.memory_space<vmem>> -> memref<128xi32, #tpu.memory_space<vmem>>
      %dma_wait3A_170 = arith.constant 0 : i32
      %dma_wait3A_171 = arith.constant 0 : i32
      %dma_wait3A_172 = tpu.memref_slice %arg2[%dma_wait3A_170, %dma_wait3A_171] : memref<10240x16xf32, #tpu.memory_space<hbm>> -> memref<10240x16xf32, #tpu.memory_space<hbm>>
      tpu.wait_indirect_dma semaphore(%arg25 : memref<!tpu.dma_semaphore, #tpu.memory_space<semaphore_mem>>) src(%dma_wait3A_172 : memref<10240x16xf32, #tpu.memory_space<hbm>>) dst(%arg17 : memref<128x16xf32, #tpu.memory_space<vmem>>)
      %run_scoped3A_173 = arith.constant 72 : i32
      "tpu.region"() ({
        %run_scoped3A_174 = tpu.sem_alloc : memref<!tpu.dma_semaphore, #tpu.memory_space<semaphore_mem>>
        %dma_start3A = arith.constant 0 : i32
        %dma_start3A_175 = tpu.memref_slice %arg15[%run_scoped3A_173, %dma_start3A] : memref<80x128xi32, #tpu.memory_space<vmem>> -> memref<1x128xi32, #tpu.memory_space<vmem>>
        %dma_start3A_176 = tpu.memref_squeeze %dma_start3A_175 : memref<1x128xi32, #tpu.memory_space<vmem>> -> memref<128xi32, #tpu.memory_space<vmem>>
        %dma_start3A_177 = arith.constant 0 : i32
        %dma_start3A_178 = arith.constant 0 : i32
        %dma_start3A_179 = tpu.memref_slice %arg13[%dma_start3A_177, %dma_start3A_178] : memref<10240x16xf32, #tpu.memory_space<vmem_shared>> -> memref<10240x16xf32, #tpu.memory_space<vmem_shared>>
        tpu.enqueue_indirect_dma source(%arg17 : memref<128x16xf32, #tpu.memory_space<vmem>>) target(%dma_start3A_179 : memref<10240x16xf32, #tpu.memory_space<vmem_shared>>) offsets(%dma_start3A_176 : memref<128xi32, #tpu.memory_space<vmem>>) semaphore(%run_scoped3A_174 : memref<!tpu.dma_semaphore, #tpu.memory_space<semaphore_mem>>) {add = true}
        %dma_wait3A_180 = arith.constant 0 : i32
        %dma_wait3A_181 = tpu.memref_slice %arg15[%run_scoped3A_173, %dma_wait3A_180] : memref<80x128xi32, #tpu.memory_space<vmem>> -> memref<1x128xi32, #tpu.memory_space<vmem>>
        %dma_wait3A_182 = tpu.memref_squeeze %dma_wait3A_181 : memref<1x128xi32, #tpu.memory_space<vmem>> -> memref<128xi32, #tpu.memory_space<vmem>>
        %dma_wait3A_183 = arith.constant 0 : i32
        %dma_wait3A_184 = arith.constant 0 : i32
        %dma_wait3A_185 = tpu.memref_slice %arg13[%dma_wait3A_183, %dma_wait3A_184] : memref<10240x16xf32, #tpu.memory_space<vmem_shared>> -> memref<10240x16xf32, #tpu.memory_space<vmem_shared>>
        tpu.wait_indirect_dma semaphore(%run_scoped3A_174 : memref<!tpu.dma_semaphore, #tpu.memory_space<semaphore_mem>>) src(%arg17 : memref<128x16xf32, #tpu.memory_space<vmem>>) dst(%dma_wait3A_185 : memref<10240x16xf32, #tpu.memory_space<vmem_shared>>)
        tpu.yield
      }) : () -> ()
    } else {
    }
    %gt3A_132 = arith.constant 73 : i32
    %gt3A_133 = arith.cmpi sgt, %select_n3A, %gt3A_132 : i32
    %convert_element_type3A_134 = arith.extui %gt3A_133 : i1 to i32
    %cond3A_135 = arith.constant 0 : i32
    %cond3A_136 = arith.cmpi ne, %convert_element_type3A_134, %cond3A_135 : i32
    scf.if %cond3A_136 {
      %dma_wait3A = arith.constant 0 : i32
      %dma_wait3A_168 = tpu.memref_slice %arg14[%squeeze3A_13, %dma_wait3A] : memref<80x128xi32, #tpu.memory_space<vmem>> -> memref<1x128xi32, #tpu.memory_space<vmem>>
      %dma_wait3A_169 = tpu.memref_squeeze %dma_wait3A_168 : memref<1x128xi32, #tpu.memory_space<vmem>> -> memref<128xi32, #tpu.memory_space<vmem>>
      %dma_wait3A_170 = arith.constant 0 : i32
      %dma_wait3A_171 = arith.constant 0 : i32
      %dma_wait3A_172 = tpu.memref_slice %arg2[%dma_wait3A_170, %dma_wait3A_171] : memref<10240x16xf32, #tpu.memory_space<hbm>> -> memref<10240x16xf32, #tpu.memory_space<hbm>>
      tpu.wait_indirect_dma semaphore(%arg26 : memref<!tpu.dma_semaphore, #tpu.memory_space<semaphore_mem>>) src(%dma_wait3A_172 : memref<10240x16xf32, #tpu.memory_space<hbm>>) dst(%arg18 : memref<128x16xf32, #tpu.memory_space<vmem>>)
      %run_scoped3A_173 = arith.constant 73 : i32
      "tpu.region"() ({
        %run_scoped3A_174 = tpu.sem_alloc : memref<!tpu.dma_semaphore, #tpu.memory_space<semaphore_mem>>
        %dma_start3A = arith.constant 0 : i32
        %dma_start3A_175 = tpu.memref_slice %arg15[%run_scoped3A_173, %dma_start3A] : memref<80x128xi32, #tpu.memory_space<vmem>> -> memref<1x128xi32, #tpu.memory_space<vmem>>
        %dma_start3A_176 = tpu.memref_squeeze %dma_start3A_175 : memref<1x128xi32, #tpu.memory_space<vmem>> -> memref<128xi32, #tpu.memory_space<vmem>>
        %dma_start3A_177 = arith.constant 0 : i32
        %dma_start3A_178 = arith.constant 0 : i32
        %dma_start3A_179 = tpu.memref_slice %arg13[%dma_start3A_177, %dma_start3A_178] : memref<10240x16xf32, #tpu.memory_space<vmem_shared>> -> memref<10240x16xf32, #tpu.memory_space<vmem_shared>>
        tpu.enqueue_indirect_dma source(%arg18 : memref<128x16xf32, #tpu.memory_space<vmem>>) target(%dma_start3A_179 : memref<10240x16xf32, #tpu.memory_space<vmem_shared>>) offsets(%dma_start3A_176 : memref<128xi32, #tpu.memory_space<vmem>>) semaphore(%run_scoped3A_174 : memref<!tpu.dma_semaphore, #tpu.memory_space<semaphore_mem>>) {add = true}
        %dma_wait3A_180 = arith.constant 0 : i32
        %dma_wait3A_181 = tpu.memref_slice %arg15[%run_scoped3A_173, %dma_wait3A_180] : memref<80x128xi32, #tpu.memory_space<vmem>> -> memref<1x128xi32, #tpu.memory_space<vmem>>
        %dma_wait3A_182 = tpu.memref_squeeze %dma_wait3A_181 : memref<1x128xi32, #tpu.memory_space<vmem>> -> memref<128xi32, #tpu.memory_space<vmem>>
        %dma_wait3A_183 = arith.constant 0 : i32
        %dma_wait3A_184 = arith.constant 0 : i32
        %dma_wait3A_185 = tpu.memref_slice %arg13[%dma_wait3A_183, %dma_wait3A_184] : memref<10240x16xf32, #tpu.memory_space<vmem_shared>> -> memref<10240x16xf32, #tpu.memory_space<vmem_shared>>
        tpu.wait_indirect_dma semaphore(%run_scoped3A_174 : memref<!tpu.dma_semaphore, #tpu.memory_space<semaphore_mem>>) src(%arg18 : memref<128x16xf32, #tpu.memory_space<vmem>>) dst(%dma_wait3A_185 : memref<10240x16xf32, #tpu.memory_space<vmem_shared>>)
        tpu.yield
      }) : () -> ()
    } else {
    }
    %gt3A_137 = arith.constant 74 : i32
    %gt3A_138 = arith.cmpi sgt, %select_n3A, %gt3A_137 : i32
    %convert_element_type3A_139 = arith.extui %gt3A_138 : i1 to i32
    %cond3A_140 = arith.constant 0 : i32
    %cond3A_141 = arith.cmpi ne, %convert_element_type3A_139, %cond3A_140 : i32
    scf.if %cond3A_141 {
      %dma_wait3A = arith.constant 0 : i32
      %dma_wait3A_168 = tpu.memref_slice %arg14[%squeeze3A_18, %dma_wait3A] : memref<80x128xi32, #tpu.memory_space<vmem>> -> memref<1x128xi32, #tpu.memory_space<vmem>>
      %dma_wait3A_169 = tpu.memref_squeeze %dma_wait3A_168 : memref<1x128xi32, #tpu.memory_space<vmem>> -> memref<128xi32, #tpu.memory_space<vmem>>
      %dma_wait3A_170 = arith.constant 0 : i32
      %dma_wait3A_171 = arith.constant 0 : i32
      %dma_wait3A_172 = tpu.memref_slice %arg2[%dma_wait3A_170, %dma_wait3A_171] : memref<10240x16xf32, #tpu.memory_space<hbm>> -> memref<10240x16xf32, #tpu.memory_space<hbm>>
      tpu.wait_indirect_dma semaphore(%arg27 : memref<!tpu.dma_semaphore, #tpu.memory_space<semaphore_mem>>) src(%dma_wait3A_172 : memref<10240x16xf32, #tpu.memory_space<hbm>>) dst(%arg19 : memref<128x16xf32, #tpu.memory_space<vmem>>)
      %run_scoped3A_173 = arith.constant 74 : i32
      "tpu.region"() ({
        %run_scoped3A_174 = tpu.sem_alloc : memref<!tpu.dma_semaphore, #tpu.memory_space<semaphore_mem>>
        %dma_start3A = arith.constant 0 : i32
        %dma_start3A_175 = tpu.memref_slice %arg15[%run_scoped3A_173, %dma_start3A] : memref<80x128xi32, #tpu.memory_space<vmem>> -> memref<1x128xi32, #tpu.memory_space<vmem>>
        %dma_start3A_176 = tpu.memref_squeeze %dma_start3A_175 : memref<1x128xi32, #tpu.memory_space<vmem>> -> memref<128xi32, #tpu.memory_space<vmem>>
        %dma_start3A_177 = arith.constant 0 : i32
        %dma_start3A_178 = arith.constant 0 : i32
        %dma_start3A_179 = tpu.memref_slice %arg13[%dma_start3A_177, %dma_start3A_178] : memref<10240x16xf32, #tpu.memory_space<vmem_shared>> -> memref<10240x16xf32, #tpu.memory_space<vmem_shared>>
        tpu.enqueue_indirect_dma source(%arg19 : memref<128x16xf32, #tpu.memory_space<vmem>>) target(%dma_start3A_179 : memref<10240x16xf32, #tpu.memory_space<vmem_shared>>) offsets(%dma_start3A_176 : memref<128xi32, #tpu.memory_space<vmem>>) semaphore(%run_scoped3A_174 : memref<!tpu.dma_semaphore, #tpu.memory_space<semaphore_mem>>) {add = true}
        %dma_wait3A_180 = arith.constant 0 : i32
        %dma_wait3A_181 = tpu.memref_slice %arg15[%run_scoped3A_173, %dma_wait3A_180] : memref<80x128xi32, #tpu.memory_space<vmem>> -> memref<1x128xi32, #tpu.memory_space<vmem>>
        %dma_wait3A_182 = tpu.memref_squeeze %dma_wait3A_181 : memref<1x128xi32, #tpu.memory_space<vmem>> -> memref<128xi32, #tpu.memory_space<vmem>>
        %dma_wait3A_183 = arith.constant 0 : i32
        %dma_wait3A_184 = arith.constant 0 : i32
        %dma_wait3A_185 = tpu.memref_slice %arg13[%dma_wait3A_183, %dma_wait3A_184] : memref<10240x16xf32, #tpu.memory_space<vmem_shared>> -> memref<10240x16xf32, #tpu.memory_space<vmem_shared>>
        tpu.wait_indirect_dma semaphore(%run_scoped3A_174 : memref<!tpu.dma_semaphore, #tpu.memory_space<semaphore_mem>>) src(%arg19 : memref<128x16xf32, #tpu.memory_space<vmem>>) dst(%dma_wait3A_185 : memref<10240x16xf32, #tpu.memory_space<vmem_shared>>)
        tpu.yield
      }) : () -> ()
    } else {
    }
    %gt3A_142 = arith.constant 75 : i32
    %gt3A_143 = arith.cmpi sgt, %select_n3A, %gt3A_142 : i32
    %convert_element_type3A_144 = arith.extui %gt3A_143 : i1 to i32
    %cond3A_145 = arith.constant 0 : i32
    %cond3A_146 = arith.cmpi ne, %convert_element_type3A_144, %cond3A_145 : i32
    scf.if %cond3A_146 {
      %dma_wait3A = arith.constant 0 : i32
      %dma_wait3A_168 = tpu.memref_slice %arg14[%squeeze3A_23, %dma_wait3A] : memref<80x128xi32, #tpu.memory_space<vmem>> -> memref<1x128xi32, #tpu.memory_space<vmem>>
      %dma_wait3A_169 = tpu.memref_squeeze %dma_wait3A_168 : memref<1x128xi32, #tpu.memory_space<vmem>> -> memref<128xi32, #tpu.memory_space<vmem>>
      %dma_wait3A_170 = arith.constant 0 : i32
      %dma_wait3A_171 = arith.constant 0 : i32
      %dma_wait3A_172 = tpu.memref_slice %arg2[%dma_wait3A_170, %dma_wait3A_171] : memref<10240x16xf32, #tpu.memory_space<hbm>> -> memref<10240x16xf32, #tpu.memory_space<hbm>>
      tpu.wait_indirect_dma semaphore(%arg28 : memref<!tpu.dma_semaphore, #tpu.memory_space<semaphore_mem>>) src(%dma_wait3A_172 : memref<10240x16xf32, #tpu.memory_space<hbm>>) dst(%arg20 : memref<128x16xf32, #tpu.memory_space<vmem>>)
      %run_scoped3A_173 = arith.constant 75 : i32
      "tpu.region"() ({
        %run_scoped3A_174 = tpu.sem_alloc : memref<!tpu.dma_semaphore, #tpu.memory_space<semaphore_mem>>
        %dma_start3A = arith.constant 0 : i32
        %dma_start3A_175 = tpu.memref_slice %arg15[%run_scoped3A_173, %dma_start3A] : memref<80x128xi32, #tpu.memory_space<vmem>> -> memref<1x128xi32, #tpu.memory_space<vmem>>
        %dma_start3A_176 = tpu.memref_squeeze %dma_start3A_175 : memref<1x128xi32, #tpu.memory_space<vmem>> -> memref<128xi32, #tpu.memory_space<vmem>>
        %dma_start3A_177 = arith.constant 0 : i32
        %dma_start3A_178 = arith.constant 0 : i32
        %dma_start3A_179 = tpu.memref_slice %arg13[%dma_start3A_177, %dma_start3A_178] : memref<10240x16xf32, #tpu.memory_space<vmem_shared>> -> memref<10240x16xf32, #tpu.memory_space<vmem_shared>>
        tpu.enqueue_indirect_dma source(%arg20 : memref<128x16xf32, #tpu.memory_space<vmem>>) target(%dma_start3A_179 : memref<10240x16xf32, #tpu.memory_space<vmem_shared>>) offsets(%dma_start3A_176 : memref<128xi32, #tpu.memory_space<vmem>>) semaphore(%run_scoped3A_174 : memref<!tpu.dma_semaphore, #tpu.memory_space<semaphore_mem>>) {add = true}
        %dma_wait3A_180 = arith.constant 0 : i32
        %dma_wait3A_181 = tpu.memref_slice %arg15[%run_scoped3A_173, %dma_wait3A_180] : memref<80x128xi32, #tpu.memory_space<vmem>> -> memref<1x128xi32, #tpu.memory_space<vmem>>
        %dma_wait3A_182 = tpu.memref_squeeze %dma_wait3A_181 : memref<1x128xi32, #tpu.memory_space<vmem>> -> memref<128xi32, #tpu.memory_space<vmem>>
        %dma_wait3A_183 = arith.constant 0 : i32
        %dma_wait3A_184 = arith.constant 0 : i32
        %dma_wait3A_185 = tpu.memref_slice %arg13[%dma_wait3A_183, %dma_wait3A_184] : memref<10240x16xf32, #tpu.memory_space<vmem_shared>> -> memref<10240x16xf32, #tpu.memory_space<vmem_shared>>
        tpu.wait_indirect_dma semaphore(%run_scoped3A_174 : memref<!tpu.dma_semaphore, #tpu.memory_space<semaphore_mem>>) src(%arg20 : memref<128x16xf32, #tpu.memory_space<vmem>>) dst(%dma_wait3A_185 : memref<10240x16xf32, #tpu.memory_space<vmem_shared>>)
        tpu.yield
      }) : () -> ()
    } else {
    }
    %gt3A_147 = arith.constant 76 : i32
    %gt3A_148 = arith.cmpi sgt, %select_n3A, %gt3A_147 : i32
    %convert_element_type3A_149 = arith.extui %gt3A_148 : i1 to i32
    %cond3A_150 = arith.constant 0 : i32
    %cond3A_151 = arith.cmpi ne, %convert_element_type3A_149, %cond3A_150 : i32
    scf.if %cond3A_151 {
      %dma_wait3A = arith.constant 0 : i32
      %dma_wait3A_168 = tpu.memref_slice %arg14[%squeeze3A_28, %dma_wait3A] : memref<80x128xi32, #tpu.memory_space<vmem>> -> memref<1x128xi32, #tpu.memory_space<vmem>>
      %dma_wait3A_169 = tpu.memref_squeeze %dma_wait3A_168 : memref<1x128xi32, #tpu.memory_space<vmem>> -> memref<128xi32, #tpu.memory_space<vmem>>
      %dma_wait3A_170 = arith.constant 0 : i32
      %dma_wait3A_171 = arith.constant 0 : i32
      %dma_wait3A_172 = tpu.memref_slice %arg2[%dma_wait3A_170, %dma_wait3A_171] : memref<10240x16xf32, #tpu.memory_space<hbm>> -> memref<10240x16xf32, #tpu.memory_space<hbm>>
      tpu.wait_indirect_dma semaphore(%arg29 : memref<!tpu.dma_semaphore, #tpu.memory_space<semaphore_mem>>) src(%dma_wait3A_172 : memref<10240x16xf32, #tpu.memory_space<hbm>>) dst(%arg21 : memref<128x16xf32, #tpu.memory_space<vmem>>)
      %run_scoped3A_173 = arith.constant 76 : i32
      "tpu.region"() ({
        %run_scoped3A_174 = tpu.sem_alloc : memref<!tpu.dma_semaphore, #tpu.memory_space<semaphore_mem>>
        %dma_start3A = arith.constant 0 : i32
        %dma_start3A_175 = tpu.memref_slice %arg15[%run_scoped3A_173, %dma_start3A] : memref<80x128xi32, #tpu.memory_space<vmem>> -> memref<1x128xi32, #tpu.memory_space<vmem>>
        %dma_start3A_176 = tpu.memref_squeeze %dma_start3A_175 : memref<1x128xi32, #tpu.memory_space<vmem>> -> memref<128xi32, #tpu.memory_space<vmem>>
        %dma_start3A_177 = arith.constant 0 : i32
        %dma_start3A_178 = arith.constant 0 : i32
        %dma_start3A_179 = tpu.memref_slice %arg13[%dma_start3A_177, %dma_start3A_178] : memref<10240x16xf32, #tpu.memory_space<vmem_shared>> -> memref<10240x16xf32, #tpu.memory_space<vmem_shared>>
        tpu.enqueue_indirect_dma source(%arg21 : memref<128x16xf32, #tpu.memory_space<vmem>>) target(%dma_start3A_179 : memref<10240x16xf32, #tpu.memory_space<vmem_shared>>) offsets(%dma_start3A_176 : memref<128xi32, #tpu.memory_space<vmem>>) semaphore(%run_scoped3A_174 : memref<!tpu.dma_semaphore, #tpu.memory_space<semaphore_mem>>) {add = true}
        %dma_wait3A_180 = arith.constant 0 : i32
        %dma_wait3A_181 = tpu.memref_slice %arg15[%run_scoped3A_173, %dma_wait3A_180] : memref<80x128xi32, #tpu.memory_space<vmem>> -> memref<1x128xi32, #tpu.memory_space<vmem>>
        %dma_wait3A_182 = tpu.memref_squeeze %dma_wait3A_181 : memref<1x128xi32, #tpu.memory_space<vmem>> -> memref<128xi32, #tpu.memory_space<vmem>>
        %dma_wait3A_183 = arith.constant 0 : i32
        %dma_wait3A_184 = arith.constant 0 : i32
        %dma_wait3A_185 = tpu.memref_slice %arg13[%dma_wait3A_183, %dma_wait3A_184] : memref<10240x16xf32, #tpu.memory_space<vmem_shared>> -> memref<10240x16xf32, #tpu.memory_space<vmem_shared>>
        tpu.wait_indirect_dma semaphore(%run_scoped3A_174 : memref<!tpu.dma_semaphore, #tpu.memory_space<semaphore_mem>>) src(%arg21 : memref<128x16xf32, #tpu.memory_space<vmem>>) dst(%dma_wait3A_185 : memref<10240x16xf32, #tpu.memory_space<vmem_shared>>)
        tpu.yield
      }) : () -> ()
    } else {
    }
    %gt3A_152 = arith.constant 77 : i32
    %gt3A_153 = arith.cmpi sgt, %select_n3A, %gt3A_152 : i32
    %convert_element_type3A_154 = arith.extui %gt3A_153 : i1 to i32
    %cond3A_155 = arith.constant 0 : i32
    %cond3A_156 = arith.cmpi ne, %convert_element_type3A_154, %cond3A_155 : i32
    scf.if %cond3A_156 {
      %dma_wait3A = arith.constant 0 : i32
      %dma_wait3A_168 = tpu.memref_slice %arg14[%squeeze3A_33, %dma_wait3A] : memref<80x128xi32, #tpu.memory_space<vmem>> -> memref<1x128xi32, #tpu.memory_space<vmem>>
      %dma_wait3A_169 = tpu.memref_squeeze %dma_wait3A_168 : memref<1x128xi32, #tpu.memory_space<vmem>> -> memref<128xi32, #tpu.memory_space<vmem>>
      %dma_wait3A_170 = arith.constant 0 : i32
      %dma_wait3A_171 = arith.constant 0 : i32
      %dma_wait3A_172 = tpu.memref_slice %arg2[%dma_wait3A_170, %dma_wait3A_171] : memref<10240x16xf32, #tpu.memory_space<hbm>> -> memref<10240x16xf32, #tpu.memory_space<hbm>>
      tpu.wait_indirect_dma semaphore(%arg30 : memref<!tpu.dma_semaphore, #tpu.memory_space<semaphore_mem>>) src(%dma_wait3A_172 : memref<10240x16xf32, #tpu.memory_space<hbm>>) dst(%arg22 : memref<128x16xf32, #tpu.memory_space<vmem>>)
      %run_scoped3A_173 = arith.constant 77 : i32
      "tpu.region"() ({
        %run_scoped3A_174 = tpu.sem_alloc : memref<!tpu.dma_semaphore, #tpu.memory_space<semaphore_mem>>
        %dma_start3A = arith.constant 0 : i32
        %dma_start3A_175 = tpu.memref_slice %arg15[%run_scoped3A_173, %dma_start3A] : memref<80x128xi32, #tpu.memory_space<vmem>> -> memref<1x128xi32, #tpu.memory_space<vmem>>
        %dma_start3A_176 = tpu.memref_squeeze %dma_start3A_175 : memref<1x128xi32, #tpu.memory_space<vmem>> -> memref<128xi32, #tpu.memory_space<vmem>>
        %dma_start3A_177 = arith.constant 0 : i32
        %dma_start3A_178 = arith.constant 0 : i32
        %dma_start3A_179 = tpu.memref_slice %arg13[%dma_start3A_177, %dma_start3A_178] : memref<10240x16xf32, #tpu.memory_space<vmem_shared>> -> memref<10240x16xf32, #tpu.memory_space<vmem_shared>>
        tpu.enqueue_indirect_dma source(%arg22 : memref<128x16xf32, #tpu.memory_space<vmem>>) target(%dma_start3A_179 : memref<10240x16xf32, #tpu.memory_space<vmem_shared>>) offsets(%dma_start3A_176 : memref<128xi32, #tpu.memory_space<vmem>>) semaphore(%run_scoped3A_174 : memref<!tpu.dma_semaphore, #tpu.memory_space<semaphore_mem>>) {add = true}
        %dma_wait3A_180 = arith.constant 0 : i32
        %dma_wait3A_181 = tpu.memref_slice %arg15[%run_scoped3A_173, %dma_wait3A_180] : memref<80x128xi32, #tpu.memory_space<vmem>> -> memref<1x128xi32, #tpu.memory_space<vmem>>
        %dma_wait3A_182 = tpu.memref_squeeze %dma_wait3A_181 : memref<1x128xi32, #tpu.memory_space<vmem>> -> memref<128xi32, #tpu.memory_space<vmem>>
        %dma_wait3A_183 = arith.constant 0 : i32
        %dma_wait3A_184 = arith.constant 0 : i32
        %dma_wait3A_185 = tpu.memref_slice %arg13[%dma_wait3A_183, %dma_wait3A_184] : memref<10240x16xf32, #tpu.memory_space<vmem_shared>> -> memref<10240x16xf32, #tpu.memory_space<vmem_shared>>
        tpu.wait_indirect_dma semaphore(%run_scoped3A_174 : memref<!tpu.dma_semaphore, #tpu.memory_space<semaphore_mem>>) src(%arg22 : memref<128x16xf32, #tpu.memory_space<vmem>>) dst(%dma_wait3A_185 : memref<10240x16xf32, #tpu.memory_space<vmem_shared>>)
        tpu.yield
      }) : () -> ()
    } else {
    }
    %gt3A_157 = arith.constant 78 : i32
    %gt3A_158 = arith.cmpi sgt, %select_n3A, %gt3A_157 : i32
    %convert_element_type3A_159 = arith.extui %gt3A_158 : i1 to i32
    %cond3A_160 = arith.constant 0 : i32
    %cond3A_161 = arith.cmpi ne, %convert_element_type3A_159, %cond3A_160 : i32
    scf.if %cond3A_161 {
      %dma_wait3A = arith.constant 0 : i32
      %dma_wait3A_168 = tpu.memref_slice %arg14[%squeeze3A_38, %dma_wait3A] : memref<80x128xi32, #tpu.memory_space<vmem>> -> memref<1x128xi32, #tpu.memory_space<vmem>>
      %dma_wait3A_169 = tpu.memref_squeeze %dma_wait3A_168 : memref<1x128xi32, #tpu.memory_space<vmem>> -> memref<128xi32, #tpu.memory_space<vmem>>
      %dma_wait3A_170 = arith.constant 0 : i32
      %dma_wait3A_171 = arith.constant 0 : i32
      %dma_wait3A_172 = tpu.memref_slice %arg2[%dma_wait3A_170, %dma_wait3A_171] : memref<10240x16xf32, #tpu.memory_space<hbm>> -> memref<10240x16xf32, #tpu.memory_space<hbm>>
      tpu.wait_indirect_dma semaphore(%arg31 : memref<!tpu.dma_semaphore, #tpu.memory_space<semaphore_mem>>) src(%dma_wait3A_172 : memref<10240x16xf32, #tpu.memory_space<hbm>>) dst(%arg23 : memref<128x16xf32, #tpu.memory_space<vmem>>)
      %run_scoped3A_173 = arith.constant 78 : i32
      "tpu.region"() ({
        %run_scoped3A_174 = tpu.sem_alloc : memref<!tpu.dma_semaphore, #tpu.memory_space<semaphore_mem>>
        %dma_start3A = arith.constant 0 : i32
        %dma_start3A_175 = tpu.memref_slice %arg15[%run_scoped3A_173, %dma_start3A] : memref<80x128xi32, #tpu.memory_space<vmem>> -> memref<1x128xi32, #tpu.memory_space<vmem>>
        %dma_start3A_176 = tpu.memref_squeeze %dma_start3A_175 : memref<1x128xi32, #tpu.memory_space<vmem>> -> memref<128xi32, #tpu.memory_space<vmem>>
        %dma_start3A_177 = arith.constant 0 : i32
        %dma_start3A_178 = arith.constant 0 : i32
        %dma_start3A_179 = tpu.memref_slice %arg13[%dma_start3A_177, %dma_start3A_178] : memref<10240x16xf32, #tpu.memory_space<vmem_shared>> -> memref<10240x16xf32, #tpu.memory_space<vmem_shared>>
        tpu.enqueue_indirect_dma source(%arg23 : memref<128x16xf32, #tpu.memory_space<vmem>>) target(%dma_start3A_179 : memref<10240x16xf32, #tpu.memory_space<vmem_shared>>) offsets(%dma_start3A_176 : memref<128xi32, #tpu.memory_space<vmem>>) semaphore(%run_scoped3A_174 : memref<!tpu.dma_semaphore, #tpu.memory_space<semaphore_mem>>) {add = true}
        %dma_wait3A_180 = arith.constant 0 : i32
        %dma_wait3A_181 = tpu.memref_slice %arg15[%run_scoped3A_173, %dma_wait3A_180] : memref<80x128xi32, #tpu.memory_space<vmem>> -> memref<1x128xi32, #tpu.memory_space<vmem>>
        %dma_wait3A_182 = tpu.memref_squeeze %dma_wait3A_181 : memref<1x128xi32, #tpu.memory_space<vmem>> -> memref<128xi32, #tpu.memory_space<vmem>>
        %dma_wait3A_183 = arith.constant 0 : i32
        %dma_wait3A_184 = arith.constant 0 : i32
        %dma_wait3A_185 = tpu.memref_slice %arg13[%dma_wait3A_183, %dma_wait3A_184] : memref<10240x16xf32, #tpu.memory_space<vmem_shared>> -> memref<10240x16xf32, #tpu.memory_space<vmem_shared>>
        tpu.wait_indirect_dma semaphore(%run_scoped3A_174 : memref<!tpu.dma_semaphore, #tpu.memory_space<semaphore_mem>>) src(%arg23 : memref<128x16xf32, #tpu.memory_space<vmem>>) dst(%dma_wait3A_185 : memref<10240x16xf32, #tpu.memory_space<vmem_shared>>)
        tpu.yield
      }) : () -> ()
    } else {
    }
    %gt3A_162 = arith.constant 79 : i32
    %gt3A_163 = arith.cmpi sgt, %select_n3A, %gt3A_162 : i32
    %convert_element_type3A_164 = arith.extui %gt3A_163 : i1 to i32
    %cond3A_165 = arith.constant 0 : i32
    %cond3A_166 = arith.cmpi ne, %convert_element_type3A_164, %cond3A_165 : i32
    scf.if %cond3A_166 {
      %dma_wait3A = arith.constant 0 : i32
      %dma_wait3A_168 = tpu.memref_slice %arg14[%squeeze3A_43, %dma_wait3A] : memref<80x128xi32, #tpu.memory_space<vmem>> -> memref<1x128xi32, #tpu.memory_space<vmem>>
      %dma_wait3A_169 = tpu.memref_squeeze %dma_wait3A_168 : memref<1x128xi32, #tpu.memory_space<vmem>> -> memref<128xi32, #tpu.memory_space<vmem>>
      %dma_wait3A_170 = arith.constant 0 : i32
      %dma_wait3A_171 = arith.constant 0 : i32
      %dma_wait3A_172 = tpu.memref_slice %arg2[%dma_wait3A_170, %dma_wait3A_171] : memref<10240x16xf32, #tpu.memory_space<hbm>> -> memref<10240x16xf32, #tpu.memory_space<hbm>>
      tpu.wait_indirect_dma semaphore(%arg32 : memref<!tpu.dma_semaphore, #tpu.memory_space<semaphore_mem>>) src(%dma_wait3A_172 : memref<10240x16xf32, #tpu.memory_space<hbm>>) dst(%arg24 : memref<128x16xf32, #tpu.memory_space<vmem>>)
      %run_scoped3A_173 = arith.constant 79 : i32
      "tpu.region"() ({
        %run_scoped3A_174 = tpu.sem_alloc : memref<!tpu.dma_semaphore, #tpu.memory_space<semaphore_mem>>
        %dma_start3A = arith.constant 0 : i32
        %dma_start3A_175 = tpu.memref_slice %arg15[%run_scoped3A_173, %dma_start3A] : memref<80x128xi32, #tpu.memory_space<vmem>> -> memref<1x128xi32, #tpu.memory_space<vmem>>
        %dma_start3A_176 = tpu.memref_squeeze %dma_start3A_175 : memref<1x128xi32, #tpu.memory_space<vmem>> -> memref<128xi32, #tpu.memory_space<vmem>>
        %dma_start3A_177 = arith.constant 0 : i32
        %dma_start3A_178 = arith.constant 0 : i32
        %dma_start3A_179 = tpu.memref_slice %arg13[%dma_start3A_177, %dma_start3A_178] : memref<10240x16xf32, #tpu.memory_space<vmem_shared>> -> memref<10240x16xf32, #tpu.memory_space<vmem_shared>>
        tpu.enqueue_indirect_dma source(%arg24 : memref<128x16xf32, #tpu.memory_space<vmem>>) target(%dma_start3A_179 : memref<10240x16xf32, #tpu.memory_space<vmem_shared>>) offsets(%dma_start3A_176 : memref<128xi32, #tpu.memory_space<vmem>>) semaphore(%run_scoped3A_174 : memref<!tpu.dma_semaphore, #tpu.memory_space<semaphore_mem>>) {add = true}
        %dma_wait3A_180 = arith.constant 0 : i32
        %dma_wait3A_181 = tpu.memref_slice %arg15[%run_scoped3A_173, %dma_wait3A_180] : memref<80x128xi32, #tpu.memory_space<vmem>> -> memref<1x128xi32, #tpu.memory_space<vmem>>
        %dma_wait3A_182 = tpu.memref_squeeze %dma_wait3A_181 : memref<1x128xi32, #tpu.memory_space<vmem>> -> memref<128xi32, #tpu.memory_space<vmem>>
        %dma_wait3A_183 = arith.constant 0 : i32
        %dma_wait3A_184 = arith.constant 0 : i32
        %dma_wait3A_185 = tpu.memref_slice %arg13[%dma_wait3A_183, %dma_wait3A_184] : memref<10240x16xf32, #tpu.memory_space<vmem_shared>> -> memref<10240x16xf32, #tpu.memory_space<vmem_shared>>
        tpu.wait_indirect_dma semaphore(%run_scoped3A_174 : memref<!tpu.dma_semaphore, #tpu.memory_space<semaphore_mem>>) src(%arg24 : memref<128x16xf32, #tpu.memory_space<vmem>>) dst(%dma_wait3A_185 : memref<10240x16xf32, #tpu.memory_space<vmem_shared>>)
        tpu.yield
      }) : () -> ()
    } else {
    }
    %barrier3A_167 = arith.constant 0 : index
    tpu.barrier barrier_id(%barrier3A_167)
    "tpu.region"() ({
      %run_scoped3A_168 = tpu.sem_alloc : memref<!tpu.dma_semaphore, #tpu.memory_space<semaphore_mem>>
      %dma_start3A = arith.constant 0 : i32
      %dma_start3A_169 = tpu.memref_slice %arg12[%arg0, %mul3A_52, %dma_start3A] : memref<2x10240x16xf32, #tpu.memory_space<hbm>> -> memref<1x640x16xf32, #tpu.memory_space<hbm>>
      %dma_start3A_170 = tpu.memref_squeeze %dma_start3A_169 : memref<1x640x16xf32, #tpu.memory_space<hbm>> -> memref<640x16xf32, #tpu.memory_space<hbm>>
      %dma_start3A_171 = arith.constant 0 : i32
      %dma_start3A_172 = tpu.memref_slice %arg13[%mul3A_52, %dma_start3A_171] : memref<10240x16xf32, #tpu.memory_space<vmem_shared>> -> memref<640x16xf32, #tpu.memory_space<vmem_shared>>
      tpu.enqueue_dma source(%dma_start3A_172 : memref<640x16xf32, #tpu.memory_space<vmem_shared>>) target(%dma_start3A_170 : memref<640x16xf32, #tpu.memory_space<hbm>>) target_semaphore(%run_scoped3A_168 : memref<!tpu.dma_semaphore, #tpu.memory_space<semaphore_mem>>)
      %dma_wait3A = arith.constant 0 : i32
      %dma_wait3A_173 = tpu.memref_slice %arg12[%arg0, %mul3A_52, %dma_wait3A] : memref<2x10240x16xf32, #tpu.memory_space<hbm>> -> memref<1x640x16xf32, #tpu.memory_space<hbm>>
      %dma_wait3A_174 = tpu.memref_squeeze %dma_wait3A_173 : memref<1x640x16xf32, #tpu.memory_space<hbm>> -> memref<640x16xf32, #tpu.memory_space<hbm>>
      %dma_wait3A_175 = arith.constant 0 : i32
      %dma_wait3A_176 = tpu.memref_slice %arg13[%mul3A_52, %dma_wait3A_175] : memref<10240x16xf32, #tpu.memory_space<vmem_shared>> -> memref<640x16xf32, #tpu.memory_space<vmem_shared>>
      tpu.wait_dma2 semaphore(%run_scoped3A_168 : memref<!tpu.dma_semaphore, #tpu.memory_space<semaphore_mem>>) src(%dma_wait3A_176 : memref<640x16xf32, #tpu.memory_space<vmem_shared>>) dst(%dma_wait3A_174 : memref<640x16xf32, #tpu.memory_space<hbm>>)
      tpu.yield
    }) : () -> ()
    return
  }
}

module attributes {stable_mosaic.version = 14 : i64} {
  func.func @body(%arg0: i32, %arg1: memref<128x1024xf32, #tpu.memory_space<vmem>>, %arg2: memref<1024x128xf32, #tpu.memory_space<vmem>>, %arg3: memref<2x128x128xf32, #tpu.memory_space<vmem>>, %arg4: memref<128x128xf32, #tpu.memory_space<vmem>>, %arg5: memref<128x128xf32, #tpu.memory_space<vmem>>) attributes {dimension_semantics = [#tpu.dimension_semantics<arbitrary>], iteration_bounds = array<i64: 10>, scalar_prefetch = 0 : i64, scratch_operands = 0 : i64, tpu.core_type = #tpu.core_type<tc>, window_params = [{transform_indices = @transform_0, window_bounds = array<i64: 128, 1024>}, {pipeline_mode = #tpu.pipeline_mode<synchronous>, transform_indices = @transform_1, window_bounds = array<i64: 1024, 128>}, {transform_indices = @transform_2, window_bounds = array<i64: 2, 128, 128>}, {transform_indices = @transform_3, window_bounds = array<i64: 128, 128>}, {transform_indices = @transform_4, window_bounds = array<i64: 128, 128>}]} {
    %get3A = arith.constant 0 : index
    %get3A_0 = arith.constant 0 : index
    %get3A_1 = arith.constant 0 : index
    %get3A_2 = vector.load %arg3[%get3A, %get3A_0, %get3A_1] : memref<2x128x128xf32, #tpu.memory_space<vmem>>, vector<1x128x128xf32>
    %get3A_3 = vector.shape_cast %get3A_2 : vector<1x128x128xf32> to vector<128x128xf32>
    %get3A_4 = arith.constant 1 : index
    %get3A_5 = arith.constant 0 : index
    %get3A_6 = arith.constant 0 : index
    %get3A_7 = vector.load %arg3[%get3A_4, %get3A_5, %get3A_6] : memref<2x128x128xf32, #tpu.memory_space<vmem>>, vector<1x128x128xf32>
    %get3A_8 = vector.shape_cast %get3A_7 : vector<1x128x128xf32> to vector<128x128xf32>
    %add3A = arith.addf %get3A_3, %get3A_8 : vector<128x128xf32>
    %add3A_9 = arith.constant 1.000000e+00 : f32
    %add3A_10 = vector.broadcast %add3A_9 : f32 to vector<128x128xf32>
    %add3A_11 = arith.addf %add3A, %add3A_10 : vector<128x128xf32>
    %rsqrt3A = math.rsqrt %add3A_11 : vector<128x128xf32>
    %get3A_12 = arith.constant 0 : index
    %get3A_13 = arith.constant 0 : index
    %get3A_14 = vector.load %arg1[%get3A_12, %get3A_13] : memref<128x1024xf32, #tpu.memory_space<vmem>>, vector<128x1024xf32>
    %get3A_15 = arith.constant 0 : index
    %get3A_16 = arith.constant 0 : index
    %get3A_17 = vector.load %arg2[%get3A_15, %get3A_16] : memref<1024x128xf32, #tpu.memory_space<vmem>>, vector<1024x128xf32>
    %dot_general3A = arith.constant dense<0.000000e+00> : vector<128x128xf32>
    %dot_general3A_18 = tpu.matmul %get3A_14, %get3A_17, %dot_general3A {dimension_numbers = #tpu.dot_dimension_numbers<[1], [0], [0], [1], [0, 0, 1, 1], [], []>, transpose_lhs_hint = false} : vector<128x1024xf32>, vector<1024x128xf32>, vector<128x128xf32> -> vector<128x128xf32>
    %mul3A = arith.mulf %dot_general3A_18, %rsqrt3A : vector<128x128xf32>
    %swap3A = arith.constant 0 : index
    %swap3A_19 = arith.constant 0 : index
    %swap3A_20 = vector.load %arg4[%swap3A, %swap3A_19] : memref<128x128xf32, #tpu.memory_space<vmem>>, vector<128x128xf32>
    tpu.vector_store %arg4[%swap3A, %swap3A_19], %mul3A {strides = array<i32>} : memref<128x128xf32, #tpu.memory_space<vmem>>, vector<128x128xf32>,
    %swap3A_21 = arith.constant 0 : index
    %swap3A_22 = arith.constant 0 : index
    %swap3A_23 = vector.load %arg5[%swap3A_21, %swap3A_22] : memref<128x128xf32, #tpu.memory_space<vmem>>, vector<128x128xf32>
    tpu.vector_store %arg5[%swap3A_21, %swap3A_22], %rsqrt3A {strides = array<i32>} : memref<128x128xf32, #tpu.memory_space<vmem>>, vector<128x128xf32>,
    return
  }
  func.func @transform_0(%arg0: i32) -> (i32, i32) {
    %c0_i32 = arith.constant 0 : i32
    %c0_i32_0 = arith.constant 0 : i32
    return %arg0, %c0_i32 : i32, i32
  }
  func.func @transform_1(%arg0: i32) -> (i32, i32) {
    %c0_i32 = arith.constant 0 : i32
    %c0_i32_0 = arith.constant 0 : i32
    %c0_i32_1 = arith.constant 0 : i32
    return %c0_i32, %c0_i32_0 : i32, i32
  }
  func.func @transform_2(%arg0: i32) -> (i32, i32, i32) {
    %c0_i32 = arith.constant 0 : i32
    %c0_i32_0 = arith.constant 0 : i32
    %c0_i32_1 = arith.constant 0 : i32
    return %c0_i32, %arg0, %c0_i32_0 : i32, i32, i32
  }
  func.func @transform_3(%arg0: i32) -> (i32, i32) {
    %c0_i32 = arith.constant 0 : i32
    %c0_i32_0 = arith.constant 0 : i32
    return %arg0, %c0_i32 : i32, i32
  }
  func.func @transform_4(%arg0: i32) -> (i32, i32) {
    %c0_i32 = arith.constant 0 : i32
    %c0_i32_0 = arith.constant 0 : i32
    return %arg0, %c0_i32 : i32, i32
  }
}

module attributes {stable_mosaic.version = 14 : i64} {
  func.func @body(%arg0: i32, %arg1: memref<2x128x128xf32, #tpu.memory_space<vmem>>, %arg2: memref<128x128xf32, #tpu.memory_space<vmem>>, %arg3: memref<128x128xf32, #tpu.memory_space<vmem>>, %arg4: memref<1x128xf32, #tpu.memory_space<vmem>>, %arg5: memref<128x128xf32, #tpu.memory_space<vmem>>) attributes {dimension_semantics = [#tpu.dimension_semantics<arbitrary>], iteration_bounds = array<i64: 10>, scalar_prefetch = 0 : i64, scratch_operands = 0 : i64, tpu.core_type = #tpu.core_type<tc>, window_params = [{transform_indices = @transform_0, window_bounds = array<i64: 2, 128, 128>}, {transform_indices = @transform_1, window_bounds = array<i64: 128, 128>}, {transform_indices = @transform_2, window_bounds = array<i64: 128, 128>}, {pipeline_mode = #tpu.pipeline_mode<synchronous>, transform_indices = @transform_3, window_bounds = array<i64: 1, 128>}, {transform_indices = @transform_4, window_bounds = array<i64: 128, 128>}]} {
    %get3A = arith.constant 0 : index
    %get3A_0 = arith.constant 0 : index
    %get3A_1 = vector.load %arg3[%get3A, %get3A_0] : memref<128x128xf32, #tpu.memory_space<vmem>>, vector<128x128xf32>
    %get3A_2 = arith.constant 0 : index
    %get3A_3 = arith.constant 0 : index
    %get3A_4 = arith.constant 0 : index
    %get3A_5 = vector.load %arg1[%get3A_2, %get3A_3, %get3A_4] : memref<2x128x128xf32, #tpu.memory_space<vmem>>, vector<1x128x128xf32>
    %get3A_6 = vector.shape_cast %get3A_5 : vector<1x128x128xf32> to vector<128x128xf32>
    %get3A_7 = arith.constant 1 : index
    %get3A_8 = arith.constant 0 : index
    %get3A_9 = arith.constant 0 : index
    %get3A_10 = vector.load %arg1[%get3A_7, %get3A_8, %get3A_9] : memref<2x128x128xf32, #tpu.memory_space<vmem>>, vector<1x128x128xf32>
    %get3A_11 = vector.shape_cast %get3A_10 : vector<1x128x128xf32> to vector<128x128xf32>
    %add3A = arith.addf %get3A_6, %get3A_11 : vector<128x128xf32>
    %get3A_12 = arith.constant 0 : index
    %get3A_13 = arith.constant 0 : index
    %get3A_14 = vector.load %arg2[%get3A_12, %get3A_13] : memref<128x128xf32, #tpu.memory_space<vmem>>, vector<128x128xf32>
    %add3A_15 = arith.addf %add3A, %get3A_14 : vector<128x128xf32>
    %mul3A = arith.mulf %get3A_1, %add3A_15 : vector<128x128xf32>
    %get3A_16 = arith.constant 0 : index
    %get3A_17 = arith.constant 0 : index
    %get3A_18 = vector.load %arg4[%get3A_16, %get3A_17] : memref<1x128xf32, #tpu.memory_space<vmem>>, vector<1x128xf32>
    %add3A_19 = vector.broadcast %get3A_18 : vector<1x128xf32> to vector<128x128xf32>
    %add3A_20 = arith.addf %mul3A, %add3A_19 : vector<128x128xf32>
    %max3A = arith.constant 0.000000e+00 : f32
    %max3A_21 = vector.broadcast %max3A : f32 to vector<128x128xf32>
    %max3A_22 = arith.maximumf %add3A_20, %max3A_21 : vector<128x128xf32>
    %mul3A_23 = arith.mulf %max3A_22, %get3A_1 : vector<128x128xf32>
    %swap3A = arith.constant 0 : index
    %swap3A_24 = arith.constant 0 : index
    %swap3A_25 = vector.load %arg5[%swap3A, %swap3A_24] : memref<128x128xf32, #tpu.memory_space<vmem>>, vector<128x128xf32>
    tpu.vector_store %arg5[%swap3A, %swap3A_24], %mul3A_23 {strides = array<i32>} : memref<128x128xf32, #tpu.memory_space<vmem>>, vector<128x128xf32>,
    return
  }
  func.func @transform_0(%arg0: i32) -> (i32, i32, i32) {
    %c0_i32 = arith.constant 0 : i32
    %c0_i32_0 = arith.constant 0 : i32
    %c0_i32_1 = arith.constant 0 : i32
    return %c0_i32, %arg0, %c0_i32_0 : i32, i32, i32
  }
  func.func @transform_1(%arg0: i32) -> (i32, i32) {
    %c0_i32 = arith.constant 0 : i32
    %c0_i32_0 = arith.constant 0 : i32
    return %arg0, %c0_i32 : i32, i32
  }
  func.func @transform_2(%arg0: i32) -> (i32, i32) {
    %c0_i32 = arith.constant 0 : i32
    %c0_i32_0 = arith.constant 0 : i32
    return %arg0, %c0_i32 : i32, i32
  }
  func.func @transform_3(%arg0: i32) -> (i32, i32) {
    %c0_i32 = arith.constant 0 : i32
    %c0_i32_0 = arith.constant 0 : i32
    %c0_i32_1 = arith.constant 0 : i32
    return %c0_i32, %c0_i32_0 : i32, i32
  }
  func.func @transform_4(%arg0: i32) -> (i32, i32) {
    %c0_i32 = arith.constant 0 : i32
    %c0_i32_0 = arith.constant 0 : i32
    return %arg0, %c0_i32 : i32, i32
  }
}

module attributes {stable_mosaic.version = 14 : i64} {
  func.func @body(%arg0: i32, %arg1: memref<2x128x128xf32, #tpu.memory_space<vmem>>, %arg2: memref<128x128xf32, #tpu.memory_space<vmem>>, %arg3: memref<128x128xf32, #tpu.memory_space<vmem>>, %arg4: memref<1x384xf32, #tpu.memory_space<vmem>>, %arg5: memref<384x384xf32, #tpu.memory_space<vmem>>, %arg6: memref<128x384xf32, #tpu.memory_space<vmem>>, %arg7: memref<128x384xf32, #tpu.memory_space<vmem>>, %arg8: memref<128x384xf32, #tpu.memory_space<vmem>>) attributes {dimension_semantics = [#tpu.dimension_semantics<arbitrary>], iteration_bounds = array<i64: 10>, scalar_prefetch = 0 : i64, scratch_operands = 0 : i64, tpu.core_type = #tpu.core_type<tc>, window_params = [{transform_indices = @transform_0, window_bounds = array<i64: 2, 128, 128>}, {transform_indices = @transform_1, window_bounds = array<i64: 128, 128>}, {transform_indices = @transform_2, window_bounds = array<i64: 128, 128>}, {pipeline_mode = #tpu.pipeline_mode<synchronous>, transform_indices = @transform_3, window_bounds = array<i64: 1, 384>}, {pipeline_mode = #tpu.pipeline_mode<synchronous>, transform_indices = @transform_4, window_bounds = array<i64: 384, 384>}, {pipeline_mode = #tpu.pipeline_mode<synchronous>, transform_indices = @transform_5, window_bounds = array<i64: 128, 384>}, {transform_indices = @transform_6, window_bounds = array<i64: 128, 384>}, {transform_indices = @transform_7, window_bounds = array<i64: 128, 384>}]} {
    %get3A = arith.constant 0 : index
    %get3A_0 = arith.constant 0 : index
    %get3A_1 = vector.load %arg3[%get3A, %get3A_0] : memref<128x128xf32, #tpu.memory_space<vmem>>, vector<128x128xf32>
    %get3A_2 = arith.constant 0 : index
    %get3A_3 = arith.constant 0 : index
    %get3A_4 = arith.constant 0 : index
    %get3A_5 = vector.load %arg1[%get3A_2, %get3A_3, %get3A_4] : memref<2x128x128xf32, #tpu.memory_space<vmem>>, vector<1x128x128xf32>
    %get3A_6 = vector.shape_cast %get3A_5 : vector<1x128x128xf32> to vector<128x128xf32>
    %get3A_7 = arith.constant 1 : index
    %get3A_8 = arith.constant 0 : index
    %get3A_9 = arith.constant 0 : index
    %get3A_10 = vector.load %arg1[%get3A_7, %get3A_8, %get3A_9] : memref<2x128x128xf32, #tpu.memory_space<vmem>>, vector<1x128x128xf32>
    %get3A_11 = vector.shape_cast %get3A_10 : vector<1x128x128xf32> to vector<128x128xf32>
    %add3A = arith.addf %get3A_6, %get3A_11 : vector<128x128xf32>
    %get3A_12 = arith.constant 0 : index
    %get3A_13 = arith.constant 0 : index
    %get3A_14 = vector.load %arg2[%get3A_12, %get3A_13] : memref<128x128xf32, #tpu.memory_space<vmem>>, vector<128x128xf32>
    %add3A_15 = arith.addf %add3A, %get3A_14 : vector<128x128xf32>
    %mul3A = arith.mulf %get3A_1, %add3A_15 : vector<128x128xf32>
    %get3A_16 = arith.constant 0 : index
    %get3A_17 = arith.constant 0 : index
    %get3A_18 = vector.load %arg6[%get3A_16, %get3A_17] : memref<128x384xf32, #tpu.memory_space<vmem>>, vector<128x384xf32>
    %dot_general3A = arith.constant dense<0.000000e+00> : vector<128x384xf32>
    %dot_general3A_19 = tpu.matmul %mul3A, %get3A_18, %dot_general3A {dimension_numbers = #tpu.dot_dimension_numbers<[1], [0], [0], [1], [0, 0, 1, 1], [], []>, transpose_lhs_hint = false} : vector<128x128xf32>, vector<128x384xf32>, vector<128x384xf32> -> vector<128x384xf32>
    %get3A_20 = arith.constant 0 : index
    %get3A_21 = arith.constant 0 : index
    %get3A_22 = vector.load %arg4[%get3A_20, %get3A_21] : memref<1x384xf32, #tpu.memory_space<vmem>>, vector<1x384xf32>
    %add3A_23 = vector.broadcast %get3A_22 : vector<1x384xf32> to vector<128x384xf32>
    %add3A_24 = arith.addf %dot_general3A_19, %add3A_23 : vector<128x384xf32>
    %reduce_max3A = arith.constant dense<0xFF800000> : vector<128xf32>
    %reduce_max3A_25 = vector.multi_reduction <maximumf>, %add3A_24, %reduce_max3A [1] : vector<128x384xf32> to vector<128xf32>
    %broadcast_in_dim3A = vector.shape_cast %reduce_max3A_25 : vector<128xf32> to vector<128x1xf32>
    %sub3A = vector.broadcast %broadcast_in_dim3A : vector<128x1xf32> to vector<128x384xf32>
    %sub3A_26 = arith.subf %add3A_24, %sub3A : vector<128x384xf32>
    %exp3A = math.exp %sub3A_26 : vector<128x384xf32>
    %get3A_27 = arith.constant 0 : index
    %get3A_28 = arith.constant 0 : index
    %get3A_29 = vector.load %arg5[%get3A_27, %get3A_28] : memref<384x384xf32, #tpu.memory_space<vmem>>, vector<384x384xf32>
    %dot_general3A_30 = arith.constant dense<0.000000e+00> : vector<128x384xf32>
    %dot_general3A_31 = tpu.matmul %exp3A, %get3A_29, %dot_general3A_30 {dimension_numbers = #tpu.dot_dimension_numbers<[1], [0], [0], [1], [0, 0, 1, 1], [], []>, transpose_lhs_hint = false} : vector<128x384xf32>, vector<384x384xf32>, vector<128x384xf32> -> vector<128x384xf32>
    %div3A = arith.divf %exp3A, %dot_general3A_31 : vector<128x384xf32>
    %swap3A = arith.constant 0 : index
    %swap3A_32 = arith.constant 0 : index
    %swap3A_33 = vector.load %arg7[%swap3A, %swap3A_32] : memref<128x384xf32, #tpu.memory_space<vmem>>, vector<128x384xf32>
    tpu.vector_store %arg7[%swap3A, %swap3A_32], %div3A {strides = array<i32>} : memref<128x384xf32, #tpu.memory_space<vmem>>, vector<128x384xf32>,
    %swap3A_34 = arith.constant 0 : index
    %swap3A_35 = arith.constant 0 : index
    %swap3A_36 = vector.load %arg8[%swap3A_34, %swap3A_35] : memref<128x384xf32, #tpu.memory_space<vmem>>, vector<128x384xf32>
    tpu.vector_store %arg8[%swap3A_34, %swap3A_35], %add3A_24 {strides = array<i32>} : memref<128x384xf32, #tpu.memory_space<vmem>>, vector<128x384xf32>,
    return
  }
  func.func @transform_0(%arg0: i32) -> (i32, i32, i32) {
    %c0_i32 = arith.constant 0 : i32
    %c0_i32_0 = arith.constant 0 : i32
    %c0_i32_1 = arith.constant 0 : i32
    return %c0_i32, %arg0, %c0_i32_0 : i32, i32, i32
  }
  func.func @transform_1(%arg0: i32) -> (i32, i32) {
    %c0_i32 = arith.constant 0 : i32
    %c0_i32_0 = arith.constant 0 : i32
    return %arg0, %c0_i32 : i32, i32
  }
  func.func @transform_2(%arg0: i32) -> (i32, i32) {
    %c0_i32 = arith.constant 0 : i32
    %c0_i32_0 = arith.constant 0 : i32
    return %arg0, %c0_i32 : i32, i32
  }
  func.func @transform_3(%arg0: i32) -> (i32, i32) {
    %c0_i32 = arith.constant 0 : i32
    %c0_i32_0 = arith.constant 0 : i32
    %c0_i32_1 = arith.constant 0 : i32
    return %c0_i32, %c0_i32_0 : i32, i32
  }
  func.func @transform_4(%arg0: i32) -> (i32, i32) {
    %c0_i32 = arith.constant 0 : i32
    %c0_i32_0 = arith.constant 0 : i32
    %c0_i32_1 = arith.constant 0 : i32
    return %c0_i32, %c0_i32_0 : i32, i32
  }
  func.func @transform_5(%arg0: i32) -> (i32, i32) {
    %c0_i32 = arith.constant 0 : i32
    %c0_i32_0 = arith.constant 0 : i32
    %c0_i32_1 = arith.constant 0 : i32
    return %c0_i32, %c0_i32_0 : i32, i32
  }
  func.func @transform_6(%arg0: i32) -> (i32, i32) {
    %c0_i32 = arith.constant 0 : i32
    %c0_i32_0 = arith.constant 0 : i32
    return %arg0, %c0_i32 : i32, i32
  }
  func.func @transform_7(%arg0: i32) -> (i32, i32) {
    %c0_i32 = arith.constant 0 : i32
    %c0_i32_0 = arith.constant 0 : i32
    return %arg0, %c0_i32 : i32, i32
  }
}

</mosaic_0001>

<sc_bundles>
// kernel: kernel.11.cloned.1.call-start
scs
__scs_entry_jumppad:
0x0: {  	(pc) =	sbr.rel $0x88, $3  }
0x1: {  	(tag) =	ssettag $0x0;
	lr =	simm.s32 $0x1  }
0x2: {  	[smem:$0x3F8B] =	sst lr;
	_ =	strace $0xD0000000  }
0x3: {  	_ = 	snop  }
0x4: {  	_ = 	snop  }
0x5: {  	_ = 	snop  }
0x6: {  	_ = 	snop  }
0x7: {  	_ = 	snop  }
__scs_overlays_trampoline_lowered:
0x8: {  	[smem:$0x3F9A] =	sst s0  }
0x9: {  	[smem:$0x3F9B] =	sst s1  }
0xa: {  	[smem:$0x3F9C] =	sst s2  }
0xb: {  	[smem:$0x3F9D] =	sst s3  }
0xc: {  	[smem:$0x3F9E] =	sst s4  }
0xd: {  	[smem:$0x3F9F] =	sst s5  }
0xe: {  	[smem:$0x3FA0] =	sst s6  }
0xf: {  	[smem:$0x3FA1] =	sst s7  }
0x10: {  	[smem:$0x3FA2] =	sst s8  }
0x11: {  	[smem:$0x3FA3] =	sst s9;
	s0 =	simm.s32 @!p0 $0x0  }
0x12: {  	s1 =	sld [smem:$0x3F89];
	s0 =	simm.s32 @p0 $0x1  }
0x13: {  	[smem:$0x3FA4] =	sst s0;
	s0 =	simm.s32 @!p1 $0x0  }
0x14: {  	s2 =	sld [smem:$0x3F88];
	s0 =	simm.s32 @p1 $0x1  }
0x15: {  	[smem:$0x3FA5] =	sst s0;
	s0 =	simm.s32 @!p2 $0x0  }
0x16: {  	s3 =	sld [smem:$0x3FDB];
	s0 =	simm.s32 @p2 $0x1  }
0x17: {  	s4 =	simm.s32 $0x1BF5;
	[smem:$0x3FA7] =	sst s0  }
0x18: {  	s0 =	sld [smem:$0x3F8A];
	_ =	swait.ge [sflag:s4], $0x0  }
0x19: {  	s7 =	sld [smem:$0x3F8B]  }
0x1a: {  	s8 =	sadd.s32 $0xFFFFE003, lr  }
0x1b: {  	s9 =	sadd.s32 $0xFFFFFEF7, lr;
	s5 =	simm.s32 $0xFFFFFFFF;
	p2 =	slt.u32 s8, $0xFFFFF086  }
0x1c: {  	p1 =	slt.u32 s9, $0xF7A;
	s5 =	simm.s32 @!p2 $0x0  }
0x1d: {  	s5 =	simm.s32 @p1 $0x1;
	p0 =	seq.s32 s7, s2  }
0x1e: {  	s7 =	smul.u32 @!p0 $0xF7A, s2;
	p2 =	seq.s32 @!p0 s5, $0x0  }
0x1f: {  	s9 =	smul.u32 $0xF7A, s1;
	s8 =	simm.s32 @!p0 $0x1BF5;
	p2 =	por !p2, p0  }
0x20: {  	[sflag:s8] =	ssyncset.s32 @!p0 $0xFFFFF086;
	s6 =	sadd.s32 @!p0 s3, s7;
	s7 =	simm.s32 @!p0 $0x108  }
0x21: {  	s3 =	sadd.s32 s3, s9;
	s6 =	sadd.s32 @!p0 $0x88, s6;
	s7 =	simm.s32 @p2 $0x1082  }
0x22: {  	[simem:s7], [sflag:s8] =	dma.local @!p0 [hbm:s6], $0xF7A  }
0x23: {  	s9 =	sor.u32 $0xD0000000, s2;
	s6 =	simm.s32 $0x108;
	_ =	swait.ge @!p0 [sflag:s8], $0x0  }
0x24: {  	s3 =	sadd.s32 $0x88, s3;
	s6 =	simm.s32 @!p1 $0x1082;
	[sflag:s4] =	ssyncset.s32 $0xFFFFF086  }
0x25: {  	[simem:s6], [sflag:s4] =	dma.local [hbm:s3], $0xF7A  }
0x26: {  	[smem:$0x3F8B] =	sst s1;
	(tag) =	ssettag s2;
	_ =	strace s9  }
0x27: {  	s1 =	sld [smem:$0x3F9B]  }
0x28: {  	s2 =	sld [smem:$0x3F9C]  }
0x29: {  	s4 =	sld [smem:$0x3F9E]  }
0x2a: {  	p0 =	seq.s32 s5, $0x0;
	s5 =	sld [smem:$0x3F9F]  }
0x2b: {  	s6 =	sld [smem:$0x3FA0]  }
0x2c: {  	s7 =	sld [smem:$0x3FA1]  }
0x2d: {  	s3 =	simm.s32 $0x108;
	s8 =	sld [smem:$0x3FA2]  }
0x2e: {  	s3 =	simm.s32 @!p0 $0x1082;
	s9 =	sld [smem:$0x3FA3]  }
0x2f: {  	lr =	sadd.s32 s0, s3;
	s0 =	sld [smem:$0x3F9A]  }
0x30: {  	s3 =	sld [smem:$0x3F9D]  }
0x31: {  	[smem:$0x3FA6] =	sst s10  }
0x32: {  	s10 =	sld [smem:$0x3FA4];
	_ =	sdelay $0x3  }
0x33: {  	p0 =	seq.s32 s10, $0x1;
	s10 =	sld [smem:$0x3FA6];
	_ =	sdelay $0x3  }
0x34: {  	[smem:$0x3FA6] =	sst s10  }
0x35: {  	s10 =	sld [smem:$0x3FA5];
	_ =	sdelay $0x3  }
0x36: {  	p1 =	seq.s32 s10, $0x1;
	s10 =	sld [smem:$0x3FA6];
	_ =	sdelay $0x3  }
0x37: {  	[smem:$0x3FA6] =	sst s10  }
0x38: {  	s10 =	sld [smem:$0x3FA7]  }
0x39: {  	_ = 	snop;
	(pc) =	sbr.ind lr, $3  }
0x3a: {  	_ = 	snop  }
0x3b: {  	_ = 	snop  }
0x3c: {  	p2 =	seq.s32 s10, $0x1;
	s10 =	sld [smem:$0x3FA6]  }
0x3d: {  	_ =	shalt  }
0x3e: {  	_ =	shalt  }
0x3f: {  	_ =	shalt  }
0x40: {  	_ =	shalt  }
0x41: {  	_ =	shalt  }
0x42: {  	_ =	shalt  }
0x43: {  	_ =	shalt  }
0x44: {  	_ =	shalt  }
0x45: {  	_ =	shalt  }
0x46: {  	_ =	shalt  }
0x47: {  	_ =	shalt  }
0x48: {  	_ =	shalt  }
0x49: {  	_ =	shalt  }
0x4a: {  	_ =	shalt  }
0x4b: {  	_ =	shalt  }
0x4c: {  	_ =	shalt  }
0x4d: {  	_ =	shalt  }
0x4e: {  	_ =	shalt  }
0x4f: {  	_ =	shalt  }
0x50: {  	_ =	shalt  }
0x51: {  	_ =	shalt  }
0x52: {  	_ =	shalt  }
0x53: {  	_ =	shalt  }
0x54: {  	_ =	shalt  }
0x55: {  	_ =	shalt  }
0x56: {  	_ =	shalt  }
0x57: {  	_ =	shalt  }
0x58: {  	_ =	shalt  }
0x59: {  	_ =	shalt  }
0x5a: {  	_ =	shalt  }
0x5b: {  	_ =	shalt  }
0x5c: {  	_ =	shalt  }
0x5d: {  	_ =	shalt  }
0x5e: {  	_ =	shalt  }
0x5f: {  	_ =	shalt  }
0x60: {  	_ =	shalt  }
0x61: {  	_ =	shalt  }
0x62: {  	_ =	shalt  }
0x63: {  	_ =	shalt  }
0x64: {  	_ =	shalt  }
0x65: {  	_ =	shalt  }
0x66: {  	_ =	shalt  }
0x67: {  	_ =	shalt  }
0x68: {  	_ =	shalt  }
0x69: {  	_ =	shalt  }
0x6a: {  	_ =	shalt  }
0x6b: {  	_ =	shalt  }
0x6c: {  	_ =	shalt  }
0x6d: {  	_ =	shalt  }
0x6e: {  	_ =	shalt  }
0x6f: {  	_ =	shalt  }
0x70: {  	_ =	shalt  }
0x71: {  	_ =	shalt  }
0x72: {  	_ =	shalt  }
0x73: {  	_ =	shalt  }
0x74: {  	_ =	shalt  }
0x75: {  	_ =	shalt  }
0x76: {  	_ =	shalt  }
0x77: {  	_ =	shalt  }
0x78: {  	_ =	shalt  }
0x79: {  	_ =	shalt  }
0x7a: {  	_ =	shalt  }
0x7b: {  	_ =	shalt  }
0x7c: {  	_ =	shalt  }
0x7d: {  	_ =	shalt  }
0x7e: {  	_ =	shalt  }
0x7f: {  	_ =	shalt  }
0x80: {  	_ =	shalt  }
0x81: {  	_ =	shalt  }
0x82: {  	_ =	shalt  }
0x83: {  	_ =	shalt  }
0x84: {  	_ =	shalt  }
0x85: {  	_ =	shalt  }
0x86: {  	_ =	shalt  }
0x87: {  	_ =	shalt  }
.Lfunc_end0:
.L_simem_size_0:
called_computation.1_lowered:
.L_overlay_start_0:
0x88: {  	s2 =	sld [smem:$0x3FD9]  }
0x89: {  	s3 =	sld [smem:$0x3FFE];
	_ =	sdelay $0x1  }
0x8a: {  	s1 =	srdreg.scid  }
0x8b: {  	s0 =	sand.u32 $0x1, s1  }
0x8c: {  	s29 =	sshll.u32 s0, $0xA;
	s2 =	sadd.s32 s3, s2  }
0x8d: {  	s2 =	sadd.s32 s2, s29  }
0x8e: {  	[smem:$0x3FB2] =	sst s2  }
0x8f: {  	_ = 	snop  }
0x90: {  	s2 =	sld [smem:$0x3FC9]  }
0x91: {  	s30 =	sld [smem:$0x3FC8]  }
0x92: {  	s4 =	sld [smem:$0x3FC7]  }
0x93: {  	s5 =	sld [smem:$0x3FC6]  }
0x94: {  	s6 =	sld [smem:$0x3FC5]  }
0x95: {  	s7 =	sld [smem:$0x3FD0]  }
0x96: {  	s8 =	sld [smem:$0x3FC4]  }
0x97: {  	s9 =	sld [smem:$0x3FC3]  }
0x98: {  	s11 =	simm.s32 $0xA;
	s12 =	simm.s32 $0x10;
	s10 =	sld [smem:$0x3FC2]  }
0x99: {  	[smem:s12], [sflag:s11] =	dma.local [hbm:s7], $0x1  }
0x9a: {  	_ =	swait.eq [sflag:s11], $0x1  }
0x9b: {  	[sflag:s11] =	ssyncset.done $0x0  }
0x9c: {  	s31 =	sld [smem:$0x10];
	[sflag:s11] =	ssyncadd.s32 $0xFFFFFFFF  }
0x9d: {  	s17 =	sld [smem:$0x11];
	(tm) =	ssettm $0x1  }
0x9e: {  	s18 =	sld [smem:$0x3FFB];
	_ =	sdelay $0x3  }
0x9f: {  	_ =	strace s18  }
0xa0: {  	s12 =	sld [smem:$0x3FFC];
	_ =	sdelay $0x3  }
0xa1: {  	_ =	strace s12  }
0xa2: {  	s12 =	sld [smem:$0x3FFD];
	_ =	sdelay $0x3  }
0xa3: {  	_ =	strace s12  }
0xa4: {  	_ =	strace $0x8FFFFFFF  }
0xa5: {  	s19 =	sld [smem:$0x3FDB];
	_ =	sdelay $0x1  }
0xa6: {  	s13 =	simm.s32 $_scs_section_size  }
0xa7: {  	s14 =	simm.s32 $_size__tile_overlayer_lowered;
	s15 =	simm.s32 $_tile_overlayer_lowered  }
0xa8: {  	s22 =	simm.s32 $0x1BFF;
	s21 =	sshll.u32 s15, $0x1;
	s12 =	sadd.s32 s13, s19  }
0xa9: {  	s16 =	simm.s32 $0x0;
	s20 =	sshll.u32 s14, $0x1;
	s14 =	sadd.s32 s21, s12  }
0xaa: {  	[timem:s16], [sflag:s22] =	dma.local [hbm:s14], s20  }
0xab: {  	_ =	swait.ge [sflag:s22], s20  }
0xac: {  	s13 =	ssub.s32 $0x0, s20;
	[sflag:s22] =	ssyncset.done $0x0  }
0xad: {  	[sflag:s22] =	ssyncadd.s32 s13;
	_ =	sdelay $0x1  }
0xae: {  	s23 =	simm.s32 $0x1B8B  }
0xaf: {  	_ =	swait.ge [sflag:s23], $0x1  }
0xb0: {  	[sflag:s23] =	ssyncset.done $0x0  }
0xb1: {  	s25 =	simm.s32 $0x1B8E;
	s24 =	sld [smem:$0x3FFE];
	[sflag:s23] =	ssyncadd.s32 $0xFFFFFFFF  }
0xb2: {  	s26 =	simm.s32 $execute0_lowered;
	[smem:$0x3FD2] =	sst s25  }
0xb3: {  	s14 =	sshll.u32 s26, $0x1;
	_ =	strace $0x80000049;
	[dreg:$0x1] =	wrdreg $0xFFFFFFFF  }
0xb4: {  	s28 =	simm.s32 $_size_execute0_lowered;
	s12 =	sadd.s32 s12, s14;
	[dreg:$0x0] =	wrdreg $0x0  }
0xb5: {  	s14 =	sshll.u32 s28, $0x1;
	[dreg:$0x2] =	wrdreg s12  }
0xb6: {  	[dreg:$0x3] =	wrdreg s14  }
0xb7: {  	[dreg:$0x4] =	wrdreg $0xC0  }
0xb8: {  	_ =	task [dreg:s16], $0x5FFFF  }
0xb9: {  	[dreg:$0x1] =	wrdreg $0xFFFFFFFF  }
0xba: {  	[dreg:$0x0] =	wrdreg $0x60  }
0xbb: {  	[dreg:$0x2] =	wrdreg s31  }
0xbc: {  	[dreg:$0x3] =	wrdreg s24  }
0xbd: {  	[dreg:$0x4] =	wrdreg s2  }
0xbe: {  	[dreg:$0x5] =	wrdreg s30  }
0xbf: {  	[dreg:$0x6] =	wrdreg s4  }
0xc0: {  	[dreg:$0x7] =	wrdreg s5  }
0xc1: {  	[dreg:$0x8] =	wrdreg s6  }
0xc2: {  	[dreg:$0x9] =	wrdreg s8  }
0xc3: {  	[dreg:$0xa] =	wrdreg s9  }
0xc4: {  	[dreg:$0xb] =	wrdreg s10  }
0xc5: {  	[dreg:$0xc] =	wrdreg s17  }
0xc6: {  	[dreg:$0xd] =	wrdreg $0x0  }
0xc7: {  	[dreg:$0xe] =	wrdreg $0x9  }
0xc8: {  	_ =	task.clear_ibuf [dreg:s16], $0xFFFFF;
	_ =	strace $0x90000049  }
0xc9: {  	s29 =	simm.s32 $0x9;
	_ =	strace $0x8000004B  }
0xca: {  	_ =	swait.ge [sflag:s29], $0x1  }
0xcb: {  	[sflag:s29] =	ssyncadd.s32 $0xFFFFFFFF  }
0xcc: {  	_ =	strace $0x9000004B  }
0xcd: {  	_ =	sfence  }
0xce: {  	s30 =	sld [smem:$0x0];
	_ =	sdelay $0x2  }
0xcf: {  	s31 =	sshll.u32 s1, $0xD;
	s1 =	sshrl.u32 s1, $0x2  }
0xd0: {  	s3 =	sand.u32 $0x4000, s31;
	s1 =	sadd.s32 s1, s30  }
0xd1: {  	s0 =	sor.u32 s3, s0;
	s1 =	sshll.u32 s1, $0x11  }
0xd2: {  	s0 =	sor.u32 s1, s0  }
0xd3: {  	s0 =	sadd.s32 $0x8F2B, s0  }
0xd4: {  	[sflag:s0] =	ssyncadd.remote.s32 $0x1  }
0xd5: {  	_ =	sfence.sel $0xFFFF  }
0xd6: {  	[dreg:$0x0] =	wrdreg $0xFFFFFFFF;
	(pc) =	sbr.abs _section_cstart, $3  }
0xd7: {  	[dreg:$0x1] =	wrdreg $0xFFFFFFFF  }
0xd8: {  	_ =	task.clear_ibuf [dreg:s16], $0x2FFFF;
	_ =	strace $0x9FFFFFFF  }
0xd9: {  	(tm) =	ssettm $0x7FFFFFFF  }
tec
execute0_lowered:
.L_overlay_start_1:
0x0: {  	(tag) =	ssettag $0x1  }
0x1: {  	s0 =	rddreg [dreg:$0x0]  }
0x2: {  	s1 =	rddreg [dreg:$0x1]  }
0x3: {  	s2 =	rddreg [dreg:$0xa];
	s3 =	srdreg.scid  }
0x4: {  	s9 =	stileid.u32;
	s11 =	rddreg [dreg:$0xb];
	s12 =	simm.s32 $0x0  }
0x5: {  	s13 =	simm.s32 $0x11;
	s29 =	simm.s32 $0xB800;
	s30 =	simm.s32 $0x1  }
0x6: {  	s31 =	simm.s32 $0x2;
	s10 =	simm.s32 $0x3;
	s14 =	simm.s32 $0x7  }
0x7: {  	s15 =	simm.s32 $0x8;
	s28 =	simm.s32 $0xB800;
	s3 =	sand.u32 $0x1, s3  }
0x8: {  	s4 =	sshll.u32 s9, $0x1;
	[smem:$0x7FF] =	sst s12;
	s6 =	smul.u32 $0xA000, s9  }
0x9: {  	s8 =	smul.u32 $0x2800, s9;
	p0 =	sgt.u32 s9, $0x1;
	s9 =	simm.s32 $0x8800  }
0xa: {  	s4 =	sor.u32 s3, s4;
	s16 =	ssub.s32 $0x2, s3;
	s3 =	smul.u32 $0x28000, s3  }
0xb: {  	_ =	strace $0x8000004A;
	s5 =	smul.u32 $0x4E, s4;
	s4 =	smin.u32 s4, $0x4  }
0xc: {  	s7 =	sshrl.u32 s16, $0x1;
	s18 =	sshrl.u32 s6, $0x2;
	s6 =	sadd.s32 s8, s11  }
0xd: {  	s17 =	ssub.s32 s16, s7;
	s3 =	sadd.s32 s8, s3;
	s7 =	simm.s32 $0x6  }
0xe: {  	s16 =	simm.s32 $0x9;
	[dreg:$0xd] =	wrdreg s6;
	s8 =	simm.s32 $0x8000  }
0xf: {  	s4 =	sadd.s32 s4, s5;
	s5 =	sadd.s32 s18, s11;
	s3 =	sshrl.u32 s3, $0x3  }
0x10: {  	s26 =	smax.u32 s17, $0x1;
	s17 =	simm.s32 $0xA;
	s18 =	simm.s32 $0xB  }
0x11: {  	s4 =	sshll.u32 s4, $0x4;
	s19 =	sadd.s32 $0x800, s5;
	[dreg:$0x17] =	wrdreg s26  }
0x12: {  	s20 =	sadd.s32 $0x1000, s5;
	s21 =	sadd.s32 $0x1800, s5;
	[dreg:$0xe] =	wrdreg s19  }
0x13: {  	s5 =	sadd.s32 $0x2000, s5;
	s25 =	sadd.s32 s2, s3;
	[dreg:$0xf] =	wrdreg s20  }
0x14: {  	s3 =	simm.s32 $0x4;
	s2 =	simm.s32 $0x0;
	[dreg:$0x10] =	wrdreg s21  }
0x15: {  	s26 =	simm.s32 $0xA000;
	s1 =	sadd.s32 s4, s1;
	[dreg:$0x11] =	wrdreg s5  }
0x16: {  	[dreg:$0x16] =	wrdreg s25;
	s5 =	simm.s32 $0x80;
	s22 =	sadd.s32 $0x2A00, s1  }
0x17: {  	s4 =	simm.s32 $0x5;
	s23 =	sadd.s32 $0xC640, s1;
	[dreg:$0x12] =	wrdreg s22  }
0x18: {  	s19 =	simm.s32 $0xC;
	s24 =	sadd.s32 $0x2EE0, s1;
	[dreg:$0x13] =	wrdreg s23  }
0x19: {  	s20 =	simm.s32 $0xD;
	s1 =	sadd.s32 $0xCB20, s1;
	[dreg:$0x14] =	wrdreg s24  }
0x1a: {  	s21 =	simm.s32 $0xE;
	s25 =	simm.s32 $0x9800;
	[dreg:$0x15] =	wrdreg s1  }
0x1b: {  	v0 =	vimm.f32 $0.0e+00;
	s22 =	simm.s32 $0xF;
	s23 =	simm.s32 $0x10;
	s24 =	simm.s32 $0x9000  }
.LBB2_1:
0x1c: {  	[dreg:$0x18] =	wrdreg s2  }
0x1d: {  	s1 =	rddreg [dreg:$0x2];
	s2 =	simm.s32 $0xC000  }
0x1e: {  	[tilespmem:s2], [sflag:$0x11] =	stream.linear.gather [hbm4b:s1+s12], $0x1, $0x38;
	[tilespmem:$0xC080] =	vst v63  }
0x1f: {  	s1 =	rddreg [dreg:$0x3];
	s2 =	simm.s32 $0xC010  }
0x20: {  	[tilespmem:s2], [sflag:$0x11] =	stream.linear.gather [hbm4b:s1+s12], $0x1, $0x38;
	[tilespmem:$0xC080] =	vst v63  }
0x21: {  	s1 =	rddreg [dreg:$0x4];
	s2 =	simm.s32 $0xC020  }
0x22: {  	[tilespmem:s2], [sflag:$0x11] =	stream.linear.gather [hbm4b:s1+s12], $0x1, $0x38;
	[tilespmem:$0xC080] =	vst v63  }
0x23: {  	s1 =	rddreg [dreg:$0x5];
	s2 =	simm.s32 $0xC030  }
0x24: {  	[tilespmem:s2], [sflag:$0x11] =	stream.linear.gather [hbm4b:s1+s12], $0x1, $0x38;
	[tilespmem:$0xC080] =	vst v63  }
0x25: {  	s1 =	rddreg [dreg:$0x6];
	s2 =	simm.s32 $0xC040  }
0x26: {  	[tilespmem:s2], [sflag:$0x11] =	stream.linear.gather [hbm4b:s1+s12], $0x1, $0x38;
	[tilespmem:$0xC080] =	vst v63  }
0x27: {  	s1 =	rddreg [dreg:$0x7];
	s2 =	simm.s32 $0xC050  }
0x28: {  	[tilespmem:s2], [sflag:$0x11] =	stream.linear.gather [hbm4b:s1+s12], $0x1, $0x38;
	[tilespmem:$0xC080] =	vst v63  }
0x29: {  	s1 =	rddreg [dreg:$0x8];
	s2 =	simm.s32 $0xC060  }
0x2a: {  	[tilespmem:s2], [sflag:$0x11] =	stream.linear.gather [hbm4b:s1+s12], $0x1, $0x38;
	[tilespmem:$0xC080] =	vst v63  }
0x2b: {  	s1 =	rddreg [dreg:$0x9];
	s2 =	simm.s32 $0xC070  }
0x2c: {  	[tilespmem:s2], [sflag:$0x11] =	stream.linear.gather [hbm4b:s1+s12], $0x1, $0x38;
	[tilespmem:$0xC080] =	vst v63  }
0x2d: {  	_ =	swait.ge [sflag:s13], $0x1  }
0x2e: {  	[sflag:s13] =	ssyncset.done $0x0  }
0x2f: {  	[sflag:s13] =	ssyncadd.s32 $0xFFFFFFFF  }
0x30: {  	_ =	swait.ge [sflag:s13], $0x1  }
0x31: {  	[sflag:s13] =	ssyncset.done $0x0  }
0x32: {  	[sflag:s13] =	ssyncadd.s32 $0xFFFFFFFF  }
0x33: {  	_ =	swait.ge [sflag:s13], $0x1  }
0x34: {  	[sflag:s13] =	ssyncset.done $0x0  }
0x35: {  	[sflag:s13] =	ssyncadd.s32 $0xFFFFFFFF  }
0x36: {  	_ =	swait.ge [sflag:s13], $0x1  }
0x37: {  	[sflag:s13] =	ssyncset.done $0x0  }
0x38: {  	[sflag:s13] =	ssyncadd.s32 $0xFFFFFFFF  }
0x39: {  	_ =	swait.ge [sflag:s13], $0x1  }
0x3a: {  	[sflag:s13] =	ssyncset.done $0x0  }
0x3b: {  	[sflag:s13] =	ssyncadd.s32 $0xFFFFFFFF  }
0x3c: {  	_ =	swait.ge [sflag:s13], $0x1  }
0x3d: {  	[sflag:s13] =	ssyncset.done $0x0  }
0x3e: {  	[sflag:s13] =	ssyncadd.s32 $0xFFFFFFFF  }
0x3f: {  	_ =	swait.ge [sflag:s13], $0x1  }
0x40: {  	[sflag:s13] =	ssyncset.done $0x0  }
0x41: {  	[sflag:s13] =	ssyncadd.s32 $0xFFFFFFFF  }
0x42: {  	_ =	swait.ge [sflag:s13], $0x1  }
0x43: {  	[sflag:s13] =	ssyncset.done $0x0  }
0x44: {  	s2 =	simm.s32 $0x40;
	s1 =	simm.s32 $0x0;
	[sflag:s13] =	ssyncadd.s32 $0xFFFFFFFF  }
.LBB2_2:
0x45: {  	p1 =	sne.s32 s2, $0x1FC0;
	[tilespmem:s1+$0x7800] =	vst v0;
	s1 =	smov.u32 s2;
	s2 =	sadd.s32 $0x40, s2  }
.Ltmp0:
0x46: {  	(pc) =	sbr.rel @p1 .LBB2_2-.Ltmp0, $2  }
0x47: {  	_ =	sdelay $0x2  }
0x48: {  	s1 =	sshra.s32 s1, $0x2  }
0x49: {  	[tilespmem:s1+$0x7800] =	vst v0;
	s2 =	simm.s32 $0x7800  }
0x4a: {  	[spmem:s6] =	stream.linear.scatter [tilespmem:s2], [sflag:$0x11], $0x800, $0x38;
	[tilespmem:$0xC080] =	vst v63  }
0x4b: {  	_ =	swait.ge [sflag:s13], $0x800  }
0x4c: {  	[sflag:s13] =	ssyncset.done $0x0  }
0x4d: {  	s6 =	rddreg [dreg:$0xe];
	[sflag:s13] =	ssyncadd.s32 $0xFFFFF800  }
0x4e: {  	[spmem:s6] =	stream.linear.scatter [tilespmem:s2], [sflag:$0x11], $0x800, $0x38;
	[tilespmem:$0xC080] =	vst v63  }
0x4f: {  	_ =	swait.ge [sflag:s13], $0x800  }
0x50: {  	[sflag:s13] =	ssyncset.done $0x0  }
0x51: {  	s6 =	rddreg [dreg:$0xf];
	[sflag:s13] =	ssyncadd.s32 $0xFFFFF800  }
0x52: {  	[spmem:s6] =	stream.linear.scatter [tilespmem:s2], [sflag:$0x11], $0x800, $0x38;
	[tilespmem:$0xC080] =	vst v63  }
0x53: {  	_ =	swait.ge [sflag:s13], $0x800  }
0x54: {  	[sflag:s13] =	ssyncset.done $0x0  }
0x55: {  	s6 =	rddreg [dreg:$0x10];
	[sflag:s13] =	ssyncadd.s32 $0xFFFFF800  }
0x56: {  	[spmem:s6] =	stream.linear.scatter [tilespmem:s2], [sflag:$0x11], $0x800, $0x38;
	[tilespmem:$0xC080] =	vst v63  }
0x57: {  	_ =	swait.ge [sflag:s13], $0x800  }
0x58: {  	[sflag:s13] =	ssyncset.done $0x0  }
0x59: {  	s6 =	rddreg [dreg:$0x11];
	[sflag:s13] =	ssyncadd.s32 $0xFFFFF800  }
0x5a: {  	[spmem:s6] =	stream.linear.scatter [tilespmem:s2], [sflag:$0x11], $0x800, $0x38;
	[tilespmem:$0xC080] =	vst v63  }
0x5b: {  	_ =	swait.ge [sflag:s13], $0x800  }
0x5c: {  	[sflag:s13] =	ssyncset.done $0x0  }
0x5d: {  	s6 =	simm.s32 $0x2800;
	s2 =	rddreg [dreg:$0x12];
	[sflag:s13] =	ssyncadd.s32 $0xFFFFF800  }
0x5e: {  	[tilespmem:s6], [sflag:$0x11] =	stream.linear.gather [hbm4b:s2+s12], $0x2700, $0x38;
	[tilespmem:$0xC080] =	vst v63  }
0x5f: {  	_ =	swait.ge [sflag:s13], $0x2700  }
0x60: {  	[sflag:s13] =	ssyncset.done $0x0  }
0x61: {  	s6 =	simm.s32 $0x5000;
	s2 =	rddreg [dreg:$0x13];
	[sflag:s13] =	ssyncadd.s32 $0xFFFFD900  }
0x62: {  	[tilespmem:s6], [sflag:$0x11] =	stream.linear.gather [hbm4b:s2+s12], $0x2700, $0x38;
	[tilespmem:$0xC080] =	vst v63  }
0x63: {  	_ =	swait.ge [sflag:s13], $0x2700  }
0x64: {  	s1 =	simm.s32 @!p0 $0x0;
	[sflag:s13] =	ssyncset.done $0x0  }
0x65: {  	s2 =	simm.s32 @!p0 $0x4F00;
	s6 =	rddreg [dreg:$0x14];
	[sflag:s13] =	ssyncadd.s32 $0xFFFFD900  }
0x66: {  	[tilespmem:s2], [sflag:$0x11] =	stream.linear.gather @!p0 [hbm4b:s6+s1], $0x80, $0x38;
	[tilespmem:$0xC080] =	vst v63  }
0x67: {  	s2 =	simm.s32 @!p0 $0x11  }
0x68: {  	_ =	swait.ge @!p0 [sflag:s2], $0x80  }
0x69: {  	[sflag:s2] =	ssyncset.done @!p0 $0x0  }
0x6a: {  	s12 =	simm.s32 @!p0 $0x7700;
	s6 =	rddreg [dreg:$0x15];
	[sflag:s2] =	ssyncadd.s32 @!p0 $0xFFFFFF80  }
0x6b: {  	[tilespmem:s12], [sflag:$0x11] =	stream.linear.gather @!p0 [hbm4b:s6+s1], $0x80, $0x38;
	[tilespmem:$0xC080] =	vst v63  }
0x6c: {  	_ =	swait.ge @!p0 [sflag:s2], $0x80  }
0x6d: {  	[sflag:s2] =	ssyncset.done @!p0 $0x0  }
0x6e: {  	[sflag:s2] =	ssyncadd.s32 @!p0 $0xFFFFFF80  }
0x6f: {  	s13 =	simm.s32 $0x2800;
	[bflag:$0x0] =	sbarrier.arrive $0xFFFF  }
0x70: {  	[tilespmem:s8], [sflag:$0x1] =	stream.indirect.gather [hbm4b:s0+s5], $0x10, s13, s5, $0xb8;
	[tilespmem:$0xC080] =	vst v63  }
0x71: {  	s2 =	simm.s32 $0x2880  }
0x72: {  	[tilespmem:s9], [sflag:$0x2] =	stream.indirect.gather [hbm4b:s0+s5], $0x10, s2, s5, $0xb8;
	[tilespmem:$0xC080] =	vst v63  }
0x73: {  	s6 =	simm.s32 $0x2900  }
0x74: {  	[tilespmem:s24], [sflag:$0x3] =	stream.indirect.gather [hbm4b:s0+s5], $0x10, s6, s5, $0xb8;
	[tilespmem:$0xC080] =	vst v63  }
0x75: {  	s12 =	simm.s32 $0x2980  }
0x76: {  	[tilespmem:s25], [sflag:$0x4] =	stream.indirect.gather [hbm4b:s0+s5], $0x10, s12, s5, $0xb8;
	[tilespmem:$0xC080] =	vst v63  }
0x77: {  	s13 =	simm.s32 $0x2A00  }
0x78: {  	[tilespmem:s26], [sflag:$0x5] =	stream.indirect.gather [hbm4b:s0+s5], $0x10, s13, s5, $0xb8;
	[tilespmem:$0xC080] =	vst v63  }
0x79: {  	s2 =	simm.s32 $0x2A80;
	s6 =	simm.s32 $0xA800  }
0x7a: {  	[tilespmem:s6], [sflag:$0x6] =	stream.indirect.gather [hbm4b:s0+s5], $0x10, s2, s5, $0xb8;
	[tilespmem:$0xC080] =	vst v63  }
0x7b: {  	s12 =	simm.s32 $0x2B00;
	s2 =	simm.s32 $0xB000  }
0x7c: {  	[tilespmem:s2], [sflag:$0x7] =	stream.indirect.gather [hbm4b:s0+s5], $0x10, s12, s5, $0xb8;
	[tilespmem:$0xC080] =	vst v63  }
0x7d: {  	s13 =	simm.s32 $0x2B80  }
0x7e: {  	[tilespmem:s29], [sflag:$0x8] =	stream.indirect.gather [hbm4b:s0+s5], $0x10, s13, s5, $0xb8;
	[tilespmem:$0xC080] =	vst v63  }
0x7f: {  	_ =	swait.ge [sflag:s30], $0x800  }
0x80: {  	[sflag:s30] =	ssyncset.done $0x0  }
0x81: {  	s12 =	simm.s32 $0x5000;
	[sflag:s30] =	ssyncadd.s32 $0xFFFFF800  }
0x82: {  	[spmem:s11] =	stream.indirect.scatter.add.f32 [tilespmem:s8], [sflag:$0x9], $0x10, s12, s5, $0xb8;
	[tilespmem:$0xC080] =	vst v63  }
0x83: {  	_ =	swait.ge [sflag:s31], $0x800  }
0x84: {  	[sflag:s31] =	ssyncset.done $0x0  }
0x85: {  	s13 =	simm.s32 $0x5080;
	[sflag:s31] =	ssyncadd.s32 $0xFFFFF800  }
0x86: {  	[spmem:s11] =	stream.indirect.scatter.add.f32 [tilespmem:s9], [sflag:$0xA], $0x10, s13, s5, $0xb8;
	[tilespmem:$0xC080] =	vst v63  }
0x87: {  	_ =	swait.ge [sflag:s10], $0x800  }
0x88: {  	[sflag:s10] =	ssyncset.done $0x0  }
0x89: {  	s12 =	simm.s32 $0x5100;
	[sflag:s10] =	ssyncadd.s32 $0xFFFFF800  }
0x8a: {  	[spmem:s11] =	stream.indirect.scatter.add.f32 [tilespmem:s24], [sflag:$0xB], $0x10, s12, s5, $0xb8;
	[tilespmem:$0xC080] =	vst v63  }
0x8b: {  	_ =	swait.ge [sflag:s3], $0x800  }
0x8c: {  	[sflag:s3] =	ssyncset.done $0x0  }
0x8d: {  	s13 =	simm.s32 $0x5180;
	[sflag:s3] =	ssyncadd.s32 $0xFFFFF800  }
0x8e: {  	[spmem:s11] =	stream.indirect.scatter.add.f32 [tilespmem:s25], [sflag:$0xC], $0x10, s13, s5, $0xb8;
	[tilespmem:$0xC080] =	vst v63  }
0x8f: {  	_ =	swait.ge [sflag:s4], $0x800  }
0x90: {  	[sflag:s4] =	ssyncset.done $0x0  }
0x91: {  	s12 =	simm.s32 $0x5200;
	[sflag:s4] =	ssyncadd.s32 $0xFFFFF800  }
0x92: {  	[spmem:s11] =	stream.indirect.scatter.add.f32 [tilespmem:s26], [sflag:$0xD], $0x10, s12, s5, $0xb8;
	[tilespmem:$0xC080] =	vst v63  }
0x93: {  	_ =	swait.ge [sflag:s7], $0x800  }
0x94: {  	[sflag:s7] =	ssyncset.done $0x0  }
0x95: {  	s13 =	simm.s32 $0x5280;
	[sflag:s7] =	ssyncadd.s32 $0xFFFFF800  }
0x96: {  	[spmem:s11] =	stream.indirect.scatter.add.f32 [tilespmem:s6], [sflag:$0xE], $0x10, s13, s5, $0xb8;
	[tilespmem:$0xC080] =	vst v63  }
0x97: {  	_ =	swait.ge [sflag:s14], $0x800  }
0x98: {  	[sflag:s14] =	ssyncset.done $0x0  }
0x99: {  	s12 =	simm.s32 $0x5300;
	[sflag:s14] =	ssyncadd.s32 $0xFFFFF800  }
0x9a: {  	[spmem:s11] =	stream.indirect.scatter.add.f32 [tilespmem:s2], [sflag:$0xF], $0x10, s12, s5, $0xb8;
	[tilespmem:$0xC080] =	vst v63  }
0x9b: {  	_ =	swait.ge [sflag:s15], $0x800  }
0x9c: {  	[sflag:s15] =	ssyncset.done $0x0  }
0x9d: {  	s13 =	simm.s32 $0x5380;
	[sflag:s15] =	ssyncadd.s32 $0xFFFFF800  }
0x9e: {  	[spmem:s11] =	stream.indirect.scatter.add.f32 [tilespmem:s29], [sflag:$0x10], $0x10, s13, s5, $0xb8;
	[tilespmem:$0xC080] =	vst v63  }
0x9f: {  	_ =	swait.ge [sflag:s16], $0x800  }
0xa0: {  	[sflag:s16] =	ssyncset.done $0x0  }
0xa1: {  	[sflag:s16] =	ssyncadd.s32 $0xFFFFF800  }
0xa2: {  	_ =	swait.ge [sflag:s17], $0x800  }
0xa3: {  	[sflag:s17] =	ssyncset.done $0x0  }
0xa4: {  	[sflag:s17] =	ssyncadd.s32 $0xFFFFF800  }
0xa5: {  	_ =	swait.ge [sflag:s18], $0x800  }
0xa6: {  	[sflag:s18] =	ssyncset.done $0x0  }
0xa7: {  	[sflag:s18] =	ssyncadd.s32 $0xFFFFF800  }
0xa8: {  	_ =	swait.ge [sflag:s19], $0x800  }
0xa9: {  	[sflag:s19] =	ssyncset.done $0x0  }
0xaa: {  	[sflag:s19] =	ssyncadd.s32 $0xFFFFF800  }
0xab: {  	_ =	swait.ge [sflag:s20], $0x800  }
0xac: {  	[sflag:s20] =	ssyncset.done $0x0  }
0xad: {  	[sflag:s20] =	ssyncadd.s32 $0xFFFFF800  }
0xae: {  	_ =	swait.ge [sflag:s21], $0x800  }
0xaf: {  	[sflag:s21] =	ssyncset.done $0x0  }
0xb0: {  	[sflag:s21] =	ssyncadd.s32 $0xFFFFF800  }
0xb1: {  	_ =	swait.ge [sflag:s22], $0x800  }
0xb2: {  	[sflag:s22] =	ssyncset.done $0x0  }
0xb3: {  	[sflag:s22] =	ssyncadd.s32 $0xFFFFF800  }
0xb4: {  	_ =	swait.ge [sflag:s23], $0x800  }
0xb5: {  	s12 =	simm.s32 $0x2000;
	s2 =	simm.s32 $0x400;
	[sflag:s23] =	ssyncset.done $0x0  }
.LBB2_4:
0xb6: {  	s29 =	simm.s32 $0xB000;
	s6 =	sadd.s32 $0x2800, s2  }
0xb7: {  	[sflag:s23] =	ssyncadd.s32 $0xFFFFF800;
	s13 =	smov.u32 s12;
	s1 =	sadd.s32 $0x1000, s12  }
0xb8: {  	[tilespmem:s8], [sflag:$0x1] =	stream.indirect.gather [hbm4b:s0+s5], $0x10, s6, s5, $0xb8;
	[tilespmem:$0xC080] =	vst v63  }
0xb9: {  	p1 =	sne.s32 s12, $0x8000;
	s6 =	sadd.s32 $0x2880, s2  }
0xba: {  	[tilespmem:s9], [sflag:$0x2] =	stream.indirect.gather [hbm4b:s0+s5], $0x10, s6, s5, $0xb8;
	[tilespmem:$0xC080] =	vst v63  }
0xbb: {  	s6 =	sadd.s32 $0x2900, s2  }
0xbc: {  	[tilespmem:s24], [sflag:$0x3] =	stream.indirect.gather [hbm4b:s0+s5], $0x10, s6, s5, $0xb8;
	[tilespmem:$0xC080] =	vst v63  }
0xbd: {  	s6 =	sadd.s32 $0x2980, s2  }
0xbe: {  	[tilespmem:s25], [sflag:$0x4] =	stream.indirect.gather [hbm4b:s0+s5], $0x10, s6, s5, $0xb8;
	[tilespmem:$0xC080] =	vst v63  }
0xbf: {  	s6 =	sadd.s32 $0x2A00, s2  }
0xc0: {  	[tilespmem:s26], [sflag:$0x5] =	stream.indirect.gather [hbm4b:s0+s5], $0x10, s6, s5, $0xb8;
	[tilespmem:$0xC080] =	vst v63  }
0xc1: {  	s12 =	simm.s32 $0xA800;
	s6 =	sadd.s32 $0x2A80, s2  }
0xc2: {  	[tilespmem:s12], [sflag:$0x6] =	stream.indirect.gather [hbm4b:s0+s5], $0x10, s6, s5, $0xb8;
	[tilespmem:$0xC080] =	vst v63  }
0xc3: {  	s6 =	sadd.s32 $0x2B00, s2  }
0xc4: {  	[tilespmem:s29], [sflag:$0x7] =	stream.indirect.gather [hbm4b:s0+s5], $0x10, s6, s5, $0xb8;
	[tilespmem:$0xC080] =	vst v63  }
0xc5: {  	s6 =	sadd.s32 $0x2B80, s2  }
0xc6: {  	[tilespmem:s28], [sflag:$0x8] =	stream.indirect.gather [hbm4b:s0+s5], $0x10, s6, s5, $0xb8;
	[tilespmem:$0xC080] =	vst v63  }
0xc7: {  	_ =	swait.ge [sflag:s30], $0x800  }
0xc8: {  	[sflag:s30] =	ssyncset.done $0x0  }
0xc9: {  	s6 =	sadd.s32 $0x5000, s2;
	[sflag:s30] =	ssyncadd.s32 $0xFFFFF800  }
0xca: {  	[spmem:s11] =	stream.indirect.scatter.add.f32 [tilespmem:s8], [sflag:$0x9], $0x10, s6, s5, $0xb8;
	[tilespmem:$0xC080] =	vst v63  }
0xcb: {  	_ =	swait.ge [sflag:s31], $0x800  }
0xcc: {  	[sflag:s31] =	ssyncset.done $0x0  }
0xcd: {  	s6 =	sadd.s32 $0x5080, s2;
	[sflag:s31] =	ssyncadd.s32 $0xFFFFF800  }
0xce: {  	[spmem:s11] =	stream.indirect.scatter.add.f32 [tilespmem:s9], [sflag:$0xA], $0x10, s6, s5, $0xb8;
	[tilespmem:$0xC080] =	vst v63  }
0xcf: {  	_ =	swait.ge [sflag:s10], $0x800  }
0xd0: {  	[sflag:s10] =	ssyncset.done $0x0  }
0xd1: {  	s6 =	sadd.s32 $0x5100, s2;
	[sflag:s10] =	ssyncadd.s32 $0xFFFFF800  }
0xd2: {  	[spmem:s11] =	stream.indirect.scatter.add.f32 [tilespmem:s24], [sflag:$0xB], $0x10, s6, s5, $0xb8;
	[tilespmem:$0xC080] =	vst v63  }
0xd3: {  	_ =	swait.ge [sflag:s3], $0x800  }
0xd4: {  	[sflag:s3] =	ssyncset.done $0x0  }
0xd5: {  	s6 =	sadd.s32 $0x5180, s2;
	[sflag:s3] =	ssyncadd.s32 $0xFFFFF800  }
0xd6: {  	[spmem:s11] =	stream.indirect.scatter.add.f32 [tilespmem:s25], [sflag:$0xC], $0x10, s6, s5, $0xb8;
	[tilespmem:$0xC080] =	vst v63  }
0xd7: {  	_ =	swait.ge [sflag:s4], $0x800  }
0xd8: {  	[sflag:s4] =	ssyncset.done $0x0  }
0xd9: {  	s6 =	sadd.s32 $0x5200, s2;
	[sflag:s4] =	ssyncadd.s32 $0xFFFFF800  }
0xda: {  	[spmem:s11] =	stream.indirect.scatter.add.f32 [tilespmem:s26], [sflag:$0xD], $0x10, s6, s5, $0xb8;
	[tilespmem:$0xC080] =	vst v63  }
0xdb: {  	_ =	swait.ge [sflag:s7], $0x800  }
0xdc: {  	[sflag:s7] =	ssyncset.done $0x0  }
0xdd: {  	s6 =	sadd.s32 $0x5280, s2;
	[sflag:s7] =	ssyncadd.s32 $0xFFFFF800  }
0xde: {  	[spmem:s11] =	stream.indirect.scatter.add.f32 [tilespmem:s12], [sflag:$0xE], $0x10, s6, s5, $0xb8;
	[tilespmem:$0xC080] =	vst v63  }
0xdf: {  	_ =	swait.ge [sflag:s14], $0x800  }
0xe0: {  	[sflag:s14] =	ssyncset.done $0x0  }
0xe1: {  	s6 =	sadd.s32 $0x5300, s2;
	[sflag:s14] =	ssyncadd.s32 $0xFFFFF800  }
0xe2: {  	[spmem:s11] =	stream.indirect.scatter.add.f32 [tilespmem:s29], [sflag:$0xF], $0x10, s6, s5, $0xb8;
	[tilespmem:$0xC080] =	vst v63  }
0xe3: {  	s29 =	simm.s32 $0xB800;
	s6 =	simm.s32 $0xB000  }
0xe4: {  	_ =	swait.ge [sflag:s15], $0x800  }
0xe5: {  	[sflag:s15] =	ssyncset.done $0x0  }
0xe6: {  	s2 =	sadd.s32 $0x5380, s2;
	[sflag:s15] =	ssyncadd.s32 $0xFFFFF800  }
0xe7: {  	[spmem:s11] =	stream.indirect.scatter.add.f32 [tilespmem:s29], [sflag:$0x10], $0x10, s2, s5, $0xb8;
	[tilespmem:$0xC080] =	vst v63  }
0xe8: {  	_ =	swait.ge [sflag:s16], $0x800  }
0xe9: {  	[sflag:s16] =	ssyncset.done $0x0  }
0xea: {  	[sflag:s16] =	ssyncadd.s32 $0xFFFFF800  }
0xeb: {  	_ =	swait.ge [sflag:s17], $0x800  }
0xec: {  	[sflag:s17] =	ssyncset.done $0x0  }
0xed: {  	[sflag:s17] =	ssyncadd.s32 $0xFFFFF800  }
0xee: {  	_ =	swait.ge [sflag:s18], $0x800  }
0xef: {  	[sflag:s18] =	ssyncset.done $0x0  }
0xf0: {  	[sflag:s18] =	ssyncadd.s32 $0xFFFFF800  }
0xf1: {  	_ =	swait.ge [sflag:s19], $0x800  }
0xf2: {  	[sflag:s19] =	ssyncset.done $0x0  }
0xf3: {  	[sflag:s19] =	ssyncadd.s32 $0xFFFFF800  }
0xf4: {  	_ =	swait.ge [sflag:s20], $0x800  }
0xf5: {  	[sflag:s20] =	ssyncset.done $0x0  }
0xf6: {  	[sflag:s20] =	ssyncadd.s32 $0xFFFFF800  }
0xf7: {  	_ =	swait.ge [sflag:s21], $0x800  }
0xf8: {  	[sflag:s21] =	ssyncset.done $0x0  }
0xf9: {  	[sflag:s21] =	ssyncadd.s32 $0xFFFFF800  }
.Ltmp1:
0xfa: {  	_ =	swait.ge [sflag:s22], $0x800;
	(pc) =	sbr.rel @p1 .LBB2_4-.Ltmp1, $4  }
0xfb: {  	[sflag:s22] =	ssyncset.done $0x0  }
0xfc: {  	[sflag:s22] =	ssyncadd.s32 $0xFFFFF800  }
0xfd: {  	_ =	swait.ge [sflag:s23], $0x800  }
0xfe: {  	s12 =	smov.u32 s1;
	s2 =	sshra.s32 s13, $0x2;
	[sflag:s23] =	ssyncset.done $0x0  }
0xff: {  	s1 =	sadd.s32 $0x2800, s2;
	[sflag:s23] =	ssyncadd.s32 $0xFFFFF800  }
0x100: {  	[tilespmem:s8], [sflag:$0x1] =	stream.indirect.gather [hbm4b:s0+s5], $0x10, s1, s5, $0xb8;
	[tilespmem:$0xC080] =	vst v63  }
0x101: {  	s13 =	sadd.s32 $0x2880, s2  }
0x102: {  	[tilespmem:s9], [sflag:$0x2] =	stream.indirect.gather [hbm4b:s0+s5], $0x10, s13, s5, $0xb8;
	[tilespmem:$0xC080] =	vst v63  }
0x103: {  	s12 =	sadd.s32 $0x2900, s2  }
0x104: {  	[tilespmem:s24], [sflag:$0x3] =	stream.indirect.gather [hbm4b:s0+s5], $0x10, s12, s5, $0xb8;
	[tilespmem:$0xC080] =	vst v63  }
0x105: {  	s13 =	sadd.s32 $0x2980, s2  }
0x106: {  	[tilespmem:s25], [sflag:$0x4] =	stream.indirect.gather [hbm4b:s0+s5], $0x10, s13, s5, $0xb8;
	[tilespmem:$0xC080] =	vst v63  }
0x107: {  	s12 =	sadd.s32 $0x2A00, s2  }
0x108: {  	[tilespmem:s26], [sflag:$0x5] =	stream.indirect.gather [hbm4b:s0+s5], $0x10, s12, s5, $0xb8;
	[tilespmem:$0xC080] =	vst v63  }
0x109: {  	s13 =	sadd.s32 $0x2A80, s2;
	s12 =	simm.s32 $0xA800  }
0x10a: {  	[tilespmem:s12], [sflag:$0x6] =	stream.indirect.gather [hbm4b:s0+s5], $0x10, s13, s5, $0xb8;
	[tilespmem:$0xC080] =	vst v63  }
0x10b: {  	s13 =	sadd.s32 $0x2B00, s2  }
0x10c: {  	[tilespmem:s6], [sflag:$0x7] =	stream.indirect.gather [hbm4b:s0+s5], $0x10, s13, s5, $0xb8;
	[tilespmem:$0xC080] =	vst v63  }
0x10d: {  	s13 =	sadd.s32 $0x2B80, s2  }
0x10e: {  	[tilespmem:s29], [sflag:$0x8] =	stream.indirect.gather [hbm4b:s0+s5], $0x10, s13, s5, $0xb8;
	[tilespmem:$0xC080] =	vst v63  }
0x10f: {  	_ =	swait.ge [sflag:s30], $0x800  }
0x110: {  	[sflag:s30] =	ssyncset.done $0x0  }
0x111: {  	s13 =	sadd.s32 $0x5000, s2;
	[sflag:s30] =	ssyncadd.s32 $0xFFFFF800  }
0x112: {  	[spmem:s11] =	stream.indirect.scatter.add.f32 [tilespmem:s8], [sflag:$0x9], $0x10, s13, s5, $0xb8;
	[tilespmem:$0xC080] =	vst v63  }
0x113: {  	_ =	swait.ge [sflag:s31], $0x800  }
0x114: {  	[sflag:s31] =	ssyncset.done $0x0  }
0x115: {  	s13 =	sadd.s32 $0x5080, s2;
	[sflag:s31] =	ssyncadd.s32 $0xFFFFF800  }
0x116: {  	[spmem:s11] =	stream.indirect.scatter.add.f32 [tilespmem:s9], [sflag:$0xA], $0x10, s13, s5, $0xb8;
	[tilespmem:$0xC080] =	vst v63  }
0x117: {  	_ =	swait.ge [sflag:s10], $0x800  }
0x118: {  	[sflag:s10] =	ssyncset.done $0x0  }
0x119: {  	s13 =	sadd.s32 $0x5100, s2;
	[sflag:s10] =	ssyncadd.s32 $0xFFFFF800  }
0x11a: {  	[spmem:s11] =	stream.indirect.scatter.add.f32 [tilespmem:s24], [sflag:$0xB], $0x10, s13, s5, $0xb8;
	[tilespmem:$0xC080] =	vst v63  }
0x11b: {  	_ =	swait.ge [sflag:s3], $0x800  }
0x11c: {  	[sflag:s3] =	ssyncset.done $0x0  }
0x11d: {  	s13 =	sadd.s32 $0x5180, s2;
	[sflag:s3] =	ssyncadd.s32 $0xFFFFF800  }
0x11e: {  	[spmem:s11] =	stream.indirect.scatter.add.f32 [tilespmem:s25], [sflag:$0xC], $0x10, s13, s5, $0xb8;
	[tilespmem:$0xC080] =	vst v63  }
0x11f: {  	_ =	swait.ge [sflag:s4], $0x800  }
0x120: {  	[sflag:s4] =	ssyncset.done $0x0  }
0x121: {  	s13 =	sadd.s32 $0x5200, s2;
	[sflag:s4] =	ssyncadd.s32 $0xFFFFF800  }
0x122: {  	[spmem:s11] =	stream.indirect.scatter.add.f32 [tilespmem:s26], [sflag:$0xD], $0x10, s13, s5, $0xb8;
	[tilespmem:$0xC080] =	vst v63  }
0x123: {  	_ =	swait.ge [sflag:s7], $0x800  }
0x124: {  	[sflag:s7] =	ssyncset.done $0x0  }
0x125: {  	s13 =	sadd.s32 $0x5280, s2;
	[sflag:s7] =	ssyncadd.s32 $0xFFFFF800  }
0x126: {  	[spmem:s11] =	stream.indirect.scatter.add.f32 [tilespmem:s12], [sflag:$0xE], $0x10, s13, s5, $0xb8;
	[tilespmem:$0xC080] =	vst v63  }
0x127: {  	_ =	swait.ge [sflag:s14], $0x800  }
0x128: {  	[sflag:s14] =	ssyncset.done $0x0  }
0x129: {  	s13 =	sadd.s32 $0x5300, s2;
	[sflag:s14] =	ssyncadd.s32 $0xFFFFF800  }
0x12a: {  	[spmem:s11] =	stream.indirect.scatter.add.f32 [tilespmem:s6], [sflag:$0xF], $0x10, s13, s5, $0xb8;
	[tilespmem:$0xC080] =	vst v63  }
0x12b: {  	_ =	swait.ge [sflag:s15], $0x800  }
0x12c: {  	[sflag:s15] =	ssyncset.done $0x0  }
0x12d: {  	s6 =	sadd.s32 $0x5380, s2;
	[sflag:s15] =	ssyncadd.s32 $0xFFFFF800  }
0x12e: {  	[spmem:s11] =	stream.indirect.scatter.add.f32 [tilespmem:s29], [sflag:$0x10], $0x10, s6, s5, $0xb8;
	[tilespmem:$0xC080] =	vst v63  }
0x12f: {  	_ =	swait.ge [sflag:s16], $0x800  }
0x130: {  	[sflag:s16] =	ssyncset.done $0x0  }
0x131: {  	[sflag:s16] =	ssyncadd.s32 $0xFFFFF800  }
0x132: {  	_ =	swait.ge [sflag:s17], $0x800  }
0x133: {  	[sflag:s17] =	ssyncset.done $0x0  }
0x134: {  	[sflag:s17] =	ssyncadd.s32 $0xFFFFF800  }
0x135: {  	_ =	swait.ge [sflag:s18], $0x800  }
0x136: {  	[sflag:s18] =	ssyncset.done $0x0  }
0x137: {  	[sflag:s18] =	ssyncadd.s32 $0xFFFFF800  }
0x138: {  	_ =	swait.ge [sflag:s19], $0x800  }
0x139: {  	[sflag:s19] =	ssyncset.done $0x0  }
0x13a: {  	[sflag:s19] =	ssyncadd.s32 $0xFFFFF800  }
0x13b: {  	_ =	swait.ge [sflag:s20], $0x800  }
0x13c: {  	[sflag:s20] =	ssyncset.done $0x0  }
0x13d: {  	[sflag:s20] =	ssyncadd.s32 $0xFFFFF800  }
0x13e: {  	_ =	swait.ge [sflag:s21], $0x800  }
0x13f: {  	[sflag:s21] =	ssyncset.done $0x0  }
0x140: {  	[sflag:s21] =	ssyncadd.s32 $0xFFFFF800  }
0x141: {  	_ =	swait.ge [sflag:s22], $0x800  }
0x142: {  	[sflag:s22] =	ssyncset.done $0x0  }
0x143: {  	[sflag:s22] =	ssyncadd.s32 $0xFFFFF800  }
0x144: {  	_ =	swait.ge [sflag:s23], $0x800  }
0x145: {  	[sflag:s23] =	ssyncset.done $0x0  }
0x146: {  	s13 =	simm.s32 $0x4C00;
	[sflag:s23] =	ssyncadd.s32 $0xFFFFF800  }
0x147: {  	[tilespmem:s8], [sflag:$0x1] =	stream.indirect.gather [hbm4b:s0+s5], $0x10, s13, s5, $0xb8;
	[tilespmem:$0xC080] =	vst v63  }
0x148: {  	s2 =	simm.s32 $0x4C80  }
0x149: {  	[tilespmem:s9], [sflag:$0x2] =	stream.indirect.gather [hbm4b:s0+s5], $0x10, s2, s5, $0xb8;
	[tilespmem:$0xC080] =	vst v63  }
0x14a: {  	s6 =	simm.s32 $0x4D00  }
0x14b: {  	[tilespmem:s24], [sflag:$0x3] =	stream.indirect.gather [hbm4b:s0+s5], $0x10, s6, s5, $0xb8;
	[tilespmem:$0xC080] =	vst v63  }
0x14c: {  	s13 =	simm.s32 $0x4D80  }
0x14d: {  	[tilespmem:s25], [sflag:$0x4] =	stream.indirect.gather [hbm4b:s0+s5], $0x10, s13, s5, $0xb8;
	[tilespmem:$0xC080] =	vst v63  }
0x14e: {  	s2 =	simm.s32 $0x4E00  }
0x14f: {  	[tilespmem:s26], [sflag:$0x5] =	stream.indirect.gather [hbm4b:s0+s5], $0x10, s2, s5, $0xb8;
	[tilespmem:$0xC080] =	vst v63  }
0x150: {  	s6 =	simm.s32 $0x4E80  }
0x151: {  	[tilespmem:s12], [sflag:$0x6] =	stream.indirect.gather [hbm4b:s0+s5], $0x10, s6, s5, $0xb8;
	[tilespmem:$0xC080] =	vst v63  }
0x152: {  	s1 =	simm.s32 @!p0 $0x80;
	s2 =	simm.s32 @!p0 $0x4F00;
	s6 =	simm.s32 @!p0 $0xB000  }
0x153: {  	[tilespmem:s6], [sflag:$0x7] =	stream.indirect.gather @!p0 [hbm4b:s0+s1], $0x10, s2, s1, $0xb8;
	[tilespmem:$0xC080] =	vst v63  }
0x154: {  	_ =	swait.ge [sflag:s30], $0x800  }
0x155: {  	[sflag:s30] =	ssyncset.done $0x0  }
0x156: {  	s13 =	simm.s32 $0x7400;
	[sflag:s30] =	ssyncadd.s32 $0xFFFFF800  }
0x157: {  	[spmem:s11] =	stream.indirect.scatter.add.f32 [tilespmem:s8], [sflag:$0x11], $0x10, s13, s5, $0xb8;
	[tilespmem:$0xC080] =	vst v63  }
0x158: {  	s13 =	simm.s32 $0x11  }
0x159: {  	_ =	swait.ge [sflag:s13], $0x800  }
0x15a: {  	[sflag:s13] =	ssyncset.done $0x0  }
0x15b: {  	[sflag:s13] =	ssyncadd.s32 $0xFFFFF800  }
0x15c: {  	_ =	swait.ge [sflag:s31], $0x800  }
0x15d: {  	[sflag:s31] =	ssyncset.done $0x0  }
0x15e: {  	s2 =	simm.s32 $0x7480;
	[sflag:s31] =	ssyncadd.s32 $0xFFFFF800  }
0x15f: {  	[spmem:s11] =	stream.indirect.scatter.add.f32 [tilespmem:s9], [sflag:$0x11], $0x10, s2, s5, $0xb8;
	[tilespmem:$0xC080] =	vst v63  }
0x160: {  	_ =	swait.ge [sflag:s13], $0x800  }
0x161: {  	[sflag:s13] =	ssyncset.done $0x0  }
0x162: {  	[sflag:s13] =	ssyncadd.s32 $0xFFFFF800  }
0x163: {  	_ =	swait.ge [sflag:s10], $0x800  }
0x164: {  	[sflag:s10] =	ssyncset.done $0x0  }
0x165: {  	s2 =	simm.s32 $0x7500;
	[sflag:s10] =	ssyncadd.s32 $0xFFFFF800  }
0x166: {  	[spmem:s11] =	stream.indirect.scatter.add.f32 [tilespmem:s24], [sflag:$0x11], $0x10, s2, s5, $0xb8;
	[tilespmem:$0xC080] =	vst v63  }
0x167: {  	_ =	swait.ge [sflag:s13], $0x800  }
0x168: {  	[sflag:s13] =	ssyncset.done $0x0  }
0x169: {  	[sflag:s13] =	ssyncadd.s32 $0xFFFFF800  }
0x16a: {  	_ =	swait.ge [sflag:s3], $0x800  }
0x16b: {  	[sflag:s3] =	ssyncset.done $0x0  }
0x16c: {  	s2 =	simm.s32 $0x7580;
	[sflag:s3] =	ssyncadd.s32 $0xFFFFF800  }
0x16d: {  	[spmem:s11] =	stream.indirect.scatter.add.f32 [tilespmem:s25], [sflag:$0x11], $0x10, s2, s5, $0xb8;
	[tilespmem:$0xC080] =	vst v63  }
0x16e: {  	_ =	swait.ge [sflag:s13], $0x800  }
0x16f: {  	[sflag:s13] =	ssyncset.done $0x0  }
0x170: {  	[sflag:s13] =	ssyncadd.s32 $0xFFFFF800  }
0x171: {  	_ =	swait.ge [sflag:s4], $0x800  }
0x172: {  	[sflag:s4] =	ssyncset.done $0x0  }
0x173: {  	s2 =	simm.s32 $0x7600;
	[sflag:s4] =	ssyncadd.s32 $0xFFFFF800  }
0x174: {  	[spmem:s11] =	stream.indirect.scatter.add.f32 [tilespmem:s26], [sflag:$0x11], $0x10, s2, s5, $0xb8;
	[tilespmem:$0xC080] =	vst v63  }
0x175: {  	_ =	swait.ge [sflag:s13], $0x800  }
0x176: {  	[sflag:s13] =	ssyncset.done $0x0  }
0x177: {  	[sflag:s13] =	ssyncadd.s32 $0xFFFFF800  }
0x178: {  	_ =	swait.ge [sflag:s7], $0x800  }
0x179: {  	[sflag:s7] =	ssyncset.done $0x0  }
0x17a: {  	s2 =	simm.s32 $0x7680;
	[sflag:s7] =	ssyncadd.s32 $0xFFFFF800  }
0x17b: {  	[spmem:s11] =	stream.indirect.scatter.add.f32 [tilespmem:s12], [sflag:$0x11], $0x10, s2, s5, $0xb8;
	[tilespmem:$0xC080] =	vst v63  }
0x17c: {  	_ =	swait.ge [sflag:s13], $0x800  }
0x17d: {  	[sflag:s13] =	ssyncset.done $0x0  }
0x17e: {  	s2 =	simm.s32 @!p0 $0x7;
	[sflag:s13] =	ssyncadd.s32 $0xFFFFF800  }
0x17f: {  	_ =	swait.ge @!p0 [sflag:s2], $0x800  }
0x180: {  	[sflag:s2] =	ssyncset.done @!p0 $0x0  }
0x181: {  	[sflag:s2] =	ssyncadd.s32 @!p0 $0xFFFFF800;
	s2 =	simm.s32 @!p0 $0x7700  }
0x182: {  	[spmem:s11] =	stream.indirect.scatter.add.f32 @!p0 [tilespmem:s6], [sflag:$0x11], $0x10, s2, s1, $0xb8;
	[tilespmem:$0xC080] =	vst v63  }
0x183: {  	s1 =	simm.s32 @!p0 $0x11  }
0x184: {  	_ =	swait.ge @!p0 [sflag:s1], $0x800  }
0x185: {  	[sflag:s1] =	ssyncset.done @!p0 $0x0  }
0x186: {  	[sflag:s1] =	ssyncadd.s32 @!p0 $0xFFFFF800  }
0x187: {  	s12 =	stileid.u32;
	[bflag:$0x0] =	sbarrier.arrive $0xFFFF  }
0x188: {  	s1 =	sshll.u32 s12, $0x6;
	s6 =	rddreg [dreg:$0xd]  }
0x189: {  	s1 =	sor.u32 $0x1C11, s1;
	s12 =	rddreg [dreg:$0x16];
	s2 =	sshrl.u32 s6, $0x3  }
0x18a: {  	[hbm:s12], [sflag:s1] =	dma.local [spmem:s2], $0x500  }
0x18b: {  	_ =	swait.ge [sflag:s13], $0x500  }
0x18c: {  	s1 =	rddreg [dreg:$0x18]  }
0x18d: {  	s12 =	rddreg [dreg:$0x17];
	s2 =	sadd.s32 $0x1, s1  }
0x18e: {  	p1 =	sne.s32 s2, s12  }
.Ltmp2:
0x18f: {  	_ = 	snop;
	(pc) =	sbr.rel @p1 .LBB2_1-.Ltmp2, $3  }
0x190: {  	_ =	sdelay $0x1  }
0x191: {  	[sflag:s13] =	ssyncset.done $0x0  }
0x192: {  	[sflag:s13] =	ssyncadd.s32 $0xFFFFFB00;
	s12 =	simm.s32 $0x0  }
0x193: {  	_ =	sfence.sel $0x180000  }
0x194: {  	[bflag:$0x0] =	sbarrier.arrive $0xFFFF  }
0x195: {  	_ =	strace $0x9000004A  }
0x196: {  	s0 =	stileid.u32;
	[bflag:$0x2] =	sbarrier.arrive $0xFFFF  }
0x197: {  	p0 =	sne.s32 s0, $0x0;
	s0 =	rddreg [dreg:$0xc]  }
0x198: {  	s0 =	sadd.s32 @!p0 $0x100000, s0  }
0x199: {  	[sflag:s0] =	ssyncadd.tile.s32 @!p0 $0x1;
	_ =	shalt  }
.Lfunc_end2:
_tile_overlayer_lowered:
.L_overlay_start_2:
0x19a: {  	(tag) =	ssettag $0x2  }
0x19b: {  	s0 =	rddreg [dreg:$0x0];
	s2 =	stileid.u32  }
0x19c: {  	s1 =	rddreg [dreg:$0x1];
	p0 =	sne.s32 s2, $0x0  }
0x19d: {  	s3 =	rddreg [dreg:$0x2];
	[bflag:$0x3] =	sbarrier.arrive $0xFFFF;
	s2 =	simm.s32 @!p0 $0x1C11  }
0x19e: {  	[timem:s3], [sflag:s2] =	dma.local @!p0 [hbm:s0], s1  }
0x19f: {  	s0 =	simm.s32 @!p0 $0x11  }
0x1a0: {  	_ =	swait.ge @!p0 [sflag:s0], s1  }
0x1a1: {  	s1 =	ssub.s32 @!p0 $0x0, s1;
	[sflag:s0] =	ssyncset.done @!p0 $0x0  }
0x1a2: {  	[sflag:s0] =	ssyncadd.s32 @!p0 s1  }
0x1a3: {  	[bflag:$0x3] =	sbarrier.arrive $0xFFFF  }
0x1a4: {  	_ =	shalt  }

// kernel: kernel.14.cloned.1.call-start
scs
__scs_entry_jumppad:
0x0: {  	(pc) =	sbr.rel $0x88, $3  }
0x1: {  	(tag) =	ssettag $0x0;
	lr =	simm.s32 $0x1  }
0x2: {  	[smem:$0x3F8B] =	sst lr;
	_ =	strace $0xD0000000  }
0x3: {  	_ = 	snop  }
0x4: {  	_ = 	snop  }
0x5: {  	_ = 	snop  }
0x6: {  	_ = 	snop  }
0x7: {  	_ = 	snop  }
__scs_overlays_trampoline_lowered:
0x8: {  	[smem:$0x3F9A] =	sst s0  }
0x9: {  	[smem:$0x3F9B] =	sst s1  }
0xa: {  	[smem:$0x3F9C] =	sst s2  }
0xb: {  	[smem:$0x3F9D] =	sst s3  }
0xc: {  	[smem:$0x3F9E] =	sst s4  }
0xd: {  	[smem:$0x3F9F] =	sst s5  }
0xe: {  	[smem:$0x3FA0] =	sst s6  }
0xf: {  	[smem:$0x3FA1] =	sst s7  }
0x10: {  	[smem:$0x3FA2] =	sst s8  }
0x11: {  	[smem:$0x3FA3] =	sst s9;
	s0 =	simm.s32 @!p0 $0x0  }
0x12: {  	s1 =	sld [smem:$0x3F89];
	s0 =	simm.s32 @p0 $0x1  }
0x13: {  	[smem:$0x3FA4] =	sst s0;
	s0 =	simm.s32 @!p1 $0x0  }
0x14: {  	s2 =	sld [smem:$0x3F88];
	s0 =	simm.s32 @p1 $0x1  }
0x15: {  	[smem:$0x3FA5] =	sst s0;
	s0 =	simm.s32 @!p2 $0x0  }
0x16: {  	s3 =	sld [smem:$0x3FDB];
	s0 =	simm.s32 @p2 $0x1  }
0x17: {  	s4 =	simm.s32 $0x1BF5;
	[smem:$0x3FA7] =	sst s0  }
0x18: {  	s0 =	sld [smem:$0x3F8A];
	_ =	swait.ge [sflag:s4], $0x0  }
0x19: {  	s7 =	sld [smem:$0x3F8B]  }
0x1a: {  	s8 =	sadd.s32 $0xFFFFE003, lr  }
0x1b: {  	s9 =	sadd.s32 $0xFFFFFEF7, lr;
	s5 =	simm.s32 $0xFFFFFFFF;
	p2 =	slt.u32 s8, $0xFFFFF086  }
0x1c: {  	p1 =	slt.u32 s9, $0xF7A;
	s5 =	simm.s32 @!p2 $0x0  }
0x1d: {  	s5 =	simm.s32 @p1 $0x1;
	p0 =	seq.s32 s7, s2  }
0x1e: {  	s7 =	smul.u32 @!p0 $0xF7A, s2;
	p2 =	seq.s32 @!p0 s5, $0x0  }
0x1f: {  	s9 =	smul.u32 $0xF7A, s1;
	s8 =	simm.s32 @!p0 $0x1BF5;
	p2 =	por !p2, p0  }
0x20: {  	[sflag:s8] =	ssyncset.s32 @!p0 $0xFFFFF086;
	s6 =	sadd.s32 @!p0 s3, s7;
	s7 =	simm.s32 @!p0 $0x108  }
0x21: {  	s3 =	sadd.s32 s3, s9;
	s6 =	sadd.s32 @!p0 $0x88, s6;
	s7 =	simm.s32 @p2 $0x1082  }
0x22: {  	[simem:s7], [sflag:s8] =	dma.local @!p0 [hbm:s6], $0xF7A  }
0x23: {  	s9 =	sor.u32 $0xD0000000, s2;
	s6 =	simm.s32 $0x108;
	_ =	swait.ge @!p0 [sflag:s8], $0x0  }
0x24: {  	s3 =	sadd.s32 $0x88, s3;
	s6 =	simm.s32 @!p1 $0x1082;
	[sflag:s4] =	ssyncset.s32 $0xFFFFF086  }
0x25: {  	[simem:s6], [sflag:s4] =	dma.local [hbm:s3], $0xF7A  }
0x26: {  	[smem:$0x3F8B] =	sst s1;
	(tag) =	ssettag s2;
	_ =	strace s9  }
0x27: {  	s1 =	sld [smem:$0x3F9B]  }
0x28: {  	s2 =	sld [smem:$0x3F9C]  }
0x29: {  	s4 =	sld [smem:$0x3F9E]  }
0x2a: {  	p0 =	seq.s32 s5, $0x0;
	s5 =	sld [smem:$0x3F9F]  }
0x2b: {  	s6 =	sld [smem:$0x3FA0]  }
0x2c: {  	s7 =	sld [smem:$0x3FA1]  }
0x2d: {  	s3 =	simm.s32 $0x108;
	s8 =	sld [smem:$0x3FA2]  }
0x2e: {  	s3 =	simm.s32 @!p0 $0x1082;
	s9 =	sld [smem:$0x3FA3]  }
0x2f: {  	lr =	sadd.s32 s0, s3;
	s0 =	sld [smem:$0x3F9A]  }
0x30: {  	s3 =	sld [smem:$0x3F9D]  }
0x31: {  	[smem:$0x3FA6] =	sst s10  }
0x32: {  	s10 =	sld [smem:$0x3FA4];
	_ =	sdelay $0x3  }
0x33: {  	p0 =	seq.s32 s10, $0x1;
	s10 =	sld [smem:$0x3FA6];
	_ =	sdelay $0x3  }
0x34: {  	[smem:$0x3FA6] =	sst s10  }
0x35: {  	s10 =	sld [smem:$0x3FA5];
	_ =	sdelay $0x3  }
0x36: {  	p1 =	seq.s32 s10, $0x1;
	s10 =	sld [smem:$0x3FA6];
	_ =	sdelay $0x3  }
0x37: {  	[smem:$0x3FA6] =	sst s10  }
0x38: {  	s10 =	sld [smem:$0x3FA7]  }
0x39: {  	_ = 	snop;
	(pc) =	sbr.ind lr, $3  }
0x3a: {  	_ = 	snop  }
0x3b: {  	_ = 	snop  }
0x3c: {  	p2 =	seq.s32 s10, $0x1;
	s10 =	sld [smem:$0x3FA6]  }
0x3d: {  	_ =	shalt  }
0x3e: {  	_ =	shalt  }
0x3f: {  	_ =	shalt  }
0x40: {  	_ =	shalt  }
0x41: {  	_ =	shalt  }
0x42: {  	_ =	shalt  }
0x43: {  	_ =	shalt  }
0x44: {  	_ =	shalt  }
0x45: {  	_ =	shalt  }
0x46: {  	_ =	shalt  }
0x47: {  	_ =	shalt  }
0x48: {  	_ =	shalt  }
0x49: {  	_ =	shalt  }
0x4a: {  	_ =	shalt  }
0x4b: {  	_ =	shalt  }
0x4c: {  	_ =	shalt  }
0x4d: {  	_ =	shalt  }
0x4e: {  	_ =	shalt  }
0x4f: {  	_ =	shalt  }
0x50: {  	_ =	shalt  }
0x51: {  	_ =	shalt  }
0x52: {  	_ =	shalt  }
0x53: {  	_ =	shalt  }
0x54: {  	_ =	shalt  }
0x55: {  	_ =	shalt  }
0x56: {  	_ =	shalt  }
0x57: {  	_ =	shalt  }
0x58: {  	_ =	shalt  }
0x59: {  	_ =	shalt  }
0x5a: {  	_ =	shalt  }
0x5b: {  	_ =	shalt  }
0x5c: {  	_ =	shalt  }
0x5d: {  	_ =	shalt  }
0x5e: {  	_ =	shalt  }
0x5f: {  	_ =	shalt  }
0x60: {  	_ =	shalt  }
0x61: {  	_ =	shalt  }
0x62: {  	_ =	shalt  }
0x63: {  	_ =	shalt  }
0x64: {  	_ =	shalt  }
0x65: {  	_ =	shalt  }
0x66: {  	_ =	shalt  }
0x67: {  	_ =	shalt  }
0x68: {  	_ =	shalt  }
0x69: {  	_ =	shalt  }
0x6a: {  	_ =	shalt  }
0x6b: {  	_ =	shalt  }
0x6c: {  	_ =	shalt  }
0x6d: {  	_ =	shalt  }
0x6e: {  	_ =	shalt  }
0x6f: {  	_ =	shalt  }
0x70: {  	_ =	shalt  }
0x71: {  	_ =	shalt  }
0x72: {  	_ =	shalt  }
0x73: {  	_ =	shalt  }
0x74: {  	_ =	shalt  }
0x75: {  	_ =	shalt  }
0x76: {  	_ =	shalt  }
0x77: {  	_ =	shalt  }
0x78: {  	_ =	shalt  }
0x79: {  	_ =	shalt  }
0x7a: {  	_ =	shalt  }
0x7b: {  	_ =	shalt  }
0x7c: {  	_ =	shalt  }
0x7d: {  	_ =	shalt  }
0x7e: {  	_ =	shalt  }
0x7f: {  	_ =	shalt  }
0x80: {  	_ =	shalt  }
0x81: {  	_ =	shalt  }
0x82: {  	_ =	shalt  }
0x83: {  	_ =	shalt  }
0x84: {  	_ =	shalt  }
0x85: {  	_ =	shalt  }
0x86: {  	_ =	shalt  }
0x87: {  	_ =	shalt  }
.Lfunc_end0:
.L_simem_size_0:
called_computation.2_lowered:
.L_overlay_start_0:
0x88: {  	s2 =	sld [smem:$0x3FD9]  }
0x89: {  	s3 =	sld [smem:$0x3FFE];
	_ =	sdelay $0x1  }
0x8a: {  	s1 =	srdreg.scid  }
0x8b: {  	s0 =	sand.u32 $0x1, s1  }
0x8c: {  	s29 =	sshll.u32 s0, $0xA;
	s2 =	sadd.s32 s3, s2  }
0x8d: {  	s2 =	sadd.s32 s2, s29  }
0x8e: {  	[smem:$0x3FB2] =	sst s2  }
0x8f: {  	_ = 	snop  }
0x90: {  	s2 =	sld [smem:$0x3FC1]  }
0x91: {  	s30 =	sld [smem:$0x3FC0]  }
0x92: {  	s4 =	sld [smem:$0x3FBF]  }
0x93: {  	s5 =	sld [smem:$0x3FBE]  }
0x94: {  	s6 =	sld [smem:$0x3FBD]  }
0x95: {  	s7 =	sld [smem:$0x3FD0]  }
0x96: {  	s8 =	sld [smem:$0x3FBC]  }
0x97: {  	s9 =	sld [smem:$0x3FBB]  }
0x98: {  	s11 =	simm.s32 $0xA;
	s12 =	simm.s32 $0x10;
	s10 =	sld [smem:$0x3FBA]  }
0x99: {  	[smem:s12], [sflag:s11] =	dma.local [hbm:s7], $0x1  }
0x9a: {  	_ =	swait.eq [sflag:s11], $0x1  }
0x9b: {  	[sflag:s11] =	ssyncset.done $0x0  }
0x9c: {  	s31 =	sld [smem:$0x10];
	[sflag:s11] =	ssyncadd.s32 $0xFFFFFFFF  }
0x9d: {  	s17 =	sld [smem:$0x11];
	(tm) =	ssettm $0x1  }
0x9e: {  	s18 =	sld [smem:$0x3FFB];
	_ =	sdelay $0x3  }
0x9f: {  	_ =	strace s18  }
0xa0: {  	s12 =	sld [smem:$0x3FFC];
	_ =	sdelay $0x3  }
0xa1: {  	_ =	strace s12  }
0xa2: {  	s12 =	sld [smem:$0x3FFD];
	_ =	sdelay $0x3  }
0xa3: {  	_ =	strace s12  }
0xa4: {  	_ =	strace $0x8FFFFFFF  }
0xa5: {  	s19 =	sld [smem:$0x3FDB];
	_ =	sdelay $0x1  }
0xa6: {  	s13 =	simm.s32 $_scs_section_size  }
0xa7: {  	s14 =	simm.s32 $_size__tile_overlayer_lowered;
	s15 =	simm.s32 $_tile_overlayer_lowered  }
0xa8: {  	s22 =	simm.s32 $0x1BFF;
	s21 =	sshll.u32 s15, $0x1;
	s12 =	sadd.s32 s13, s19  }
0xa9: {  	s16 =	simm.s32 $0x0;
	s20 =	sshll.u32 s14, $0x1;
	s14 =	sadd.s32 s21, s12  }
0xaa: {  	[timem:s16], [sflag:s22] =	dma.local [hbm:s14], s20  }
0xab: {  	_ =	swait.ge [sflag:s22], s20  }
0xac: {  	s13 =	ssub.s32 $0x0, s20;
	[sflag:s22] =	ssyncset.done $0x0  }
0xad: {  	[sflag:s22] =	ssyncadd.s32 s13;
	_ =	sdelay $0x1  }
0xae: {  	s23 =	simm.s32 $0x1B8B  }
0xaf: {  	_ =	swait.ge [sflag:s23], $0x1  }
0xb0: {  	[sflag:s23] =	ssyncset.done $0x0  }
0xb1: {  	s25 =	simm.s32 $0x1B8E;
	s24 =	sld [smem:$0x3FFE];
	[sflag:s23] =	ssyncadd.s32 $0xFFFFFFFF  }
0xb2: {  	s26 =	simm.s32 $execute0_lowered;
	[smem:$0x3FD2] =	sst s25  }
0xb3: {  	s14 =	sshll.u32 s26, $0x1;
	_ =	strace $0x8000004C;
	[dreg:$0x1] =	wrdreg $0xFFFFFFFF  }
0xb4: {  	s28 =	simm.s32 $_size_execute0_lowered;
	s12 =	sadd.s32 s12, s14;
	[dreg:$0x0] =	wrdreg $0x0  }
0xb5: {  	s14 =	sshll.u32 s28, $0x1;
	[dreg:$0x2] =	wrdreg s12  }
0xb6: {  	[dreg:$0x3] =	wrdreg s14  }
0xb7: {  	[dreg:$0x4] =	wrdreg $0xC0  }
0xb8: {  	_ =	task [dreg:s16], $0x5FFFF  }
0xb9: {  	[dreg:$0x1] =	wrdreg $0xFFFFFFFF  }
0xba: {  	[dreg:$0x0] =	wrdreg $0x60  }
0xbb: {  	[dreg:$0x2] =	wrdreg s31  }
0xbc: {  	[dreg:$0x3] =	wrdreg s24  }
0xbd: {  	[dreg:$0x4] =	wrdreg s2  }
0xbe: {  	[dreg:$0x5] =	wrdreg s30  }
0xbf: {  	[dreg:$0x6] =	wrdreg s4  }
0xc0: {  	[dreg:$0x7] =	wrdreg s5  }
0xc1: {  	[dreg:$0x8] =	wrdreg s6  }
0xc2: {  	[dreg:$0x9] =	wrdreg s8  }
0xc3: {  	[dreg:$0xa] =	wrdreg s9  }
0xc4: {  	[dreg:$0xb] =	wrdreg s10  }
0xc5: {  	[dreg:$0xc] =	wrdreg s17  }
0xc6: {  	[dreg:$0xd] =	wrdreg $0x0  }
0xc7: {  	[dreg:$0xe] =	wrdreg $0x9  }
0xc8: {  	_ =	task.clear_ibuf [dreg:s16], $0xFFFFF;
	_ =	strace $0x9000004C  }
0xc9: {  	s29 =	simm.s32 $0x9;
	_ =	strace $0x8000004E  }
0xca: {  	_ =	swait.ge [sflag:s29], $0x1  }
0xcb: {  	[sflag:s29] =	ssyncadd.s32 $0xFFFFFFFF  }
0xcc: {  	_ =	strace $0x9000004E  }
0xcd: {  	_ =	sfence  }
0xce: {  	s30 =	sld [smem:$0x0];
	_ =	sdelay $0x2  }
0xcf: {  	s31 =	sshll.u32 s1, $0xD;
	s1 =	sshrl.u32 s1, $0x2  }
0xd0: {  	s3 =	sand.u32 $0x4000, s31;
	s1 =	sadd.s32 s1, s30  }
0xd1: {  	s0 =	sor.u32 s3, s0;
	s1 =	sshll.u32 s1, $0x11  }
0xd2: {  	s0 =	sor.u32 s1, s0  }
0xd3: {  	s0 =	sadd.s32 $0x8F2B, s0  }
0xd4: {  	[sflag:s0] =	ssyncadd.remote.s32 $0x1  }
0xd5: {  	_ =	sfence.sel $0xFFFF  }
0xd6: {  	[dreg:$0x0] =	wrdreg $0xFFFFFFFF;
	(pc) =	sbr.abs _section_cstart, $3  }
0xd7: {  	[dreg:$0x1] =	wrdreg $0xFFFFFFFF  }
0xd8: {  	_ =	task.clear_ibuf [dreg:s16], $0x2FFFF;
	_ =	strace $0x9FFFFFFF  }
0xd9: {  	(tm) =	ssettm $0x7FFFFFFF  }
tec
execute0_lowered:
.L_overlay_start_1:
0x0: {  	(tag) =	ssettag $0x1  }
0x1: {  	s0 =	rddreg [dreg:$0x0]  }
0x2: {  	s1 =	rddreg [dreg:$0x1]  }
0x3: {  	s2 =	rddreg [dreg:$0xa];
	s3 =	srdreg.scid  }
0x4: {  	s9 =	stileid.u32;
	s11 =	rddreg [dreg:$0xb];
	s12 =	simm.s32 $0x0  }
0x5: {  	s13 =	simm.s32 $0x11;
	s29 =	simm.s32 $0xB800;
	s30 =	simm.s32 $0x1  }
0x6: {  	s31 =	simm.s32 $0x2;
	s10 =	simm.s32 $0x3;
	s14 =	simm.s32 $0x7  }
0x7: {  	s15 =	simm.s32 $0x8;
	s28 =	simm.s32 $0xB800;
	s3 =	sand.u32 $0x1, s3  }
0x8: {  	s4 =	sshll.u32 s9, $0x1;
	[smem:$0x7FF] =	sst s12;
	s6 =	smul.u32 $0xA000, s9  }
0x9: {  	s8 =	smul.u32 $0x2800, s9;
	p0 =	sgt.u32 s9, $0x1;
	s9 =	simm.s32 $0x8800  }
0xa: {  	s4 =	sor.u32 s3, s4;
	s16 =	ssub.s32 $0x2, s3;
	s3 =	smul.u32 $0x28000, s3  }
0xb: {  	_ =	strace $0x8000004D;
	s5 =	smul.u32 $0x4E, s4;
	s4 =	smin.u32 s4, $0x4  }
0xc: {  	s7 =	sshrl.u32 s16, $0x1;
	s18 =	sshrl.u32 s6, $0x2;
	s6 =	sadd.s32 s8, s11  }
0xd: {  	s17 =	ssub.s32 s16, s7;
	s3 =	sadd.s32 s8, s3;
	s7 =	simm.s32 $0x6  }
0xe: {  	s16 =	simm.s32 $0x9;
	[dreg:$0xd] =	wrdreg s6;
	s8 =	simm.s32 $0x8000  }
0xf: {  	s4 =	sadd.s32 s4, s5;
	s5 =	sadd.s32 s18, s11;
	s3 =	sshrl.u32 s3, $0x3  }
0x10: {  	s26 =	smax.u32 s17, $0x1;
	s17 =	simm.s32 $0xA;
	s18 =	simm.s32 $0xB  }
0x11: {  	s4 =	sshll.u32 s4, $0x4;
	s19 =	sadd.s32 $0x800, s5;
	[dreg:$0x17] =	wrdreg s26  }
0x12: {  	s20 =	sadd.s32 $0x1000, s5;
	s21 =	sadd.s32 $0x1800, s5;
	[dreg:$0xe] =	wrdreg s19  }
0x13: {  	s5 =	sadd.s32 $0x2000, s5;
	s25 =	sadd.s32 s2, s3;
	[dreg:$0xf] =	wrdreg s20  }
0x14: {  	s3 =	simm.s32 $0x4;
	s2 =	simm.s32 $0x0;
	[dreg:$0x10] =	wrdreg s21  }
0x15: {  	s26 =	simm.s32 $0xA000;
	s1 =	sadd.s32 s4, s1;
	[dreg:$0x11] =	wrdreg s5  }
0x16: {  	[dreg:$0x16] =	wrdreg s25;
	s5 =	simm.s32 $0x80;
	s22 =	sadd.s32 $0x2A00, s1  }
0x17: {  	s4 =	simm.s32 $0x5;
	s23 =	sadd.s32 $0xC640, s1;
	[dreg:$0x12] =	wrdreg s22  }
0x18: {  	s19 =	simm.s32 $0xC;
	s24 =	sadd.s32 $0x2EE0, s1;
	[dreg:$0x13] =	wrdreg s23  }
0x19: {  	s20 =	simm.s32 $0xD;
	s1 =	sadd.s32 $0xCB20, s1;
	[dreg:$0x14] =	wrdreg s24  }
0x1a: {  	s21 =	simm.s32 $0xE;
	s25 =	simm.s32 $0x9800;
	[dreg:$0x15] =	wrdreg s1  }
0x1b: {  	v0 =	vimm.f32 $0.0e+00;
	s22 =	simm.s32 $0xF;
	s23 =	simm.s32 $0x10;
	s24 =	simm.s32 $0x9000  }
.LBB2_1:
0x1c: {  	[dreg:$0x18] =	wrdreg s2  }
0x1d: {  	s1 =	rddreg [dreg:$0x2];
	s2 =	simm.s32 $0xC000  }
0x1e: {  	[tilespmem:s2], [sflag:$0x11] =	stream.linear.gather [hbm4b:s1+s12], $0x1, $0x38;
	[tilespmem:$0xC080] =	vst v63  }
0x1f: {  	s1 =	rddreg [dreg:$0x3];
	s2 =	simm.s32 $0xC010  }
0x20: {  	[tilespmem:s2], [sflag:$0x11] =	stream.linear.gather [hbm4b:s1+s12], $0x1, $0x38;
	[tilespmem:$0xC080] =	vst v63  }
0x21: {  	s1 =	rddreg [dreg:$0x4];
	s2 =	simm.s32 $0xC020  }
0x22: {  	[tilespmem:s2], [sflag:$0x11] =	stream.linear.gather [hbm4b:s1+s12], $0x1, $0x38;
	[tilespmem:$0xC080] =	vst v63  }
0x23: {  	s1 =	rddreg [dreg:$0x5];
	s2 =	simm.s32 $0xC030  }
0x24: {  	[tilespmem:s2], [sflag:$0x11] =	stream.linear.gather [hbm4b:s1+s12], $0x1, $0x38;
	[tilespmem:$0xC080] =	vst v63  }
0x25: {  	s1 =	rddreg [dreg:$0x6];
	s2 =	simm.s32 $0xC040  }
0x26: {  	[tilespmem:s2], [sflag:$0x11] =	stream.linear.gather [hbm4b:s1+s12], $0x1, $0x38;
	[tilespmem:$0xC080] =	vst v63  }
0x27: {  	s1 =	rddreg [dreg:$0x7];
	s2 =	simm.s32 $0xC050  }
0x28: {  	[tilespmem:s2], [sflag:$0x11] =	stream.linear.gather [hbm4b:s1+s12], $0x1, $0x38;
	[tilespmem:$0xC080] =	vst v63  }
0x29: {  	s1 =	rddreg [dreg:$0x8];
	s2 =	simm.s32 $0xC060  }
0x2a: {  	[tilespmem:s2], [sflag:$0x11] =	stream.linear.gather [hbm4b:s1+s12], $0x1, $0x38;
	[tilespmem:$0xC080] =	vst v63  }
0x2b: {  	s1 =	rddreg [dreg:$0x9];
	s2 =	simm.s32 $0xC070  }
0x2c: {  	[tilespmem:s2], [sflag:$0x11] =	stream.linear.gather [hbm4b:s1+s12], $0x1, $0x38;
	[tilespmem:$0xC080] =	vst v63  }
0x2d: {  	_ =	swait.ge [sflag:s13], $0x1  }
0x2e: {  	[sflag:s13] =	ssyncset.done $0x0  }
0x2f: {  	[sflag:s13] =	ssyncadd.s32 $0xFFFFFFFF  }
0x30: {  	_ =	swait.ge [sflag:s13], $0x1  }
0x31: {  	[sflag:s13] =	ssyncset.done $0x0  }
0x32: {  	[sflag:s13] =	ssyncadd.s32 $0xFFFFFFFF  }
0x33: {  	_ =	swait.ge [sflag:s13], $0x1  }
0x34: {  	[sflag:s13] =	ssyncset.done $0x0  }
0x35: {  	[sflag:s13] =	ssyncadd.s32 $0xFFFFFFFF  }
0x36: {  	_ =	swait.ge [sflag:s13], $0x1  }
0x37: {  	[sflag:s13] =	ssyncset.done $0x0  }
0x38: {  	[sflag:s13] =	ssyncadd.s32 $0xFFFFFFFF  }
0x39: {  	_ =	swait.ge [sflag:s13], $0x1  }
0x3a: {  	[sflag:s13] =	ssyncset.done $0x0  }
0x3b: {  	[sflag:s13] =	ssyncadd.s32 $0xFFFFFFFF  }
0x3c: {  	_ =	swait.ge [sflag:s13], $0x1  }
0x3d: {  	[sflag:s13] =	ssyncset.done $0x0  }
0x3e: {  	[sflag:s13] =	ssyncadd.s32 $0xFFFFFFFF  }
0x3f: {  	_ =	swait.ge [sflag:s13], $0x1  }
0x40: {  	[sflag:s13] =	ssyncset.done $0x0  }
0x41: {  	[sflag:s13] =	ssyncadd.s32 $0xFFFFFFFF  }
0x42: {  	_ =	swait.ge [sflag:s13], $0x1  }
0x43: {  	[sflag:s13] =	ssyncset.done $0x0  }
0x44: {  	s2 =	simm.s32 $0x40;
	s1 =	simm.s32 $0x0;
	[sflag:s13] =	ssyncadd.s32 $0xFFFFFFFF  }
.LBB2_2:
0x45: {  	p1 =	sne.s32 s2, $0x1FC0;
	[tilespmem:s1+$0x7800] =	vst v0;
	s1 =	smov.u32 s2;
	s2 =	sadd.s32 $0x40, s2  }
.Ltmp0:
0x46: {  	(pc) =	sbr.rel @p1 .LBB2_2-.Ltmp0, $2  }
0x47: {  	_ =	sdelay $0x2  }
0x48: {  	s1 =	sshra.s32 s1, $0x2  }
0x49: {  	[tilespmem:s1+$0x7800] =	vst v0;
	s2 =	simm.s32 $0x7800  }
0x4a: {  	[spmem:s6] =	stream.linear.scatter [tilespmem:s2], [sflag:$0x11], $0x800, $0x38;
	[tilespmem:$0xC080] =	vst v63  }
0x4b: {  	_ =	swait.ge [sflag:s13], $0x800  }
0x4c: {  	[sflag:s13] =	ssyncset.done $0x0  }
0x4d: {  	s6 =	rddreg [dreg:$0xe];
	[sflag:s13] =	ssyncadd.s32 $0xFFFFF800  }
0x4e: {  	[spmem:s6] =	stream.linear.scatter [tilespmem:s2], [sflag:$0x11], $0x800, $0x38;
	[tilespmem:$0xC080] =	vst v63  }
0x4f: {  	_ =	swait.ge [sflag:s13], $0x800  }
0x50: {  	[sflag:s13] =	ssyncset.done $0x0  }
0x51: {  	s6 =	rddreg [dreg:$0xf];
	[sflag:s13] =	ssyncadd.s32 $0xFFFFF800  }
0x52: {  	[spmem:s6] =	stream.linear.scatter [tilespmem:s2], [sflag:$0x11], $0x800, $0x38;
	[tilespmem:$0xC080] =	vst v63  }
0x53: {  	_ =	swait.ge [sflag:s13], $0x800  }
0x54: {  	[sflag:s13] =	ssyncset.done $0x0  }
0x55: {  	s6 =	rddreg [dreg:$0x10];
	[sflag:s13] =	ssyncadd.s32 $0xFFFFF800  }
0x56: {  	[spmem:s6] =	stream.linear.scatter [tilespmem:s2], [sflag:$0x11], $0x800, $0x38;
	[tilespmem:$0xC080] =	vst v63  }
0x57: {  	_ =	swait.ge [sflag:s13], $0x800  }
0x58: {  	[sflag:s13] =	ssyncset.done $0x0  }
0x59: {  	s6 =	rddreg [dreg:$0x11];
	[sflag:s13] =	ssyncadd.s32 $0xFFFFF800  }
0x5a: {  	[spmem:s6] =	stream.linear.scatter [tilespmem:s2], [sflag:$0x11], $0x800, $0x38;
	[tilespmem:$0xC080] =	vst v63  }
0x5b: {  	_ =	swait.ge [sflag:s13], $0x800  }
0x5c: {  	[sflag:s13] =	ssyncset.done $0x0  }
0x5d: {  	s6 =	simm.s32 $0x2800;
	s2 =	rddreg [dreg:$0x12];
	[sflag:s13] =	ssyncadd.s32 $0xFFFFF800  }
0x5e: {  	[tilespmem:s6], [sflag:$0x11] =	stream.linear.gather [hbm4b:s2+s12], $0x2700, $0x38;
	[tilespmem:$0xC080] =	vst v63  }
0x5f: {  	_ =	swait.ge [sflag:s13], $0x2700  }
0x60: {  	[sflag:s13] =	ssyncset.done $0x0  }
0x61: {  	s6 =	simm.s32 $0x5000;
	s2 =	rddreg [dreg:$0x13];
	[sflag:s13] =	ssyncadd.s32 $0xFFFFD900  }
0x62: {  	[tilespmem:s6], [sflag:$0x11] =	stream.linear.gather [hbm4b:s2+s12], $0x2700, $0x38;
	[tilespmem:$0xC080] =	vst v63  }
0x63: {  	_ =	swait.ge [sflag:s13], $0x2700  }
0x64: {  	s1 =	simm.s32 @!p0 $0x0;
	[sflag:s13] =	ssyncset.done $0x0  }
0x65: {  	s2 =	simm.s32 @!p0 $0x4F00;
	s6 =	rddreg [dreg:$0x14];
	[sflag:s13] =	ssyncadd.s32 $0xFFFFD900  }
0x66: {  	[tilespmem:s2], [sflag:$0x11] =	stream.linear.gather @!p0 [hbm4b:s6+s1], $0x80, $0x38;
	[tilespmem:$0xC080] =	vst v63  }
0x67: {  	s2 =	simm.s32 @!p0 $0x11  }
0x68: {  	_ =	swait.ge @!p0 [sflag:s2], $0x80  }
0x69: {  	[sflag:s2] =	ssyncset.done @!p0 $0x0  }
0x6a: {  	s12 =	simm.s32 @!p0 $0x7700;
	s6 =	rddreg [dreg:$0x15];
	[sflag:s2] =	ssyncadd.s32 @!p0 $0xFFFFFF80  }
0x6b: {  	[tilespmem:s12], [sflag:$0x11] =	stream.linear.gather @!p0 [hbm4b:s6+s1], $0x80, $0x38;
	[tilespmem:$0xC080] =	vst v63  }
0x6c: {  	_ =	swait.ge @!p0 [sflag:s2], $0x80  }
0x6d: {  	[sflag:s2] =	ssyncset.done @!p0 $0x0  }
0x6e: {  	[sflag:s2] =	ssyncadd.s32 @!p0 $0xFFFFFF80  }
0x6f: {  	s13 =	simm.s32 $0x2800;
	[bflag:$0x0] =	sbarrier.arrive $0xFFFF  }
0x70: {  	[tilespmem:s8], [sflag:$0x1] =	stream.indirect.gather [hbm4b:s0+s5], $0x10, s13, s5, $0xb8;
	[tilespmem:$0xC080] =	vst v63  }
0x71: {  	s2 =	simm.s32 $0x2880  }
0x72: {  	[tilespmem:s9], [sflag:$0x2] =	stream.indirect.gather [hbm4b:s0+s5], $0x10, s2, s5, $0xb8;
	[tilespmem:$0xC080] =	vst v63  }
0x73: {  	s6 =	simm.s32 $0x2900  }
0x74: {  	[tilespmem:s24], [sflag:$0x3] =	stream.indirect.gather [hbm4b:s0+s5], $0x10, s6, s5, $0xb8;
	[tilespmem:$0xC080] =	vst v63  }
0x75: {  	s12 =	simm.s32 $0x2980  }
0x76: {  	[tilespmem:s25], [sflag:$0x4] =	stream.indirect.gather [hbm4b:s0+s5], $0x10, s12, s5, $0xb8;
	[tilespmem:$0xC080] =	vst v63  }
0x77: {  	s13 =	simm.s32 $0x2A00  }
0x78: {  	[tilespmem:s26], [sflag:$0x5] =	stream.indirect.gather [hbm4b:s0+s5], $0x10, s13, s5, $0xb8;
	[tilespmem:$0xC080] =	vst v63  }
0x79: {  	s2 =	simm.s32 $0x2A80;
	s6 =	simm.s32 $0xA800  }
0x7a: {  	[tilespmem:s6], [sflag:$0x6] =	stream.indirect.gather [hbm4b:s0+s5], $0x10, s2, s5, $0xb8;
	[tilespmem:$0xC080] =	vst v63  }
0x7b: {  	s12 =	simm.s32 $0x2B00;
	s2 =	simm.s32 $0xB000  }
0x7c: {  	[tilespmem:s2], [sflag:$0x7] =	stream.indirect.gather [hbm4b:s0+s5], $0x10, s12, s5, $0xb8;
	[tilespmem:$0xC080] =	vst v63  }
0x7d: {  	s13 =	simm.s32 $0x2B80  }
0x7e: {  	[tilespmem:s29], [sflag:$0x8] =	stream.indirect.gather [hbm4b:s0+s5], $0x10, s13, s5, $0xb8;
	[tilespmem:$0xC080] =	vst v63  }
0x7f: {  	_ =	swait.ge [sflag:s30], $0x800  }
0x80: {  	[sflag:s30] =	ssyncset.done $0x0  }
0x81: {  	s12 =	simm.s32 $0x5000;
	[sflag:s30] =	ssyncadd.s32 $0xFFFFF800  }
0x82: {  	[spmem:s11] =	stream.indirect.scatter.add.f32 [tilespmem:s8], [sflag:$0x9], $0x10, s12, s5, $0xb8;
	[tilespmem:$0xC080] =	vst v63  }
0x83: {  	_ =	swait.ge [sflag:s31], $0x800  }
0x84: {  	[sflag:s31] =	ssyncset.done $0x0  }
0x85: {  	s13 =	simm.s32 $0x5080;
	[sflag:s31] =	ssyncadd.s32 $0xFFFFF800  }
0x86: {  	[spmem:s11] =	stream.indirect.scatter.add.f32 [tilespmem:s9], [sflag:$0xA], $0x10, s13, s5, $0xb8;
	[tilespmem:$0xC080] =	vst v63  }
0x87: {  	_ =	swait.ge [sflag:s10], $0x800  }
0x88: {  	[sflag:s10] =	ssyncset.done $0x0  }
0x89: {  	s12 =	simm.s32 $0x5100;
	[sflag:s10] =	ssyncadd.s32 $0xFFFFF800  }
0x8a: {  	[spmem:s11] =	stream.indirect.scatter.add.f32 [tilespmem:s24], [sflag:$0xB], $0x10, s12, s5, $0xb8;
	[tilespmem:$0xC080] =	vst v63  }
0x8b: {  	_ =	swait.ge [sflag:s3], $0x800  }
0x8c: {  	[sflag:s3] =	ssyncset.done $0x0  }
0x8d: {  	s13 =	simm.s32 $0x5180;
	[sflag:s3] =	ssyncadd.s32 $0xFFFFF800  }
0x8e: {  	[spmem:s11] =	stream.indirect.scatter.add.f32 [tilespmem:s25], [sflag:$0xC], $0x10, s13, s5, $0xb8;
	[tilespmem:$0xC080] =	vst v63  }
0x8f: {  	_ =	swait.ge [sflag:s4], $0x800  }
0x90: {  	[sflag:s4] =	ssyncset.done $0x0  }
0x91: {  	s12 =	simm.s32 $0x5200;
	[sflag:s4] =	ssyncadd.s32 $0xFFFFF800  }
0x92: {  	[spmem:s11] =	stream.indirect.scatter.add.f32 [tilespmem:s26], [sflag:$0xD], $0x10, s12, s5, $0xb8;
	[tilespmem:$0xC080] =	vst v63  }
0x93: {  	_ =	swait.ge [sflag:s7], $0x800  }
0x94: {  	[sflag:s7] =	ssyncset.done $0x0  }
0x95: {  	s13 =	simm.s32 $0x5280;
	[sflag:s7] =	ssyncadd.s32 $0xFFFFF800  }
0x96: {  	[spmem:s11] =	stream.indirect.scatter.add.f32 [tilespmem:s6], [sflag:$0xE], $0x10, s13, s5, $0xb8;
	[tilespmem:$0xC080] =	vst v63  }
0x97: {  	_ =	swait.ge [sflag:s14], $0x800  }
0x98: {  	[sflag:s14] =	ssyncset.done $0x0  }
0x99: {  	s12 =	simm.s32 $0x5300;
	[sflag:s14] =	ssyncadd.s32 $0xFFFFF800  }
0x9a: {  	[spmem:s11] =	stream.indirect.scatter.add.f32 [tilespmem:s2], [sflag:$0xF], $0x10, s12, s5, $0xb8;
	[tilespmem:$0xC080] =	vst v63  }
0x9b: {  	_ =	swait.ge [sflag:s15], $0x800  }
0x9c: {  	[sflag:s15] =	ssyncset.done $0x0  }
0x9d: {  	s13 =	simm.s32 $0x5380;
	[sflag:s15] =	ssyncadd.s32 $0xFFFFF800  }
0x9e: {  	[spmem:s11] =	stream.indirect.scatter.add.f32 [tilespmem:s29], [sflag:$0x10], $0x10, s13, s5, $0xb8;
	[tilespmem:$0xC080] =	vst v63  }
0x9f: {  	_ =	swait.ge [sflag:s16], $0x800  }
0xa0: {  	[sflag:s16] =	ssyncset.done $0x0  }
0xa1: {  	[sflag:s16] =	ssyncadd.s32 $0xFFFFF800  }
0xa2: {  	_ =	swait.ge [sflag:s17], $0x800  }
0xa3: {  	[sflag:s17] =	ssyncset.done $0x0  }
0xa4: {  	[sflag:s17] =	ssyncadd.s32 $0xFFFFF800  }
0xa5: {  	_ =	swait.ge [sflag:s18], $0x800  }
0xa6: {  	[sflag:s18] =	ssyncset.done $0x0  }
0xa7: {  	[sflag:s18] =	ssyncadd.s32 $0xFFFFF800  }
0xa8: {  	_ =	swait.ge [sflag:s19], $0x800  }
0xa9: {  	[sflag:s19] =	ssyncset.done $0x0  }
0xaa: {  	[sflag:s19] =	ssyncadd.s32 $0xFFFFF800  }
0xab: {  	_ =	swait.ge [sflag:s20], $0x800  }
0xac: {  	[sflag:s20] =	ssyncset.done $0x0  }
0xad: {  	[sflag:s20] =	ssyncadd.s32 $0xFFFFF800  }
0xae: {  	_ =	swait.ge [sflag:s21], $0x800  }
0xaf: {  	[sflag:s21] =	ssyncset.done $0x0  }
0xb0: {  	[sflag:s21] =	ssyncadd.s32 $0xFFFFF800  }
0xb1: {  	_ =	swait.ge [sflag:s22], $0x800  }
0xb2: {  	[sflag:s22] =	ssyncset.done $0x0  }
0xb3: {  	[sflag:s22] =	ssyncadd.s32 $0xFFFFF800  }
0xb4: {  	_ =	swait.ge [sflag:s23], $0x800  }
0xb5: {  	s12 =	simm.s32 $0x2000;
	s2 =	simm.s32 $0x400;
	[sflag:s23] =	ssyncset.done $0x0  }
.LBB2_4:
0xb6: {  	s29 =	simm.s32 $0xB000;
	s6 =	sadd.s32 $0x2800, s2  }
0xb7: {  	[sflag:s23] =	ssyncadd.s32 $0xFFFFF800;
	s13 =	smov.u32 s12;
	s1 =	sadd.s32 $0x1000, s12  }
0xb8: {  	[tilespmem:s8], [sflag:$0x1] =	stream.indirect.gather [hbm4b:s0+s5], $0x10, s6, s5, $0xb8;
	[tilespmem:$0xC080] =	vst v63  }
0xb9: {  	p1 =	sne.s32 s12, $0x8000;
	s6 =	sadd.s32 $0x2880, s2  }
0xba: {  	[tilespmem:s9], [sflag:$0x2] =	stream.indirect.gather [hbm4b:s0+s5], $0x10, s6, s5, $0xb8;
	[tilespmem:$0xC080] =	vst v63  }
0xbb: {  	s6 =	sadd.s32 $0x2900, s2  }
0xbc: {  	[tilespmem:s24], [sflag:$0x3] =	stream.indirect.gather [hbm4b:s0+s5], $0x10, s6, s5, $0xb8;
	[tilespmem:$0xC080] =	vst v63  }
0xbd: {  	s6 =	sadd.s32 $0x2980, s2  }
0xbe: {  	[tilespmem:s25], [sflag:$0x4] =	stream.indirect.gather [hbm4b:s0+s5], $0x10, s6, s5, $0xb8;
	[tilespmem:$0xC080] =	vst v63  }
0xbf: {  	s6 =	sadd.s32 $0x2A00, s2  }
0xc0: {  	[tilespmem:s26], [sflag:$0x5] =	stream.indirect.gather [hbm4b:s0+s5], $0x10, s6, s5, $0xb8;
	[tilespmem:$0xC080] =	vst v63  }
0xc1: {  	s12 =	simm.s32 $0xA800;
	s6 =	sadd.s32 $0x2A80, s2  }
0xc2: {  	[tilespmem:s12], [sflag:$0x6] =	stream.indirect.gather [hbm4b:s0+s5], $0x10, s6, s5, $0xb8;
	[tilespmem:$0xC080] =	vst v63  }
0xc3: {  	s6 =	sadd.s32 $0x2B00, s2  }
0xc4: {  	[tilespmem:s29], [sflag:$0x7] =	stream.indirect.gather [hbm4b:s0+s5], $0x10, s6, s5, $0xb8;
	[tilespmem:$0xC080] =	vst v63  }
0xc5: {  	s6 =	sadd.s32 $0x2B80, s2  }
0xc6: {  	[tilespmem:s28], [sflag:$0x8] =	stream.indirect.gather [hbm4b:s0+s5], $0x10, s6, s5, $0xb8;
	[tilespmem:$0xC080] =	vst v63  }
0xc7: {  	_ =	swait.ge [sflag:s30], $0x800  }
0xc8: {  	[sflag:s30] =	ssyncset.done $0x0  }
0xc9: {  	s6 =	sadd.s32 $0x5000, s2;
	[sflag:s30] =	ssyncadd.s32 $0xFFFFF800  }
0xca: {  	[spmem:s11] =	stream.indirect.scatter.add.f32 [tilespmem:s8], [sflag:$0x9], $0x10, s6, s5, $0xb8;
	[tilespmem:$0xC080] =	vst v63  }
0xcb: {  	_ =	swait.ge [sflag:s31], $0x800  }
0xcc: {  	[sflag:s31] =	ssyncset.done $0x0  }
0xcd: {  	s6 =	sadd.s32 $0x5080, s2;
	[sflag:s31] =	ssyncadd.s32 $0xFFFFF800  }
0xce: {  	[spmem:s11] =	stream.indirect.scatter.add.f32 [tilespmem:s9], [sflag:$0xA], $0x10, s6, s5, $0xb8;
	[tilespmem:$0xC080] =	vst v63  }
0xcf: {  	_ =	swait.ge [sflag:s10], $0x800  }
0xd0: {  	[sflag:s10] =	ssyncset.done $0x0  }
0xd1: {  	s6 =	sadd.s32 $0x5100, s2;
	[sflag:s10] =	ssyncadd.s32 $0xFFFFF800  }
0xd2: {  	[spmem:s11] =	stream.indirect.scatter.add.f32 [tilespmem:s24], [sflag:$0xB], $0x10, s6, s5, $0xb8;
	[tilespmem:$0xC080] =	vst v63  }
0xd3: {  	_ =	swait.ge [sflag:s3], $0x800  }
0xd4: {  	[sflag:s3] =	ssyncset.done $0x0  }
0xd5: {  	s6 =	sadd.s32 $0x5180, s2;
	[sflag:s3] =	ssyncadd.s32 $0xFFFFF800  }
0xd6: {  	[spmem:s11] =	stream.indirect.scatter.add.f32 [tilespmem:s25], [sflag:$0xC], $0x10, s6, s5, $0xb8;
	[tilespmem:$0xC080] =	vst v63  }
0xd7: {  	_ =	swait.ge [sflag:s4], $0x800  }
0xd8: {  	[sflag:s4] =	ssyncset.done $0x0  }
0xd9: {  	s6 =	sadd.s32 $0x5200, s2;
	[sflag:s4] =	ssyncadd.s32 $0xFFFFF800  }
0xda: {  	[spmem:s11] =	stream.indirect.scatter.add.f32 [tilespmem:s26], [sflag:$0xD], $0x10, s6, s5, $0xb8;
	[tilespmem:$0xC080] =	vst v63  }
0xdb: {  	_ =	swait.ge [sflag:s7], $0x800  }
0xdc: {  	[sflag:s7] =	ssyncset.done $0x0  }
0xdd: {  	s6 =	sadd.s32 $0x5280, s2;
	[sflag:s7] =	ssyncadd.s32 $0xFFFFF800  }
0xde: {  	[spmem:s11] =	stream.indirect.scatter.add.f32 [tilespmem:s12], [sflag:$0xE], $0x10, s6, s5, $0xb8;
	[tilespmem:$0xC080] =	vst v63  }
0xdf: {  	_ =	swait.ge [sflag:s14], $0x800  }
0xe0: {  	[sflag:s14] =	ssyncset.done $0x0  }
0xe1: {  	s6 =	sadd.s32 $0x5300, s2;
	[sflag:s14] =	ssyncadd.s32 $0xFFFFF800  }
0xe2: {  	[spmem:s11] =	stream.indirect.scatter.add.f32 [tilespmem:s29], [sflag:$0xF], $0x10, s6, s5, $0xb8;
	[tilespmem:$0xC080] =	vst v63  }
0xe3: {  	s29 =	simm.s32 $0xB800;
	s6 =	simm.s32 $0xB000  }
0xe4: {  	_ =	swait.ge [sflag:s15], $0x800  }
0xe5: {  	[sflag:s15] =	ssyncset.done $0x0  }
0xe6: {  	s2 =	sadd.s32 $0x5380, s2;
	[sflag:s15] =	ssyncadd.s32 $0xFFFFF800  }
0xe7: {  	[spmem:s11] =	stream.indirect.scatter.add.f32 [tilespmem:s29], [sflag:$0x10], $0x10, s2, s5, $0xb8;
	[tilespmem:$0xC080] =	vst v63  }
0xe8: {  	_ =	swait.ge [sflag:s16], $0x800  }
0xe9: {  	[sflag:s16] =	ssyncset.done $0x0  }
0xea: {  	[sflag:s16] =	ssyncadd.s32 $0xFFFFF800  }
0xeb: {  	_ =	swait.ge [sflag:s17], $0x800  }
0xec: {  	[sflag:s17] =	ssyncset.done $0x0  }
0xed: {  	[sflag:s17] =	ssyncadd.s32 $0xFFFFF800  }
0xee: {  	_ =	swait.ge [sflag:s18], $0x800  }
0xef: {  	[sflag:s18] =	ssyncset.done $0x0  }
0xf0: {  	[sflag:s18] =	ssyncadd.s32 $0xFFFFF800  }
0xf1: {  	_ =	swait.ge [sflag:s19], $0x800  }
0xf2: {  	[sflag:s19] =	ssyncset.done $0x0  }
0xf3: {  	[sflag:s19] =	ssyncadd.s32 $0xFFFFF800  }
0xf4: {  	_ =	swait.ge [sflag:s20], $0x800  }
0xf5: {  	[sflag:s20] =	ssyncset.done $0x0  }
0xf6: {  	[sflag:s20] =	ssyncadd.s32 $0xFFFFF800  }
0xf7: {  	_ =	swait.ge [sflag:s21], $0x800  }
0xf8: {  	[sflag:s21] =	ssyncset.done $0x0  }
0xf9: {  	[sflag:s21] =	ssyncadd.s32 $0xFFFFF800  }
.Ltmp1:
0xfa: {  	_ =	swait.ge [sflag:s22], $0x800;
	(pc) =	sbr.rel @p1 .LBB2_4-.Ltmp1, $4  }
0xfb: {  	[sflag:s22] =	ssyncset.done $0x0  }
0xfc: {  	[sflag:s22] =	ssyncadd.s32 $0xFFFFF800  }
0xfd: {  	_ =	swait.ge [sflag:s23], $0x800  }
0xfe: {  	s12 =	smov.u32 s1;
	s2 =	sshra.s32 s13, $0x2;
	[sflag:s23] =	ssyncset.done $0x0  }
0xff: {  	s1 =	sadd.s32 $0x2800, s2;
	[sflag:s23] =	ssyncadd.s32 $0xFFFFF800  }
0x100: {  	[tilespmem:s8], [sflag:$0x1] =	stream.indirect.gather [hbm4b:s0+s5], $0x10, s1, s5, $0xb8;
	[tilespmem:$0xC080] =	vst v63  }
0x101: {  	s13 =	sadd.s32 $0x2880, s2  }
0x102: {  	[tilespmem:s9], [sflag:$0x2] =	stream.indirect.gather [hbm4b:s0+s5], $0x10, s13, s5, $0xb8;
	[tilespmem:$0xC080] =	vst v63  }
0x103: {  	s12 =	sadd.s32 $0x2900, s2  }
0x104: {  	[tilespmem:s24], [sflag:$0x3] =	stream.indirect.gather [hbm4b:s0+s5], $0x10, s12, s5, $0xb8;
	[tilespmem:$0xC080] =	vst v63  }
0x105: {  	s13 =	sadd.s32 $0x2980, s2  }
0x106: {  	[tilespmem:s25], [sflag:$0x4] =	stream.indirect.gather [hbm4b:s0+s5], $0x10, s13, s5, $0xb8;
	[tilespmem:$0xC080] =	vst v63  }
0x107: {  	s12 =	sadd.s32 $0x2A00, s2  }
0x108: {  	[tilespmem:s26], [sflag:$0x5] =	stream.indirect.gather [hbm4b:s0+s5], $0x10, s12, s5, $0xb8;
	[tilespmem:$0xC080] =	vst v63  }
0x109: {  	s13 =	sadd.s32 $0x2A80, s2;
	s12 =	simm.s32 $0xA800  }
0x10a: {  	[tilespmem:s12], [sflag:$0x6] =	stream.indirect.gather [hbm4b:s0+s5], $0x10, s13, s5, $0xb8;
	[tilespmem:$0xC080] =	vst v63  }
0x10b: {  	s13 =	sadd.s32 $0x2B00, s2  }
0x10c: {  	[tilespmem:s6], [sflag:$0x7] =	stream.indirect.gather [hbm4b:s0+s5], $0x10, s13, s5, $0xb8;
	[tilespmem:$0xC080] =	vst v63  }
0x10d: {  	s13 =	sadd.s32 $0x2B80, s2  }
0x10e: {  	[tilespmem:s29], [sflag:$0x8] =	stream.indirect.gather [hbm4b:s0+s5], $0x10, s13, s5, $0xb8;
	[tilespmem:$0xC080] =	vst v63  }
0x10f: {  	_ =	swait.ge [sflag:s30], $0x800  }
0x110: {  	[sflag:s30] =	ssyncset.done $0x0  }
0x111: {  	s13 =	sadd.s32 $0x5000, s2;
	[sflag:s30] =	ssyncadd.s32 $0xFFFFF800  }
0x112: {  	[spmem:s11] =	stream.indirect.scatter.add.f32 [tilespmem:s8], [sflag:$0x9], $0x10, s13, s5, $0xb8;
	[tilespmem:$0xC080] =	vst v63  }
0x113: {  	_ =	swait.ge [sflag:s31], $0x800  }
0x114: {  	[sflag:s31] =	ssyncset.done $0x0  }
0x115: {  	s13 =	sadd.s32 $0x5080, s2;
	[sflag:s31] =	ssyncadd.s32 $0xFFFFF800  }
0x116: {  	[spmem:s11] =	stream.indirect.scatter.add.f32 [tilespmem:s9], [sflag:$0xA], $0x10, s13, s5, $0xb8;
	[tilespmem:$0xC080] =	vst v63  }
0x117: {  	_ =	swait.ge [sflag:s10], $0x800  }
0x118: {  	[sflag:s10] =	ssyncset.done $0x0  }
0x119: {  	s13 =	sadd.s32 $0x5100, s2;
	[sflag:s10] =	ssyncadd.s32 $0xFFFFF800  }
0x11a: {  	[spmem:s11] =	stream.indirect.scatter.add.f32 [tilespmem:s24], [sflag:$0xB], $0x10, s13, s5, $0xb8;
	[tilespmem:$0xC080] =	vst v63  }
0x11b: {  	_ =	swait.ge [sflag:s3], $0x800  }
0x11c: {  	[sflag:s3] =	ssyncset.done $0x0  }
0x11d: {  	s13 =	sadd.s32 $0x5180, s2;
	[sflag:s3] =	ssyncadd.s32 $0xFFFFF800  }
0x11e: {  	[spmem:s11] =	stream.indirect.scatter.add.f32 [tilespmem:s25], [sflag:$0xC], $0x10, s13, s5, $0xb8;
	[tilespmem:$0xC080] =	vst v63  }
0x11f: {  	_ =	swait.ge [sflag:s4], $0x800  }
0x120: {  	[sflag:s4] =	ssyncset.done $0x0  }
0x121: {  	s13 =	sadd.s32 $0x5200, s2;
	[sflag:s4] =	ssyncadd.s32 $0xFFFFF800  }
0x122: {  	[spmem:s11] =	stream.indirect.scatter.add.f32 [tilespmem:s26], [sflag:$0xD], $0x10, s13, s5, $0xb8;
	[tilespmem:$0xC080] =	vst v63  }
0x123: {  	_ =	swait.ge [sflag:s7], $0x800  }
0x124: {  	[sflag:s7] =	ssyncset.done $0x0  }
0x125: {  	s13 =	sadd.s32 $0x5280, s2;
	[sflag:s7] =	ssyncadd.s32 $0xFFFFF800  }
0x126: {  	[spmem:s11] =	stream.indirect.scatter.add.f32 [tilespmem:s12], [sflag:$0xE], $0x10, s13, s5, $0xb8;
	[tilespmem:$0xC080] =	vst v63  }
0x127: {  	_ =	swait.ge [sflag:s14], $0x800  }
0x128: {  	[sflag:s14] =	ssyncset.done $0x0  }
0x129: {  	s13 =	sadd.s32 $0x5300, s2;
	[sflag:s14] =	ssyncadd.s32 $0xFFFFF800  }
0x12a: {  	[spmem:s11] =	stream.indirect.scatter.add.f32 [tilespmem:s6], [sflag:$0xF], $0x10, s13, s5, $0xb8;
	[tilespmem:$0xC080] =	vst v63  }
0x12b: {  	_ =	swait.ge [sflag:s15], $0x800  }
0x12c: {  	[sflag:s15] =	ssyncset.done $0x0  }
0x12d: {  	s6 =	sadd.s32 $0x5380, s2;
	[sflag:s15] =	ssyncadd.s32 $0xFFFFF800  }
0x12e: {  	[spmem:s11] =	stream.indirect.scatter.add.f32 [tilespmem:s29], [sflag:$0x10], $0x10, s6, s5, $0xb8;
	[tilespmem:$0xC080] =	vst v63  }
0x12f: {  	_ =	swait.ge [sflag:s16], $0x800  }
0x130: {  	[sflag:s16] =	ssyncset.done $0x0  }
0x131: {  	[sflag:s16] =	ssyncadd.s32 $0xFFFFF800  }
0x132: {  	_ =	swait.ge [sflag:s17], $0x800  }
0x133: {  	[sflag:s17] =	ssyncset.done $0x0  }
0x134: {  	[sflag:s17] =	ssyncadd.s32 $0xFFFFF800  }
0x135: {  	_ =	swait.ge [sflag:s18], $0x800  }
0x136: {  	[sflag:s18] =	ssyncset.done $0x0  }
0x137: {  	[sflag:s18] =	ssyncadd.s32 $0xFFFFF800  }
0x138: {  	_ =	swait.ge [sflag:s19], $0x800  }
0x139: {  	[sflag:s19] =	ssyncset.done $0x0  }
0x13a: {  	[sflag:s19] =	ssyncadd.s32 $0xFFFFF800  }
0x13b: {  	_ =	swait.ge [sflag:s20], $0x800  }
0x13c: {  	[sflag:s20] =	ssyncset.done $0x0  }
0x13d: {  	[sflag:s20] =	ssyncadd.s32 $0xFFFFF800  }
0x13e: {  	_ =	swait.ge [sflag:s21], $0x800  }
0x13f: {  	[sflag:s21] =	ssyncset.done $0x0  }
0x140: {  	[sflag:s21] =	ssyncadd.s32 $0xFFFFF800  }
0x141: {  	_ =	swait.ge [sflag:s22], $0x800  }
0x142: {  	[sflag:s22] =	ssyncset.done $0x0  }
0x143: {  	[sflag:s22] =	ssyncadd.s32 $0xFFFFF800  }
0x144: {  	_ =	swait.ge [sflag:s23], $0x800  }
0x145: {  	[sflag:s23] =	ssyncset.done $0x0  }
0x146: {  	s13 =	simm.s32 $0x4C00;
	[sflag:s23] =	ssyncadd.s32 $0xFFFFF800  }
0x147: {  	[tilespmem:s8], [sflag:$0x1] =	stream.indirect.gather [hbm4b:s0+s5], $0x10, s13, s5, $0xb8;
	[tilespmem:$0xC080] =	vst v63  }
0x148: {  	s2 =	simm.s32 $0x4C80  }
0x149: {  	[tilespmem:s9], [sflag:$0x2] =	stream.indirect.gather [hbm4b:s0+s5], $0x10, s2, s5, $0xb8;
	[tilespmem:$0xC080] =	vst v63  }
0x14a: {  	s6 =	simm.s32 $0x4D00  }
0x14b: {  	[tilespmem:s24], [sflag:$0x3] =	stream.indirect.gather [hbm4b:s0+s5], $0x10, s6, s5, $0xb8;
	[tilespmem:$0xC080] =	vst v63  }
0x14c: {  	s13 =	simm.s32 $0x4D80  }
0x14d: {  	[tilespmem:s25], [sflag:$0x4] =	stream.indirect.gather [hbm4b:s0+s5], $0x10, s13, s5, $0xb8;
	[tilespmem:$0xC080] =	vst v63  }
0x14e: {  	s2 =	simm.s32 $0x4E00  }
0x14f: {  	[tilespmem:s26], [sflag:$0x5] =	stream.indirect.gather [hbm4b:s0+s5], $0x10, s2, s5, $0xb8;
	[tilespmem:$0xC080] =	vst v63  }
0x150: {  	s6 =	simm.s32 $0x4E80  }
0x151: {  	[tilespmem:s12], [sflag:$0x6] =	stream.indirect.gather [hbm4b:s0+s5], $0x10, s6, s5, $0xb8;
	[tilespmem:$0xC080] =	vst v63  }
0x152: {  	s1 =	simm.s32 @!p0 $0x80;
	s2 =	simm.s32 @!p0 $0x4F00;
	s6 =	simm.s32 @!p0 $0xB000  }
0x153: {  	[tilespmem:s6], [sflag:$0x7] =	stream.indirect.gather @!p0 [hbm4b:s0+s1], $0x10, s2, s1, $0xb8;
	[tilespmem:$0xC080] =	vst v63  }
0x154: {  	_ =	swait.ge [sflag:s30], $0x800  }
0x155: {  	[sflag:s30] =	ssyncset.done $0x0  }
0x156: {  	s13 =	simm.s32 $0x7400;
	[sflag:s30] =	ssyncadd.s32 $0xFFFFF800  }
0x157: {  	[spmem:s11] =	stream.indirect.scatter.add.f32 [tilespmem:s8], [sflag:$0x11], $0x10, s13, s5, $0xb8;
	[tilespmem:$0xC080] =	vst v63  }
0x158: {  	s13 =	simm.s32 $0x11  }
0x159: {  	_ =	swait.ge [sflag:s13], $0x800  }
0x15a: {  	[sflag:s13] =	ssyncset.done $0x0  }
0x15b: {  	[sflag:s13] =	ssyncadd.s32 $0xFFFFF800  }
0x15c: {  	_ =	swait.ge [sflag:s31], $0x800  }
0x15d: {  	[sflag:s31] =	ssyncset.done $0x0  }
0x15e: {  	s2 =	simm.s32 $0x7480;
	[sflag:s31] =	ssyncadd.s32 $0xFFFFF800  }
0x15f: {  	[spmem:s11] =	stream.indirect.scatter.add.f32 [tilespmem:s9], [sflag:$0x11], $0x10, s2, s5, $0xb8;
	[tilespmem:$0xC080] =	vst v63  }
0x160: {  	_ =	swait.ge [sflag:s13], $0x800  }
0x161: {  	[sflag:s13] =	ssyncset.done $0x0  }
0x162: {  	[sflag:s13] =	ssyncadd.s32 $0xFFFFF800  }
0x163: {  	_ =	swait.ge [sflag:s10], $0x800  }
0x164: {  	[sflag:s10] =	ssyncset.done $0x0  }
0x165: {  	s2 =	simm.s32 $0x7500;
	[sflag:s10] =	ssyncadd.s32 $0xFFFFF800  }
0x166: {  	[spmem:s11] =	stream.indirect.scatter.add.f32 [tilespmem:s24], [sflag:$0x11], $0x10, s2, s5, $0xb8;
	[tilespmem:$0xC080] =	vst v63  }
0x167: {  	_ =	swait.ge [sflag:s13], $0x800  }
0x168: {  	[sflag:s13] =	ssyncset.done $0x0  }
0x169: {  	[sflag:s13] =	ssyncadd.s32 $0xFFFFF800  }
0x16a: {  	_ =	swait.ge [sflag:s3], $0x800  }
0x16b: {  	[sflag:s3] =	ssyncset.done $0x0  }
0x16c: {  	s2 =	simm.s32 $0x7580;
	[sflag:s3] =	ssyncadd.s32 $0xFFFFF800  }
0x16d: {  	[spmem:s11] =	stream.indirect.scatter.add.f32 [tilespmem:s25], [sflag:$0x11], $0x10, s2, s5, $0xb8;
	[tilespmem:$0xC080] =	vst v63  }
0x16e: {  	_ =	swait.ge [sflag:s13], $0x800  }
0x16f: {  	[sflag:s13] =	ssyncset.done $0x0  }
0x170: {  	[sflag:s13] =	ssyncadd.s32 $0xFFFFF800  }
0x171: {  	_ =	swait.ge [sflag:s4], $0x800  }
0x172: {  	[sflag:s4] =	ssyncset.done $0x0  }
0x173: {  	s2 =	simm.s32 $0x7600;
	[sflag:s4] =	ssyncadd.s32 $0xFFFFF800  }
0x174: {  	[spmem:s11] =	stream.indirect.scatter.add.f32 [tilespmem:s26], [sflag:$0x11], $0x10, s2, s5, $0xb8;
	[tilespmem:$0xC080] =	vst v63  }
0x175: {  	_ =	swait.ge [sflag:s13], $0x800  }
0x176: {  	[sflag:s13] =	ssyncset.done $0x0  }
0x177: {  	[sflag:s13] =	ssyncadd.s32 $0xFFFFF800  }
0x178: {  	_ =	swait.ge [sflag:s7], $0x800  }
0x179: {  	[sflag:s7] =	ssyncset.done $0x0  }
0x17a: {  	s2 =	simm.s32 $0x7680;
	[sflag:s7] =	ssyncadd.s32 $0xFFFFF800  }
0x17b: {  	[spmem:s11] =	stream.indirect.scatter.add.f32 [tilespmem:s12], [sflag:$0x11], $0x10, s2, s5, $0xb8;
	[tilespmem:$0xC080] =	vst v63  }
0x17c: {  	_ =	swait.ge [sflag:s13], $0x800  }
0x17d: {  	[sflag:s13] =	ssyncset.done $0x0  }
0x17e: {  	s2 =	simm.s32 @!p0 $0x7;
	[sflag:s13] =	ssyncadd.s32 $0xFFFFF800  }
0x17f: {  	_ =	swait.ge @!p0 [sflag:s2], $0x800  }
0x180: {  	[sflag:s2] =	ssyncset.done @!p0 $0x0  }
0x181: {  	[sflag:s2] =	ssyncadd.s32 @!p0 $0xFFFFF800;
	s2 =	simm.s32 @!p0 $0x7700  }
0x182: {  	[spmem:s11] =	stream.indirect.scatter.add.f32 @!p0 [tilespmem:s6], [sflag:$0x11], $0x10, s2, s1, $0xb8;
	[tilespmem:$0xC080] =	vst v63  }
0x183: {  	s1 =	simm.s32 @!p0 $0x11  }
0x184: {  	_ =	swait.ge @!p0 [sflag:s1], $0x800  }
0x185: {  	[sflag:s1] =	ssyncset.done @!p0 $0x0  }
0x186: {  	[sflag:s1] =	ssyncadd.s32 @!p0 $0xFFFFF800  }
0x187: {  	s12 =	stileid.u32;
	[bflag:$0x0] =	sbarrier.arrive $0xFFFF  }
0x188: {  	s1 =	sshll.u32 s12, $0x6;
	s6 =	rddreg [dreg:$0xd]  }
0x189: {  	s1 =	sor.u32 $0x1C11, s1;
	s12 =	rddreg [dreg:$0x16];
	s2 =	sshrl.u32 s6, $0x3  }
0x18a: {  	[hbm:s12], [sflag:s1] =	dma.local [spmem:s2], $0x500  }
0x18b: {  	_ =	swait.ge [sflag:s13], $0x500  }
0x18c: {  	s1 =	rddreg [dreg:$0x18]  }
0x18d: {  	s12 =	rddreg [dreg:$0x17];
	s2 =	sadd.s32 $0x1, s1  }
0x18e: {  	p1 =	sne.s32 s2, s12  }
.Ltmp2:
0x18f: {  	_ = 	snop;
	(pc) =	sbr.rel @p1 .LBB2_1-.Ltmp2, $3  }
0x190: {  	_ =	sdelay $0x1  }
0x191: {  	[sflag:s13] =	ssyncset.done $0x0  }
0x192: {  	[sflag:s13] =	ssyncadd.s32 $0xFFFFFB00;
	s12 =	simm.s32 $0x0  }
0x193: {  	_ =	sfence.sel $0x180000  }
0x194: {  	[bflag:$0x0] =	sbarrier.arrive $0xFFFF  }
0x195: {  	_ =	strace $0x9000004D  }
0x196: {  	s0 =	stileid.u32;
	[bflag:$0x2] =	sbarrier.arrive $0xFFFF  }
0x197: {  	p0 =	sne.s32 s0, $0x0;
	s0 =	rddreg [dreg:$0xc]  }
0x198: {  	s0 =	sadd.s32 @!p0 $0x100000, s0  }
0x199: {  	[sflag:s0] =	ssyncadd.tile.s32 @!p0 $0x1;
	_ =	shalt  }
.Lfunc_end2:
_tile_overlayer_lowered:
.L_overlay_start_2:
0x19a: {  	(tag) =	ssettag $0x2  }
0x19b: {  	s0 =	rddreg [dreg:$0x0];
	s2 =	stileid.u32  }
0x19c: {  	s1 =	rddreg [dreg:$0x1];
	p0 =	sne.s32 s2, $0x0  }
0x19d: {  	s3 =	rddreg [dreg:$0x2];
	[bflag:$0x3] =	sbarrier.arrive $0xFFFF;
	s2 =	simm.s32 @!p0 $0x1C11  }
0x19e: {  	[timem:s3], [sflag:s2] =	dma.local @!p0 [hbm:s0], s1  }
0x19f: {  	s0 =	simm.s32 @!p0 $0x11  }
0x1a0: {  	_ =	swait.ge @!p0 [sflag:s0], s1  }
0x1a1: {  	s1 =	ssub.s32 @!p0 $0x0, s1;
	[sflag:s0] =	ssyncset.done @!p0 $0x0  }
0x1a2: {  	[sflag:s0] =	ssyncadd.s32 @!p0 s1  }
0x1a3: {  	[bflag:$0x3] =	sbarrier.arrive $0xFFFF  }
0x1a4: {  	_ =	shalt  }

// kernel: kernel.8.cloned.1.call-start
scs
__scs_entry_jumppad:
0x0: {  	(pc) =	sbr.rel $0x88, $3  }
0x1: {  	(tag) =	ssettag $0x0;
	lr =	simm.s32 $0x1  }
0x2: {  	[smem:$0x3F8B] =	sst lr;
	_ =	strace $0xD0000000  }
0x3: {  	_ = 	snop  }
0x4: {  	_ = 	snop  }
0x5: {  	_ = 	snop  }
0x6: {  	_ = 	snop  }
0x7: {  	_ = 	snop  }
__scs_overlays_trampoline_lowered:
0x8: {  	[smem:$0x3F9A] =	sst s0  }
0x9: {  	[smem:$0x3F9B] =	sst s1  }
0xa: {  	[smem:$0x3F9C] =	sst s2  }
0xb: {  	[smem:$0x3F9D] =	sst s3  }
0xc: {  	[smem:$0x3F9E] =	sst s4  }
0xd: {  	[smem:$0x3F9F] =	sst s5  }
0xe: {  	[smem:$0x3FA0] =	sst s6  }
0xf: {  	[smem:$0x3FA1] =	sst s7  }
0x10: {  	[smem:$0x3FA2] =	sst s8  }
0x11: {  	[smem:$0x3FA3] =	sst s9;
	s0 =	simm.s32 @!p0 $0x0  }
0x12: {  	s1 =	sld [smem:$0x3F89];
	s0 =	simm.s32 @p0 $0x1  }
0x13: {  	[smem:$0x3FA4] =	sst s0;
	s0 =	simm.s32 @!p1 $0x0  }
0x14: {  	s2 =	sld [smem:$0x3F88];
	s0 =	simm.s32 @p1 $0x1  }
0x15: {  	[smem:$0x3FA5] =	sst s0;
	s0 =	simm.s32 @!p2 $0x0  }
0x16: {  	s3 =	sld [smem:$0x3FDB];
	s0 =	simm.s32 @p2 $0x1  }
0x17: {  	s4 =	simm.s32 $0x1BF5;
	[smem:$0x3FA7] =	sst s0  }
0x18: {  	s0 =	sld [smem:$0x3F8A];
	_ =	swait.ge [sflag:s4], $0x0  }
0x19: {  	s7 =	sld [smem:$0x3F8B]  }
0x1a: {  	s8 =	sadd.s32 $0xFFFFE003, lr  }
0x1b: {  	s9 =	sadd.s32 $0xFFFFFEF7, lr;
	s5 =	simm.s32 $0xFFFFFFFF;
	p2 =	slt.u32 s8, $0xFFFFF086  }
0x1c: {  	p1 =	slt.u32 s9, $0xF7A;
	s5 =	simm.s32 @!p2 $0x0  }
0x1d: {  	s5 =	simm.s32 @p1 $0x1;
	p0 =	seq.s32 s7, s2  }
0x1e: {  	s7 =	smul.u32 @!p0 $0xF7A, s2;
	p2 =	seq.s32 @!p0 s5, $0x0  }
0x1f: {  	s9 =	smul.u32 $0xF7A, s1;
	s8 =	simm.s32 @!p0 $0x1BF5;
	p2 =	por !p2, p0  }
0x20: {  	[sflag:s8] =	ssyncset.s32 @!p0 $0xFFFFF086;
	s6 =	sadd.s32 @!p0 s3, s7;
	s7 =	simm.s32 @!p0 $0x108  }
0x21: {  	s3 =	sadd.s32 s3, s9;
	s6 =	sadd.s32 @!p0 $0x88, s6;
	s7 =	simm.s32 @p2 $0x1082  }
0x22: {  	[simem:s7], [sflag:s8] =	dma.local @!p0 [hbm:s6], $0xF7A  }
0x23: {  	s9 =	sor.u32 $0xD0000000, s2;
	s6 =	simm.s32 $0x108;
	_ =	swait.ge @!p0 [sflag:s8], $0x0  }
0x24: {  	s3 =	sadd.s32 $0x88, s3;
	s6 =	simm.s32 @!p1 $0x1082;
	[sflag:s4] =	ssyncset.s32 $0xFFFFF086  }
0x25: {  	[simem:s6], [sflag:s4] =	dma.local [hbm:s3], $0xF7A  }
0x26: {  	[smem:$0x3F8B] =	sst s1;
	(tag) =	ssettag s2;
	_ =	strace s9  }
0x27: {  	s1 =	sld [smem:$0x3F9B]  }
0x28: {  	s2 =	sld [smem:$0x3F9C]  }
0x29: {  	s4 =	sld [smem:$0x3F9E]  }
0x2a: {  	p0 =	seq.s32 s5, $0x0;
	s5 =	sld [smem:$0x3F9F]  }
0x2b: {  	s6 =	sld [smem:$0x3FA0]  }
0x2c: {  	s7 =	sld [smem:$0x3FA1]  }
0x2d: {  	s3 =	simm.s32 $0x108;
	s8 =	sld [smem:$0x3FA2]  }
0x2e: {  	s3 =	simm.s32 @!p0 $0x1082;
	s9 =	sld [smem:$0x3FA3]  }
0x2f: {  	lr =	sadd.s32 s0, s3;
	s0 =	sld [smem:$0x3F9A]  }
0x30: {  	s3 =	sld [smem:$0x3F9D]  }
0x31: {  	[smem:$0x3FA6] =	sst s10  }
0x32: {  	s10 =	sld [smem:$0x3FA4];
	_ =	sdelay $0x3  }
0x33: {  	p0 =	seq.s32 s10, $0x1;
	s10 =	sld [smem:$0x3FA6];
	_ =	sdelay $0x3  }
0x34: {  	[smem:$0x3FA6] =	sst s10  }
0x35: {  	s10 =	sld [smem:$0x3FA5];
	_ =	sdelay $0x3  }
0x36: {  	p1 =	seq.s32 s10, $0x1;
	s10 =	sld [smem:$0x3FA6];
	_ =	sdelay $0x3  }
0x37: {  	[smem:$0x3FA6] =	sst s10  }
0x38: {  	s10 =	sld [smem:$0x3FA7]  }
0x39: {  	_ = 	snop;
	(pc) =	sbr.ind lr, $3  }
0x3a: {  	_ = 	snop  }
0x3b: {  	_ = 	snop  }
0x3c: {  	p2 =	seq.s32 s10, $0x1;
	s10 =	sld [smem:$0x3FA6]  }
0x3d: {  	_ =	shalt  }
0x3e: {  	_ =	shalt  }
0x3f: {  	_ =	shalt  }
0x40: {  	_ =	shalt  }
0x41: {  	_ =	shalt  }
0x42: {  	_ =	shalt  }
0x43: {  	_ =	shalt  }
0x44: {  	_ =	shalt  }
0x45: {  	_ =	shalt  }
0x46: {  	_ =	shalt  }
0x47: {  	_ =	shalt  }
0x48: {  	_ =	shalt  }
0x49: {  	_ =	shalt  }
0x4a: {  	_ =	shalt  }
0x4b: {  	_ =	shalt  }
0x4c: {  	_ =	shalt  }
0x4d: {  	_ =	shalt  }
0x4e: {  	_ =	shalt  }
0x4f: {  	_ =	shalt  }
0x50: {  	_ =	shalt  }
0x51: {  	_ =	shalt  }
0x52: {  	_ =	shalt  }
0x53: {  	_ =	shalt  }
0x54: {  	_ =	shalt  }
0x55: {  	_ =	shalt  }
0x56: {  	_ =	shalt  }
0x57: {  	_ =	shalt  }
0x58: {  	_ =	shalt  }
0x59: {  	_ =	shalt  }
0x5a: {  	_ =	shalt  }
0x5b: {  	_ =	shalt  }
0x5c: {  	_ =	shalt  }
0x5d: {  	_ =	shalt  }
0x5e: {  	_ =	shalt  }
0x5f: {  	_ =	shalt  }
0x60: {  	_ =	shalt  }
0x61: {  	_ =	shalt  }
0x62: {  	_ =	shalt  }
0x63: {  	_ =	shalt  }
0x64: {  	_ =	shalt  }
0x65: {  	_ =	shalt  }
0x66: {  	_ =	shalt  }
0x67: {  	_ =	shalt  }
0x68: {  	_ =	shalt  }
0x69: {  	_ =	shalt  }
0x6a: {  	_ =	shalt  }
0x6b: {  	_ =	shalt  }
0x6c: {  	_ =	shalt  }
0x6d: {  	_ =	shalt  }
0x6e: {  	_ =	shalt  }
0x6f: {  	_ =	shalt  }
0x70: {  	_ =	shalt  }
0x71: {  	_ =	shalt  }
0x72: {  	_ =	shalt  }
0x73: {  	_ =	shalt  }
0x74: {  	_ =	shalt  }
0x75: {  	_ =	shalt  }
0x76: {  	_ =	shalt  }
0x77: {  	_ =	shalt  }
0x78: {  	_ =	shalt  }
0x79: {  	_ =	shalt  }
0x7a: {  	_ =	shalt  }
0x7b: {  	_ =	shalt  }
0x7c: {  	_ =	shalt  }
0x7d: {  	_ =	shalt  }
0x7e: {  	_ =	shalt  }
0x7f: {  	_ =	shalt  }
0x80: {  	_ =	shalt  }
0x81: {  	_ =	shalt  }
0x82: {  	_ =	shalt  }
0x83: {  	_ =	shalt  }
0x84: {  	_ =	shalt  }
0x85: {  	_ =	shalt  }
0x86: {  	_ =	shalt  }
0x87: {  	_ =	shalt  }
.Lfunc_end0:
.L_simem_size_0:
called_computation_lowered:
.L_overlay_start_0:
0x88: {  	s2 =	sld [smem:$0x3FD9]  }
0x89: {  	s3 =	sld [smem:$0x3FFE];
	_ =	sdelay $0x1  }
0x8a: {  	s1 =	srdreg.scid  }
0x8b: {  	s0 =	sand.u32 $0x1, s1  }
0x8c: {  	s14 =	sshll.u32 s0, $0xA;
	s2 =	sadd.s32 s3, s2  }
0x8d: {  	s2 =	sadd.s32 s2, s14  }
0x8e: {  	[smem:$0x3FB2] =	sst s2  }
0x8f: {  	_ = 	snop  }
0x90: {  	s2 =	sld [smem:$0x3FD0];
	_ =	sdelay $0x2  }
0x91: {  	s15 =	simm.s32 $0xA;
	s4 =	simm.s32 $0x10  }
0x92: {  	[smem:s4], [sflag:s15] =	dma.local [hbm:s2], $0x1  }
0x93: {  	_ =	swait.eq [sflag:s15], $0x1  }
0x94: {  	[sflag:s15] =	ssyncset.done $0x0  }
0x95: {  	[sflag:s15] =	ssyncadd.s32 $0xFFFFFFFF  }
0x96: {  	s16 =	sld [smem:$0x11];
	(tm) =	ssettm $0x1  }
0x97: {  	s17 =	sld [smem:$0x3FFB];
	_ =	sdelay $0x3  }
0x98: {  	_ =	strace s17  }
0x99: {  	s3 =	sld [smem:$0x3FFC];
	_ =	sdelay $0x3  }
0x9a: {  	_ =	strace s3  }
0x9b: {  	s3 =	sld [smem:$0x3FFD];
	_ =	sdelay $0x3  }
0x9c: {  	_ =	strace s3  }
0x9d: {  	_ =	strace $0x8FFFFFFF  }
0x9e: {  	s18 =	sld [smem:$0x3FDB];
	_ =	sdelay $0x1  }
0x9f: {  	s19 =	simm.s32 $_scs_section_size  }
0xa0: {  	s5 =	simm.s32 $_size__tile_overlayer_lowered;
	s6 =	simm.s32 $_tile_overlayer_lowered  }
0xa1: {  	s22 =	simm.s32 $0x1BFF;
	s21 =	sshll.u32 s6, $0x1;
	s3 =	sadd.s32 s19, s18  }
0xa2: {  	s7 =	simm.s32 $0x0;
	s20 =	sshll.u32 s5, $0x1;
	s5 =	sadd.s32 s21, s3  }
0xa3: {  	[timem:s7], [sflag:s22] =	dma.local [hbm:s5], s20  }
0xa4: {  	_ =	swait.ge [sflag:s22], s20  }
0xa5: {  	s4 =	ssub.s32 $0x0, s20;
	[sflag:s22] =	ssyncset.done $0x0  }
0xa6: {  	[sflag:s22] =	ssyncadd.s32 s4;
	_ =	sdelay $0x1  }
0xa7: {  	s23 =	simm.s32 $0x1B8B  }
0xa8: {  	_ =	swait.ge [sflag:s23], $0x1  }
0xa9: {  	[sflag:s23] =	ssyncset.done $0x0  }
0xaa: {  	s25 =	simm.s32 $0x1B8E;
	s24 =	sld [smem:$0x3FFE];
	[sflag:s23] =	ssyncadd.s32 $0xFFFFFFFF  }
0xab: {  	s26 =	simm.s32 $execute0_lowered;
	[smem:$0x3FD2] =	sst s25  }
0xac: {  	s5 =	sshll.u32 s26, $0x1;
	_ =	strace $0x80000046;
	[dreg:$0x1] =	wrdreg $0xFFFFFFFF  }
0xad: {  	s28 =	simm.s32 $_size_execute0_lowered;
	s3 =	sadd.s32 s3, s5;
	[dreg:$0x0] =	wrdreg $0x0  }
0xae: {  	s5 =	sshll.u32 s28, $0x1;
	[dreg:$0x2] =	wrdreg s3  }
0xaf: {  	[dreg:$0x3] =	wrdreg s5  }
0xb0: {  	[dreg:$0x4] =	wrdreg $0xC0  }
0xb1: {  	_ =	task [dreg:s7], $0x5FFFF  }
0xb2: {  	[dreg:$0x1] =	wrdreg $0xFFFFFFFF  }
0xb3: {  	[dreg:$0x0] =	wrdreg $0x60  }
0xb4: {  	[dreg:$0x2] =	wrdreg s24  }
0xb5: {  	[dreg:$0x3] =	wrdreg s16  }
0xb6: {  	[dreg:$0x4] =	wrdreg $0x0  }
0xb7: {  	[dreg:$0x5] =	wrdreg $0x9  }
0xb8: {  	_ =	task.clear_ibuf [dreg:s7], $0x6FFFF;
	_ =	strace $0x90000046  }
0xb9: {  	s29 =	simm.s32 $0x9;
	_ =	strace $0x80000048  }
0xba: {  	_ =	swait.ge [sflag:s29], $0x1  }
0xbb: {  	[sflag:s29] =	ssyncadd.s32 $0xFFFFFFFF  }
0xbc: {  	_ =	strace $0x90000048  }
0xbd: {  	_ =	sfence  }
0xbe: {  	s30 =	sld [smem:$0x0];
	_ =	sdelay $0x2  }
0xbf: {  	s31 =	sshll.u32 s1, $0xD;
	s1 =	sshrl.u32 s1, $0x2  }
0xc0: {  	s3 =	sand.u32 $0x4000, s31;
	s1 =	sadd.s32 s1, s30  }
0xc1: {  	s0 =	sor.u32 s3, s0;
	s1 =	sshll.u32 s1, $0x11  }
0xc2: {  	s0 =	sor.u32 s1, s0  }
0xc3: {  	s0 =	sadd.s32 $0x8F2B, s0  }
0xc4: {  	[sflag:s0] =	ssyncadd.remote.s32 $0x1  }
0xc5: {  	_ =	sfence.sel $0xFFFF  }
0xc6: {  	[dreg:$0x0] =	wrdreg $0xFFFFFFFF;
	(pc) =	sbr.abs _section_cstart, $3  }
0xc7: {  	[dreg:$0x1] =	wrdreg $0xFFFFFFFF  }
0xc8: {  	_ =	task.clear_ibuf [dreg:s7], $0x2FFFF;
	_ =	strace $0x9FFFFFFF  }
0xc9: {  	(tm) =	ssettm $0x7FFFFFFF  }
tec
execute0_lowered:
.L_overlay_start_1:
0x0: {  	(tag) =	ssettag $0x1  }
0x1: {  	s1 =	srdreg.scid;
	s5 =	rddreg [dreg:$0x0]  }
0x2: {  	s0 =	stileid.u32;
	s11 =	rddreg [dreg:$0x1]  }
0x3: {  	s2 =	rddreg [dreg:$0x2];
	s3 =	simm.s32 $0x0;
	s14 =	simm.s32 $0x1  }
0x4: {  	s15 =	simm.s32 $0x2800;
	s16 =	simm.s32 $0x80;
	s17 =	simm.s32 $0x5000  }
0x5: {  	s20 =	simm.s32 $0x0;
	s4 =	sand.u32 $0x1, s1;
	s29 =	smul.u32 $0xA000, s0  }
0x6: {  	s28 =	sshll.u32 s0, $0x1;
	[smem:$0x7FF] =	sst s3;
	s9 =	smul.u32 $0x2800, s0  }
0x7: {  	p0 =	sgt.u32 s0, $0x1;
	s18 =	sshll.u32 s0, $0x6;
	s1 =	sor.u32 s4, s28  }
0x8: {  	s30 =	ssub.s32 $0x2, s4;
	s13 =	smul.u32 $0x28000, s4;
	s18 =	sor.u32 $0x1C01, s18  }
0x9: {  	s6 =	smul.u32 $0x4E, s1;
	s7 =	smin.u32 s1, $0x4;
	s1 =	rddreg [dreg:$0x3]  }
0xa: {  	_ =	strace $0x80000047;
	s31 =	sshrl.u32 s30, $0x1;
	s4 =	sadd.s32 s9, s2  }
0xb: {  	s12 =	ssub.s32 s30, s31;
	s13 =	sadd.s32 s9, s13;
	s19 =	sshrl.u32 s4, $0x3  }
0xc: {  	s6 =	sadd.s32 s7, s6;
	s7 =	sshrl.u32 s29, $0x2;
	s13 =	sshrl.u32 s13, $0x3  }
0xd: {  	s12 =	smax.u32 s12, $0x1;
	s6 =	sshll.u32 s6, $0x4;
	s8 =	sadd.s32 s7, s2  }
0xe: {  	s11 =	sadd.s32 s11, s13;
	s13 =	simm.s32 $0x5800;
	s10 =	sadd.s32 s6, s5  }
0xf: {  	s5 =	sadd.s32 $0x800, s8;
	s6 =	sadd.s32 $0x1000, s8;
	s7 =	sadd.s32 $0x1800, s8  }
0x10: {  	v0 =	vimm.f32 $0.0e+00;
	v1 =	vimm.f32 $1.000000000e+00;
	s8 =	sadd.s32 $0x2000, s8;
	s9 =	sadd.s32 $0xC640, s10;
	s10 =	sadd.s32 $0xCB20, s10  }
.LBB2_1:
0x11: {  	s21 =	simm.s32 $0x40;
	s22 =	simm.s32 $0x0  }
.LBB2_2:
0x12: {  	p1 =	sne.s32 s21, $0x1FC0;
	[tilespmem:s22+$0x5800] =	vst v0;
	s22 =	smov.u32 s21;
	s21 =	sadd.s32 $0x40, s21  }
.Ltmp0:
0x13: {  	(pc) =	sbr.rel @p1 .LBB2_2-.Ltmp0, $2  }
0x14: {  	_ =	sdelay $0x2  }
0x15: {  	s22 =	sshra.s32 s22, $0x2  }
0x16: {  	[tilespmem:s22+$0x5800] =	vst v0  }
0x17: {  	[spmem:s4] =	stream.linear.scatter [tilespmem:s13], [sflag:$0x1], $0x800, $0x38;
	[tilespmem:$0x6000] =	vst v63  }
0x18: {  	_ =	swait.ge [sflag:s14], $0x800  }
0x19: {  	[sflag:s14] =	ssyncset.done $0x0  }
0x1a: {  	[sflag:s14] =	ssyncadd.s32 $0xFFFFF800  }
0x1b: {  	[spmem:s5] =	stream.linear.scatter [tilespmem:s13], [sflag:$0x1], $0x800, $0x38;
	[tilespmem:$0x6000] =	vst v63  }
0x1c: {  	_ =	swait.ge [sflag:s14], $0x800  }
0x1d: {  	[sflag:s14] =	ssyncset.done $0x0  }
0x1e: {  	[sflag:s14] =	ssyncadd.s32 $0xFFFFF800  }
0x1f: {  	[spmem:s6] =	stream.linear.scatter [tilespmem:s13], [sflag:$0x1], $0x800, $0x38;
	[tilespmem:$0x6000] =	vst v63  }
0x20: {  	_ =	swait.ge [sflag:s14], $0x800  }
0x21: {  	[sflag:s14] =	ssyncset.done $0x0  }
0x22: {  	[sflag:s14] =	ssyncadd.s32 $0xFFFFF800  }
0x23: {  	[spmem:s7] =	stream.linear.scatter [tilespmem:s13], [sflag:$0x1], $0x800, $0x38;
	[tilespmem:$0x6000] =	vst v63  }
0x24: {  	_ =	swait.ge [sflag:s14], $0x800  }
0x25: {  	[sflag:s14] =	ssyncset.done $0x0  }
0x26: {  	[sflag:s14] =	ssyncadd.s32 $0xFFFFF800  }
0x27: {  	[spmem:s8] =	stream.linear.scatter [tilespmem:s13], [sflag:$0x1], $0x800, $0x38;
	[tilespmem:$0x6000] =	vst v63  }
0x28: {  	_ =	swait.ge [sflag:s14], $0x800  }
0x29: {  	[sflag:s14] =	ssyncset.done $0x0  }
0x2a: {  	s21 =	simm.s32 $0x40;
	s22 =	simm.s32 $0x0;
	[sflag:s14] =	ssyncadd.s32 $0xFFFFF800  }
.LBB2_4:
0x2b: {  	p1 =	sne.s32 s21, $0x1FC0;
	[tilespmem:s22+$0x5000] =	vst v1;
	s22 =	smov.u32 s21;
	s21 =	sadd.s32 $0x40, s21  }
.Ltmp1:
0x2c: {  	(pc) =	sbr.rel @p1 .LBB2_4-.Ltmp1, $2  }
0x2d: {  	_ =	sdelay $0x2  }
0x2e: {  	s22 =	sshra.s32 s22, $0x2  }
0x2f: {  	[tilespmem:s22+$0x5000] =	vst v1  }
0x30: {  	[tilespmem:s15], [sflag:$0x1] =	stream.linear.gather [hbm4b:s9+s3], $0x2700, $0x38;
	[tilespmem:$0x6000] =	vst v63  }
0x31: {  	_ =	swait.ge [sflag:s14], $0x2700  }
0x32: {  	[sflag:s14] =	ssyncset.done $0x0  }
0x33: {  	s21 =	simm.s32 @!p0 $0x0;
	s22 =	simm.s32 @!p0 $0x4F00;
	[sflag:s14] =	ssyncadd.s32 $0xFFFFD900  }
0x34: {  	[tilespmem:s22], [sflag:$0x1] =	stream.linear.gather @!p0 [hbm4b:s10+s21], $0x80, $0x38;
	[tilespmem:$0x6000] =	vst v63  }
0x35: {  	s21 =	simm.s32 @!p0 $0x1  }
0x36: {  	_ =	swait.ge @!p0 [sflag:s21], $0x80  }
0x37: {  	[sflag:s21] =	ssyncset.done @!p0 $0x0  }
0x38: {  	[sflag:s21] =	ssyncadd.s32 @!p0 $0xFFFFFF80  }
0x39: {  	s31 =	simm.s32 $0x2800;
	[bflag:$0x0] =	sbarrier.arrive $0xFFFF  }
0x3a: {  	[spmem:s2] =	stream.indirect.scatter.add.f32 [tilespmem:s17], [sflag:$0x1], $0x10, s31, s16, $0xb8;
	[tilespmem:$0x6000] =	vst v63  }
0x3b: {  	s21 =	simm.s32 $0x200;
	_ =	swait.ge [sflag:s14], $0x800  }
.LBB2_6:
0x3c: {  	s22 =	sshra.s32 s21, $0x2;
	[sflag:s14] =	ssyncset.done $0x0;
	p1 =	sne.s32 s21, $0x9A00  }
.Ltmp2:
0x3d: {  	s22 =	sadd.s32 $0x2800, s22;
	[sflag:s14] =	ssyncadd.s32 $0xFFFFF800;
	(pc) =	sbr.rel @p1 .LBB2_6-.Ltmp2, $3  }
0x3e: {  	[spmem:s2] =	stream.indirect.scatter.add.f32 [tilespmem:s17], [sflag:$0x1], $0x10, s22, s16, $0xb8;
	[tilespmem:$0x6000] =	vst v63  }
0x3f: {  	s21 =	sadd.s32 $0x200, s21;
	_ =	sdelay $0x1  }
0x40: {  	_ =	swait.ge [sflag:s14], $0x800  }
0x41: {  	[sflag:s14] =	ssyncset.done $0x0;
	s21 =	simm.s32 @!p0 $0x80  }
0x42: {  	s22 =	simm.s32 @!p0 $0x4F00;
	s23 =	simm.s32 @!p0 $0x5000;
	[sflag:s14] =	ssyncadd.s32 $0xFFFFF800  }
0x43: {  	[spmem:s2] =	stream.indirect.scatter.add.f32 @!p0 [tilespmem:s23], [sflag:$0x1], $0x10, s22, s21, $0xb8;
	[tilespmem:$0x6000] =	vst v63  }
0x44: {  	s21 =	simm.s32 @!p0 $0x1  }
0x45: {  	_ =	swait.ge @!p0 [sflag:s21], $0x800  }
0x46: {  	s20 =	sadd.s32 $0x1, s20;
	[sflag:s21] =	ssyncset.done @!p0 $0x0  }
0x47: {  	p1 =	sne.s32 s20, s12;
	[sflag:s21] =	ssyncadd.s32 @!p0 $0xFFFFF800  }
.Ltmp3:
0x48: {  	[bflag:$0x0] =	sbarrier.arrive $0xFFFF;
	(pc) =	sbr.rel @p1 .LBB2_1-.Ltmp3, $4  }
0x49: {  	[hbm:s11], [sflag:s18] =	dma.local [spmem:s19], $0x500  }
0x4a: {  	_ =	swait.ge [sflag:s14], $0x500  }
0x4b: {  	[sflag:s14] =	ssyncset.done $0x0  }
0x4c: {  	[sflag:s14] =	ssyncadd.s32 $0xFFFFFB00  }
0x4d: {  	_ =	sfence.sel $0x180000  }
0x4e: {  	[bflag:$0x0] =	sbarrier.arrive $0xFFFF  }
0x4f: {  	p0 =	sne.s32 s0, $0x0;
	_ =	strace $0x90000047  }
0x50: {  	s0 =	sadd.s32 @!p0 $0x100000, s1;
	[bflag:$0x2] =	sbarrier.arrive $0xFFFF  }
0x51: {  	[sflag:s0] =	ssyncadd.tile.s32 @!p0 $0x1;
	_ =	shalt  }
.Lfunc_end2:
_tile_overlayer_lowered:
.L_overlay_start_2:
0x52: {  	(tag) =	ssettag $0x2  }
0x53: {  	s0 =	rddreg [dreg:$0x0];
	s2 =	stileid.u32  }
0x54: {  	s1 =	rddreg [dreg:$0x1];
	p0 =	sne.s32 s2, $0x0  }
0x55: {  	s3 =	rddreg [dreg:$0x2];
	[bflag:$0x3] =	sbarrier.arrive $0xFFFF;
	s2 =	simm.s32 @!p0 $0x1C01  }
0x56: {  	[timem:s3], [sflag:s2] =	dma.local @!p0 [hbm:s0], s1  }
0x57: {  	s0 =	simm.s32 @!p0 $0x1  }
0x58: {  	_ =	swait.ge @!p0 [sflag:s0], s1  }
0x59: {  	s1 =	ssub.s32 @!p0 $0x0, s1;
	[sflag:s0] =	ssyncset.done @!p0 $0x0  }
0x5a: {  	[sflag:s0] =	ssyncadd.s32 @!p0 s1  }
0x5b: {  	[bflag:$0x3] =	sbarrier.arrive $0xFFFF  }
0x5c: {  	_ =	shalt  }

</sc_bundles>
